<compile_context>
chip_gen: v7x
topology: tpu7x:2x2x1
jax: 0.10.2.dev20260603
libtpu: 0.0.44.dev20260713+nightly
codegen_flags: <defaults>
</compile_context>

<pallas_src>
import functools

import jax
import jax.numpy as jnp
from jax.experimental import pallas as pl
from jax.experimental.pallas import tpu as pltpu
from jax.experimental.pallas import tpu_sc as plsc

N_LOW = 2500
N_HIGH = 10000
C_IN = 256
C_SKIP = 128
C = 128
G = 8
DEPTH = 2
K = 16
EPS = 1e-5



_KNN_GRP = 256
_KNN_DEPTH = 4


def _knn_body(sq_ref, cp_ref, qt_ref, out_ref, *, npts, r):
    big = jnp.float32(jnp.inf)
    qt = qt_ref[...]
    cp = cp_ref[...]
    qsq = jnp.sum(qt * qt, axis=0, keepdims=True)
    prod = jax.lax.dot_general(cp, qt, (((1,), (0,)), ((), ())),
                               preferred_element_type=jnp.float32)
    d = sq_ref[...] + qsq - 2.0 * prod
    gsz = npts // _KNN_GRP
    d3 = d.reshape(_KNN_GRP, gsz, r)
    iota3 = (jax.lax.broadcasted_iota(jnp.int32, (_KNN_GRP, gsz, r), 0) * gsz
             + jax.lax.broadcasted_iota(jnp.int32, (_KNN_GRP, gsz, r), 1))
    vals = []
    idxs = []
    for _ in range(_KNN_DEPTH):
        g = jnp.min(d3, axis=1)
        e = d3 == g[:, None, :]
        gi = jnp.min(jnp.where(e, iota3, npts), axis=1)
        d3 = jnp.where(e, big, d3)
        vals.append(g)
        idxs.append(gi)
    cv = jnp.concatenate(vals, axis=0)
    ci = jnp.concatenate(idxs, axis=0)
    kio = jax.lax.broadcasted_iota(jnp.int32, (K, r), 0)
    acc = jnp.zeros((K, r), jnp.int32)
    for t in range(K):
        m = jnp.min(cv, axis=0, keepdims=True)
        cand = jnp.where(cv == m, ci, npts)
        j = jnp.min(cand, axis=0, keepdims=True)
        acc = jnp.where(kio == t, jnp.broadcast_to(j, (K, r)), acc)
        cv = jnp.where(cand == j, big, cv)
    out_ref[...] = acc


def _knn(coord):
    n = coord.shape[0]
    r = 128
    npad = 10240 if n == N_HIGH else ((n + 1279) // 1280) * 1280
    nqp = ((n + r - 1) // r) * r
    pad = jnp.full((npad - n, 3), 1e4, jnp.float32)
    cp0 = jnp.concatenate([coord, pad], axis=0)
    cp = jnp.concatenate([cp0, jnp.zeros((npad, 5), jnp.float32)], axis=1)
    qt = jnp.concatenate([cp0[:nqp].T, jnp.zeros((5, nqp), jnp.float32)], axis=0)
    sq = jnp.sum(cp0 * cp0, axis=1)[:, None]
    grid = nqp // r
    body = functools.partial(_knn_body, npts=npad, r=r)
    idx_t = pl.pallas_call(
        body,
        grid=(grid,),
        in_specs=[
            pl.BlockSpec((npad, 1), lambda i: (0, 0)),
            pl.BlockSpec((npad, 8), lambda i: (0, 0)),
            pl.BlockSpec((8, r), lambda i: (0, i)),
        ],
        out_specs=pl.BlockSpec((K, r), lambda i: (0, i)),
        out_shape=jax.ShapeDtypeStruct((K, nqp), jnp.int32),
    )(sq, cp, qt)
    return idx_t.T[:n]



NLP = 2560
NHP = 10240
TN = 128
NPAIR = N_HIGH * K
GRID_P = NHP // TN


def _bnm(y, gam, bet, nvalid):
    nr = y.shape[0]
    valid = jax.lax.broadcasted_iota(jnp.int32, (nr, 1), 0) < nvalid
    ym = jnp.where(valid, y, 0.0)
    mu = jnp.sum(ym, axis=0, keepdims=True) / nvalid
    dev = jnp.where(valid, y - mu, 0.0)
    var = jnp.sum(dev * dev, axis=0, keepdims=True) / nvalid
    return (y - mu) / jnp.sqrt(var + EPS) * gam + bet


def _pre_body(featp, skipp, wupt, bup, gup, betup, wskt, bsk, gsk, betsk,
              f0_ref, sf_ref):
    y0 = jax.lax.dot(featp[...], wupt[...],
                     preferred_element_type=jnp.float32) + bup[...]
    f0_ref[...] = jax.nn.relu(_bnm(y0, gup[...], betup[...], N_LOW))
    y1 = jax.lax.dot(skipp[...], wskt[...],
                     preferred_element_type=jnp.float32) + bsk[...]
    sf_ref[...] = jax.nn.relu(_bnm(y1, gsk[...], betsk[...], N_HIGH))


def _d1_body(fcl, sf, xyz8, wfc1t, g1, b1, wqt, bq, gq, bqn, wkt, bk, gk, bkn,
             wvt, bv, we1t, f_ref, v_ref, q8_ref, t_ref):
    f = fcl[...] + sf[...]
    f_ref[...] = f
    f1 = jax.nn.relu(_bnm(jax.lax.dot(f, wfc1t[...],
                                      preferred_element_type=jnp.float32),
                          g1[...], b1[...], N_HIGH))
    q = jax.nn.relu(_bnm(jax.lax.dot(f1, wqt[...],
                                     preferred_element_type=jnp.float32) + bq[...],
                         gq[...], bqn[...], N_HIGH))
    k = jax.nn.relu(_bnm(jax.lax.dot(f1, wkt[...],
                                     preferred_element_type=jnp.float32) + bk[...],
                         gk[...], bkn[...], N_HIGH))
    v_ref[...] = jax.lax.dot(f1, wvt[...],
                             preferred_element_type=jnp.float32) + bv[...]
    q8_ref[...] = jax.lax.dot(q, we1t[...], preferred_element_type=jnp.float32)
    k8 = jax.lax.dot(k, we1t[...], preferred_element_type=jnp.float32)
    t_ref[...] = jnp.concatenate(
        [xyz8[...][:, 0:3], k8, jnp.zeros((NHP, C - 11), jnp.float32)], axis=1)


def _pstat_body(g3, xyz8, o_ref):
    i = pl.program_id(0)
    pos = g3[...][:, :, 0:3] - xyz8[...][:, None, 0:3]
    valid = (jax.lax.broadcasted_iota(jnp.int32, (TN, 1, 1), 0)
             + i * TN) < N_HIGH
    pos = jnp.where(valid, pos, 0.0)
    pos2 = pos.reshape(TN * K, 3)
    s1 = jnp.sum(pos2, axis=0, keepdims=True)
    s2 = jax.lax.dot_general(pos2, pos2, (((0,), (0,)), ((), ())),
                             preferred_element_type=jnp.float32)
    part = jnp.concatenate([
        jnp.pad(s1, ((0, 0), (0, 125))),
        jnp.pad(s2, ((0, 0), (0, 125))),
        jnp.zeros((4, 128), jnp.float32)], axis=0)

    @pl.when(i == 0)
    def _():
        o_ref[...] = part

    @pl.when(i > 0)
    def _():
        o_ref[...] = o_ref[...] + part


def _pairs_front(g3, xyz8, q8, a128, a8p, ca, s128, m128, c8):
    del a128, s128
    pos = g3[:, :, 0:3] - xyz8[:, None, 0:3]
    h = jax.nn.relu(jax.lax.dot(pos.reshape(TN * K, 3), a8p[0:3, :],
                                preferred_element_type=jnp.float32) + ca)
    k8g = g3[:, :, 3:11].reshape(TN * K, 8)
    q8r = jnp.broadcast_to(q8[:, None, :], (TN, K, 8)).reshape(TN * K, 8)
    z8 = k8g - q8r + jax.lax.dot(h, m128,
                                 preferred_element_type=jnp.float32) + c8
    return h, z8


def _zstat_body(g3, xyz8, q8, a128, a8p, ca, s128, m128, c8, o_ref):
    i = pl.program_id(0)
    _, z8 = _pairs_front(g3[...], xyz8[...], q8[...], a128[...], a8p[...],
                         ca[...], s128[...], m128[...], c8[...])
    valid = (jax.lax.broadcasted_iota(jnp.int32, (TN * K, 1), 0)
             // K + i * TN) < N_HIGH
    z8 = jnp.where(valid, z8, 0.0)
    s1 = jnp.sum(z8, axis=0, keepdims=True)
    s2 = jnp.sum(z8 * z8, axis=0, keepdims=True)
    part = jnp.concatenate([
        jnp.pad(s1, ((0, 0), (0, 120))),
        jnp.pad(s2, ((0, 0), (0, 120))),
        jnp.zeros((6, 128), jnp.float32)], axis=0)

    @pl.when(i == 0)
    def _():
        o_ref[...] = part

    @pl.when(i > 0)
    def _():
        o_ref[...] = o_ref[...] + part


def _agg_body(g3, gv, xyz8, q8, a128, a8p, ca, s128, m128, c8, sw, tw,
              we2t, bwe2, p2t, bp2, e8, f2_ref):
    h, z8 = _pairs_front(g3[...], xyz8[...], q8[...], a128[...], a8p[...],
                         ca[...], s128[...], m128[...], c8[...])
    lg = jax.lax.dot(jax.nn.relu(z8 * sw[...] + tw[...]), we2t[...],
                     preferred_element_type=jnp.float32) + bwe2[...]
    l3 = lg.reshape(TN, K, 8)
    mx = jnp.max(l3, axis=1, keepdims=True)
    ex = jnp.exp(l3 - mx)
    w3 = ex / jnp.sum(ex, axis=1, keepdims=True)
    wexp = jax.lax.dot(w3.reshape(TN * K, 8), e8[...],
                       preferred_element_type=jnp.float32)
    peh = jax.lax.dot(h, p2t[...], preferred_element_type=jnp.float32)
    gv2 = gv[...].reshape(TN * K, C)
    seg = jnp.sum((wexp * (gv2 + peh)).reshape(TN, K, C), axis=1)
    f2_ref[...] = seg + bp2[...]


def _d3_body(f, f2, wfc3t, g2, b2, g3n, b3n, out_ref):
    y2 = jax.nn.relu(_bnm(f2[...], g2[...], b2[...], N_HIGH))
    y3 = _bnm(jax.lax.dot(y2, wfc3t[...], preferred_element_type=jnp.float32),
              g3n[...], b3n[...], N_HIGH)
    out_ref[...] = jax.nn.relu(f[...] + y3)


def _padr(x, rows):
    return jnp.concatenate(
        [x, jnp.zeros((rows - x.shape[0],) + x.shape[1:], x.dtype)], axis=0)


def _full_specs(shapes):
    def mk(n):
        return lambda i: (0,) * n
    return [pl.BlockSpec(s, mk(len(s))) for s in shapes]


_SC_NW = 32


def _gather_rows(table, idx):
    b = idx.shape[0]
    d = table.shape[1]
    bpw = b // _SC_NW
    bc = bpw
    while bc * d * 4 > 400_000:
        bc //= 2
    nch = bpw // bc
    mesh = plsc.VectorSubcoreMesh(core_axis_name="c", subcore_axis_name="s")

    @functools.partial(
        pl.kernel, mesh=mesh,
        out_type=jax.ShapeDtypeStruct((b, d), jnp.float32),
        scratch_types=[
            pltpu.VMEM((bc,), jnp.int32),
            pltpu.VMEM((bc, d), jnp.float32),
            pltpu.SemaphoreType.DMA,
        ],
    )
    def gk(table_hbm, idx_hbm, out_hbm, idx_v, rows_v, sem):
        wid = jax.lax.axis_index("s") * 2 + jax.lax.axis_index("c")
        for j in range(nch):
            base = wid * bpw + j * bc
            pltpu.sync_copy(idx_hbm.at[pl.ds(base, bc)], idx_v)
            pltpu.async_copy(table_hbm.at[idx_v], rows_v, sem).wait()
            pltpu.sync_copy(rows_v, out_hbm.at[pl.ds(base, bc)])

    return gk(table, idx)


def kernel(coord, feat, offset, skip_coord, skip_feat, skip_offset, cluster, params):
    ref = _knn(skip_coord)

    xyz8 = jnp.concatenate(
        [jnp.concatenate([skip_coord, jnp.full((NHP - N_HIGH, 3), 1e4,
                                               jnp.float32)], axis=0),
         jnp.zeros((NHP, 5), jnp.float32)], axis=1)
    idxfp = jnp.concatenate(
        [ref.reshape(-1),
         jnp.arange(NHP * K - NPAIR, dtype=jnp.int32) % N_HIGH])

    featp = _padr(feat, NLP)
    skipp = _padr(skip_feat, NHP)
    p = params
    r1 = lambda a: a.reshape(1, -1)
    f0, sf = pl.pallas_call(
        _pre_body,
        out_shape=[jax.ShapeDtypeStruct((NLP, C), jnp.float32),
                   jax.ShapeDtypeStruct((NHP, C), jnp.float32)],
    )(featp, skipp,
      p["up_proj"]["W"].T, r1(p["up_proj"]["b"]),
      r1(p["up_proj_bn"]["g"]), r1(p["up_proj_bn"]["b"]),
      p["up_skip"]["W"].T, r1(p["up_skip"]["b"]),
      r1(p["up_skip_bn"]["g"]), r1(p["up_skip_bn"]["b"]))

    clusterp = jnp.concatenate(
        [cluster, jnp.arange(NHP - N_HIGH, dtype=jnp.int32) % N_LOW])
    fcl = _gather_rows(f0, clusterp)

    f = None
    pstats = None
    for bi, blk in enumerate(p["blocks"]):
        we1t = blk["we1"]["W"].T
        if bi == 0:
            fin_a, fin_b = fcl, sf
        else:
            fin_a, fin_b = f, jnp.zeros_like(f)
        f, v, q8, tab = pl.pallas_call(
            _d1_body,
            out_shape=[jax.ShapeDtypeStruct((NHP, C), jnp.float32),
                       jax.ShapeDtypeStruct((NHP, C), jnp.float32),
                       jax.ShapeDtypeStruct((NHP, 8), jnp.float32),
                       jax.ShapeDtypeStruct((NHP, C), jnp.float32)],
        )(fin_a, fin_b, xyz8,
          blk["fc1"]["W"].T, r1(blk["norm1"]["g"]), r1(blk["norm1"]["b"]),
          blk["q"]["W"].T, r1(blk["q"]["b"]),
          r1(blk["q_bn"]["g"]), r1(blk["q_bn"]["b"]),
          blk["k"]["W"].T, r1(blk["k"]["b"]),
          r1(blk["k_bn"]["g"]), r1(blk["k_bn"]["b"]),
          blk["v"]["W"].T, r1(blk["v"]["b"]), we1t)

        g16 = _gather_rows(tab, idxfp).reshape(NHP, K, C)
        gv = _gather_rows(v, idxfp).reshape(NHP, K, C)

        if pstats is None:
            pstats = pl.pallas_call(
                _pstat_body,
                grid=(GRID_P,),
                in_specs=[pl.BlockSpec((TN, K, C), lambda i: (i, 0, 0)),
                          pl.BlockSpec((TN, 8), lambda i: (i, 0))],
                out_specs=pl.BlockSpec((8, 128), lambda i: (0, 0)),
                out_shape=jax.ShapeDtypeStruct((8, 128), jnp.float32),
            )(g16, xyz8)
            s1 = pstats[0, 0:3]
            s2 = pstats[1:4, 0:3]
            mpos = s1 / NPAIR
            cov = s2 / NPAIR - jnp.outer(mpos, mpos)

        p1t = blk["p1"]["W"].T
        mu_p = mpos @ p1t + blk["p1"]["b"]
        var_p = jnp.einsum("ij,ic,jc->c", cov, p1t, p1t)
        sg = blk["p_bn"]["g"] / jnp.sqrt(var_p + EPS)
        a3 = p1t * sg[None, :]
        a8p = jnp.concatenate([a3, jnp.zeros((5, C), jnp.float32)], axis=0)
        a128 = jnp.concatenate([a3, jnp.zeros((C - 3, C), jnp.float32)], axis=0)
        s128 = jnp.concatenate(
            [jnp.zeros((3, 8), jnp.float32), jnp.eye(8, dtype=jnp.float32),
             jnp.zeros((C - 11, 8), jnp.float32)], axis=0)
        ca = ((blk["p1"]["b"] - mu_p) * sg + blk["p_bn"]["b"]).reshape(1, C)
        m128 = blk["p2"]["W"].T @ we1t
        c8 = (blk["p2"]["b"] @ we1t + blk["we1"]["b"]).reshape(1, 8)

        zstats = pl.pallas_call(
            _zstat_body,
            grid=(GRID_P,),
            in_specs=[pl.BlockSpec((TN, K, C), lambda i: (i, 0, 0)),
                      pl.BlockSpec((TN, 8), lambda i: (i, 0)),
                      pl.BlockSpec((TN, 8), lambda i: (i, 0))]
                     + _full_specs([(C, C), (8, C), (1, C), (C, 8), (C, 8),
                                    (1, 8)]),
            out_specs=pl.BlockSpec((8, 128), lambda i: (0, 0)),
            out_shape=jax.ShapeDtypeStruct((8, 128), jnp.float32),
        )(g16, xyz8, q8, a128, a8p, ca, s128, m128, c8)
        mu_z = zstats[0, 0:8] / NPAIR
        var_z = zstats[1, 0:8] / NPAIR - mu_z * mu_z
        sw = (blk["we_bn"]["g"] / jnp.sqrt(var_z + EPS)).reshape(1, 8)
        tw = (blk["we_bn"]["b"] - mu_z * sw[0]).reshape(1, 8)

        e8 = (jnp.arange(C)[None, :] // 16 ==
              jnp.arange(G)[:, None]).astype(jnp.float32)
        f2 = pl.pallas_call(
            _agg_body,
            grid=(GRID_P,),
            in_specs=[pl.BlockSpec((TN, K, C), lambda i: (i, 0, 0)),
                      pl.BlockSpec((TN, K, C), lambda i: (i, 0, 0)),
                      pl.BlockSpec((TN, 8), lambda i: (i, 0)),
                      pl.BlockSpec((TN, 8), lambda i: (i, 0))]
                     + _full_specs([(C, C), (8, C), (1, C), (C, 8), (C, 8),
                                    (1, 8), (1, 8), (1, 8), (8, 8), (1, 8),
                                    (C, C), (1, C), (8, C)]),
            out_specs=pl.BlockSpec((TN, C), lambda i: (i, 0)),
            out_shape=jax.ShapeDtypeStruct((NHP, C), jnp.float32),
        )(g16, gv, xyz8, q8, a128, a8p, ca, s128, m128, c8, sw, tw,
          blk["we2"]["W"].T, r1(blk["we2"]["b"]), blk["p2"]["W"].T,
          r1(blk["p2"]["b"]), e8)

        f = pl.pallas_call(
            _d3_body,
            out_shape=jax.ShapeDtypeStruct((NHP, C), jnp.float32),
        )(f, f2, blk["fc3"]["W"].T,
          r1(blk["norm2"]["g"]), r1(blk["norm2"]["b"]),
          r1(blk["norm3"]["g"]), r1(blk["norm3"]["b"]))

    return (skip_coord, f[:N_HIGH], skip_offset, ref)

# --- scband reference (transcript-rebuilt; emitter-appended) ---
"""Pipeline reference for scband-decoder-69380901699943 (READ-ONLY COPY).

The authoritative reference and input builder live on the scoring server;
editing this copy changes nothing except your own understanding.
"""

import jax, jax.numpy as jnp
import numpy as np

N_LOW = 2500
N_HIGH = 10000
C_IN = 256
C_SKIP = 128
C = 128
G = 8
DEPTH = 2
K = 16
EPS = 1e-5

def _lin(key, din, dout, bias=True):
    p = {"W": jax.random.normal(key, (dout, din), jnp.float32) * 0.02}
    if bias:
        p["b"] = jnp.zeros((dout,), jnp.float32)
    return p

def _bn(dim):
    return {"g": jnp.ones((dim,), jnp.float32), "b": jnp.zeros((dim,), jnp.float32)}

def make_params(key):
    it = iter(jax.random.split(key, 32))
    params = {"up_proj": _lin(next(it), C_IN, C), "up_proj_bn": _bn(C), "up_skip": _lin(next(it), C_SKIP, C), "up_skip_bn": _bn(C), "blocks": []}
    for _ in range(DEPTH):
        blk = {"fc1": _lin(next(it), C, C, bias=False), "norm1": _bn(C), "norm2": _bn(C), "norm3": _bn(C), "fc3": _lin(next(it), C, C, bias=False), "q": _lin(next(it), C, C), "q_bn": _bn(C), "k": _lin(next(it), C, C), "k_bn": _bn(C), "v": _lin(next(it), C, C), "p1": _lin(next(it), 3, C), "p_bn": _bn(C), "p2": _lin(next(it), C, C), "we1": _lin(next(it), C, G), "we_bn": _bn(G), "we2": _lin(next(it), G, G)}
        params["blocks"].append(blk)
    return params

def lin(p, x):
    y = x @ p["W"].T
    if "b" in p:
        y = y + p["b"]
    return y

def bn(p, x):
    axes = tuple(range(x.ndim - 1))
    m = jnp.mean(x, axis=axes)
    v = jnp.var(x, axis=axes)
    return (x - m) / jnp.sqrt(v + EPS) * p["g"] + p["b"]

def grouping(idx, feat, xyz, with_xyz):
    gf = feat[idx]
    if with_xyz:
        gx = xyz[idx] - xyz[:, None, :]
        return jnp.concatenate([gx, gf], axis=-1)
    return gf

def knn(coord, k, chunk=2000):
    n = coord.shape[0]
    sq = jnp.sum(coord * coord, axis=1)
    out = []
    for s in range(0, n, chunk):
        q = coord[s:s + chunk]
        d = jnp.sum(q * q, axis=1)[:, None] + sq[None, :] - 2.0 * (q @ coord.T)
        _, idx = jax.lax.top_k(-d, k)
        out.append(idx)
    return jnp.concatenate(out, axis=0).astype(jnp.int32)

def gva(blk, feat, coord, ref):
    q = jax.nn.relu(bn(blk["q_bn"], lin(blk["q"], feat)))
    k = jax.nn.relu(bn(blk["k_bn"], lin(blk["k"], feat)))
    v = lin(blk["v"], feat)
    key = grouping(ref, k, coord, True)
    val = grouping(ref, v, coord, False)
    pos, key = key[:, :, 0:3], key[:, :, 3:]
    rel = key - q[:, None, :]
    peb = lin(blk["p2"], jax.nn.relu(bn(blk["p_bn"], lin(blk["p1"], pos))))
    rel = rel + peb
    val = val + peb
    w = lin(blk["we2"], jax.nn.relu(bn(blk["we_bn"], lin(blk["we1"], rel))))
    w = jax.nn.softmax(w, axis=1)
    mask = jnp.sign(ref + 1).astype(w.dtype)
    w = w * mask[:, :, None]
    n, s, _ = val.shape
    val = val.reshape(n, s, G, C // G)
    return jnp.einsum('nsgi,nsg->ngi', val, w).reshape(n, C)

def block_fwd(blk, coord, feat, ref):
    identity = feat
    f = jax.nn.relu(bn(blk["norm1"], lin(blk["fc1"], feat)))
    f = gva(blk, f, coord, ref)
    f = jax.nn.relu(bn(blk["norm2"], f))
    f = bn(blk["norm3"], lin(blk["fc3"], f))
    return jax.nn.relu(identity + f)

def decoder_fwd(params, feat, skip_feat, skip_coord, cluster, ref):
    f = jax.nn.relu(bn(params["up_proj_bn"], lin(params["up_proj"], feat)))
    sf = jax.nn.relu(bn(params["up_skip_bn"], lin(params["up_skip"], skip_feat)))
    f = f[cluster] + sf
    for blk in params["blocks"]:
        f = block_fwd(blk, skip_coord, f, ref)
    return f

def setup_inputs(seed: int = 0):
    key = jax.random.key(seed)
    ks = jax.random.split(key, 8)
    return {"coord": jax.random.uniform(ks[0], (N_LOW, 3), jnp.float32) * 10.0, "feat": jax.random.normal(ks[1], (N_LOW, C_IN), jnp.float32), "offset": jnp.array([N_LOW], jnp.int32), "skip_coord": jax.random.uniform(ks[2], (N_HIGH, 3), jnp.float32) * 10.0, "skip_feat": jax.random.normal(ks[3], (N_HIGH, C_SKIP), jnp.float32), "skip_offset": jnp.array([N_HIGH], jnp.int32), "cluster": jax.random.randint(ks[4], (N_HIGH,), 0, N_LOW, jnp.int32), "params": make_params(ks[5])}

def reference(coord, feat, offset, skip_coord, skip_feat, skip_offset, cluster, params):
    ref = knn(skip_coord, K)
    f = decoder_fwd(params, feat, skip_feat, skip_coord, cluster, ref)
    return (skip_coord, f, skip_offset, ref)

if __name__ == "__main__":
    import jax
    _d = setup_inputs()
    print(jax.jit(kernel)(*tuple(_d.values())))

</pallas_src>

<mosaic_0001>
#map = affine_map<(d0, d1) -> (0, 0)>
#map1 = affine_map<(d0, d1) -> (0)>
module attributes {stable_mosaic.version = 14 : i64} {
  func.func @gk(%arg0: i32, %arg1: i32, %arg2: memref<10240x128xf32, #tpu.memory_space<hbm>>, %arg3: memref<163840xi32, #tpu.memory_space<hbm>>, %arg4: memref<163840x128xf32, #tpu.memory_space<hbm>>, %arg5: memref<640xi32, #tpu.memory_space<vmem>>, %arg6: memref<640x128xf32, #tpu.memory_space<vmem>>, %arg7: memref<!tpu.dma_semaphore, #tpu.memory_space<semaphore_mem>>) attributes {dimension_semantics = [#tpu.dimension_semantics<core_parallel>, #tpu.dimension_semantics<subcore_parallel>], iteration_bounds = array<i64: 2, 16>, scalar_prefetch = 0 : i64, scratch_operands = 3 : i64, tpu.core_type = #tpu.core_type<sc_vector_subcore>, window_params = [{transform_indices = #map}, {transform_indices = #map1}, {transform_indices = #map}]} {
    %mul3A = arith.constant 2 : i32
    %mul3A_0 = arith.muli %arg1, %mul3A : i32
    %add3A = arith.addi %mul3A_0, %arg0 : i32
    %mul3A_1 = arith.constant 5120 : i32
    %mul3A_2 = arith.muli %add3A, %mul3A_1 : i32
    %add3A_3 = arith.constant 0 : i32
    %add3A_4 = arith.addi %mul3A_2, %add3A_3 : i32
    "tpu.region"() ({
      %run_scoped3A = tpu.sem_alloc : memref<!tpu.dma_semaphore, #tpu.memory_space<semaphore_mem>>
      %dma_start3A_79 = tpu.memref_slice %arg3[%add3A_4] : memref<163840xi32, #tpu.memory_space<hbm>> -> memref<640xi32, #tpu.memory_space<hbm>>
      %dma_start3A_80 = tpu.memref_slice %arg3[%add3A_4] : memref<163840xi32, #tpu.memory_space<hbm>> -> memref<640xi32, #tpu.memory_space<hbm>>
      tpu.enqueue_dma source(%dma_start3A_80 : memref<640xi32, #tpu.memory_space<hbm>>) target(%arg5 : memref<640xi32, #tpu.memory_space<vmem>>) target_semaphore(%run_scoped3A : memref<!tpu.dma_semaphore, #tpu.memory_space<semaphore_mem>>)
      %dma_wait3A_81 = tpu.memref_slice %arg3[%add3A_4] : memref<163840xi32, #tpu.memory_space<hbm>> -> memref<640xi32, #tpu.memory_space<hbm>>
      %dma_wait3A_82 = tpu.memref_slice %arg3[%add3A_4] : memref<163840xi32, #tpu.memory_space<hbm>> -> memref<640xi32, #tpu.memory_space<hbm>>
      tpu.wait_dma2 semaphore(%run_scoped3A : memref<!tpu.dma_semaphore, #tpu.memory_space<semaphore_mem>>) src(%dma_wait3A_82 : memref<640xi32, #tpu.memory_space<hbm>>) dst(%arg5 : memref<640xi32, #tpu.memory_space<vmem>>)
      tpu.yield
    }) : () -> ()
    %dma_start3A = arith.constant 0 : i32
    %dma_start3A_5 = arith.constant 0 : i32
    %dma_start3A_6 = tpu.memref_slice %arg2[%dma_start3A, %dma_start3A_5] : memref<10240x128xf32, #tpu.memory_space<hbm>> -> memref<10240x128xf32, #tpu.memory_space<hbm>>
    tpu.enqueue_indirect_dma source(%dma_start3A_6 : memref<10240x128xf32, #tpu.memory_space<hbm>>) target(%arg6 : memref<640x128xf32, #tpu.memory_space<vmem>>) offsets(%arg5 : memref<640xi32, #tpu.memory_space<vmem>>) semaphore(%arg7 : memref<!tpu.dma_semaphore, #tpu.memory_space<semaphore_mem>>)
    %dma_wait3A = arith.constant 0 : i32
    %dma_wait3A_7 = arith.constant 0 : i32
    %dma_wait3A_8 = tpu.memref_slice %arg2[%dma_wait3A, %dma_wait3A_7] : memref<10240x128xf32, #tpu.memory_space<hbm>> -> memref<10240x128xf32, #tpu.memory_space<hbm>>
    tpu.wait_indirect_dma semaphore(%arg7 : memref<!tpu.dma_semaphore, #tpu.memory_space<semaphore_mem>>) src(%dma_wait3A_8 : memref<10240x128xf32, #tpu.memory_space<hbm>>) dst(%arg6 : memref<640x128xf32, #tpu.memory_space<vmem>>)
    "tpu.region"() ({
      %run_scoped3A = tpu.sem_alloc : memref<!tpu.dma_semaphore, #tpu.memory_space<semaphore_mem>>
      %dma_start3A_79 = arith.constant 0 : i32
      %dma_start3A_80 = tpu.memref_slice %arg4[%add3A_4, %dma_start3A_79] : memref<163840x128xf32, #tpu.memory_space<hbm>> -> memref<640x128xf32, #tpu.memory_space<hbm>>
      %dma_start3A_81 = arith.constant 0 : i32
      %dma_start3A_82 = tpu.memref_slice %arg4[%add3A_4, %dma_start3A_81] : memref<163840x128xf32, #tpu.memory_space<hbm>> -> memref<640x128xf32, #tpu.memory_space<hbm>>
      tpu.enqueue_dma source(%arg6 : memref<640x128xf32, #tpu.memory_space<vmem>>) target(%dma_start3A_82 : memref<640x128xf32, #tpu.memory_space<hbm>>) target_semaphore(%run_scoped3A : memref<!tpu.dma_semaphore, #tpu.memory_space<semaphore_mem>>)
      %dma_wait3A_83 = arith.constant 0 : i32
      %dma_wait3A_84 = tpu.memref_slice %arg4[%add3A_4, %dma_wait3A_83] : memref<163840x128xf32, #tpu.memory_space<hbm>> -> memref<640x128xf32, #tpu.memory_space<hbm>>
      %dma_wait3A_85 = arith.constant 0 : i32
      %dma_wait3A_86 = tpu.memref_slice %arg4[%add3A_4, %dma_wait3A_85] : memref<163840x128xf32, #tpu.memory_space<hbm>> -> memref<640x128xf32, #tpu.memory_space<hbm>>
      tpu.wait_dma2 semaphore(%run_scoped3A : memref<!tpu.dma_semaphore, #tpu.memory_space<semaphore_mem>>) src(%arg6 : memref<640x128xf32, #tpu.memory_space<vmem>>) dst(%dma_wait3A_86 : memref<640x128xf32, #tpu.memory_space<hbm>>)
      tpu.yield
    }) : () -> ()
    %mul3A_9 = arith.constant 5120 : i32
    %mul3A_10 = arith.muli %add3A, %mul3A_9 : i32
    %add3A_11 = arith.constant 640 : i32
    %add3A_12 = arith.addi %mul3A_10, %add3A_11 : i32
    "tpu.region"() ({
      %run_scoped3A = tpu.sem_alloc : memref<!tpu.dma_semaphore, #tpu.memory_space<semaphore_mem>>
      %dma_start3A_79 = tpu.memref_slice %arg3[%add3A_12] : memref<163840xi32, #tpu.memory_space<hbm>> -> memref<640xi32, #tpu.memory_space<hbm>>
      %dma_start3A_80 = tpu.memref_slice %arg3[%add3A_12] : memref<163840xi32, #tpu.memory_space<hbm>> -> memref<640xi32, #tpu.memory_space<hbm>>
      tpu.enqueue_dma source(%dma_start3A_80 : memref<640xi32, #tpu.memory_space<hbm>>) target(%arg5 : memref<640xi32, #tpu.memory_space<vmem>>) target_semaphore(%run_scoped3A : memref<!tpu.dma_semaphore, #tpu.memory_space<semaphore_mem>>)
      %dma_wait3A_81 = tpu.memref_slice %arg3[%add3A_12] : memref<163840xi32, #tpu.memory_space<hbm>> -> memref<640xi32, #tpu.memory_space<hbm>>
      %dma_wait3A_82 = tpu.memref_slice %arg3[%add3A_12] : memref<163840xi32, #tpu.memory_space<hbm>> -> memref<640xi32, #tpu.memory_space<hbm>>
      tpu.wait_dma2 semaphore(%run_scoped3A : memref<!tpu.dma_semaphore, #tpu.memory_space<semaphore_mem>>) src(%dma_wait3A_82 : memref<640xi32, #tpu.memory_space<hbm>>) dst(%arg5 : memref<640xi32, #tpu.memory_space<vmem>>)
      tpu.yield
    }) : () -> ()
    %dma_start3A_13 = arith.constant 0 : i32
    %dma_start3A_14 = arith.constant 0 : i32
    %dma_start3A_15 = tpu.memref_slice %arg2[%dma_start3A_13, %dma_start3A_14] : memref<10240x128xf32, #tpu.memory_space<hbm>> -> memref<10240x128xf32, #tpu.memory_space<hbm>>
    tpu.enqueue_indirect_dma source(%dma_start3A_15 : memref<10240x128xf32, #tpu.memory_space<hbm>>) target(%arg6 : memref<640x128xf32, #tpu.memory_space<vmem>>) offsets(%arg5 : memref<640xi32, #tpu.memory_space<vmem>>) semaphore(%arg7 : memref<!tpu.dma_semaphore, #tpu.memory_space<semaphore_mem>>)
    %dma_wait3A_16 = arith.constant 0 : i32
    %dma_wait3A_17 = arith.constant 0 : i32
    %dma_wait3A_18 = tpu.memref_slice %arg2[%dma_wait3A_16, %dma_wait3A_17] : memref<10240x128xf32, #tpu.memory_space<hbm>> -> memref<10240x128xf32, #tpu.memory_space<hbm>>
    tpu.wait_indirect_dma semaphore(%arg7 : memref<!tpu.dma_semaphore, #tpu.memory_space<semaphore_mem>>) src(%dma_wait3A_18 : memref<10240x128xf32, #tpu.memory_space<hbm>>) dst(%arg6 : memref<640x128xf32, #tpu.memory_space<vmem>>)
    "tpu.region"() ({
      %run_scoped3A = tpu.sem_alloc : memref<!tpu.dma_semaphore, #tpu.memory_space<semaphore_mem>>
      %dma_start3A_79 = arith.constant 0 : i32
      %dma_start3A_80 = tpu.memref_slice %arg4[%add3A_12, %dma_start3A_79] : memref<163840x128xf32, #tpu.memory_space<hbm>> -> memref<640x128xf32, #tpu.memory_space<hbm>>
      %dma_start3A_81 = arith.constant 0 : i32
      %dma_start3A_82 = tpu.memref_slice %arg4[%add3A_12, %dma_start3A_81] : memref<163840x128xf32, #tpu.memory_space<hbm>> -> memref<640x128xf32, #tpu.memory_space<hbm>>
      tpu.enqueue_dma source(%arg6 : memref<640x128xf32, #tpu.memory_space<vmem>>) target(%dma_start3A_82 : memref<640x128xf32, #tpu.memory_space<hbm>>) target_semaphore(%run_scoped3A : memref<!tpu.dma_semaphore, #tpu.memory_space<semaphore_mem>>)
      %dma_wait3A_83 = arith.constant 0 : i32
      %dma_wait3A_84 = tpu.memref_slice %arg4[%add3A_12, %dma_wait3A_83] : memref<163840x128xf32, #tpu.memory_space<hbm>> -> memref<640x128xf32, #tpu.memory_space<hbm>>
      %dma_wait3A_85 = arith.constant 0 : i32
      %dma_wait3A_86 = tpu.memref_slice %arg4[%add3A_12, %dma_wait3A_85] : memref<163840x128xf32, #tpu.memory_space<hbm>> -> memref<640x128xf32, #tpu.memory_space<hbm>>
      tpu.wait_dma2 semaphore(%run_scoped3A : memref<!tpu.dma_semaphore, #tpu.memory_space<semaphore_mem>>) src(%arg6 : memref<640x128xf32, #tpu.memory_space<vmem>>) dst(%dma_wait3A_86 : memref<640x128xf32, #tpu.memory_space<hbm>>)
      tpu.yield
    }) : () -> ()
    %mul3A_19 = arith.constant 5120 : i32
    %mul3A_20 = arith.muli %add3A, %mul3A_19 : i32
    %add3A_21 = arith.constant 1280 : i32
    %add3A_22 = arith.addi %mul3A_20, %add3A_21 : i32
    "tpu.region"() ({
      %run_scoped3A = tpu.sem_alloc : memref<!tpu.dma_semaphore, #tpu.memory_space<semaphore_mem>>
      %dma_start3A_79 = tpu.memref_slice %arg3[%add3A_22] : memref<163840xi32, #tpu.memory_space<hbm>> -> memref<640xi32, #tpu.memory_space<hbm>>
      %dma_start3A_80 = tpu.memref_slice %arg3[%add3A_22] : memref<163840xi32, #tpu.memory_space<hbm>> -> memref<640xi32, #tpu.memory_space<hbm>>
      tpu.enqueue_dma source(%dma_start3A_80 : memref<640xi32, #tpu.memory_space<hbm>>) target(%arg5 : memref<640xi32, #tpu.memory_space<vmem>>) target_semaphore(%run_scoped3A : memref<!tpu.dma_semaphore, #tpu.memory_space<semaphore_mem>>)
      %dma_wait3A_81 = tpu.memref_slice %arg3[%add3A_22] : memref<163840xi32, #tpu.memory_space<hbm>> -> memref<640xi32, #tpu.memory_space<hbm>>
      %dma_wait3A_82 = tpu.memref_slice %arg3[%add3A_22] : memref<163840xi32, #tpu.memory_space<hbm>> -> memref<640xi32, #tpu.memory_space<hbm>>
      tpu.wait_dma2 semaphore(%run_scoped3A : memref<!tpu.dma_semaphore, #tpu.memory_space<semaphore_mem>>) src(%dma_wait3A_82 : memref<640xi32, #tpu.memory_space<hbm>>) dst(%arg5 : memref<640xi32, #tpu.memory_space<vmem>>)
      tpu.yield
    }) : () -> ()
    %dma_start3A_23 = arith.constant 0 : i32
    %dma_start3A_24 = arith.constant 0 : i32
    %dma_start3A_25 = tpu.memref_slice %arg2[%dma_start3A_23, %dma_start3A_24] : memref<10240x128xf32, #tpu.memory_space<hbm>> -> memref<10240x128xf32, #tpu.memory_space<hbm>>
    tpu.enqueue_indirect_dma source(%dma_start3A_25 : memref<10240x128xf32, #tpu.memory_space<hbm>>) target(%arg6 : memref<640x128xf32, #tpu.memory_space<vmem>>) offsets(%arg5 : memref<640xi32, #tpu.memory_space<vmem>>) semaphore(%arg7 : memref<!tpu.dma_semaphore, #tpu.memory_space<semaphore_mem>>)
    %dma_wait3A_26 = arith.constant 0 : i32
    %dma_wait3A_27 = arith.constant 0 : i32
    %dma_wait3A_28 = tpu.memref_slice %arg2[%dma_wait3A_26, %dma_wait3A_27] : memref<10240x128xf32, #tpu.memory_space<hbm>> -> memref<10240x128xf32, #tpu.memory_space<hbm>>
    tpu.wait_indirect_dma semaphore(%arg7 : memref<!tpu.dma_semaphore, #tpu.memory_space<semaphore_mem>>) src(%dma_wait3A_28 : memref<10240x128xf32, #tpu.memory_space<hbm>>) dst(%arg6 : memref<640x128xf32, #tpu.memory_space<vmem>>)
    "tpu.region"() ({
      %run_scoped3A = tpu.sem_alloc : memref<!tpu.dma_semaphore, #tpu.memory_space<semaphore_mem>>
      %dma_start3A_79 = arith.constant 0 : i32
      %dma_start3A_80 = tpu.memref_slice %arg4[%add3A_22, %dma_start3A_79] : memref<163840x128xf32, #tpu.memory_space<hbm>> -> memref<640x128xf32, #tpu.memory_space<hbm>>
      %dma_start3A_81 = arith.constant 0 : i32
      %dma_start3A_82 = tpu.memref_slice %arg4[%add3A_22, %dma_start3A_81] : memref<163840x128xf32, #tpu.memory_space<hbm>> -> memref<640x128xf32, #tpu.memory_space<hbm>>
      tpu.enqueue_dma source(%arg6 : memref<640x128xf32, #tpu.memory_space<vmem>>) target(%dma_start3A_82 : memref<640x128xf32, #tpu.memory_space<hbm>>) target_semaphore(%run_scoped3A : memref<!tpu.dma_semaphore, #tpu.memory_space<semaphore_mem>>)
      %dma_wait3A_83 = arith.constant 0 : i32
      %dma_wait3A_84 = tpu.memref_slice %arg4[%add3A_22, %dma_wait3A_83] : memref<163840x128xf32, #tpu.memory_space<hbm>> -> memref<640x128xf32, #tpu.memory_space<hbm>>
      %dma_wait3A_85 = arith.constant 0 : i32
      %dma_wait3A_86 = tpu.memref_slice %arg4[%add3A_22, %dma_wait3A_85] : memref<163840x128xf32, #tpu.memory_space<hbm>> -> memref<640x128xf32, #tpu.memory_space<hbm>>
      tpu.wait_dma2 semaphore(%run_scoped3A : memref<!tpu.dma_semaphore, #tpu.memory_space<semaphore_mem>>) src(%arg6 : memref<640x128xf32, #tpu.memory_space<vmem>>) dst(%dma_wait3A_86 : memref<640x128xf32, #tpu.memory_space<hbm>>)
      tpu.yield
    }) : () -> ()
    %mul3A_29 = arith.constant 5120 : i32
    %mul3A_30 = arith.muli %add3A, %mul3A_29 : i32
    %add3A_31 = arith.constant 1920 : i32
    %add3A_32 = arith.addi %mul3A_30, %add3A_31 : i32
    "tpu.region"() ({
      %run_scoped3A = tpu.sem_alloc : memref<!tpu.dma_semaphore, #tpu.memory_space<semaphore_mem>>
      %dma_start3A_79 = tpu.memref_slice %arg3[%add3A_32] : memref<163840xi32, #tpu.memory_space<hbm>> -> memref<640xi32, #tpu.memory_space<hbm>>
      %dma_start3A_80 = tpu.memref_slice %arg3[%add3A_32] : memref<163840xi32, #tpu.memory_space<hbm>> -> memref<640xi32, #tpu.memory_space<hbm>>
      tpu.enqueue_dma source(%dma_start3A_80 : memref<640xi32, #tpu.memory_space<hbm>>) target(%arg5 : memref<640xi32, #tpu.memory_space<vmem>>) target_semaphore(%run_scoped3A : memref<!tpu.dma_semaphore, #tpu.memory_space<semaphore_mem>>)
      %dma_wait3A_81 = tpu.memref_slice %arg3[%add3A_32] : memref<163840xi32, #tpu.memory_space<hbm>> -> memref<640xi32, #tpu.memory_space<hbm>>
      %dma_wait3A_82 = tpu.memref_slice %arg3[%add3A_32] : memref<163840xi32, #tpu.memory_space<hbm>> -> memref<640xi32, #tpu.memory_space<hbm>>
      tpu.wait_dma2 semaphore(%run_scoped3A : memref<!tpu.dma_semaphore, #tpu.memory_space<semaphore_mem>>) src(%dma_wait3A_82 : memref<640xi32, #tpu.memory_space<hbm>>) dst(%arg5 : memref<640xi32, #tpu.memory_space<vmem>>)
      tpu.yield
    }) : () -> ()
    %dma_start3A_33 = arith.constant 0 : i32
    %dma_start3A_34 = arith.constant 0 : i32
    %dma_start3A_35 = tpu.memref_slice %arg2[%dma_start3A_33, %dma_start3A_34] : memref<10240x128xf32, #tpu.memory_space<hbm>> -> memref<10240x128xf32, #tpu.memory_space<hbm>>
    tpu.enqueue_indirect_dma source(%dma_start3A_35 : memref<10240x128xf32, #tpu.memory_space<hbm>>) target(%arg6 : memref<640x128xf32, #tpu.memory_space<vmem>>) offsets(%arg5 : memref<640xi32, #tpu.memory_space<vmem>>) semaphore(%arg7 : memref<!tpu.dma_semaphore, #tpu.memory_space<semaphore_mem>>)
    %dma_wait3A_36 = arith.constant 0 : i32
    %dma_wait3A_37 = arith.constant 0 : i32
    %dma_wait3A_38 = tpu.memref_slice %arg2[%dma_wait3A_36, %dma_wait3A_37] : memref<10240x128xf32, #tpu.memory_space<hbm>> -> memref<10240x128xf32, #tpu.memory_space<hbm>>
    tpu.wait_indirect_dma semaphore(%arg7 : memref<!tpu.dma_semaphore, #tpu.memory_space<semaphore_mem>>) src(%dma_wait3A_38 : memref<10240x128xf32, #tpu.memory_space<hbm>>) dst(%arg6 : memref<640x128xf32, #tpu.memory_space<vmem>>)
    "tpu.region"() ({
      %run_scoped3A = tpu.sem_alloc : memref<!tpu.dma_semaphore, #tpu.memory_space<semaphore_mem>>
      %dma_start3A_79 = arith.constant 0 : i32
      %dma_start3A_80 = tpu.memref_slice %arg4[%add3A_32, %dma_start3A_79] : memref<163840x128xf32, #tpu.memory_space<hbm>> -> memref<640x128xf32, #tpu.memory_space<hbm>>
      %dma_start3A_81 = arith.constant 0 : i32
      %dma_start3A_82 = tpu.memref_slice %arg4[%add3A_32, %dma_start3A_81] : memref<163840x128xf32, #tpu.memory_space<hbm>> -> memref<640x128xf32, #tpu.memory_space<hbm>>
      tpu.enqueue_dma source(%arg6 : memref<640x128xf32, #tpu.memory_space<vmem>>) target(%dma_start3A_82 : memref<640x128xf32, #tpu.memory_space<hbm>>) target_semaphore(%run_scoped3A : memref<!tpu.dma_semaphore, #tpu.memory_space<semaphore_mem>>)
      %dma_wait3A_83 = arith.constant 0 : i32
      %dma_wait3A_84 = tpu.memref_slice %arg4[%add3A_32, %dma_wait3A_83] : memref<163840x128xf32, #tpu.memory_space<hbm>> -> memref<640x128xf32, #tpu.memory_space<hbm>>
      %dma_wait3A_85 = arith.constant 0 : i32
      %dma_wait3A_86 = tpu.memref_slice %arg4[%add3A_32, %dma_wait3A_85] : memref<163840x128xf32, #tpu.memory_space<hbm>> -> memref<640x128xf32, #tpu.memory_space<hbm>>
      tpu.wait_dma2 semaphore(%run_scoped3A : memref<!tpu.dma_semaphore, #tpu.memory_space<semaphore_mem>>) src(%arg6 : memref<640x128xf32, #tpu.memory_space<vmem>>) dst(%dma_wait3A_86 : memref<640x128xf32, #tpu.memory_space<hbm>>)
      tpu.yield
    }) : () -> ()
    %mul3A_39 = arith.constant 5120 : i32
    %mul3A_40 = arith.muli %add3A, %mul3A_39 : i32
    %add3A_41 = arith.constant 2560 : i32
    %add3A_42 = arith.addi %mul3A_40, %add3A_41 : i32
    "tpu.region"() ({
      %run_scoped3A = tpu.sem_alloc : memref<!tpu.dma_semaphore, #tpu.memory_space<semaphore_mem>>
      %dma_start3A_79 = tpu.memref_slice %arg3[%add3A_42] : memref<163840xi32, #tpu.memory_space<hbm>> -> memref<640xi32, #tpu.memory_space<hbm>>
      %dma_start3A_80 = tpu.memref_slice %arg3[%add3A_42] : memref<163840xi32, #tpu.memory_space<hbm>> -> memref<640xi32, #tpu.memory_space<hbm>>
      tpu.enqueue_dma source(%dma_start3A_80 : memref<640xi32, #tpu.memory_space<hbm>>) target(%arg5 : memref<640xi32, #tpu.memory_space<vmem>>) target_semaphore(%run_scoped3A : memref<!tpu.dma_semaphore, #tpu.memory_space<semaphore_mem>>)
      %dma_wait3A_81 = tpu.memref_slice %arg3[%add3A_42] : memref<163840xi32, #tpu.memory_space<hbm>> -> memref<640xi32, #tpu.memory_space<hbm>>
      %dma_wait3A_82 = tpu.memref_slice %arg3[%add3A_42] : memref<163840xi32, #tpu.memory_space<hbm>> -> memref<640xi32, #tpu.memory_space<hbm>>
      tpu.wait_dma2 semaphore(%run_scoped3A : memref<!tpu.dma_semaphore, #tpu.memory_space<semaphore_mem>>) src(%dma_wait3A_82 : memref<640xi32, #tpu.memory_space<hbm>>) dst(%arg5 : memref<640xi32, #tpu.memory_space<vmem>>)
      tpu.yield
    }) : () -> ()
    %dma_start3A_43 = arith.constant 0 : i32
    %dma_start3A_44 = arith.constant 0 : i32
    %dma_start3A_45 = tpu.memref_slice %arg2[%dma_start3A_43, %dma_start3A_44] : memref<10240x128xf32, #tpu.memory_space<hbm>> -> memref<10240x128xf32, #tpu.memory_space<hbm>>
    tpu.enqueue_indirect_dma source(%dma_start3A_45 : memref<10240x128xf32, #tpu.memory_space<hbm>>) target(%arg6 : memref<640x128xf32, #tpu.memory_space<vmem>>) offsets(%arg5 : memref<640xi32, #tpu.memory_space<vmem>>) semaphore(%arg7 : memref<!tpu.dma_semaphore, #tpu.memory_space<semaphore_mem>>)
    %dma_wait3A_46 = arith.constant 0 : i32
    %dma_wait3A_47 = arith.constant 0 : i32
    %dma_wait3A_48 = tpu.memref_slice %arg2[%dma_wait3A_46, %dma_wait3A_47] : memref<10240x128xf32, #tpu.memory_space<hbm>> -> memref<10240x128xf32, #tpu.memory_space<hbm>>
    tpu.wait_indirect_dma semaphore(%arg7 : memref<!tpu.dma_semaphore, #tpu.memory_space<semaphore_mem>>) src(%dma_wait3A_48 : memref<10240x128xf32, #tpu.memory_space<hbm>>) dst(%arg6 : memref<640x128xf32, #tpu.memory_space<vmem>>)
    "tpu.region"() ({
      %run_scoped3A = tpu.sem_alloc : memref<!tpu.dma_semaphore, #tpu.memory_space<semaphore_mem>>
      %dma_start3A_79 = arith.constant 0 : i32
      %dma_start3A_80 = tpu.memref_slice %arg4[%add3A_42, %dma_start3A_79] : memref<163840x128xf32, #tpu.memory_space<hbm>> -> memref<640x128xf32, #tpu.memory_space<hbm>>
      %dma_start3A_81 = arith.constant 0 : i32
      %dma_start3A_82 = tpu.memref_slice %arg4[%add3A_42, %dma_start3A_81] : memref<163840x128xf32, #tpu.memory_space<hbm>> -> memref<640x128xf32, #tpu.memory_space<hbm>>
      tpu.enqueue_dma source(%arg6 : memref<640x128xf32, #tpu.memory_space<vmem>>) target(%dma_start3A_82 : memref<640x128xf32, #tpu.memory_space<hbm>>) target_semaphore(%run_scoped3A : memref<!tpu.dma_semaphore, #tpu.memory_space<semaphore_mem>>)
      %dma_wait3A_83 = arith.constant 0 : i32
      %dma_wait3A_84 = tpu.memref_slice %arg4[%add3A_42, %dma_wait3A_83] : memref<163840x128xf32, #tpu.memory_space<hbm>> -> memref<640x128xf32, #tpu.memory_space<hbm>>
      %dma_wait3A_85 = arith.constant 0 : i32
      %dma_wait3A_86 = tpu.memref_slice %arg4[%add3A_42, %dma_wait3A_85] : memref<163840x128xf32, #tpu.memory_space<hbm>> -> memref<640x128xf32, #tpu.memory_space<hbm>>
      tpu.wait_dma2 semaphore(%run_scoped3A : memref<!tpu.dma_semaphore, #tpu.memory_space<semaphore_mem>>) src(%arg6 : memref<640x128xf32, #tpu.memory_space<vmem>>) dst(%dma_wait3A_86 : memref<640x128xf32, #tpu.memory_space<hbm>>)
      tpu.yield
    }) : () -> ()
    %mul3A_49 = arith.constant 5120 : i32
    %mul3A_50 = arith.muli %add3A, %mul3A_49 : i32
    %add3A_51 = arith.constant 3200 : i32
    %add3A_52 = arith.addi %mul3A_50, %add3A_51 : i32
    "tpu.region"() ({
      %run_scoped3A = tpu.sem_alloc : memref<!tpu.dma_semaphore, #tpu.memory_space<semaphore_mem>>
      %dma_start3A_79 = tpu.memref_slice %arg3[%add3A_52] : memref<163840xi32, #tpu.memory_space<hbm>> -> memref<640xi32, #tpu.memory_space<hbm>>
      %dma_start3A_80 = tpu.memref_slice %arg3[%add3A_52] : memref<163840xi32, #tpu.memory_space<hbm>> -> memref<640xi32, #tpu.memory_space<hbm>>
      tpu.enqueue_dma source(%dma_start3A_80 : memref<640xi32, #tpu.memory_space<hbm>>) target(%arg5 : memref<640xi32, #tpu.memory_space<vmem>>) target_semaphore(%run_scoped3A : memref<!tpu.dma_semaphore, #tpu.memory_space<semaphore_mem>>)
      %dma_wait3A_81 = tpu.memref_slice %arg3[%add3A_52] : memref<163840xi32, #tpu.memory_space<hbm>> -> memref<640xi32, #tpu.memory_space<hbm>>
      %dma_wait3A_82 = tpu.memref_slice %arg3[%add3A_52] : memref<163840xi32, #tpu.memory_space<hbm>> -> memref<640xi32, #tpu.memory_space<hbm>>
      tpu.wait_dma2 semaphore(%run_scoped3A : memref<!tpu.dma_semaphore, #tpu.memory_space<semaphore_mem>>) src(%dma_wait3A_82 : memref<640xi32, #tpu.memory_space<hbm>>) dst(%arg5 : memref<640xi32, #tpu.memory_space<vmem>>)
      tpu.yield
    }) : () -> ()
    %dma_start3A_53 = arith.constant 0 : i32
    %dma_start3A_54 = arith.constant 0 : i32
    %dma_start3A_55 = tpu.memref_slice %arg2[%dma_start3A_53, %dma_start3A_54] : memref<10240x128xf32, #tpu.memory_space<hbm>> -> memref<10240x128xf32, #tpu.memory_space<hbm>>
    tpu.enqueue_indirect_dma source(%dma_start3A_55 : memref<10240x128xf32, #tpu.memory_space<hbm>>) target(%arg6 : memref<640x128xf32, #tpu.memory_space<vmem>>) offsets(%arg5 : memref<640xi32, #tpu.memory_space<vmem>>) semaphore(%arg7 : memref<!tpu.dma_semaphore, #tpu.memory_space<semaphore_mem>>)
    %dma_wait3A_56 = arith.constant 0 : i32
    %dma_wait3A_57 = arith.constant 0 : i32
    %dma_wait3A_58 = tpu.memref_slice %arg2[%dma_wait3A_56, %dma_wait3A_57] : memref<10240x128xf32, #tpu.memory_space<hbm>> -> memref<10240x128xf32, #tpu.memory_space<hbm>>
    tpu.wait_indirect_dma semaphore(%arg7 : memref<!tpu.dma_semaphore, #tpu.memory_space<semaphore_mem>>) src(%dma_wait3A_58 : memref<10240x128xf32, #tpu.memory_space<hbm>>) dst(%arg6 : memref<640x128xf32, #tpu.memory_space<vmem>>)
    "tpu.region"() ({
      %run_scoped3A = tpu.sem_alloc : memref<!tpu.dma_semaphore, #tpu.memory_space<semaphore_mem>>
      %dma_start3A_79 = arith.constant 0 : i32
      %dma_start3A_80 = tpu.memref_slice %arg4[%add3A_52, %dma_start3A_79] : memref<163840x128xf32, #tpu.memory_space<hbm>> -> memref<640x128xf32, #tpu.memory_space<hbm>>
      %dma_start3A_81 = arith.constant 0 : i32
      %dma_start3A_82 = tpu.memref_slice %arg4[%add3A_52, %dma_start3A_81] : memref<163840x128xf32, #tpu.memory_space<hbm>> -> memref<640x128xf32, #tpu.memory_space<hbm>>
      tpu.enqueue_dma source(%arg6 : memref<640x128xf32, #tpu.memory_space<vmem>>) target(%dma_start3A_82 : memref<640x128xf32, #tpu.memory_space<hbm>>) target_semaphore(%run_scoped3A : memref<!tpu.dma_semaphore, #tpu.memory_space<semaphore_mem>>)
      %dma_wait3A_83 = arith.constant 0 : i32
      %dma_wait3A_84 = tpu.memref_slice %arg4[%add3A_52, %dma_wait3A_83] : memref<163840x128xf32, #tpu.memory_space<hbm>> -> memref<640x128xf32, #tpu.memory_space<hbm>>
      %dma_wait3A_85 = arith.constant 0 : i32
      %dma_wait3A_86 = tpu.memref_slice %arg4[%add3A_52, %dma_wait3A_85] : memref<163840x128xf32, #tpu.memory_space<hbm>> -> memref<640x128xf32, #tpu.memory_space<hbm>>
      tpu.wait_dma2 semaphore(%run_scoped3A : memref<!tpu.dma_semaphore, #tpu.memory_space<semaphore_mem>>) src(%arg6 : memref<640x128xf32, #tpu.memory_space<vmem>>) dst(%dma_wait3A_86 : memref<640x128xf32, #tpu.memory_space<hbm>>)
      tpu.yield
    }) : () -> ()
    %mul3A_59 = arith.constant 5120 : i32
    %mul3A_60 = arith.muli %add3A, %mul3A_59 : i32
    %add3A_61 = arith.constant 3840 : i32
    %add3A_62 = arith.addi %mul3A_60, %add3A_61 : i32
    "tpu.region"() ({
      %run_scoped3A = tpu.sem_alloc : memref<!tpu.dma_semaphore, #tpu.memory_space<semaphore_mem>>
      %dma_start3A_79 = tpu.memref_slice %arg3[%add3A_62] : memref<163840xi32, #tpu.memory_space<hbm>> -> memref<640xi32, #tpu.memory_space<hbm>>
      %dma_start3A_80 = tpu.memref_slice %arg3[%add3A_62] : memref<163840xi32, #tpu.memory_space<hbm>> -> memref<640xi32, #tpu.memory_space<hbm>>
      tpu.enqueue_dma source(%dma_start3A_80 : memref<640xi32, #tpu.memory_space<hbm>>) target(%arg5 : memref<640xi32, #tpu.memory_space<vmem>>) target_semaphore(%run_scoped3A : memref<!tpu.dma_semaphore, #tpu.memory_space<semaphore_mem>>)
      %dma_wait3A_81 = tpu.memref_slice %arg3[%add3A_62] : memref<163840xi32, #tpu.memory_space<hbm>> -> memref<640xi32, #tpu.memory_space<hbm>>
      %dma_wait3A_82 = tpu.memref_slice %arg3[%add3A_62] : memref<163840xi32, #tpu.memory_space<hbm>> -> memref<640xi32, #tpu.memory_space<hbm>>
      tpu.wait_dma2 semaphore(%run_scoped3A : memref<!tpu.dma_semaphore, #tpu.memory_space<semaphore_mem>>) src(%dma_wait3A_82 : memref<640xi32, #tpu.memory_space<hbm>>) dst(%arg5 : memref<640xi32, #tpu.memory_space<vmem>>)
      tpu.yield
    }) : () -> ()
    %dma_start3A_63 = arith.constant 0 : i32
    %dma_start3A_64 = arith.constant 0 : i32
    %dma_start3A_65 = tpu.memref_slice %arg2[%dma_start3A_63, %dma_start3A_64] : memref<10240x128xf32, #tpu.memory_space<hbm>> -> memref<10240x128xf32, #tpu.memory_space<hbm>>
    tpu.enqueue_indirect_dma source(%dma_start3A_65 : memref<10240x128xf32, #tpu.memory_space<hbm>>) target(%arg6 : memref<640x128xf32, #tpu.memory_space<vmem>>) offsets(%arg5 : memref<640xi32, #tpu.memory_space<vmem>>) semaphore(%arg7 : memref<!tpu.dma_semaphore, #tpu.memory_space<semaphore_mem>>)
    %dma_wait3A_66 = arith.constant 0 : i32
    %dma_wait3A_67 = arith.constant 0 : i32
    %dma_wait3A_68 = tpu.memref_slice %arg2[%dma_wait3A_66, %dma_wait3A_67] : memref<10240x128xf32, #tpu.memory_space<hbm>> -> memref<10240x128xf32, #tpu.memory_space<hbm>>
    tpu.wait_indirect_dma semaphore(%arg7 : memref<!tpu.dma_semaphore, #tpu.memory_space<semaphore_mem>>) src(%dma_wait3A_68 : memref<10240x128xf32, #tpu.memory_space<hbm>>) dst(%arg6 : memref<640x128xf32, #tpu.memory_space<vmem>>)
    "tpu.region"() ({
      %run_scoped3A = tpu.sem_alloc : memref<!tpu.dma_semaphore, #tpu.memory_space<semaphore_mem>>
      %dma_start3A_79 = arith.constant 0 : i32
      %dma_start3A_80 = tpu.memref_slice %arg4[%add3A_62, %dma_start3A_79] : memref<163840x128xf32, #tpu.memory_space<hbm>> -> memref<640x128xf32, #tpu.memory_space<hbm>>
      %dma_start3A_81 = arith.constant 0 : i32
      %dma_start3A_82 = tpu.memref_slice %arg4[%add3A_62, %dma_start3A_81] : memref<163840x128xf32, #tpu.memory_space<hbm>> -> memref<640x128xf32, #tpu.memory_space<hbm>>
      tpu.enqueue_dma source(%arg6 : memref<640x128xf32, #tpu.memory_space<vmem>>) target(%dma_start3A_82 : memref<640x128xf32, #tpu.memory_space<hbm>>) target_semaphore(%run_scoped3A : memref<!tpu.dma_semaphore, #tpu.memory_space<semaphore_mem>>)
      %dma_wait3A_83 = arith.constant 0 : i32
      %dma_wait3A_84 = tpu.memref_slice %arg4[%add3A_62, %dma_wait3A_83] : memref<163840x128xf32, #tpu.memory_space<hbm>> -> memref<640x128xf32, #tpu.memory_space<hbm>>
      %dma_wait3A_85 = arith.constant 0 : i32
      %dma_wait3A_86 = tpu.memref_slice %arg4[%add3A_62, %dma_wait3A_85] : memref<163840x128xf32, #tpu.memory_space<hbm>> -> memref<640x128xf32, #tpu.memory_space<hbm>>
      tpu.wait_dma2 semaphore(%run_scoped3A : memref<!tpu.dma_semaphore, #tpu.memory_space<semaphore_mem>>) src(%arg6 : memref<640x128xf32, #tpu.memory_space<vmem>>) dst(%dma_wait3A_86 : memref<640x128xf32, #tpu.memory_space<hbm>>)
      tpu.yield
    }) : () -> ()
    %mul3A_69 = arith.constant 5120 : i32
    %mul3A_70 = arith.muli %add3A, %mul3A_69 : i32
    %add3A_71 = arith.constant 4480 : i32
    %add3A_72 = arith.addi %mul3A_70, %add3A_71 : i32
    "tpu.region"() ({
      %run_scoped3A = tpu.sem_alloc : memref<!tpu.dma_semaphore, #tpu.memory_space<semaphore_mem>>
      %dma_start3A_79 = tpu.memref_slice %arg3[%add3A_72] : memref<163840xi32, #tpu.memory_space<hbm>> -> memref<640xi32, #tpu.memory_space<hbm>>
      %dma_start3A_80 = tpu.memref_slice %arg3[%add3A_72] : memref<163840xi32, #tpu.memory_space<hbm>> -> memref<640xi32, #tpu.memory_space<hbm>>
      tpu.enqueue_dma source(%dma_start3A_80 : memref<640xi32, #tpu.memory_space<hbm>>) target(%arg5 : memref<640xi32, #tpu.memory_space<vmem>>) target_semaphore(%run_scoped3A : memref<!tpu.dma_semaphore, #tpu.memory_space<semaphore_mem>>)
      %dma_wait3A_81 = tpu.memref_slice %arg3[%add3A_72] : memref<163840xi32, #tpu.memory_space<hbm>> -> memref<640xi32, #tpu.memory_space<hbm>>
      %dma_wait3A_82 = tpu.memref_slice %arg3[%add3A_72] : memref<163840xi32, #tpu.memory_space<hbm>> -> memref<640xi32, #tpu.memory_space<hbm>>
      tpu.wait_dma2 semaphore(%run_scoped3A : memref<!tpu.dma_semaphore, #tpu.memory_space<semaphore_mem>>) src(%dma_wait3A_82 : memref<640xi32, #tpu.memory_space<hbm>>) dst(%arg5 : memref<640xi32, #tpu.memory_space<vmem>>)
      tpu.yield
    }) : () -> ()
    %dma_start3A_73 = arith.constant 0 : i32
    %dma_start3A_74 = arith.constant 0 : i32
    %dma_start3A_75 = tpu.memref_slice %arg2[%dma_start3A_73, %dma_start3A_74] : memref<10240x128xf32, #tpu.memory_space<hbm>> -> memref<10240x128xf32, #tpu.memory_space<hbm>>
    tpu.enqueue_indirect_dma source(%dma_start3A_75 : memref<10240x128xf32, #tpu.memory_space<hbm>>) target(%arg6 : memref<640x128xf32, #tpu.memory_space<vmem>>) offsets(%arg5 : memref<640xi32, #tpu.memory_space<vmem>>) semaphore(%arg7 : memref<!tpu.dma_semaphore, #tpu.memory_space<semaphore_mem>>)
    %dma_wait3A_76 = arith.constant 0 : i32
    %dma_wait3A_77 = arith.constant 0 : i32
    %dma_wait3A_78 = tpu.memref_slice %arg2[%dma_wait3A_76, %dma_wait3A_77] : memref<10240x128xf32, #tpu.memory_space<hbm>> -> memref<10240x128xf32, #tpu.memory_space<hbm>>
    tpu.wait_indirect_dma semaphore(%arg7 : memref<!tpu.dma_semaphore, #tpu.memory_space<semaphore_mem>>) src(%dma_wait3A_78 : memref<10240x128xf32, #tpu.memory_space<hbm>>) dst(%arg6 : memref<640x128xf32, #tpu.memory_space<vmem>>)
    "tpu.region"() ({
      %run_scoped3A = tpu.sem_alloc : memref<!tpu.dma_semaphore, #tpu.memory_space<semaphore_mem>>
      %dma_start3A_79 = arith.constant 0 : i32
      %dma_start3A_80 = tpu.memref_slice %arg4[%add3A_72, %dma_start3A_79] : memref<163840x128xf32, #tpu.memory_space<hbm>> -> memref<640x128xf32, #tpu.memory_space<hbm>>
      %dma_start3A_81 = arith.constant 0 : i32
      %dma_start3A_82 = tpu.memref_slice %arg4[%add3A_72, %dma_start3A_81] : memref<163840x128xf32, #tpu.memory_space<hbm>> -> memref<640x128xf32, #tpu.memory_space<hbm>>
      tpu.enqueue_dma source(%arg6 : memref<640x128xf32, #tpu.memory_space<vmem>>) target(%dma_start3A_82 : memref<640x128xf32, #tpu.memory_space<hbm>>) target_semaphore(%run_scoped3A : memref<!tpu.dma_semaphore, #tpu.memory_space<semaphore_mem>>)
      %dma_wait3A_83 = arith.constant 0 : i32
      %dma_wait3A_84 = tpu.memref_slice %arg4[%add3A_72, %dma_wait3A_83] : memref<163840x128xf32, #tpu.memory_space<hbm>> -> memref<640x128xf32, #tpu.memory_space<hbm>>
      %dma_wait3A_85 = arith.constant 0 : i32
      %dma_wait3A_86 = tpu.memref_slice %arg4[%add3A_72, %dma_wait3A_85] : memref<163840x128xf32, #tpu.memory_space<hbm>> -> memref<640x128xf32, #tpu.memory_space<hbm>>
      tpu.wait_dma2 semaphore(%run_scoped3A : memref<!tpu.dma_semaphore, #tpu.memory_space<semaphore_mem>>) src(%arg6 : memref<640x128xf32, #tpu.memory_space<vmem>>) dst(%dma_wait3A_86 : memref<640x128xf32, #tpu.memory_space<hbm>>)
      tpu.yield
    }) : () -> ()
    return
  }
}

#map = affine_map<(d0, d1) -> (0, 0)>
#map1 = affine_map<(d0, d1) -> (0)>
module attributes {stable_mosaic.version = 14 : i64} {
  func.func @gk(%arg0: i32, %arg1: i32, %arg2: memref<2560x128xf32, #tpu.memory_space<hbm>>, %arg3: memref<10240xi32, #tpu.memory_space<hbm>>, %arg4: memref<10240x128xf32, #tpu.memory_space<hbm>>, %arg5: memref<320xi32, #tpu.memory_space<vmem>>, %arg6: memref<320x128xf32, #tpu.memory_space<vmem>>, %arg7: memref<!tpu.dma_semaphore, #tpu.memory_space<semaphore_mem>>) attributes {dimension_semantics = [#tpu.dimension_semantics<core_parallel>, #tpu.dimension_semantics<subcore_parallel>], iteration_bounds = array<i64: 2, 16>, scalar_prefetch = 0 : i64, scratch_operands = 3 : i64, tpu.core_type = #tpu.core_type<sc_vector_subcore>, window_params = [{transform_indices = #map}, {transform_indices = #map1}, {transform_indices = #map}]} {
    %mul3A = arith.constant 2 : i32
    %mul3A_0 = arith.muli %arg1, %mul3A : i32
    %add3A = arith.addi %mul3A_0, %arg0 : i32
    %mul3A_1 = arith.constant 320 : i32
    %mul3A_2 = arith.muli %add3A, %mul3A_1 : i32
    %add3A_3 = arith.constant 0 : i32
    %add3A_4 = arith.addi %mul3A_2, %add3A_3 : i32
    "tpu.region"() ({
      %run_scoped3A = tpu.sem_alloc : memref<!tpu.dma_semaphore, #tpu.memory_space<semaphore_mem>>
      %dma_start3A_9 = tpu.memref_slice %arg3[%add3A_4] : memref<10240xi32, #tpu.memory_space<hbm>> -> memref<320xi32, #tpu.memory_space<hbm>>
      %dma_start3A_10 = tpu.memref_slice %arg3[%add3A_4] : memref<10240xi32, #tpu.memory_space<hbm>> -> memref<320xi32, #tpu.memory_space<hbm>>
      tpu.enqueue_dma source(%dma_start3A_10 : memref<320xi32, #tpu.memory_space<hbm>>) target(%arg5 : memref<320xi32, #tpu.memory_space<vmem>>) target_semaphore(%run_scoped3A : memref<!tpu.dma_semaphore, #tpu.memory_space<semaphore_mem>>)
      %dma_wait3A_11 = tpu.memref_slice %arg3[%add3A_4] : memref<10240xi32, #tpu.memory_space<hbm>> -> memref<320xi32, #tpu.memory_space<hbm>>
      %dma_wait3A_12 = tpu.memref_slice %arg3[%add3A_4] : memref<10240xi32, #tpu.memory_space<hbm>> -> memref<320xi32, #tpu.memory_space<hbm>>
      tpu.wait_dma2 semaphore(%run_scoped3A : memref<!tpu.dma_semaphore, #tpu.memory_space<semaphore_mem>>) src(%dma_wait3A_12 : memref<320xi32, #tpu.memory_space<hbm>>) dst(%arg5 : memref<320xi32, #tpu.memory_space<vmem>>)
      tpu.yield
    }) : () -> ()
    %dma_start3A = arith.constant 0 : i32
    %dma_start3A_5 = arith.constant 0 : i32
    %dma_start3A_6 = tpu.memref_slice %arg2[%dma_start3A, %dma_start3A_5] : memref<2560x128xf32, #tpu.memory_space<hbm>> -> memref<2560x128xf32, #tpu.memory_space<hbm>>
    tpu.enqueue_indirect_dma source(%dma_start3A_6 : memref<2560x128xf32, #tpu.memory_space<hbm>>) target(%arg6 : memref<320x128xf32, #tpu.memory_space<vmem>>) offsets(%arg5 : memref<320xi32, #tpu.memory_space<vmem>>) semaphore(%arg7 : memref<!tpu.dma_semaphore, #tpu.memory_space<semaphore_mem>>)
    %dma_wait3A = arith.constant 0 : i32
    %dma_wait3A_7 = arith.constant 0 : i32
    %dma_wait3A_8 = tpu.memref_slice %arg2[%dma_wait3A, %dma_wait3A_7] : memref<2560x128xf32, #tpu.memory_space<hbm>> -> memref<2560x128xf32, #tpu.memory_space<hbm>>
    tpu.wait_indirect_dma semaphore(%arg7 : memref<!tpu.dma_semaphore, #tpu.memory_space<semaphore_mem>>) src(%dma_wait3A_8 : memref<2560x128xf32, #tpu.memory_space<hbm>>) dst(%arg6 : memref<320x128xf32, #tpu.memory_space<vmem>>)
    "tpu.region"() ({
      %run_scoped3A = tpu.sem_alloc : memref<!tpu.dma_semaphore, #tpu.memory_space<semaphore_mem>>
      %dma_start3A_9 = arith.constant 0 : i32
      %dma_start3A_10 = tpu.memref_slice %arg4[%add3A_4, %dma_start3A_9] : memref<10240x128xf32, #tpu.memory_space<hbm>> -> memref<320x128xf32, #tpu.memory_space<hbm>>
      %dma_start3A_11 = arith.constant 0 : i32
      %dma_start3A_12 = tpu.memref_slice %arg4[%add3A_4, %dma_start3A_11] : memref<10240x128xf32, #tpu.memory_space<hbm>> -> memref<320x128xf32, #tpu.memory_space<hbm>>
      tpu.enqueue_dma source(%arg6 : memref<320x128xf32, #tpu.memory_space<vmem>>) target(%dma_start3A_12 : memref<320x128xf32, #tpu.memory_space<hbm>>) target_semaphore(%run_scoped3A : memref<!tpu.dma_semaphore, #tpu.memory_space<semaphore_mem>>)
      %dma_wait3A_13 = arith.constant 0 : i32
      %dma_wait3A_14 = tpu.memref_slice %arg4[%add3A_4, %dma_wait3A_13] : memref<10240x128xf32, #tpu.memory_space<hbm>> -> memref<320x128xf32, #tpu.memory_space<hbm>>
      %dma_wait3A_15 = arith.constant 0 : i32
      %dma_wait3A_16 = tpu.memref_slice %arg4[%add3A_4, %dma_wait3A_15] : memref<10240x128xf32, #tpu.memory_space<hbm>> -> memref<320x128xf32, #tpu.memory_space<hbm>>
      tpu.wait_dma2 semaphore(%run_scoped3A : memref<!tpu.dma_semaphore, #tpu.memory_space<semaphore_mem>>) src(%arg6 : memref<320x128xf32, #tpu.memory_space<vmem>>) dst(%dma_wait3A_16 : memref<320x128xf32, #tpu.memory_space<hbm>>)
      tpu.yield
    }) : () -> ()
    return
  }
}

#map = affine_map<(d0, d1) -> (0, 0)>
#map1 = affine_map<(d0, d1) -> (0)>
module attributes {stable_mosaic.version = 14 : i64} {
  func.func @gk(%arg0: i32, %arg1: i32, %arg2: memref<10240x128xf32, #tpu.memory_space<hbm>>, %arg3: memref<163840xi32, #tpu.memory_space<hbm>>, %arg4: memref<163840x128xf32, #tpu.memory_space<hbm>>, %arg5: memref<640xi32, #tpu.memory_space<vmem>>, %arg6: memref<640x128xf32, #tpu.memory_space<vmem>>, %arg7: memref<!tpu.dma_semaphore, #tpu.memory_space<semaphore_mem>>) attributes {dimension_semantics = [#tpu.dimension_semantics<core_parallel>, #tpu.dimension_semantics<subcore_parallel>], iteration_bounds = array<i64: 2, 16>, scalar_prefetch = 0 : i64, scratch_operands = 3 : i64, tpu.core_type = #tpu.core_type<sc_vector_subcore>, window_params = [{transform_indices = #map}, {transform_indices = #map1}, {transform_indices = #map}]} {
    %mul3A = arith.constant 2 : i32
    %mul3A_0 = arith.muli %arg1, %mul3A : i32
    %add3A = arith.addi %mul3A_0, %arg0 : i32
    %mul3A_1 = arith.constant 5120 : i32
    %mul3A_2 = arith.muli %add3A, %mul3A_1 : i32
    %add3A_3 = arith.constant 0 : i32
    %add3A_4 = arith.addi %mul3A_2, %add3A_3 : i32
    "tpu.region"() ({
      %run_scoped3A = tpu.sem_alloc : memref<!tpu.dma_semaphore, #tpu.memory_space<semaphore_mem>>
      %dma_start3A_79 = tpu.memref_slice %arg3[%add3A_4] : memref<163840xi32, #tpu.memory_space<hbm>> -> memref<640xi32, #tpu.memory_space<hbm>>
      %dma_start3A_80 = tpu.memref_slice %arg3[%add3A_4] : memref<163840xi32, #tpu.memory_space<hbm>> -> memref<640xi32, #tpu.memory_space<hbm>>
      tpu.enqueue_dma source(%dma_start3A_80 : memref<640xi32, #tpu.memory_space<hbm>>) target(%arg5 : memref<640xi32, #tpu.memory_space<vmem>>) target_semaphore(%run_scoped3A : memref<!tpu.dma_semaphore, #tpu.memory_space<semaphore_mem>>)
      %dma_wait3A_81 = tpu.memref_slice %arg3[%add3A_4] : memref<163840xi32, #tpu.memory_space<hbm>> -> memref<640xi32, #tpu.memory_space<hbm>>
      %dma_wait3A_82 = tpu.memref_slice %arg3[%add3A_4] : memref<163840xi32, #tpu.memory_space<hbm>> -> memref<640xi32, #tpu.memory_space<hbm>>
      tpu.wait_dma2 semaphore(%run_scoped3A : memref<!tpu.dma_semaphore, #tpu.memory_space<semaphore_mem>>) src(%dma_wait3A_82 : memref<640xi32, #tpu.memory_space<hbm>>) dst(%arg5 : memref<640xi32, #tpu.memory_space<vmem>>)
      tpu.yield
    }) : () -> ()
    %dma_start3A = arith.constant 0 : i32
    %dma_start3A_5 = arith.constant 0 : i32
    %dma_start3A_6 = tpu.memref_slice %arg2[%dma_start3A, %dma_start3A_5] : memref<10240x128xf32, #tpu.memory_space<hbm>> -> memref<10240x128xf32, #tpu.memory_space<hbm>>
    tpu.enqueue_indirect_dma source(%dma_start3A_6 : memref<10240x128xf32, #tpu.memory_space<hbm>>) target(%arg6 : memref<640x128xf32, #tpu.memory_space<vmem>>) offsets(%arg5 : memref<640xi32, #tpu.memory_space<vmem>>) semaphore(%arg7 : memref<!tpu.dma_semaphore, #tpu.memory_space<semaphore_mem>>)
    %dma_wait3A = arith.constant 0 : i32
    %dma_wait3A_7 = arith.constant 0 : i32
    %dma_wait3A_8 = tpu.memref_slice %arg2[%dma_wait3A, %dma_wait3A_7] : memref<10240x128xf32, #tpu.memory_space<hbm>> -> memref<10240x128xf32, #tpu.memory_space<hbm>>
    tpu.wait_indirect_dma semaphore(%arg7 : memref<!tpu.dma_semaphore, #tpu.memory_space<semaphore_mem>>) src(%dma_wait3A_8 : memref<10240x128xf32, #tpu.memory_space<hbm>>) dst(%arg6 : memref<640x128xf32, #tpu.memory_space<vmem>>)
    "tpu.region"() ({
      %run_scoped3A = tpu.sem_alloc : memref<!tpu.dma_semaphore, #tpu.memory_space<semaphore_mem>>
      %dma_start3A_79 = arith.constant 0 : i32
      %dma_start3A_80 = tpu.memref_slice %arg4[%add3A_4, %dma_start3A_79] : memref<163840x128xf32, #tpu.memory_space<hbm>> -> memref<640x128xf32, #tpu.memory_space<hbm>>
      %dma_start3A_81 = arith.constant 0 : i32
      %dma_start3A_82 = tpu.memref_slice %arg4[%add3A_4, %dma_start3A_81] : memref<163840x128xf32, #tpu.memory_space<hbm>> -> memref<640x128xf32, #tpu.memory_space<hbm>>
      tpu.enqueue_dma source(%arg6 : memref<640x128xf32, #tpu.memory_space<vmem>>) target(%dma_start3A_82 : memref<640x128xf32, #tpu.memory_space<hbm>>) target_semaphore(%run_scoped3A : memref<!tpu.dma_semaphore, #tpu.memory_space<semaphore_mem>>)
      %dma_wait3A_83 = arith.constant 0 : i32
      %dma_wait3A_84 = tpu.memref_slice %arg4[%add3A_4, %dma_wait3A_83] : memref<163840x128xf32, #tpu.memory_space<hbm>> -> memref<640x128xf32, #tpu.memory_space<hbm>>
      %dma_wait3A_85 = arith.constant 0 : i32
      %dma_wait3A_86 = tpu.memref_slice %arg4[%add3A_4, %dma_wait3A_85] : memref<163840x128xf32, #tpu.memory_space<hbm>> -> memref<640x128xf32, #tpu.memory_space<hbm>>
      tpu.wait_dma2 semaphore(%run_scoped3A : memref<!tpu.dma_semaphore, #tpu.memory_space<semaphore_mem>>) src(%arg6 : memref<640x128xf32, #tpu.memory_space<vmem>>) dst(%dma_wait3A_86 : memref<640x128xf32, #tpu.memory_space<hbm>>)
      tpu.yield
    }) : () -> ()
    %mul3A_9 = arith.constant 5120 : i32
    %mul3A_10 = arith.muli %add3A, %mul3A_9 : i32
    %add3A_11 = arith.constant 640 : i32
    %add3A_12 = arith.addi %mul3A_10, %add3A_11 : i32
    "tpu.region"() ({
      %run_scoped3A = tpu.sem_alloc : memref<!tpu.dma_semaphore, #tpu.memory_space<semaphore_mem>>
      %dma_start3A_79 = tpu.memref_slice %arg3[%add3A_12] : memref<163840xi32, #tpu.memory_space<hbm>> -> memref<640xi32, #tpu.memory_space<hbm>>
      %dma_start3A_80 = tpu.memref_slice %arg3[%add3A_12] : memref<163840xi32, #tpu.memory_space<hbm>> -> memref<640xi32, #tpu.memory_space<hbm>>
      tpu.enqueue_dma source(%dma_start3A_80 : memref<640xi32, #tpu.memory_space<hbm>>) target(%arg5 : memref<640xi32, #tpu.memory_space<vmem>>) target_semaphore(%run_scoped3A : memref<!tpu.dma_semaphore, #tpu.memory_space<semaphore_mem>>)
      %dma_wait3A_81 = tpu.memref_slice %arg3[%add3A_12] : memref<163840xi32, #tpu.memory_space<hbm>> -> memref<640xi32, #tpu.memory_space<hbm>>
      %dma_wait3A_82 = tpu.memref_slice %arg3[%add3A_12] : memref<163840xi32, #tpu.memory_space<hbm>> -> memref<640xi32, #tpu.memory_space<hbm>>
      tpu.wait_dma2 semaphore(%run_scoped3A : memref<!tpu.dma_semaphore, #tpu.memory_space<semaphore_mem>>) src(%dma_wait3A_82 : memref<640xi32, #tpu.memory_space<hbm>>) dst(%arg5 : memref<640xi32, #tpu.memory_space<vmem>>)
      tpu.yield
    }) : () -> ()
    %dma_start3A_13 = arith.constant 0 : i32
    %dma_start3A_14 = arith.constant 0 : i32
    %dma_start3A_15 = tpu.memref_slice %arg2[%dma_start3A_13, %dma_start3A_14] : memref<10240x128xf32, #tpu.memory_space<hbm>> -> memref<10240x128xf32, #tpu.memory_space<hbm>>
    tpu.enqueue_indirect_dma source(%dma_start3A_15 : memref<10240x128xf32, #tpu.memory_space<hbm>>) target(%arg6 : memref<640x128xf32, #tpu.memory_space<vmem>>) offsets(%arg5 : memref<640xi32, #tpu.memory_space<vmem>>) semaphore(%arg7 : memref<!tpu.dma_semaphore, #tpu.memory_space<semaphore_mem>>)
    %dma_wait3A_16 = arith.constant 0 : i32
    %dma_wait3A_17 = arith.constant 0 : i32
    %dma_wait3A_18 = tpu.memref_slice %arg2[%dma_wait3A_16, %dma_wait3A_17] : memref<10240x128xf32, #tpu.memory_space<hbm>> -> memref<10240x128xf32, #tpu.memory_space<hbm>>
    tpu.wait_indirect_dma semaphore(%arg7 : memref<!tpu.dma_semaphore, #tpu.memory_space<semaphore_mem>>) src(%dma_wait3A_18 : memref<10240x128xf32, #tpu.memory_space<hbm>>) dst(%arg6 : memref<640x128xf32, #tpu.memory_space<vmem>>)
    "tpu.region"() ({
      %run_scoped3A = tpu.sem_alloc : memref<!tpu.dma_semaphore, #tpu.memory_space<semaphore_mem>>
      %dma_start3A_79 = arith.constant 0 : i32
      %dma_start3A_80 = tpu.memref_slice %arg4[%add3A_12, %dma_start3A_79] : memref<163840x128xf32, #tpu.memory_space<hbm>> -> memref<640x128xf32, #tpu.memory_space<hbm>>
      %dma_start3A_81 = arith.constant 0 : i32
      %dma_start3A_82 = tpu.memref_slice %arg4[%add3A_12, %dma_start3A_81] : memref<163840x128xf32, #tpu.memory_space<hbm>> -> memref<640x128xf32, #tpu.memory_space<hbm>>
      tpu.enqueue_dma source(%arg6 : memref<640x128xf32, #tpu.memory_space<vmem>>) target(%dma_start3A_82 : memref<640x128xf32, #tpu.memory_space<hbm>>) target_semaphore(%run_scoped3A : memref<!tpu.dma_semaphore, #tpu.memory_space<semaphore_mem>>)
      %dma_wait3A_83 = arith.constant 0 : i32
      %dma_wait3A_84 = tpu.memref_slice %arg4[%add3A_12, %dma_wait3A_83] : memref<163840x128xf32, #tpu.memory_space<hbm>> -> memref<640x128xf32, #tpu.memory_space<hbm>>
      %dma_wait3A_85 = arith.constant 0 : i32
      %dma_wait3A_86 = tpu.memref_slice %arg4[%add3A_12, %dma_wait3A_85] : memref<163840x128xf32, #tpu.memory_space<hbm>> -> memref<640x128xf32, #tpu.memory_space<hbm>>
      tpu.wait_dma2 semaphore(%run_scoped3A : memref<!tpu.dma_semaphore, #tpu.memory_space<semaphore_mem>>) src(%arg6 : memref<640x128xf32, #tpu.memory_space<vmem>>) dst(%dma_wait3A_86 : memref<640x128xf32, #tpu.memory_space<hbm>>)
      tpu.yield
    }) : () -> ()
    %mul3A_19 = arith.constant 5120 : i32
    %mul3A_20 = arith.muli %add3A, %mul3A_19 : i32
    %add3A_21 = arith.constant 1280 : i32
    %add3A_22 = arith.addi %mul3A_20, %add3A_21 : i32
    "tpu.region"() ({
      %run_scoped3A = tpu.sem_alloc : memref<!tpu.dma_semaphore, #tpu.memory_space<semaphore_mem>>
      %dma_start3A_79 = tpu.memref_slice %arg3[%add3A_22] : memref<163840xi32, #tpu.memory_space<hbm>> -> memref<640xi32, #tpu.memory_space<hbm>>
      %dma_start3A_80 = tpu.memref_slice %arg3[%add3A_22] : memref<163840xi32, #tpu.memory_space<hbm>> -> memref<640xi32, #tpu.memory_space<hbm>>
      tpu.enqueue_dma source(%dma_start3A_80 : memref<640xi32, #tpu.memory_space<hbm>>) target(%arg5 : memref<640xi32, #tpu.memory_space<vmem>>) target_semaphore(%run_scoped3A : memref<!tpu.dma_semaphore, #tpu.memory_space<semaphore_mem>>)
      %dma_wait3A_81 = tpu.memref_slice %arg3[%add3A_22] : memref<163840xi32, #tpu.memory_space<hbm>> -> memref<640xi32, #tpu.memory_space<hbm>>
      %dma_wait3A_82 = tpu.memref_slice %arg3[%add3A_22] : memref<163840xi32, #tpu.memory_space<hbm>> -> memref<640xi32, #tpu.memory_space<hbm>>
      tpu.wait_dma2 semaphore(%run_scoped3A : memref<!tpu.dma_semaphore, #tpu.memory_space<semaphore_mem>>) src(%dma_wait3A_82 : memref<640xi32, #tpu.memory_space<hbm>>) dst(%arg5 : memref<640xi32, #tpu.memory_space<vmem>>)
      tpu.yield
    }) : () -> ()
    %dma_start3A_23 = arith.constant 0 : i32
    %dma_start3A_24 = arith.constant 0 : i32
    %dma_start3A_25 = tpu.memref_slice %arg2[%dma_start3A_23, %dma_start3A_24] : memref<10240x128xf32, #tpu.memory_space<hbm>> -> memref<10240x128xf32, #tpu.memory_space<hbm>>
    tpu.enqueue_indirect_dma source(%dma_start3A_25 : memref<10240x128xf32, #tpu.memory_space<hbm>>) target(%arg6 : memref<640x128xf32, #tpu.memory_space<vmem>>) offsets(%arg5 : memref<640xi32, #tpu.memory_space<vmem>>) semaphore(%arg7 : memref<!tpu.dma_semaphore, #tpu.memory_space<semaphore_mem>>)
    %dma_wait3A_26 = arith.constant 0 : i32
    %dma_wait3A_27 = arith.constant 0 : i32
    %dma_wait3A_28 = tpu.memref_slice %arg2[%dma_wait3A_26, %dma_wait3A_27] : memref<10240x128xf32, #tpu.memory_space<hbm>> -> memref<10240x128xf32, #tpu.memory_space<hbm>>
    tpu.wait_indirect_dma semaphore(%arg7 : memref<!tpu.dma_semaphore, #tpu.memory_space<semaphore_mem>>) src(%dma_wait3A_28 : memref<10240x128xf32, #tpu.memory_space<hbm>>) dst(%arg6 : memref<640x128xf32, #tpu.memory_space<vmem>>)
    "tpu.region"() ({
      %run_scoped3A = tpu.sem_alloc : memref<!tpu.dma_semaphore, #tpu.memory_space<semaphore_mem>>
      %dma_start3A_79 = arith.constant 0 : i32
      %dma_start3A_80 = tpu.memref_slice %arg4[%add3A_22, %dma_start3A_79] : memref<163840x128xf32, #tpu.memory_space<hbm>> -> memref<640x128xf32, #tpu.memory_space<hbm>>
      %dma_start3A_81 = arith.constant 0 : i32
      %dma_start3A_82 = tpu.memref_slice %arg4[%add3A_22, %dma_start3A_81] : memref<163840x128xf32, #tpu.memory_space<hbm>> -> memref<640x128xf32, #tpu.memory_space<hbm>>
      tpu.enqueue_dma source(%arg6 : memref<640x128xf32, #tpu.memory_space<vmem>>) target(%dma_start3A_82 : memref<640x128xf32, #tpu.memory_space<hbm>>) target_semaphore(%run_scoped3A : memref<!tpu.dma_semaphore, #tpu.memory_space<semaphore_mem>>)
      %dma_wait3A_83 = arith.constant 0 : i32
      %dma_wait3A_84 = tpu.memref_slice %arg4[%add3A_22, %dma_wait3A_83] : memref<163840x128xf32, #tpu.memory_space<hbm>> -> memref<640x128xf32, #tpu.memory_space<hbm>>
      %dma_wait3A_85 = arith.constant 0 : i32
      %dma_wait3A_86 = tpu.memref_slice %arg4[%add3A_22, %dma_wait3A_85] : memref<163840x128xf32, #tpu.memory_space<hbm>> -> memref<640x128xf32, #tpu.memory_space<hbm>>
      tpu.wait_dma2 semaphore(%run_scoped3A : memref<!tpu.dma_semaphore, #tpu.memory_space<semaphore_mem>>) src(%arg6 : memref<640x128xf32, #tpu.memory_space<vmem>>) dst(%dma_wait3A_86 : memref<640x128xf32, #tpu.memory_space<hbm>>)
      tpu.yield
    }) : () -> ()
    %mul3A_29 = arith.constant 5120 : i32
    %mul3A_30 = arith.muli %add3A, %mul3A_29 : i32
    %add3A_31 = arith.constant 1920 : i32
    %add3A_32 = arith.addi %mul3A_30, %add3A_31 : i32
    "tpu.region"() ({
      %run_scoped3A = tpu.sem_alloc : memref<!tpu.dma_semaphore, #tpu.memory_space<semaphore_mem>>
      %dma_start3A_79 = tpu.memref_slice %arg3[%add3A_32] : memref<163840xi32, #tpu.memory_space<hbm>> -> memref<640xi32, #tpu.memory_space<hbm>>
      %dma_start3A_80 = tpu.memref_slice %arg3[%add3A_32] : memref<163840xi32, #tpu.memory_space<hbm>> -> memref<640xi32, #tpu.memory_space<hbm>>
      tpu.enqueue_dma source(%dma_start3A_80 : memref<640xi32, #tpu.memory_space<hbm>>) target(%arg5 : memref<640xi32, #tpu.memory_space<vmem>>) target_semaphore(%run_scoped3A : memref<!tpu.dma_semaphore, #tpu.memory_space<semaphore_mem>>)
      %dma_wait3A_81 = tpu.memref_slice %arg3[%add3A_32] : memref<163840xi32, #tpu.memory_space<hbm>> -> memref<640xi32, #tpu.memory_space<hbm>>
      %dma_wait3A_82 = tpu.memref_slice %arg3[%add3A_32] : memref<163840xi32, #tpu.memory_space<hbm>> -> memref<640xi32, #tpu.memory_space<hbm>>
      tpu.wait_dma2 semaphore(%run_scoped3A : memref<!tpu.dma_semaphore, #tpu.memory_space<semaphore_mem>>) src(%dma_wait3A_82 : memref<640xi32, #tpu.memory_space<hbm>>) dst(%arg5 : memref<640xi32, #tpu.memory_space<vmem>>)
      tpu.yield
    }) : () -> ()
    %dma_start3A_33 = arith.constant 0 : i32
    %dma_start3A_34 = arith.constant 0 : i32
    %dma_start3A_35 = tpu.memref_slice %arg2[%dma_start3A_33, %dma_start3A_34] : memref<10240x128xf32, #tpu.memory_space<hbm>> -> memref<10240x128xf32, #tpu.memory_space<hbm>>
    tpu.enqueue_indirect_dma source(%dma_start3A_35 : memref<10240x128xf32, #tpu.memory_space<hbm>>) target(%arg6 : memref<640x128xf32, #tpu.memory_space<vmem>>) offsets(%arg5 : memref<640xi32, #tpu.memory_space<vmem>>) semaphore(%arg7 : memref<!tpu.dma_semaphore, #tpu.memory_space<semaphore_mem>>)
    %dma_wait3A_36 = arith.constant 0 : i32
    %dma_wait3A_37 = arith.constant 0 : i32
    %dma_wait3A_38 = tpu.memref_slice %arg2[%dma_wait3A_36, %dma_wait3A_37] : memref<10240x128xf32, #tpu.memory_space<hbm>> -> memref<10240x128xf32, #tpu.memory_space<hbm>>
    tpu.wait_indirect_dma semaphore(%arg7 : memref<!tpu.dma_semaphore, #tpu.memory_space<semaphore_mem>>) src(%dma_wait3A_38 : memref<10240x128xf32, #tpu.memory_space<hbm>>) dst(%arg6 : memref<640x128xf32, #tpu.memory_space<vmem>>)
    "tpu.region"() ({
      %run_scoped3A = tpu.sem_alloc : memref<!tpu.dma_semaphore, #tpu.memory_space<semaphore_mem>>
      %dma_start3A_79 = arith.constant 0 : i32
      %dma_start3A_80 = tpu.memref_slice %arg4[%add3A_32, %dma_start3A_79] : memref<163840x128xf32, #tpu.memory_space<hbm>> -> memref<640x128xf32, #tpu.memory_space<hbm>>
      %dma_start3A_81 = arith.constant 0 : i32
      %dma_start3A_82 = tpu.memref_slice %arg4[%add3A_32, %dma_start3A_81] : memref<163840x128xf32, #tpu.memory_space<hbm>> -> memref<640x128xf32, #tpu.memory_space<hbm>>
      tpu.enqueue_dma source(%arg6 : memref<640x128xf32, #tpu.memory_space<vmem>>) target(%dma_start3A_82 : memref<640x128xf32, #tpu.memory_space<hbm>>) target_semaphore(%run_scoped3A : memref<!tpu.dma_semaphore, #tpu.memory_space<semaphore_mem>>)
      %dma_wait3A_83 = arith.constant 0 : i32
      %dma_wait3A_84 = tpu.memref_slice %arg4[%add3A_32, %dma_wait3A_83] : memref<163840x128xf32, #tpu.memory_space<hbm>> -> memref<640x128xf32, #tpu.memory_space<hbm>>
      %dma_wait3A_85 = arith.constant 0 : i32
      %dma_wait3A_86 = tpu.memref_slice %arg4[%add3A_32, %dma_wait3A_85] : memref<163840x128xf32, #tpu.memory_space<hbm>> -> memref<640x128xf32, #tpu.memory_space<hbm>>
      tpu.wait_dma2 semaphore(%run_scoped3A : memref<!tpu.dma_semaphore, #tpu.memory_space<semaphore_mem>>) src(%arg6 : memref<640x128xf32, #tpu.memory_space<vmem>>) dst(%dma_wait3A_86 : memref<640x128xf32, #tpu.memory_space<hbm>>)
      tpu.yield
    }) : () -> ()
    %mul3A_39 = arith.constant 5120 : i32
    %mul3A_40 = arith.muli %add3A, %mul3A_39 : i32
    %add3A_41 = arith.constant 2560 : i32
    %add3A_42 = arith.addi %mul3A_40, %add3A_41 : i32
    "tpu.region"() ({
      %run_scoped3A = tpu.sem_alloc : memref<!tpu.dma_semaphore, #tpu.memory_space<semaphore_mem>>
      %dma_start3A_79 = tpu.memref_slice %arg3[%add3A_42] : memref<163840xi32, #tpu.memory_space<hbm>> -> memref<640xi32, #tpu.memory_space<hbm>>
      %dma_start3A_80 = tpu.memref_slice %arg3[%add3A_42] : memref<163840xi32, #tpu.memory_space<hbm>> -> memref<640xi32, #tpu.memory_space<hbm>>
      tpu.enqueue_dma source(%dma_start3A_80 : memref<640xi32, #tpu.memory_space<hbm>>) target(%arg5 : memref<640xi32, #tpu.memory_space<vmem>>) target_semaphore(%run_scoped3A : memref<!tpu.dma_semaphore, #tpu.memory_space<semaphore_mem>>)
      %dma_wait3A_81 = tpu.memref_slice %arg3[%add3A_42] : memref<163840xi32, #tpu.memory_space<hbm>> -> memref<640xi32, #tpu.memory_space<hbm>>
      %dma_wait3A_82 = tpu.memref_slice %arg3[%add3A_42] : memref<163840xi32, #tpu.memory_space<hbm>> -> memref<640xi32, #tpu.memory_space<hbm>>
      tpu.wait_dma2 semaphore(%run_scoped3A : memref<!tpu.dma_semaphore, #tpu.memory_space<semaphore_mem>>) src(%dma_wait3A_82 : memref<640xi32, #tpu.memory_space<hbm>>) dst(%arg5 : memref<640xi32, #tpu.memory_space<vmem>>)
      tpu.yield
    }) : () -> ()
    %dma_start3A_43 = arith.constant 0 : i32
    %dma_start3A_44 = arith.constant 0 : i32
    %dma_start3A_45 = tpu.memref_slice %arg2[%dma_start3A_43, %dma_start3A_44] : memref<10240x128xf32, #tpu.memory_space<hbm>> -> memref<10240x128xf32, #tpu.memory_space<hbm>>
    tpu.enqueue_indirect_dma source(%dma_start3A_45 : memref<10240x128xf32, #tpu.memory_space<hbm>>) target(%arg6 : memref<640x128xf32, #tpu.memory_space<vmem>>) offsets(%arg5 : memref<640xi32, #tpu.memory_space<vmem>>) semaphore(%arg7 : memref<!tpu.dma_semaphore, #tpu.memory_space<semaphore_mem>>)
    %dma_wait3A_46 = arith.constant 0 : i32
    %dma_wait3A_47 = arith.constant 0 : i32
    %dma_wait3A_48 = tpu.memref_slice %arg2[%dma_wait3A_46, %dma_wait3A_47] : memref<10240x128xf32, #tpu.memory_space<hbm>> -> memref<10240x128xf32, #tpu.memory_space<hbm>>
    tpu.wait_indirect_dma semaphore(%arg7 : memref<!tpu.dma_semaphore, #tpu.memory_space<semaphore_mem>>) src(%dma_wait3A_48 : memref<10240x128xf32, #tpu.memory_space<hbm>>) dst(%arg6 : memref<640x128xf32, #tpu.memory_space<vmem>>)
    "tpu.region"() ({
      %run_scoped3A = tpu.sem_alloc : memref<!tpu.dma_semaphore, #tpu.memory_space<semaphore_mem>>
      %dma_start3A_79 = arith.constant 0 : i32
      %dma_start3A_80 = tpu.memref_slice %arg4[%add3A_42, %dma_start3A_79] : memref<163840x128xf32, #tpu.memory_space<hbm>> -> memref<640x128xf32, #tpu.memory_space<hbm>>
      %dma_start3A_81 = arith.constant 0 : i32
      %dma_start3A_82 = tpu.memref_slice %arg4[%add3A_42, %dma_start3A_81] : memref<163840x128xf32, #tpu.memory_space<hbm>> -> memref<640x128xf32, #tpu.memory_space<hbm>>
      tpu.enqueue_dma source(%arg6 : memref<640x128xf32, #tpu.memory_space<vmem>>) target(%dma_start3A_82 : memref<640x128xf32, #tpu.memory_space<hbm>>) target_semaphore(%run_scoped3A : memref<!tpu.dma_semaphore, #tpu.memory_space<semaphore_mem>>)
      %dma_wait3A_83 = arith.constant 0 : i32
      %dma_wait3A_84 = tpu.memref_slice %arg4[%add3A_42, %dma_wait3A_83] : memref<163840x128xf32, #tpu.memory_space<hbm>> -> memref<640x128xf32, #tpu.memory_space<hbm>>
      %dma_wait3A_85 = arith.constant 0 : i32
      %dma_wait3A_86 = tpu.memref_slice %arg4[%add3A_42, %dma_wait3A_85] : memref<163840x128xf32, #tpu.memory_space<hbm>> -> memref<640x128xf32, #tpu.memory_space<hbm>>
      tpu.wait_dma2 semaphore(%run_scoped3A : memref<!tpu.dma_semaphore, #tpu.memory_space<semaphore_mem>>) src(%arg6 : memref<640x128xf32, #tpu.memory_space<vmem>>) dst(%dma_wait3A_86 : memref<640x128xf32, #tpu.memory_space<hbm>>)
      tpu.yield
    }) : () -> ()
    %mul3A_49 = arith.constant 5120 : i32
    %mul3A_50 = arith.muli %add3A, %mul3A_49 : i32
    %add3A_51 = arith.constant 3200 : i32
    %add3A_52 = arith.addi %mul3A_50, %add3A_51 : i32
    "tpu.region"() ({
      %run_scoped3A = tpu.sem_alloc : memref<!tpu.dma_semaphore, #tpu.memory_space<semaphore_mem>>
      %dma_start3A_79 = tpu.memref_slice %arg3[%add3A_52] : memref<163840xi32, #tpu.memory_space<hbm>> -> memref<640xi32, #tpu.memory_space<hbm>>
      %dma_start3A_80 = tpu.memref_slice %arg3[%add3A_52] : memref<163840xi32, #tpu.memory_space<hbm>> -> memref<640xi32, #tpu.memory_space<hbm>>
      tpu.enqueue_dma source(%dma_start3A_80 : memref<640xi32, #tpu.memory_space<hbm>>) target(%arg5 : memref<640xi32, #tpu.memory_space<vmem>>) target_semaphore(%run_scoped3A : memref<!tpu.dma_semaphore, #tpu.memory_space<semaphore_mem>>)
      %dma_wait3A_81 = tpu.memref_slice %arg3[%add3A_52] : memref<163840xi32, #tpu.memory_space<hbm>> -> memref<640xi32, #tpu.memory_space<hbm>>
      %dma_wait3A_82 = tpu.memref_slice %arg3[%add3A_52] : memref<163840xi32, #tpu.memory_space<hbm>> -> memref<640xi32, #tpu.memory_space<hbm>>
      tpu.wait_dma2 semaphore(%run_scoped3A : memref<!tpu.dma_semaphore, #tpu.memory_space<semaphore_mem>>) src(%dma_wait3A_82 : memref<640xi32, #tpu.memory_space<hbm>>) dst(%arg5 : memref<640xi32, #tpu.memory_space<vmem>>)
      tpu.yield
    }) : () -> ()
    %dma_start3A_53 = arith.constant 0 : i32
    %dma_start3A_54 = arith.constant 0 : i32
    %dma_start3A_55 = tpu.memref_slice %arg2[%dma_start3A_53, %dma_start3A_54] : memref<10240x128xf32, #tpu.memory_space<hbm>> -> memref<10240x128xf32, #tpu.memory_space<hbm>>
    tpu.enqueue_indirect_dma source(%dma_start3A_55 : memref<10240x128xf32, #tpu.memory_space<hbm>>) target(%arg6 : memref<640x128xf32, #tpu.memory_space<vmem>>) offsets(%arg5 : memref<640xi32, #tpu.memory_space<vmem>>) semaphore(%arg7 : memref<!tpu.dma_semaphore, #tpu.memory_space<semaphore_mem>>)
    %dma_wait3A_56 = arith.constant 0 : i32
    %dma_wait3A_57 = arith.constant 0 : i32
    %dma_wait3A_58 = tpu.memref_slice %arg2[%dma_wait3A_56, %dma_wait3A_57] : memref<10240x128xf32, #tpu.memory_space<hbm>> -> memref<10240x128xf32, #tpu.memory_space<hbm>>
    tpu.wait_indirect_dma semaphore(%arg7 : memref<!tpu.dma_semaphore, #tpu.memory_space<semaphore_mem>>) src(%dma_wait3A_58 : memref<10240x128xf32, #tpu.memory_space<hbm>>) dst(%arg6 : memref<640x128xf32, #tpu.memory_space<vmem>>)
    "tpu.region"() ({
      %run_scoped3A = tpu.sem_alloc : memref<!tpu.dma_semaphore, #tpu.memory_space<semaphore_mem>>
      %dma_start3A_79 = arith.constant 0 : i32
      %dma_start3A_80 = tpu.memref_slice %arg4[%add3A_52, %dma_start3A_79] : memref<163840x128xf32, #tpu.memory_space<hbm>> -> memref<640x128xf32, #tpu.memory_space<hbm>>
      %dma_start3A_81 = arith.constant 0 : i32
      %dma_start3A_82 = tpu.memref_slice %arg4[%add3A_52, %dma_start3A_81] : memref<163840x128xf32, #tpu.memory_space<hbm>> -> memref<640x128xf32, #tpu.memory_space<hbm>>
      tpu.enqueue_dma source(%arg6 : memref<640x128xf32, #tpu.memory_space<vmem>>) target(%dma_start3A_82 : memref<640x128xf32, #tpu.memory_space<hbm>>) target_semaphore(%run_scoped3A : memref<!tpu.dma_semaphore, #tpu.memory_space<semaphore_mem>>)
      %dma_wait3A_83 = arith.constant 0 : i32
      %dma_wait3A_84 = tpu.memref_slice %arg4[%add3A_52, %dma_wait3A_83] : memref<163840x128xf32, #tpu.memory_space<hbm>> -> memref<640x128xf32, #tpu.memory_space<hbm>>
      %dma_wait3A_85 = arith.constant 0 : i32
      %dma_wait3A_86 = tpu.memref_slice %arg4[%add3A_52, %dma_wait3A_85] : memref<163840x128xf32, #tpu.memory_space<hbm>> -> memref<640x128xf32, #tpu.memory_space<hbm>>
      tpu.wait_dma2 semaphore(%run_scoped3A : memref<!tpu.dma_semaphore, #tpu.memory_space<semaphore_mem>>) src(%arg6 : memref<640x128xf32, #tpu.memory_space<vmem>>) dst(%dma_wait3A_86 : memref<640x128xf32, #tpu.memory_space<hbm>>)
      tpu.yield
    }) : () -> ()
    %mul3A_59 = arith.constant 5120 : i32
    %mul3A_60 = arith.muli %add3A, %mul3A_59 : i32
    %add3A_61 = arith.constant 3840 : i32
    %add3A_62 = arith.addi %mul3A_60, %add3A_61 : i32
    "tpu.region"() ({
      %run_scoped3A = tpu.sem_alloc : memref<!tpu.dma_semaphore, #tpu.memory_space<semaphore_mem>>
      %dma_start3A_79 = tpu.memref_slice %arg3[%add3A_62] : memref<163840xi32, #tpu.memory_space<hbm>> -> memref<640xi32, #tpu.memory_space<hbm>>
      %dma_start3A_80 = tpu.memref_slice %arg3[%add3A_62] : memref<163840xi32, #tpu.memory_space<hbm>> -> memref<640xi32, #tpu.memory_space<hbm>>
      tpu.enqueue_dma source(%dma_start3A_80 : memref<640xi32, #tpu.memory_space<hbm>>) target(%arg5 : memref<640xi32, #tpu.memory_space<vmem>>) target_semaphore(%run_scoped3A : memref<!tpu.dma_semaphore, #tpu.memory_space<semaphore_mem>>)
      %dma_wait3A_81 = tpu.memref_slice %arg3[%add3A_62] : memref<163840xi32, #tpu.memory_space<hbm>> -> memref<640xi32, #tpu.memory_space<hbm>>
      %dma_wait3A_82 = tpu.memref_slice %arg3[%add3A_62] : memref<163840xi32, #tpu.memory_space<hbm>> -> memref<640xi32, #tpu.memory_space<hbm>>
      tpu.wait_dma2 semaphore(%run_scoped3A : memref<!tpu.dma_semaphore, #tpu.memory_space<semaphore_mem>>) src(%dma_wait3A_82 : memref<640xi32, #tpu.memory_space<hbm>>) dst(%arg5 : memref<640xi32, #tpu.memory_space<vmem>>)
      tpu.yield
    }) : () -> ()
    %dma_start3A_63 = arith.constant 0 : i32
    %dma_start3A_64 = arith.constant 0 : i32
    %dma_start3A_65 = tpu.memref_slice %arg2[%dma_start3A_63, %dma_start3A_64] : memref<10240x128xf32, #tpu.memory_space<hbm>> -> memref<10240x128xf32, #tpu.memory_space<hbm>>
    tpu.enqueue_indirect_dma source(%dma_start3A_65 : memref<10240x128xf32, #tpu.memory_space<hbm>>) target(%arg6 : memref<640x128xf32, #tpu.memory_space<vmem>>) offsets(%arg5 : memref<640xi32, #tpu.memory_space<vmem>>) semaphore(%arg7 : memref<!tpu.dma_semaphore, #tpu.memory_space<semaphore_mem>>)
    %dma_wait3A_66 = arith.constant 0 : i32
    %dma_wait3A_67 = arith.constant 0 : i32
    %dma_wait3A_68 = tpu.memref_slice %arg2[%dma_wait3A_66, %dma_wait3A_67] : memref<10240x128xf32, #tpu.memory_space<hbm>> -> memref<10240x128xf32, #tpu.memory_space<hbm>>
    tpu.wait_indirect_dma semaphore(%arg7 : memref<!tpu.dma_semaphore, #tpu.memory_space<semaphore_mem>>) src(%dma_wait3A_68 : memref<10240x128xf32, #tpu.memory_space<hbm>>) dst(%arg6 : memref<640x128xf32, #tpu.memory_space<vmem>>)
    "tpu.region"() ({
      %run_scoped3A = tpu.sem_alloc : memref<!tpu.dma_semaphore, #tpu.memory_space<semaphore_mem>>
      %dma_start3A_79 = arith.constant 0 : i32
      %dma_start3A_80 = tpu.memref_slice %arg4[%add3A_62, %dma_start3A_79] : memref<163840x128xf32, #tpu.memory_space<hbm>> -> memref<640x128xf32, #tpu.memory_space<hbm>>
      %dma_start3A_81 = arith.constant 0 : i32
      %dma_start3A_82 = tpu.memref_slice %arg4[%add3A_62, %dma_start3A_81] : memref<163840x128xf32, #tpu.memory_space<hbm>> -> memref<640x128xf32, #tpu.memory_space<hbm>>
      tpu.enqueue_dma source(%arg6 : memref<640x128xf32, #tpu.memory_space<vmem>>) target(%dma_start3A_82 : memref<640x128xf32, #tpu.memory_space<hbm>>) target_semaphore(%run_scoped3A : memref<!tpu.dma_semaphore, #tpu.memory_space<semaphore_mem>>)
      %dma_wait3A_83 = arith.constant 0 : i32
      %dma_wait3A_84 = tpu.memref_slice %arg4[%add3A_62, %dma_wait3A_83] : memref<163840x128xf32, #tpu.memory_space<hbm>> -> memref<640x128xf32, #tpu.memory_space<hbm>>
      %dma_wait3A_85 = arith.constant 0 : i32
      %dma_wait3A_86 = tpu.memref_slice %arg4[%add3A_62, %dma_wait3A_85] : memref<163840x128xf32, #tpu.memory_space<hbm>> -> memref<640x128xf32, #tpu.memory_space<hbm>>
      tpu.wait_dma2 semaphore(%run_scoped3A : memref<!tpu.dma_semaphore, #tpu.memory_space<semaphore_mem>>) src(%arg6 : memref<640x128xf32, #tpu.memory_space<vmem>>) dst(%dma_wait3A_86 : memref<640x128xf32, #tpu.memory_space<hbm>>)
      tpu.yield
    }) : () -> ()
    %mul3A_69 = arith.constant 5120 : i32
    %mul3A_70 = arith.muli %add3A, %mul3A_69 : i32
    %add3A_71 = arith.constant 4480 : i32
    %add3A_72 = arith.addi %mul3A_70, %add3A_71 : i32
    "tpu.region"() ({
      %run_scoped3A = tpu.sem_alloc : memref<!tpu.dma_semaphore, #tpu.memory_space<semaphore_mem>>
      %dma_start3A_79 = tpu.memref_slice %arg3[%add3A_72] : memref<163840xi32, #tpu.memory_space<hbm>> -> memref<640xi32, #tpu.memory_space<hbm>>
      %dma_start3A_80 = tpu.memref_slice %arg3[%add3A_72] : memref<163840xi32, #tpu.memory_space<hbm>> -> memref<640xi32, #tpu.memory_space<hbm>>
      tpu.enqueue_dma source(%dma_start3A_80 : memref<640xi32, #tpu.memory_space<hbm>>) target(%arg5 : memref<640xi32, #tpu.memory_space<vmem>>) target_semaphore(%run_scoped3A : memref<!tpu.dma_semaphore, #tpu.memory_space<semaphore_mem>>)
      %dma_wait3A_81 = tpu.memref_slice %arg3[%add3A_72] : memref<163840xi32, #tpu.memory_space<hbm>> -> memref<640xi32, #tpu.memory_space<hbm>>
      %dma_wait3A_82 = tpu.memref_slice %arg3[%add3A_72] : memref<163840xi32, #tpu.memory_space<hbm>> -> memref<640xi32, #tpu.memory_space<hbm>>
      tpu.wait_dma2 semaphore(%run_scoped3A : memref<!tpu.dma_semaphore, #tpu.memory_space<semaphore_mem>>) src(%dma_wait3A_82 : memref<640xi32, #tpu.memory_space<hbm>>) dst(%arg5 : memref<640xi32, #tpu.memory_space<vmem>>)
      tpu.yield
    }) : () -> ()
    %dma_start3A_73 = arith.constant 0 : i32
    %dma_start3A_74 = arith.constant 0 : i32
    %dma_start3A_75 = tpu.memref_slice %arg2[%dma_start3A_73, %dma_start3A_74] : memref<10240x128xf32, #tpu.memory_space<hbm>> -> memref<10240x128xf32, #tpu.memory_space<hbm>>
    tpu.enqueue_indirect_dma source(%dma_start3A_75 : memref<10240x128xf32, #tpu.memory_space<hbm>>) target(%arg6 : memref<640x128xf32, #tpu.memory_space<vmem>>) offsets(%arg5 : memref<640xi32, #tpu.memory_space<vmem>>) semaphore(%arg7 : memref<!tpu.dma_semaphore, #tpu.memory_space<semaphore_mem>>)
    %dma_wait3A_76 = arith.constant 0 : i32
    %dma_wait3A_77 = arith.constant 0 : i32
    %dma_wait3A_78 = tpu.memref_slice %arg2[%dma_wait3A_76, %dma_wait3A_77] : memref<10240x128xf32, #tpu.memory_space<hbm>> -> memref<10240x128xf32, #tpu.memory_space<hbm>>
    tpu.wait_indirect_dma semaphore(%arg7 : memref<!tpu.dma_semaphore, #tpu.memory_space<semaphore_mem>>) src(%dma_wait3A_78 : memref<10240x128xf32, #tpu.memory_space<hbm>>) dst(%arg6 : memref<640x128xf32, #tpu.memory_space<vmem>>)
    "tpu.region"() ({
      %run_scoped3A = tpu.sem_alloc : memref<!tpu.dma_semaphore, #tpu.memory_space<semaphore_mem>>
      %dma_start3A_79 = arith.constant 0 : i32
      %dma_start3A_80 = tpu.memref_slice %arg4[%add3A_72, %dma_start3A_79] : memref<163840x128xf32, #tpu.memory_space<hbm>> -> memref<640x128xf32, #tpu.memory_space<hbm>>
      %dma_start3A_81 = arith.constant 0 : i32
      %dma_start3A_82 = tpu.memref_slice %arg4[%add3A_72, %dma_start3A_81] : memref<163840x128xf32, #tpu.memory_space<hbm>> -> memref<640x128xf32, #tpu.memory_space<hbm>>
      tpu.enqueue_dma source(%arg6 : memref<640x128xf32, #tpu.memory_space<vmem>>) target(%dma_start3A_82 : memref<640x128xf32, #tpu.memory_space<hbm>>) target_semaphore(%run_scoped3A : memref<!tpu.dma_semaphore, #tpu.memory_space<semaphore_mem>>)
      %dma_wait3A_83 = arith.constant 0 : i32
      %dma_wait3A_84 = tpu.memref_slice %arg4[%add3A_72, %dma_wait3A_83] : memref<163840x128xf32, #tpu.memory_space<hbm>> -> memref<640x128xf32, #tpu.memory_space<hbm>>
      %dma_wait3A_85 = arith.constant 0 : i32
      %dma_wait3A_86 = tpu.memref_slice %arg4[%add3A_72, %dma_wait3A_85] : memref<163840x128xf32, #tpu.memory_space<hbm>> -> memref<640x128xf32, #tpu.memory_space<hbm>>
      tpu.wait_dma2 semaphore(%run_scoped3A : memref<!tpu.dma_semaphore, #tpu.memory_space<semaphore_mem>>) src(%arg6 : memref<640x128xf32, #tpu.memory_space<vmem>>) dst(%dma_wait3A_86 : memref<640x128xf32, #tpu.memory_space<hbm>>)
      tpu.yield
    }) : () -> ()
    return
  }
}

#map = affine_map<(d0, d1) -> (0, 0)>
#map1 = affine_map<(d0, d1) -> (0)>
module attributes {stable_mosaic.version = 14 : i64} {
  func.func @gk(%arg0: i32, %arg1: i32, %arg2: memref<10240x128xf32, #tpu.memory_space<hbm>>, %arg3: memref<163840xi32, #tpu.memory_space<hbm>>, %arg4: memref<163840x128xf32, #tpu.memory_space<hbm>>, %arg5: memref<640xi32, #tpu.memory_space<vmem>>, %arg6: memref<640x128xf32, #tpu.memory_space<vmem>>, %arg7: memref<!tpu.dma_semaphore, #tpu.memory_space<semaphore_mem>>) attributes {dimension_semantics = [#tpu.dimension_semantics<core_parallel>, #tpu.dimension_semantics<subcore_parallel>], iteration_bounds = array<i64: 2, 16>, scalar_prefetch = 0 : i64, scratch_operands = 3 : i64, tpu.core_type = #tpu.core_type<sc_vector_subcore>, window_params = [{transform_indices = #map}, {transform_indices = #map1}, {transform_indices = #map}]} {
    %mul3A = arith.constant 2 : i32
    %mul3A_0 = arith.muli %arg1, %mul3A : i32
    %add3A = arith.addi %mul3A_0, %arg0 : i32
    %mul3A_1 = arith.constant 5120 : i32
    %mul3A_2 = arith.muli %add3A, %mul3A_1 : i32
    %add3A_3 = arith.constant 0 : i32
    %add3A_4 = arith.addi %mul3A_2, %add3A_3 : i32
    "tpu.region"() ({
      %run_scoped3A = tpu.sem_alloc : memref<!tpu.dma_semaphore, #tpu.memory_space<semaphore_mem>>
      %dma_start3A_79 = tpu.memref_slice %arg3[%add3A_4] : memref<163840xi32, #tpu.memory_space<hbm>> -> memref<640xi32, #tpu.memory_space<hbm>>
      %dma_start3A_80 = tpu.memref_slice %arg3[%add3A_4] : memref<163840xi32, #tpu.memory_space<hbm>> -> memref<640xi32, #tpu.memory_space<hbm>>
      tpu.enqueue_dma source(%dma_start3A_80 : memref<640xi32, #tpu.memory_space<hbm>>) target(%arg5 : memref<640xi32, #tpu.memory_space<vmem>>) target_semaphore(%run_scoped3A : memref<!tpu.dma_semaphore, #tpu.memory_space<semaphore_mem>>)
      %dma_wait3A_81 = tpu.memref_slice %arg3[%add3A_4] : memref<163840xi32, #tpu.memory_space<hbm>> -> memref<640xi32, #tpu.memory_space<hbm>>
      %dma_wait3A_82 = tpu.memref_slice %arg3[%add3A_4] : memref<163840xi32, #tpu.memory_space<hbm>> -> memref<640xi32, #tpu.memory_space<hbm>>
      tpu.wait_dma2 semaphore(%run_scoped3A : memref<!tpu.dma_semaphore, #tpu.memory_space<semaphore_mem>>) src(%dma_wait3A_82 : memref<640xi32, #tpu.memory_space<hbm>>) dst(%arg5 : memref<640xi32, #tpu.memory_space<vmem>>)
      tpu.yield
    }) : () -> ()
    %dma_start3A = arith.constant 0 : i32
    %dma_start3A_5 = arith.constant 0 : i32
    %dma_start3A_6 = tpu.memref_slice %arg2[%dma_start3A, %dma_start3A_5] : memref<10240x128xf32, #tpu.memory_space<hbm>> -> memref<10240x128xf32, #tpu.memory_space<hbm>>
    tpu.enqueue_indirect_dma source(%dma_start3A_6 : memref<10240x128xf32, #tpu.memory_space<hbm>>) target(%arg6 : memref<640x128xf32, #tpu.memory_space<vmem>>) offsets(%arg5 : memref<640xi32, #tpu.memory_space<vmem>>) semaphore(%arg7 : memref<!tpu.dma_semaphore, #tpu.memory_space<semaphore_mem>>)
    %dma_wait3A = arith.constant 0 : i32
    %dma_wait3A_7 = arith.constant 0 : i32
    %dma_wait3A_8 = tpu.memref_slice %arg2[%dma_wait3A, %dma_wait3A_7] : memref<10240x128xf32, #tpu.memory_space<hbm>> -> memref<10240x128xf32, #tpu.memory_space<hbm>>
    tpu.wait_indirect_dma semaphore(%arg7 : memref<!tpu.dma_semaphore, #tpu.memory_space<semaphore_mem>>) src(%dma_wait3A_8 : memref<10240x128xf32, #tpu.memory_space<hbm>>) dst(%arg6 : memref<640x128xf32, #tpu.memory_space<vmem>>)
    "tpu.region"() ({
      %run_scoped3A = tpu.sem_alloc : memref<!tpu.dma_semaphore, #tpu.memory_space<semaphore_mem>>
      %dma_start3A_79 = arith.constant 0 : i32
      %dma_start3A_80 = tpu.memref_slice %arg4[%add3A_4, %dma_start3A_79] : memref<163840x128xf32, #tpu.memory_space<hbm>> -> memref<640x128xf32, #tpu.memory_space<hbm>>
      %dma_start3A_81 = arith.constant 0 : i32
      %dma_start3A_82 = tpu.memref_slice %arg4[%add3A_4, %dma_start3A_81] : memref<163840x128xf32, #tpu.memory_space<hbm>> -> memref<640x128xf32, #tpu.memory_space<hbm>>
      tpu.enqueue_dma source(%arg6 : memref<640x128xf32, #tpu.memory_space<vmem>>) target(%dma_start3A_82 : memref<640x128xf32, #tpu.memory_space<hbm>>) target_semaphore(%run_scoped3A : memref<!tpu.dma_semaphore, #tpu.memory_space<semaphore_mem>>)
      %dma_wait3A_83 = arith.constant 0 : i32
      %dma_wait3A_84 = tpu.memref_slice %arg4[%add3A_4, %dma_wait3A_83] : memref<163840x128xf32, #tpu.memory_space<hbm>> -> memref<640x128xf32, #tpu.memory_space<hbm>>
      %dma_wait3A_85 = arith.constant 0 : i32
      %dma_wait3A_86 = tpu.memref_slice %arg4[%add3A_4, %dma_wait3A_85] : memref<163840x128xf32, #tpu.memory_space<hbm>> -> memref<640x128xf32, #tpu.memory_space<hbm>>
      tpu.wait_dma2 semaphore(%run_scoped3A : memref<!tpu.dma_semaphore, #tpu.memory_space<semaphore_mem>>) src(%arg6 : memref<640x128xf32, #tpu.memory_space<vmem>>) dst(%dma_wait3A_86 : memref<640x128xf32, #tpu.memory_space<hbm>>)
      tpu.yield
    }) : () -> ()
    %mul3A_9 = arith.constant 5120 : i32
    %mul3A_10 = arith.muli %add3A, %mul3A_9 : i32
    %add3A_11 = arith.constant 640 : i32
    %add3A_12 = arith.addi %mul3A_10, %add3A_11 : i32
    "tpu.region"() ({
      %run_scoped3A = tpu.sem_alloc : memref<!tpu.dma_semaphore, #tpu.memory_space<semaphore_mem>>
      %dma_start3A_79 = tpu.memref_slice %arg3[%add3A_12] : memref<163840xi32, #tpu.memory_space<hbm>> -> memref<640xi32, #tpu.memory_space<hbm>>
      %dma_start3A_80 = tpu.memref_slice %arg3[%add3A_12] : memref<163840xi32, #tpu.memory_space<hbm>> -> memref<640xi32, #tpu.memory_space<hbm>>
      tpu.enqueue_dma source(%dma_start3A_80 : memref<640xi32, #tpu.memory_space<hbm>>) target(%arg5 : memref<640xi32, #tpu.memory_space<vmem>>) target_semaphore(%run_scoped3A : memref<!tpu.dma_semaphore, #tpu.memory_space<semaphore_mem>>)
      %dma_wait3A_81 = tpu.memref_slice %arg3[%add3A_12] : memref<163840xi32, #tpu.memory_space<hbm>> -> memref<640xi32, #tpu.memory_space<hbm>>
      %dma_wait3A_82 = tpu.memref_slice %arg3[%add3A_12] : memref<163840xi32, #tpu.memory_space<hbm>> -> memref<640xi32, #tpu.memory_space<hbm>>
      tpu.wait_dma2 semaphore(%run_scoped3A : memref<!tpu.dma_semaphore, #tpu.memory_space<semaphore_mem>>) src(%dma_wait3A_82 : memref<640xi32, #tpu.memory_space<hbm>>) dst(%arg5 : memref<640xi32, #tpu.memory_space<vmem>>)
      tpu.yield
    }) : () -> ()
    %dma_start3A_13 = arith.constant 0 : i32
    %dma_start3A_14 = arith.constant 0 : i32
    %dma_start3A_15 = tpu.memref_slice %arg2[%dma_start3A_13, %dma_start3A_14] : memref<10240x128xf32, #tpu.memory_space<hbm>> -> memref<10240x128xf32, #tpu.memory_space<hbm>>
    tpu.enqueue_indirect_dma source(%dma_start3A_15 : memref<10240x128xf32, #tpu.memory_space<hbm>>) target(%arg6 : memref<640x128xf32, #tpu.memory_space<vmem>>) offsets(%arg5 : memref<640xi32, #tpu.memory_space<vmem>>) semaphore(%arg7 : memref<!tpu.dma_semaphore, #tpu.memory_space<semaphore_mem>>)
    %dma_wait3A_16 = arith.constant 0 : i32
    %dma_wait3A_17 = arith.constant 0 : i32
    %dma_wait3A_18 = tpu.memref_slice %arg2[%dma_wait3A_16, %dma_wait3A_17] : memref<10240x128xf32, #tpu.memory_space<hbm>> -> memref<10240x128xf32, #tpu.memory_space<hbm>>
    tpu.wait_indirect_dma semaphore(%arg7 : memref<!tpu.dma_semaphore, #tpu.memory_space<semaphore_mem>>) src(%dma_wait3A_18 : memref<10240x128xf32, #tpu.memory_space<hbm>>) dst(%arg6 : memref<640x128xf32, #tpu.memory_space<vmem>>)
    "tpu.region"() ({
      %run_scoped3A = tpu.sem_alloc : memref<!tpu.dma_semaphore, #tpu.memory_space<semaphore_mem>>
      %dma_start3A_79 = arith.constant 0 : i32
      %dma_start3A_80 = tpu.memref_slice %arg4[%add3A_12, %dma_start3A_79] : memref<163840x128xf32, #tpu.memory_space<hbm>> -> memref<640x128xf32, #tpu.memory_space<hbm>>
      %dma_start3A_81 = arith.constant 0 : i32
      %dma_start3A_82 = tpu.memref_slice %arg4[%add3A_12, %dma_start3A_81] : memref<163840x128xf32, #tpu.memory_space<hbm>> -> memref<640x128xf32, #tpu.memory_space<hbm>>
      tpu.enqueue_dma source(%arg6 : memref<640x128xf32, #tpu.memory_space<vmem>>) target(%dma_start3A_82 : memref<640x128xf32, #tpu.memory_space<hbm>>) target_semaphore(%run_scoped3A : memref<!tpu.dma_semaphore, #tpu.memory_space<semaphore_mem>>)
      %dma_wait3A_83 = arith.constant 0 : i32
      %dma_wait3A_84 = tpu.memref_slice %arg4[%add3A_12, %dma_wait3A_83] : memref<163840x128xf32, #tpu.memory_space<hbm>> -> memref<640x128xf32, #tpu.memory_space<hbm>>
      %dma_wait3A_85 = arith.constant 0 : i32
      %dma_wait3A_86 = tpu.memref_slice %arg4[%add3A_12, %dma_wait3A_85] : memref<163840x128xf32, #tpu.memory_space<hbm>> -> memref<640x128xf32, #tpu.memory_space<hbm>>
      tpu.wait_dma2 semaphore(%run_scoped3A : memref<!tpu.dma_semaphore, #tpu.memory_space<semaphore_mem>>) src(%arg6 : memref<640x128xf32, #tpu.memory_space<vmem>>) dst(%dma_wait3A_86 : memref<640x128xf32, #tpu.memory_space<hbm>>)
      tpu.yield
    }) : () -> ()
    %mul3A_19 = arith.constant 5120 : i32
    %mul3A_20 = arith.muli %add3A, %mul3A_19 : i32
    %add3A_21 = arith.constant 1280 : i32
    %add3A_22 = arith.addi %mul3A_20, %add3A_21 : i32
    "tpu.region"() ({
      %run_scoped3A = tpu.sem_alloc : memref<!tpu.dma_semaphore, #tpu.memory_space<semaphore_mem>>
      %dma_start3A_79 = tpu.memref_slice %arg3[%add3A_22] : memref<163840xi32, #tpu.memory_space<hbm>> -> memref<640xi32, #tpu.memory_space<hbm>>
      %dma_start3A_80 = tpu.memref_slice %arg3[%add3A_22] : memref<163840xi32, #tpu.memory_space<hbm>> -> memref<640xi32, #tpu.memory_space<hbm>>
      tpu.enqueue_dma source(%dma_start3A_80 : memref<640xi32, #tpu.memory_space<hbm>>) target(%arg5 : memref<640xi32, #tpu.memory_space<vmem>>) target_semaphore(%run_scoped3A : memref<!tpu.dma_semaphore, #tpu.memory_space<semaphore_mem>>)
      %dma_wait3A_81 = tpu.memref_slice %arg3[%add3A_22] : memref<163840xi32, #tpu.memory_space<hbm>> -> memref<640xi32, #tpu.memory_space<hbm>>
      %dma_wait3A_82 = tpu.memref_slice %arg3[%add3A_22] : memref<163840xi32, #tpu.memory_space<hbm>> -> memref<640xi32, #tpu.memory_space<hbm>>
      tpu.wait_dma2 semaphore(%run_scoped3A : memref<!tpu.dma_semaphore, #tpu.memory_space<semaphore_mem>>) src(%dma_wait3A_82 : memref<640xi32, #tpu.memory_space<hbm>>) dst(%arg5 : memref<640xi32, #tpu.memory_space<vmem>>)
      tpu.yield
    }) : () -> ()
    %dma_start3A_23 = arith.constant 0 : i32
    %dma_start3A_24 = arith.constant 0 : i32
    %dma_start3A_25 = tpu.memref_slice %arg2[%dma_start3A_23, %dma_start3A_24] : memref<10240x128xf32, #tpu.memory_space<hbm>> -> memref<10240x128xf32, #tpu.memory_space<hbm>>
    tpu.enqueue_indirect_dma source(%dma_start3A_25 : memref<10240x128xf32, #tpu.memory_space<hbm>>) target(%arg6 : memref<640x128xf32, #tpu.memory_space<vmem>>) offsets(%arg5 : memref<640xi32, #tpu.memory_space<vmem>>) semaphore(%arg7 : memref<!tpu.dma_semaphore, #tpu.memory_space<semaphore_mem>>)
    %dma_wait3A_26 = arith.constant 0 : i32
    %dma_wait3A_27 = arith.constant 0 : i32
    %dma_wait3A_28 = tpu.memref_slice %arg2[%dma_wait3A_26, %dma_wait3A_27] : memref<10240x128xf32, #tpu.memory_space<hbm>> -> memref<10240x128xf32, #tpu.memory_space<hbm>>
    tpu.wait_indirect_dma semaphore(%arg7 : memref<!tpu.dma_semaphore, #tpu.memory_space<semaphore_mem>>) src(%dma_wait3A_28 : memref<10240x128xf32, #tpu.memory_space<hbm>>) dst(%arg6 : memref<640x128xf32, #tpu.memory_space<vmem>>)
    "tpu.region"() ({
      %run_scoped3A = tpu.sem_alloc : memref<!tpu.dma_semaphore, #tpu.memory_space<semaphore_mem>>
      %dma_start3A_79 = arith.constant 0 : i32
      %dma_start3A_80 = tpu.memref_slice %arg4[%add3A_22, %dma_start3A_79] : memref<163840x128xf32, #tpu.memory_space<hbm>> -> memref<640x128xf32, #tpu.memory_space<hbm>>
      %dma_start3A_81 = arith.constant 0 : i32
      %dma_start3A_82 = tpu.memref_slice %arg4[%add3A_22, %dma_start3A_81] : memref<163840x128xf32, #tpu.memory_space<hbm>> -> memref<640x128xf32, #tpu.memory_space<hbm>>
      tpu.enqueue_dma source(%arg6 : memref<640x128xf32, #tpu.memory_space<vmem>>) target(%dma_start3A_82 : memref<640x128xf32, #tpu.memory_space<hbm>>) target_semaphore(%run_scoped3A : memref<!tpu.dma_semaphore, #tpu.memory_space<semaphore_mem>>)
      %dma_wait3A_83 = arith.constant 0 : i32
      %dma_wait3A_84 = tpu.memref_slice %arg4[%add3A_22, %dma_wait3A_83] : memref<163840x128xf32, #tpu.memory_space<hbm>> -> memref<640x128xf32, #tpu.memory_space<hbm>>
      %dma_wait3A_85 = arith.constant 0 : i32
      %dma_wait3A_86 = tpu.memref_slice %arg4[%add3A_22, %dma_wait3A_85] : memref<163840x128xf32, #tpu.memory_space<hbm>> -> memref<640x128xf32, #tpu.memory_space<hbm>>
      tpu.wait_dma2 semaphore(%run_scoped3A : memref<!tpu.dma_semaphore, #tpu.memory_space<semaphore_mem>>) src(%arg6 : memref<640x128xf32, #tpu.memory_space<vmem>>) dst(%dma_wait3A_86 : memref<640x128xf32, #tpu.memory_space<hbm>>)
      tpu.yield
    }) : () -> ()
    %mul3A_29 = arith.constant 5120 : i32
    %mul3A_30 = arith.muli %add3A, %mul3A_29 : i32
    %add3A_31 = arith.constant 1920 : i32
    %add3A_32 = arith.addi %mul3A_30, %add3A_31 : i32
    "tpu.region"() ({
      %run_scoped3A = tpu.sem_alloc : memref<!tpu.dma_semaphore, #tpu.memory_space<semaphore_mem>>
      %dma_start3A_79 = tpu.memref_slice %arg3[%add3A_32] : memref<163840xi32, #tpu.memory_space<hbm>> -> memref<640xi32, #tpu.memory_space<hbm>>
      %dma_start3A_80 = tpu.memref_slice %arg3[%add3A_32] : memref<163840xi32, #tpu.memory_space<hbm>> -> memref<640xi32, #tpu.memory_space<hbm>>
      tpu.enqueue_dma source(%dma_start3A_80 : memref<640xi32, #tpu.memory_space<hbm>>) target(%arg5 : memref<640xi32, #tpu.memory_space<vmem>>) target_semaphore(%run_scoped3A : memref<!tpu.dma_semaphore, #tpu.memory_space<semaphore_mem>>)
      %dma_wait3A_81 = tpu.memref_slice %arg3[%add3A_32] : memref<163840xi32, #tpu.memory_space<hbm>> -> memref<640xi32, #tpu.memory_space<hbm>>
      %dma_wait3A_82 = tpu.memref_slice %arg3[%add3A_32] : memref<163840xi32, #tpu.memory_space<hbm>> -> memref<640xi32, #tpu.memory_space<hbm>>
      tpu.wait_dma2 semaphore(%run_scoped3A : memref<!tpu.dma_semaphore, #tpu.memory_space<semaphore_mem>>) src(%dma_wait3A_82 : memref<640xi32, #tpu.memory_space<hbm>>) dst(%arg5 : memref<640xi32, #tpu.memory_space<vmem>>)
      tpu.yield
    }) : () -> ()
    %dma_start3A_33 = arith.constant 0 : i32
    %dma_start3A_34 = arith.constant 0 : i32
    %dma_start3A_35 = tpu.memref_slice %arg2[%dma_start3A_33, %dma_start3A_34] : memref<10240x128xf32, #tpu.memory_space<hbm>> -> memref<10240x128xf32, #tpu.memory_space<hbm>>
    tpu.enqueue_indirect_dma source(%dma_start3A_35 : memref<10240x128xf32, #tpu.memory_space<hbm>>) target(%arg6 : memref<640x128xf32, #tpu.memory_space<vmem>>) offsets(%arg5 : memref<640xi32, #tpu.memory_space<vmem>>) semaphore(%arg7 : memref<!tpu.dma_semaphore, #tpu.memory_space<semaphore_mem>>)
    %dma_wait3A_36 = arith.constant 0 : i32
    %dma_wait3A_37 = arith.constant 0 : i32
    %dma_wait3A_38 = tpu.memref_slice %arg2[%dma_wait3A_36, %dma_wait3A_37] : memref<10240x128xf32, #tpu.memory_space<hbm>> -> memref<10240x128xf32, #tpu.memory_space<hbm>>
    tpu.wait_indirect_dma semaphore(%arg7 : memref<!tpu.dma_semaphore, #tpu.memory_space<semaphore_mem>>) src(%dma_wait3A_38 : memref<10240x128xf32, #tpu.memory_space<hbm>>) dst(%arg6 : memref<640x128xf32, #tpu.memory_space<vmem>>)
    "tpu.region"() ({
      %run_scoped3A = tpu.sem_alloc : memref<!tpu.dma_semaphore, #tpu.memory_space<semaphore_mem>>
      %dma_start3A_79 = arith.constant 0 : i32
      %dma_start3A_80 = tpu.memref_slice %arg4[%add3A_32, %dma_start3A_79] : memref<163840x128xf32, #tpu.memory_space<hbm>> -> memref<640x128xf32, #tpu.memory_space<hbm>>
      %dma_start3A_81 = arith.constant 0 : i32
      %dma_start3A_82 = tpu.memref_slice %arg4[%add3A_32, %dma_start3A_81] : memref<163840x128xf32, #tpu.memory_space<hbm>> -> memref<640x128xf32, #tpu.memory_space<hbm>>
      tpu.enqueue_dma source(%arg6 : memref<640x128xf32, #tpu.memory_space<vmem>>) target(%dma_start3A_82 : memref<640x128xf32, #tpu.memory_space<hbm>>) target_semaphore(%run_scoped3A : memref<!tpu.dma_semaphore, #tpu.memory_space<semaphore_mem>>)
      %dma_wait3A_83 = arith.constant 0 : i32
      %dma_wait3A_84 = tpu.memref_slice %arg4[%add3A_32, %dma_wait3A_83] : memref<163840x128xf32, #tpu.memory_space<hbm>> -> memref<640x128xf32, #tpu.memory_space<hbm>>
      %dma_wait3A_85 = arith.constant 0 : i32
      %dma_wait3A_86 = tpu.memref_slice %arg4[%add3A_32, %dma_wait3A_85] : memref<163840x128xf32, #tpu.memory_space<hbm>> -> memref<640x128xf32, #tpu.memory_space<hbm>>
      tpu.wait_dma2 semaphore(%run_scoped3A : memref<!tpu.dma_semaphore, #tpu.memory_space<semaphore_mem>>) src(%arg6 : memref<640x128xf32, #tpu.memory_space<vmem>>) dst(%dma_wait3A_86 : memref<640x128xf32, #tpu.memory_space<hbm>>)
      tpu.yield
    }) : () -> ()
    %mul3A_39 = arith.constant 5120 : i32
    %mul3A_40 = arith.muli %add3A, %mul3A_39 : i32
    %add3A_41 = arith.constant 2560 : i32
    %add3A_42 = arith.addi %mul3A_40, %add3A_41 : i32
    "tpu.region"() ({
      %run_scoped3A = tpu.sem_alloc : memref<!tpu.dma_semaphore, #tpu.memory_space<semaphore_mem>>
      %dma_start3A_79 = tpu.memref_slice %arg3[%add3A_42] : memref<163840xi32, #tpu.memory_space<hbm>> -> memref<640xi32, #tpu.memory_space<hbm>>
      %dma_start3A_80 = tpu.memref_slice %arg3[%add3A_42] : memref<163840xi32, #tpu.memory_space<hbm>> -> memref<640xi32, #tpu.memory_space<hbm>>
      tpu.enqueue_dma source(%dma_start3A_80 : memref<640xi32, #tpu.memory_space<hbm>>) target(%arg5 : memref<640xi32, #tpu.memory_space<vmem>>) target_semaphore(%run_scoped3A : memref<!tpu.dma_semaphore, #tpu.memory_space<semaphore_mem>>)
      %dma_wait3A_81 = tpu.memref_slice %arg3[%add3A_42] : memref<163840xi32, #tpu.memory_space<hbm>> -> memref<640xi32, #tpu.memory_space<hbm>>
      %dma_wait3A_82 = tpu.memref_slice %arg3[%add3A_42] : memref<163840xi32, #tpu.memory_space<hbm>> -> memref<640xi32, #tpu.memory_space<hbm>>
      tpu.wait_dma2 semaphore(%run_scoped3A : memref<!tpu.dma_semaphore, #tpu.memory_space<semaphore_mem>>) src(%dma_wait3A_82 : memref<640xi32, #tpu.memory_space<hbm>>) dst(%arg5 : memref<640xi32, #tpu.memory_space<vmem>>)
      tpu.yield
    }) : () -> ()
    %dma_start3A_43 = arith.constant 0 : i32
    %dma_start3A_44 = arith.constant 0 : i32
    %dma_start3A_45 = tpu.memref_slice %arg2[%dma_start3A_43, %dma_start3A_44] : memref<10240x128xf32, #tpu.memory_space<hbm>> -> memref<10240x128xf32, #tpu.memory_space<hbm>>
    tpu.enqueue_indirect_dma source(%dma_start3A_45 : memref<10240x128xf32, #tpu.memory_space<hbm>>) target(%arg6 : memref<640x128xf32, #tpu.memory_space<vmem>>) offsets(%arg5 : memref<640xi32, #tpu.memory_space<vmem>>) semaphore(%arg7 : memref<!tpu.dma_semaphore, #tpu.memory_space<semaphore_mem>>)
    %dma_wait3A_46 = arith.constant 0 : i32
    %dma_wait3A_47 = arith.constant 0 : i32
    %dma_wait3A_48 = tpu.memref_slice %arg2[%dma_wait3A_46, %dma_wait3A_47] : memref<10240x128xf32, #tpu.memory_space<hbm>> -> memref<10240x128xf32, #tpu.memory_space<hbm>>
    tpu.wait_indirect_dma semaphore(%arg7 : memref<!tpu.dma_semaphore, #tpu.memory_space<semaphore_mem>>) src(%dma_wait3A_48 : memref<10240x128xf32, #tpu.memory_space<hbm>>) dst(%arg6 : memref<640x128xf32, #tpu.memory_space<vmem>>)
    "tpu.region"() ({
      %run_scoped3A = tpu.sem_alloc : memref<!tpu.dma_semaphore, #tpu.memory_space<semaphore_mem>>
      %dma_start3A_79 = arith.constant 0 : i32
      %dma_start3A_80 = tpu.memref_slice %arg4[%add3A_42, %dma_start3A_79] : memref<163840x128xf32, #tpu.memory_space<hbm>> -> memref<640x128xf32, #tpu.memory_space<hbm>>
      %dma_start3A_81 = arith.constant 0 : i32
      %dma_start3A_82 = tpu.memref_slice %arg4[%add3A_42, %dma_start3A_81] : memref<163840x128xf32, #tpu.memory_space<hbm>> -> memref<640x128xf32, #tpu.memory_space<hbm>>
      tpu.enqueue_dma source(%arg6 : memref<640x128xf32, #tpu.memory_space<vmem>>) target(%dma_start3A_82 : memref<640x128xf32, #tpu.memory_space<hbm>>) target_semaphore(%run_scoped3A : memref<!tpu.dma_semaphore, #tpu.memory_space<semaphore_mem>>)
      %dma_wait3A_83 = arith.constant 0 : i32
      %dma_wait3A_84 = tpu.memref_slice %arg4[%add3A_42, %dma_wait3A_83] : memref<163840x128xf32, #tpu.memory_space<hbm>> -> memref<640x128xf32, #tpu.memory_space<hbm>>
      %dma_wait3A_85 = arith.constant 0 : i32
      %dma_wait3A_86 = tpu.memref_slice %arg4[%add3A_42, %dma_wait3A_85] : memref<163840x128xf32, #tpu.memory_space<hbm>> -> memref<640x128xf32, #tpu.memory_space<hbm>>
      tpu.wait_dma2 semaphore(%run_scoped3A : memref<!tpu.dma_semaphore, #tpu.memory_space<semaphore_mem>>) src(%arg6 : memref<640x128xf32, #tpu.memory_space<vmem>>) dst(%dma_wait3A_86 : memref<640x128xf32, #tpu.memory_space<hbm>>)
      tpu.yield
    }) : () -> ()
    %mul3A_49 = arith.constant 5120 : i32
    %mul3A_50 = arith.muli %add3A, %mul3A_49 : i32
    %add3A_51 = arith.constant 3200 : i32
    %add3A_52 = arith.addi %mul3A_50, %add3A_51 : i32
    "tpu.region"() ({
      %run_scoped3A = tpu.sem_alloc : memref<!tpu.dma_semaphore, #tpu.memory_space<semaphore_mem>>
      %dma_start3A_79 = tpu.memref_slice %arg3[%add3A_52] : memref<163840xi32, #tpu.memory_space<hbm>> -> memref<640xi32, #tpu.memory_space<hbm>>
      %dma_start3A_80 = tpu.memref_slice %arg3[%add3A_52] : memref<163840xi32, #tpu.memory_space<hbm>> -> memref<640xi32, #tpu.memory_space<hbm>>
      tpu.enqueue_dma source(%dma_start3A_80 : memref<640xi32, #tpu.memory_space<hbm>>) target(%arg5 : memref<640xi32, #tpu.memory_space<vmem>>) target_semaphore(%run_scoped3A : memref<!tpu.dma_semaphore, #tpu.memory_space<semaphore_mem>>)
      %dma_wait3A_81 = tpu.memref_slice %arg3[%add3A_52] : memref<163840xi32, #tpu.memory_space<hbm>> -> memref<640xi32, #tpu.memory_space<hbm>>
      %dma_wait3A_82 = tpu.memref_slice %arg3[%add3A_52] : memref<163840xi32, #tpu.memory_space<hbm>> -> memref<640xi32, #tpu.memory_space<hbm>>
      tpu.wait_dma2 semaphore(%run_scoped3A : memref<!tpu.dma_semaphore, #tpu.memory_space<semaphore_mem>>) src(%dma_wait3A_82 : memref<640xi32, #tpu.memory_space<hbm>>) dst(%arg5 : memref<640xi32, #tpu.memory_space<vmem>>)
      tpu.yield
    }) : () -> ()
    %dma_start3A_53 = arith.constant 0 : i32
    %dma_start3A_54 = arith.constant 0 : i32
    %dma_start3A_55 = tpu.memref_slice %arg2[%dma_start3A_53, %dma_start3A_54] : memref<10240x128xf32, #tpu.memory_space<hbm>> -> memref<10240x128xf32, #tpu.memory_space<hbm>>
    tpu.enqueue_indirect_dma source(%dma_start3A_55 : memref<10240x128xf32, #tpu.memory_space<hbm>>) target(%arg6 : memref<640x128xf32, #tpu.memory_space<vmem>>) offsets(%arg5 : memref<640xi32, #tpu.memory_space<vmem>>) semaphore(%arg7 : memref<!tpu.dma_semaphore, #tpu.memory_space<semaphore_mem>>)
    %dma_wait3A_56 = arith.constant 0 : i32
    %dma_wait3A_57 = arith.constant 0 : i32
    %dma_wait3A_58 = tpu.memref_slice %arg2[%dma_wait3A_56, %dma_wait3A_57] : memref<10240x128xf32, #tpu.memory_space<hbm>> -> memref<10240x128xf32, #tpu.memory_space<hbm>>
    tpu.wait_indirect_dma semaphore(%arg7 : memref<!tpu.dma_semaphore, #tpu.memory_space<semaphore_mem>>) src(%dma_wait3A_58 : memref<10240x128xf32, #tpu.memory_space<hbm>>) dst(%arg6 : memref<640x128xf32, #tpu.memory_space<vmem>>)
    "tpu.region"() ({
      %run_scoped3A = tpu.sem_alloc : memref<!tpu.dma_semaphore, #tpu.memory_space<semaphore_mem>>
      %dma_start3A_79 = arith.constant 0 : i32
      %dma_start3A_80 = tpu.memref_slice %arg4[%add3A_52, %dma_start3A_79] : memref<163840x128xf32, #tpu.memory_space<hbm>> -> memref<640x128xf32, #tpu.memory_space<hbm>>
      %dma_start3A_81 = arith.constant 0 : i32
      %dma_start3A_82 = tpu.memref_slice %arg4[%add3A_52, %dma_start3A_81] : memref<163840x128xf32, #tpu.memory_space<hbm>> -> memref<640x128xf32, #tpu.memory_space<hbm>>
      tpu.enqueue_dma source(%arg6 : memref<640x128xf32, #tpu.memory_space<vmem>>) target(%dma_start3A_82 : memref<640x128xf32, #tpu.memory_space<hbm>>) target_semaphore(%run_scoped3A : memref<!tpu.dma_semaphore, #tpu.memory_space<semaphore_mem>>)
      %dma_wait3A_83 = arith.constant 0 : i32
      %dma_wait3A_84 = tpu.memref_slice %arg4[%add3A_52, %dma_wait3A_83] : memref<163840x128xf32, #tpu.memory_space<hbm>> -> memref<640x128xf32, #tpu.memory_space<hbm>>
      %dma_wait3A_85 = arith.constant 0 : i32
      %dma_wait3A_86 = tpu.memref_slice %arg4[%add3A_52, %dma_wait3A_85] : memref<163840x128xf32, #tpu.memory_space<hbm>> -> memref<640x128xf32, #tpu.memory_space<hbm>>
      tpu.wait_dma2 semaphore(%run_scoped3A : memref<!tpu.dma_semaphore, #tpu.memory_space<semaphore_mem>>) src(%arg6 : memref<640x128xf32, #tpu.memory_space<vmem>>) dst(%dma_wait3A_86 : memref<640x128xf32, #tpu.memory_space<hbm>>)
      tpu.yield
    }) : () -> ()
    %mul3A_59 = arith.constant 5120 : i32
    %mul3A_60 = arith.muli %add3A, %mul3A_59 : i32
    %add3A_61 = arith.constant 3840 : i32
    %add3A_62 = arith.addi %mul3A_60, %add3A_61 : i32
    "tpu.region"() ({
      %run_scoped3A = tpu.sem_alloc : memref<!tpu.dma_semaphore, #tpu.memory_space<semaphore_mem>>
      %dma_start3A_79 = tpu.memref_slice %arg3[%add3A_62] : memref<163840xi32, #tpu.memory_space<hbm>> -> memref<640xi32, #tpu.memory_space<hbm>>
      %dma_start3A_80 = tpu.memref_slice %arg3[%add3A_62] : memref<163840xi32, #tpu.memory_space<hbm>> -> memref<640xi32, #tpu.memory_space<hbm>>
      tpu.enqueue_dma source(%dma_start3A_80 : memref<640xi32, #tpu.memory_space<hbm>>) target(%arg5 : memref<640xi32, #tpu.memory_space<vmem>>) target_semaphore(%run_scoped3A : memref<!tpu.dma_semaphore, #tpu.memory_space<semaphore_mem>>)
      %dma_wait3A_81 = tpu.memref_slice %arg3[%add3A_62] : memref<163840xi32, #tpu.memory_space<hbm>> -> memref<640xi32, #tpu.memory_space<hbm>>
      %dma_wait3A_82 = tpu.memref_slice %arg3[%add3A_62] : memref<163840xi32, #tpu.memory_space<hbm>> -> memref<640xi32, #tpu.memory_space<hbm>>
      tpu.wait_dma2 semaphore(%run_scoped3A : memref<!tpu.dma_semaphore, #tpu.memory_space<semaphore_mem>>) src(%dma_wait3A_82 : memref<640xi32, #tpu.memory_space<hbm>>) dst(%arg5 : memref<640xi32, #tpu.memory_space<vmem>>)
      tpu.yield
    }) : () -> ()
    %dma_start3A_63 = arith.constant 0 : i32
    %dma_start3A_64 = arith.constant 0 : i32
    %dma_start3A_65 = tpu.memref_slice %arg2[%dma_start3A_63, %dma_start3A_64] : memref<10240x128xf32, #tpu.memory_space<hbm>> -> memref<10240x128xf32, #tpu.memory_space<hbm>>
    tpu.enqueue_indirect_dma source(%dma_start3A_65 : memref<10240x128xf32, #tpu.memory_space<hbm>>) target(%arg6 : memref<640x128xf32, #tpu.memory_space<vmem>>) offsets(%arg5 : memref<640xi32, #tpu.memory_space<vmem>>) semaphore(%arg7 : memref<!tpu.dma_semaphore, #tpu.memory_space<semaphore_mem>>)
    %dma_wait3A_66 = arith.constant 0 : i32
    %dma_wait3A_67 = arith.constant 0 : i32
    %dma_wait3A_68 = tpu.memref_slice %arg2[%dma_wait3A_66, %dma_wait3A_67] : memref<10240x128xf32, #tpu.memory_space<hbm>> -> memref<10240x128xf32, #tpu.memory_space<hbm>>
    tpu.wait_indirect_dma semaphore(%arg7 : memref<!tpu.dma_semaphore, #tpu.memory_space<semaphore_mem>>) src(%dma_wait3A_68 : memref<10240x128xf32, #tpu.memory_space<hbm>>) dst(%arg6 : memref<640x128xf32, #tpu.memory_space<vmem>>)
    "tpu.region"() ({
      %run_scoped3A = tpu.sem_alloc : memref<!tpu.dma_semaphore, #tpu.memory_space<semaphore_mem>>
      %dma_start3A_79 = arith.constant 0 : i32
      %dma_start3A_80 = tpu.memref_slice %arg4[%add3A_62, %dma_start3A_79] : memref<163840x128xf32, #tpu.memory_space<hbm>> -> memref<640x128xf32, #tpu.memory_space<hbm>>
      %dma_start3A_81 = arith.constant 0 : i32
      %dma_start3A_82 = tpu.memref_slice %arg4[%add3A_62, %dma_start3A_81] : memref<163840x128xf32, #tpu.memory_space<hbm>> -> memref<640x128xf32, #tpu.memory_space<hbm>>
      tpu.enqueue_dma source(%arg6 : memref<640x128xf32, #tpu.memory_space<vmem>>) target(%dma_start3A_82 : memref<640x128xf32, #tpu.memory_space<hbm>>) target_semaphore(%run_scoped3A : memref<!tpu.dma_semaphore, #tpu.memory_space<semaphore_mem>>)
      %dma_wait3A_83 = arith.constant 0 : i32
      %dma_wait3A_84 = tpu.memref_slice %arg4[%add3A_62, %dma_wait3A_83] : memref<163840x128xf32, #tpu.memory_space<hbm>> -> memref<640x128xf32, #tpu.memory_space<hbm>>
      %dma_wait3A_85 = arith.constant 0 : i32
      %dma_wait3A_86 = tpu.memref_slice %arg4[%add3A_62, %dma_wait3A_85] : memref<163840x128xf32, #tpu.memory_space<hbm>> -> memref<640x128xf32, #tpu.memory_space<hbm>>
      tpu.wait_dma2 semaphore(%run_scoped3A : memref<!tpu.dma_semaphore, #tpu.memory_space<semaphore_mem>>) src(%arg6 : memref<640x128xf32, #tpu.memory_space<vmem>>) dst(%dma_wait3A_86 : memref<640x128xf32, #tpu.memory_space<hbm>>)
      tpu.yield
    }) : () -> ()
    %mul3A_69 = arith.constant 5120 : i32
    %mul3A_70 = arith.muli %add3A, %mul3A_69 : i32
    %add3A_71 = arith.constant 4480 : i32
    %add3A_72 = arith.addi %mul3A_70, %add3A_71 : i32
    "tpu.region"() ({
      %run_scoped3A = tpu.sem_alloc : memref<!tpu.dma_semaphore, #tpu.memory_space<semaphore_mem>>
      %dma_start3A_79 = tpu.memref_slice %arg3[%add3A_72] : memref<163840xi32, #tpu.memory_space<hbm>> -> memref<640xi32, #tpu.memory_space<hbm>>
      %dma_start3A_80 = tpu.memref_slice %arg3[%add3A_72] : memref<163840xi32, #tpu.memory_space<hbm>> -> memref<640xi32, #tpu.memory_space<hbm>>
      tpu.enqueue_dma source(%dma_start3A_80 : memref<640xi32, #tpu.memory_space<hbm>>) target(%arg5 : memref<640xi32, #tpu.memory_space<vmem>>) target_semaphore(%run_scoped3A : memref<!tpu.dma_semaphore, #tpu.memory_space<semaphore_mem>>)
      %dma_wait3A_81 = tpu.memref_slice %arg3[%add3A_72] : memref<163840xi32, #tpu.memory_space<hbm>> -> memref<640xi32, #tpu.memory_space<hbm>>
      %dma_wait3A_82 = tpu.memref_slice %arg3[%add3A_72] : memref<163840xi32, #tpu.memory_space<hbm>> -> memref<640xi32, #tpu.memory_space<hbm>>
      tpu.wait_dma2 semaphore(%run_scoped3A : memref<!tpu.dma_semaphore, #tpu.memory_space<semaphore_mem>>) src(%dma_wait3A_82 : memref<640xi32, #tpu.memory_space<hbm>>) dst(%arg5 : memref<640xi32, #tpu.memory_space<vmem>>)
      tpu.yield
    }) : () -> ()
    %dma_start3A_73 = arith.constant 0 : i32
    %dma_start3A_74 = arith.constant 0 : i32
    %dma_start3A_75 = tpu.memref_slice %arg2[%dma_start3A_73, %dma_start3A_74] : memref<10240x128xf32, #tpu.memory_space<hbm>> -> memref<10240x128xf32, #tpu.memory_space<hbm>>
    tpu.enqueue_indirect_dma source(%dma_start3A_75 : memref<10240x128xf32, #tpu.memory_space<hbm>>) target(%arg6 : memref<640x128xf32, #tpu.memory_space<vmem>>) offsets(%arg5 : memref<640xi32, #tpu.memory_space<vmem>>) semaphore(%arg7 : memref<!tpu.dma_semaphore, #tpu.memory_space<semaphore_mem>>)
    %dma_wait3A_76 = arith.constant 0 : i32
    %dma_wait3A_77 = arith.constant 0 : i32
    %dma_wait3A_78 = tpu.memref_slice %arg2[%dma_wait3A_76, %dma_wait3A_77] : memref<10240x128xf32, #tpu.memory_space<hbm>> -> memref<10240x128xf32, #tpu.memory_space<hbm>>
    tpu.wait_indirect_dma semaphore(%arg7 : memref<!tpu.dma_semaphore, #tpu.memory_space<semaphore_mem>>) src(%dma_wait3A_78 : memref<10240x128xf32, #tpu.memory_space<hbm>>) dst(%arg6 : memref<640x128xf32, #tpu.memory_space<vmem>>)
    "tpu.region"() ({
      %run_scoped3A = tpu.sem_alloc : memref<!tpu.dma_semaphore, #tpu.memory_space<semaphore_mem>>
      %dma_start3A_79 = arith.constant 0 : i32
      %dma_start3A_80 = tpu.memref_slice %arg4[%add3A_72, %dma_start3A_79] : memref<163840x128xf32, #tpu.memory_space<hbm>> -> memref<640x128xf32, #tpu.memory_space<hbm>>
      %dma_start3A_81 = arith.constant 0 : i32
      %dma_start3A_82 = tpu.memref_slice %arg4[%add3A_72, %dma_start3A_81] : memref<163840x128xf32, #tpu.memory_space<hbm>> -> memref<640x128xf32, #tpu.memory_space<hbm>>
      tpu.enqueue_dma source(%arg6 : memref<640x128xf32, #tpu.memory_space<vmem>>) target(%dma_start3A_82 : memref<640x128xf32, #tpu.memory_space<hbm>>) target_semaphore(%run_scoped3A : memref<!tpu.dma_semaphore, #tpu.memory_space<semaphore_mem>>)
      %dma_wait3A_83 = arith.constant 0 : i32
      %dma_wait3A_84 = tpu.memref_slice %arg4[%add3A_72, %dma_wait3A_83] : memref<163840x128xf32, #tpu.memory_space<hbm>> -> memref<640x128xf32, #tpu.memory_space<hbm>>
      %dma_wait3A_85 = arith.constant 0 : i32
      %dma_wait3A_86 = tpu.memref_slice %arg4[%add3A_72, %dma_wait3A_85] : memref<163840x128xf32, #tpu.memory_space<hbm>> -> memref<640x128xf32, #tpu.memory_space<hbm>>
      tpu.wait_dma2 semaphore(%run_scoped3A : memref<!tpu.dma_semaphore, #tpu.memory_space<semaphore_mem>>) src(%arg6 : memref<640x128xf32, #tpu.memory_space<vmem>>) dst(%dma_wait3A_86 : memref<640x128xf32, #tpu.memory_space<hbm>>)
      tpu.yield
    }) : () -> ()
    return
  }
}

#map = affine_map<(d0, d1) -> (0, 0)>
#map1 = affine_map<(d0, d1) -> (0)>
module attributes {stable_mosaic.version = 14 : i64} {
  func.func @gk(%arg0: i32, %arg1: i32, %arg2: memref<10240x128xf32, #tpu.memory_space<hbm>>, %arg3: memref<163840xi32, #tpu.memory_space<hbm>>, %arg4: memref<163840x128xf32, #tpu.memory_space<hbm>>, %arg5: memref<640xi32, #tpu.memory_space<vmem>>, %arg6: memref<640x128xf32, #tpu.memory_space<vmem>>, %arg7: memref<!tpu.dma_semaphore, #tpu.memory_space<semaphore_mem>>) attributes {dimension_semantics = [#tpu.dimension_semantics<core_parallel>, #tpu.dimension_semantics<subcore_parallel>], iteration_bounds = array<i64: 2, 16>, scalar_prefetch = 0 : i64, scratch_operands = 3 : i64, tpu.core_type = #tpu.core_type<sc_vector_subcore>, window_params = [{transform_indices = #map}, {transform_indices = #map1}, {transform_indices = #map}]} {
    %mul3A = arith.constant 2 : i32
    %mul3A_0 = arith.muli %arg1, %mul3A : i32
    %add3A = arith.addi %mul3A_0, %arg0 : i32
    %mul3A_1 = arith.constant 5120 : i32
    %mul3A_2 = arith.muli %add3A, %mul3A_1 : i32
    %add3A_3 = arith.constant 0 : i32
    %add3A_4 = arith.addi %mul3A_2, %add3A_3 : i32
    "tpu.region"() ({
      %run_scoped3A = tpu.sem_alloc : memref<!tpu.dma_semaphore, #tpu.memory_space<semaphore_mem>>
      %dma_start3A_79 = tpu.memref_slice %arg3[%add3A_4] : memref<163840xi32, #tpu.memory_space<hbm>> -> memref<640xi32, #tpu.memory_space<hbm>>
      %dma_start3A_80 = tpu.memref_slice %arg3[%add3A_4] : memref<163840xi32, #tpu.memory_space<hbm>> -> memref<640xi32, #tpu.memory_space<hbm>>
      tpu.enqueue_dma source(%dma_start3A_80 : memref<640xi32, #tpu.memory_space<hbm>>) target(%arg5 : memref<640xi32, #tpu.memory_space<vmem>>) target_semaphore(%run_scoped3A : memref<!tpu.dma_semaphore, #tpu.memory_space<semaphore_mem>>)
      %dma_wait3A_81 = tpu.memref_slice %arg3[%add3A_4] : memref<163840xi32, #tpu.memory_space<hbm>> -> memref<640xi32, #tpu.memory_space<hbm>>
      %dma_wait3A_82 = tpu.memref_slice %arg3[%add3A_4] : memref<163840xi32, #tpu.memory_space<hbm>> -> memref<640xi32, #tpu.memory_space<hbm>>
      tpu.wait_dma2 semaphore(%run_scoped3A : memref<!tpu.dma_semaphore, #tpu.memory_space<semaphore_mem>>) src(%dma_wait3A_82 : memref<640xi32, #tpu.memory_space<hbm>>) dst(%arg5 : memref<640xi32, #tpu.memory_space<vmem>>)
      tpu.yield
    }) : () -> ()
    %dma_start3A = arith.constant 0 : i32
    %dma_start3A_5 = arith.constant 0 : i32
    %dma_start3A_6 = tpu.memref_slice %arg2[%dma_start3A, %dma_start3A_5] : memref<10240x128xf32, #tpu.memory_space<hbm>> -> memref<10240x128xf32, #tpu.memory_space<hbm>>
    tpu.enqueue_indirect_dma source(%dma_start3A_6 : memref<10240x128xf32, #tpu.memory_space<hbm>>) target(%arg6 : memref<640x128xf32, #tpu.memory_space<vmem>>) offsets(%arg5 : memref<640xi32, #tpu.memory_space<vmem>>) semaphore(%arg7 : memref<!tpu.dma_semaphore, #tpu.memory_space<semaphore_mem>>)
    %dma_wait3A = arith.constant 0 : i32
    %dma_wait3A_7 = arith.constant 0 : i32
    %dma_wait3A_8 = tpu.memref_slice %arg2[%dma_wait3A, %dma_wait3A_7] : memref<10240x128xf32, #tpu.memory_space<hbm>> -> memref<10240x128xf32, #tpu.memory_space<hbm>>
    tpu.wait_indirect_dma semaphore(%arg7 : memref<!tpu.dma_semaphore, #tpu.memory_space<semaphore_mem>>) src(%dma_wait3A_8 : memref<10240x128xf32, #tpu.memory_space<hbm>>) dst(%arg6 : memref<640x128xf32, #tpu.memory_space<vmem>>)
    "tpu.region"() ({
      %run_scoped3A = tpu.sem_alloc : memref<!tpu.dma_semaphore, #tpu.memory_space<semaphore_mem>>
      %dma_start3A_79 = arith.constant 0 : i32
      %dma_start3A_80 = tpu.memref_slice %arg4[%add3A_4, %dma_start3A_79] : memref<163840x128xf32, #tpu.memory_space<hbm>> -> memref<640x128xf32, #tpu.memory_space<hbm>>
      %dma_start3A_81 = arith.constant 0 : i32
      %dma_start3A_82 = tpu.memref_slice %arg4[%add3A_4, %dma_start3A_81] : memref<163840x128xf32, #tpu.memory_space<hbm>> -> memref<640x128xf32, #tpu.memory_space<hbm>>
      tpu.enqueue_dma source(%arg6 : memref<640x128xf32, #tpu.memory_space<vmem>>) target(%dma_start3A_82 : memref<640x128xf32, #tpu.memory_space<hbm>>) target_semaphore(%run_scoped3A : memref<!tpu.dma_semaphore, #tpu.memory_space<semaphore_mem>>)
      %dma_wait3A_83 = arith.constant 0 : i32
      %dma_wait3A_84 = tpu.memref_slice %arg4[%add3A_4, %dma_wait3A_83] : memref<163840x128xf32, #tpu.memory_space<hbm>> -> memref<640x128xf32, #tpu.memory_space<hbm>>
      %dma_wait3A_85 = arith.constant 0 : i32
      %dma_wait3A_86 = tpu.memref_slice %arg4[%add3A_4, %dma_wait3A_85] : memref<163840x128xf32, #tpu.memory_space<hbm>> -> memref<640x128xf32, #tpu.memory_space<hbm>>
      tpu.wait_dma2 semaphore(%run_scoped3A : memref<!tpu.dma_semaphore, #tpu.memory_space<semaphore_mem>>) src(%arg6 : memref<640x128xf32, #tpu.memory_space<vmem>>) dst(%dma_wait3A_86 : memref<640x128xf32, #tpu.memory_space<hbm>>)
      tpu.yield
    }) : () -> ()
    %mul3A_9 = arith.constant 5120 : i32
    %mul3A_10 = arith.muli %add3A, %mul3A_9 : i32
    %add3A_11 = arith.constant 640 : i32
    %add3A_12 = arith.addi %mul3A_10, %add3A_11 : i32
    "tpu.region"() ({
      %run_scoped3A = tpu.sem_alloc : memref<!tpu.dma_semaphore, #tpu.memory_space<semaphore_mem>>
      %dma_start3A_79 = tpu.memref_slice %arg3[%add3A_12] : memref<163840xi32, #tpu.memory_space<hbm>> -> memref<640xi32, #tpu.memory_space<hbm>>
      %dma_start3A_80 = tpu.memref_slice %arg3[%add3A_12] : memref<163840xi32, #tpu.memory_space<hbm>> -> memref<640xi32, #tpu.memory_space<hbm>>
      tpu.enqueue_dma source(%dma_start3A_80 : memref<640xi32, #tpu.memory_space<hbm>>) target(%arg5 : memref<640xi32, #tpu.memory_space<vmem>>) target_semaphore(%run_scoped3A : memref<!tpu.dma_semaphore, #tpu.memory_space<semaphore_mem>>)
      %dma_wait3A_81 = tpu.memref_slice %arg3[%add3A_12] : memref<163840xi32, #tpu.memory_space<hbm>> -> memref<640xi32, #tpu.memory_space<hbm>>
      %dma_wait3A_82 = tpu.memref_slice %arg3[%add3A_12] : memref<163840xi32, #tpu.memory_space<hbm>> -> memref<640xi32, #tpu.memory_space<hbm>>
      tpu.wait_dma2 semaphore(%run_scoped3A : memref<!tpu.dma_semaphore, #tpu.memory_space<semaphore_mem>>) src(%dma_wait3A_82 : memref<640xi32, #tpu.memory_space<hbm>>) dst(%arg5 : memref<640xi32, #tpu.memory_space<vmem>>)
      tpu.yield
    }) : () -> ()
    %dma_start3A_13 = arith.constant 0 : i32
    %dma_start3A_14 = arith.constant 0 : i32
    %dma_start3A_15 = tpu.memref_slice %arg2[%dma_start3A_13, %dma_start3A_14] : memref<10240x128xf32, #tpu.memory_space<hbm>> -> memref<10240x128xf32, #tpu.memory_space<hbm>>
    tpu.enqueue_indirect_dma source(%dma_start3A_15 : memref<10240x128xf32, #tpu.memory_space<hbm>>) target(%arg6 : memref<640x128xf32, #tpu.memory_space<vmem>>) offsets(%arg5 : memref<640xi32, #tpu.memory_space<vmem>>) semaphore(%arg7 : memref<!tpu.dma_semaphore, #tpu.memory_space<semaphore_mem>>)
    %dma_wait3A_16 = arith.constant 0 : i32
    %dma_wait3A_17 = arith.constant 0 : i32
    %dma_wait3A_18 = tpu.memref_slice %arg2[%dma_wait3A_16, %dma_wait3A_17] : memref<10240x128xf32, #tpu.memory_space<hbm>> -> memref<10240x128xf32, #tpu.memory_space<hbm>>
    tpu.wait_indirect_dma semaphore(%arg7 : memref<!tpu.dma_semaphore, #tpu.memory_space<semaphore_mem>>) src(%dma_wait3A_18 : memref<10240x128xf32, #tpu.memory_space<hbm>>) dst(%arg6 : memref<640x128xf32, #tpu.memory_space<vmem>>)
    "tpu.region"() ({
      %run_scoped3A = tpu.sem_alloc : memref<!tpu.dma_semaphore, #tpu.memory_space<semaphore_mem>>
      %dma_start3A_79 = arith.constant 0 : i32
      %dma_start3A_80 = tpu.memref_slice %arg4[%add3A_12, %dma_start3A_79] : memref<163840x128xf32, #tpu.memory_space<hbm>> -> memref<640x128xf32, #tpu.memory_space<hbm>>
      %dma_start3A_81 = arith.constant 0 : i32
      %dma_start3A_82 = tpu.memref_slice %arg4[%add3A_12, %dma_start3A_81] : memref<163840x128xf32, #tpu.memory_space<hbm>> -> memref<640x128xf32, #tpu.memory_space<hbm>>
      tpu.enqueue_dma source(%arg6 : memref<640x128xf32, #tpu.memory_space<vmem>>) target(%dma_start3A_82 : memref<640x128xf32, #tpu.memory_space<hbm>>) target_semaphore(%run_scoped3A : memref<!tpu.dma_semaphore, #tpu.memory_space<semaphore_mem>>)
      %dma_wait3A_83 = arith.constant 0 : i32
      %dma_wait3A_84 = tpu.memref_slice %arg4[%add3A_12, %dma_wait3A_83] : memref<163840x128xf32, #tpu.memory_space<hbm>> -> memref<640x128xf32, #tpu.memory_space<hbm>>
      %dma_wait3A_85 = arith.constant 0 : i32
      %dma_wait3A_86 = tpu.memref_slice %arg4[%add3A_12, %dma_wait3A_85] : memref<163840x128xf32, #tpu.memory_space<hbm>> -> memref<640x128xf32, #tpu.memory_space<hbm>>
      tpu.wait_dma2 semaphore(%run_scoped3A : memref<!tpu.dma_semaphore, #tpu.memory_space<semaphore_mem>>) src(%arg6 : memref<640x128xf32, #tpu.memory_space<vmem>>) dst(%dma_wait3A_86 : memref<640x128xf32, #tpu.memory_space<hbm>>)
      tpu.yield
    }) : () -> ()
    %mul3A_19 = arith.constant 5120 : i32
    %mul3A_20 = arith.muli %add3A, %mul3A_19 : i32
    %add3A_21 = arith.constant 1280 : i32
    %add3A_22 = arith.addi %mul3A_20, %add3A_21 : i32
    "tpu.region"() ({
      %run_scoped3A = tpu.sem_alloc : memref<!tpu.dma_semaphore, #tpu.memory_space<semaphore_mem>>
      %dma_start3A_79 = tpu.memref_slice %arg3[%add3A_22] : memref<163840xi32, #tpu.memory_space<hbm>> -> memref<640xi32, #tpu.memory_space<hbm>>
      %dma_start3A_80 = tpu.memref_slice %arg3[%add3A_22] : memref<163840xi32, #tpu.memory_space<hbm>> -> memref<640xi32, #tpu.memory_space<hbm>>
      tpu.enqueue_dma source(%dma_start3A_80 : memref<640xi32, #tpu.memory_space<hbm>>) target(%arg5 : memref<640xi32, #tpu.memory_space<vmem>>) target_semaphore(%run_scoped3A : memref<!tpu.dma_semaphore, #tpu.memory_space<semaphore_mem>>)
      %dma_wait3A_81 = tpu.memref_slice %arg3[%add3A_22] : memref<163840xi32, #tpu.memory_space<hbm>> -> memref<640xi32, #tpu.memory_space<hbm>>
      %dma_wait3A_82 = tpu.memref_slice %arg3[%add3A_22] : memref<163840xi32, #tpu.memory_space<hbm>> -> memref<640xi32, #tpu.memory_space<hbm>>
      tpu.wait_dma2 semaphore(%run_scoped3A : memref<!tpu.dma_semaphore, #tpu.memory_space<semaphore_mem>>) src(%dma_wait3A_82 : memref<640xi32, #tpu.memory_space<hbm>>) dst(%arg5 : memref<640xi32, #tpu.memory_space<vmem>>)
      tpu.yield
    }) : () -> ()
    %dma_start3A_23 = arith.constant 0 : i32
    %dma_start3A_24 = arith.constant 0 : i32
    %dma_start3A_25 = tpu.memref_slice %arg2[%dma_start3A_23, %dma_start3A_24] : memref<10240x128xf32, #tpu.memory_space<hbm>> -> memref<10240x128xf32, #tpu.memory_space<hbm>>
    tpu.enqueue_indirect_dma source(%dma_start3A_25 : memref<10240x128xf32, #tpu.memory_space<hbm>>) target(%arg6 : memref<640x128xf32, #tpu.memory_space<vmem>>) offsets(%arg5 : memref<640xi32, #tpu.memory_space<vmem>>) semaphore(%arg7 : memref<!tpu.dma_semaphore, #tpu.memory_space<semaphore_mem>>)
    %dma_wait3A_26 = arith.constant 0 : i32
    %dma_wait3A_27 = arith.constant 0 : i32
    %dma_wait3A_28 = tpu.memref_slice %arg2[%dma_wait3A_26, %dma_wait3A_27] : memref<10240x128xf32, #tpu.memory_space<hbm>> -> memref<10240x128xf32, #tpu.memory_space<hbm>>
    tpu.wait_indirect_dma semaphore(%arg7 : memref<!tpu.dma_semaphore, #tpu.memory_space<semaphore_mem>>) src(%dma_wait3A_28 : memref<10240x128xf32, #tpu.memory_space<hbm>>) dst(%arg6 : memref<640x128xf32, #tpu.memory_space<vmem>>)
    "tpu.region"() ({
      %run_scoped3A = tpu.sem_alloc : memref<!tpu.dma_semaphore, #tpu.memory_space<semaphore_mem>>
      %dma_start3A_79 = arith.constant 0 : i32
      %dma_start3A_80 = tpu.memref_slice %arg4[%add3A_22, %dma_start3A_79] : memref<163840x128xf32, #tpu.memory_space<hbm>> -> memref<640x128xf32, #tpu.memory_space<hbm>>
      %dma_start3A_81 = arith.constant 0 : i32
      %dma_start3A_82 = tpu.memref_slice %arg4[%add3A_22, %dma_start3A_81] : memref<163840x128xf32, #tpu.memory_space<hbm>> -> memref<640x128xf32, #tpu.memory_space<hbm>>
      tpu.enqueue_dma source(%arg6 : memref<640x128xf32, #tpu.memory_space<vmem>>) target(%dma_start3A_82 : memref<640x128xf32, #tpu.memory_space<hbm>>) target_semaphore(%run_scoped3A : memref<!tpu.dma_semaphore, #tpu.memory_space<semaphore_mem>>)
      %dma_wait3A_83 = arith.constant 0 : i32
      %dma_wait3A_84 = tpu.memref_slice %arg4[%add3A_22, %dma_wait3A_83] : memref<163840x128xf32, #tpu.memory_space<hbm>> -> memref<640x128xf32, #tpu.memory_space<hbm>>
      %dma_wait3A_85 = arith.constant 0 : i32
      %dma_wait3A_86 = tpu.memref_slice %arg4[%add3A_22, %dma_wait3A_85] : memref<163840x128xf32, #tpu.memory_space<hbm>> -> memref<640x128xf32, #tpu.memory_space<hbm>>
      tpu.wait_dma2 semaphore(%run_scoped3A : memref<!tpu.dma_semaphore, #tpu.memory_space<semaphore_mem>>) src(%arg6 : memref<640x128xf32, #tpu.memory_space<vmem>>) dst(%dma_wait3A_86 : memref<640x128xf32, #tpu.memory_space<hbm>>)
      tpu.yield
    }) : () -> ()
    %mul3A_29 = arith.constant 5120 : i32
    %mul3A_30 = arith.muli %add3A, %mul3A_29 : i32
    %add3A_31 = arith.constant 1920 : i32
    %add3A_32 = arith.addi %mul3A_30, %add3A_31 : i32
    "tpu.region"() ({
      %run_scoped3A = tpu.sem_alloc : memref<!tpu.dma_semaphore, #tpu.memory_space<semaphore_mem>>
      %dma_start3A_79 = tpu.memref_slice %arg3[%add3A_32] : memref<163840xi32, #tpu.memory_space<hbm>> -> memref<640xi32, #tpu.memory_space<hbm>>
      %dma_start3A_80 = tpu.memref_slice %arg3[%add3A_32] : memref<163840xi32, #tpu.memory_space<hbm>> -> memref<640xi32, #tpu.memory_space<hbm>>
      tpu.enqueue_dma source(%dma_start3A_80 : memref<640xi32, #tpu.memory_space<hbm>>) target(%arg5 : memref<640xi32, #tpu.memory_space<vmem>>) target_semaphore(%run_scoped3A : memref<!tpu.dma_semaphore, #tpu.memory_space<semaphore_mem>>)
      %dma_wait3A_81 = tpu.memref_slice %arg3[%add3A_32] : memref<163840xi32, #tpu.memory_space<hbm>> -> memref<640xi32, #tpu.memory_space<hbm>>
      %dma_wait3A_82 = tpu.memref_slice %arg3[%add3A_32] : memref<163840xi32, #tpu.memory_space<hbm>> -> memref<640xi32, #tpu.memory_space<hbm>>
      tpu.wait_dma2 semaphore(%run_scoped3A : memref<!tpu.dma_semaphore, #tpu.memory_space<semaphore_mem>>) src(%dma_wait3A_82 : memref<640xi32, #tpu.memory_space<hbm>>) dst(%arg5 : memref<640xi32, #tpu.memory_space<vmem>>)
      tpu.yield
    }) : () -> ()
    %dma_start3A_33 = arith.constant 0 : i32
    %dma_start3A_34 = arith.constant 0 : i32
    %dma_start3A_35 = tpu.memref_slice %arg2[%dma_start3A_33, %dma_start3A_34] : memref<10240x128xf32, #tpu.memory_space<hbm>> -> memref<10240x128xf32, #tpu.memory_space<hbm>>
    tpu.enqueue_indirect_dma source(%dma_start3A_35 : memref<10240x128xf32, #tpu.memory_space<hbm>>) target(%arg6 : memref<640x128xf32, #tpu.memory_space<vmem>>) offsets(%arg5 : memref<640xi32, #tpu.memory_space<vmem>>) semaphore(%arg7 : memref<!tpu.dma_semaphore, #tpu.memory_space<semaphore_mem>>)
    %dma_wait3A_36 = arith.constant 0 : i32
    %dma_wait3A_37 = arith.constant 0 : i32
    %dma_wait3A_38 = tpu.memref_slice %arg2[%dma_wait3A_36, %dma_wait3A_37] : memref<10240x128xf32, #tpu.memory_space<hbm>> -> memref<10240x128xf32, #tpu.memory_space<hbm>>
    tpu.wait_indirect_dma semaphore(%arg7 : memref<!tpu.dma_semaphore, #tpu.memory_space<semaphore_mem>>) src(%dma_wait3A_38 : memref<10240x128xf32, #tpu.memory_space<hbm>>) dst(%arg6 : memref<640x128xf32, #tpu.memory_space<vmem>>)
    "tpu.region"() ({
      %run_scoped3A = tpu.sem_alloc : memref<!tpu.dma_semaphore, #tpu.memory_space<semaphore_mem>>
      %dma_start3A_79 = arith.constant 0 : i32
      %dma_start3A_80 = tpu.memref_slice %arg4[%add3A_32, %dma_start3A_79] : memref<163840x128xf32, #tpu.memory_space<hbm>> -> memref<640x128xf32, #tpu.memory_space<hbm>>
      %dma_start3A_81 = arith.constant 0 : i32
      %dma_start3A_82 = tpu.memref_slice %arg4[%add3A_32, %dma_start3A_81] : memref<163840x128xf32, #tpu.memory_space<hbm>> -> memref<640x128xf32, #tpu.memory_space<hbm>>
      tpu.enqueue_dma source(%arg6 : memref<640x128xf32, #tpu.memory_space<vmem>>) target(%dma_start3A_82 : memref<640x128xf32, #tpu.memory_space<hbm>>) target_semaphore(%run_scoped3A : memref<!tpu.dma_semaphore, #tpu.memory_space<semaphore_mem>>)
      %dma_wait3A_83 = arith.constant 0 : i32
      %dma_wait3A_84 = tpu.memref_slice %arg4[%add3A_32, %dma_wait3A_83] : memref<163840x128xf32, #tpu.memory_space<hbm>> -> memref<640x128xf32, #tpu.memory_space<hbm>>
      %dma_wait3A_85 = arith.constant 0 : i32
      %dma_wait3A_86 = tpu.memref_slice %arg4[%add3A_32, %dma_wait3A_85] : memref<163840x128xf32, #tpu.memory_space<hbm>> -> memref<640x128xf32, #tpu.memory_space<hbm>>
      tpu.wait_dma2 semaphore(%run_scoped3A : memref<!tpu.dma_semaphore, #tpu.memory_space<semaphore_mem>>) src(%arg6 : memref<640x128xf32, #tpu.memory_space<vmem>>) dst(%dma_wait3A_86 : memref<640x128xf32, #tpu.memory_space<hbm>>)
      tpu.yield
    }) : () -> ()
    %mul3A_39 = arith.constant 5120 : i32
    %mul3A_40 = arith.muli %add3A, %mul3A_39 : i32
    %add3A_41 = arith.constant 2560 : i32
    %add3A_42 = arith.addi %mul3A_40, %add3A_41 : i32
    "tpu.region"() ({
      %run_scoped3A = tpu.sem_alloc : memref<!tpu.dma_semaphore, #tpu.memory_space<semaphore_mem>>
      %dma_start3A_79 = tpu.memref_slice %arg3[%add3A_42] : memref<163840xi32, #tpu.memory_space<hbm>> -> memref<640xi32, #tpu.memory_space<hbm>>
      %dma_start3A_80 = tpu.memref_slice %arg3[%add3A_42] : memref<163840xi32, #tpu.memory_space<hbm>> -> memref<640xi32, #tpu.memory_space<hbm>>
      tpu.enqueue_dma source(%dma_start3A_80 : memref<640xi32, #tpu.memory_space<hbm>>) target(%arg5 : memref<640xi32, #tpu.memory_space<vmem>>) target_semaphore(%run_scoped3A : memref<!tpu.dma_semaphore, #tpu.memory_space<semaphore_mem>>)
      %dma_wait3A_81 = tpu.memref_slice %arg3[%add3A_42] : memref<163840xi32, #tpu.memory_space<hbm>> -> memref<640xi32, #tpu.memory_space<hbm>>
      %dma_wait3A_82 = tpu.memref_slice %arg3[%add3A_42] : memref<163840xi32, #tpu.memory_space<hbm>> -> memref<640xi32, #tpu.memory_space<hbm>>
      tpu.wait_dma2 semaphore(%run_scoped3A : memref<!tpu.dma_semaphore, #tpu.memory_space<semaphore_mem>>) src(%dma_wait3A_82 : memref<640xi32, #tpu.memory_space<hbm>>) dst(%arg5 : memref<640xi32, #tpu.memory_space<vmem>>)
      tpu.yield
    }) : () -> ()
    %dma_start3A_43 = arith.constant 0 : i32
    %dma_start3A_44 = arith.constant 0 : i32
    %dma_start3A_45 = tpu.memref_slice %arg2[%dma_start3A_43, %dma_start3A_44] : memref<10240x128xf32, #tpu.memory_space<hbm>> -> memref<10240x128xf32, #tpu.memory_space<hbm>>
    tpu.enqueue_indirect_dma source(%dma_start3A_45 : memref<10240x128xf32, #tpu.memory_space<hbm>>) target(%arg6 : memref<640x128xf32, #tpu.memory_space<vmem>>) offsets(%arg5 : memref<640xi32, #tpu.memory_space<vmem>>) semaphore(%arg7 : memref<!tpu.dma_semaphore, #tpu.memory_space<semaphore_mem>>)
    %dma_wait3A_46 = arith.constant 0 : i32
    %dma_wait3A_47 = arith.constant 0 : i32
    %dma_wait3A_48 = tpu.memref_slice %arg2[%dma_wait3A_46, %dma_wait3A_47] : memref<10240x128xf32, #tpu.memory_space<hbm>> -> memref<10240x128xf32, #tpu.memory_space<hbm>>
    tpu.wait_indirect_dma semaphore(%arg7 : memref<!tpu.dma_semaphore, #tpu.memory_space<semaphore_mem>>) src(%dma_wait3A_48 : memref<10240x128xf32, #tpu.memory_space<hbm>>) dst(%arg6 : memref<640x128xf32, #tpu.memory_space<vmem>>)
    "tpu.region"() ({
      %run_scoped3A = tpu.sem_alloc : memref<!tpu.dma_semaphore, #tpu.memory_space<semaphore_mem>>
      %dma_start3A_79 = arith.constant 0 : i32
      %dma_start3A_80 = tpu.memref_slice %arg4[%add3A_42, %dma_start3A_79] : memref<163840x128xf32, #tpu.memory_space<hbm>> -> memref<640x128xf32, #tpu.memory_space<hbm>>
      %dma_start3A_81 = arith.constant 0 : i32
      %dma_start3A_82 = tpu.memref_slice %arg4[%add3A_42, %dma_start3A_81] : memref<163840x128xf32, #tpu.memory_space<hbm>> -> memref<640x128xf32, #tpu.memory_space<hbm>>
      tpu.enqueue_dma source(%arg6 : memref<640x128xf32, #tpu.memory_space<vmem>>) target(%dma_start3A_82 : memref<640x128xf32, #tpu.memory_space<hbm>>) target_semaphore(%run_scoped3A : memref<!tpu.dma_semaphore, #tpu.memory_space<semaphore_mem>>)
      %dma_wait3A_83 = arith.constant 0 : i32
      %dma_wait3A_84 = tpu.memref_slice %arg4[%add3A_42, %dma_wait3A_83] : memref<163840x128xf32, #tpu.memory_space<hbm>> -> memref<640x128xf32, #tpu.memory_space<hbm>>
      %dma_wait3A_85 = arith.constant 0 : i32
      %dma_wait3A_86 = tpu.memref_slice %arg4[%add3A_42, %dma_wait3A_85] : memref<163840x128xf32, #tpu.memory_space<hbm>> -> memref<640x128xf32, #tpu.memory_space<hbm>>
      tpu.wait_dma2 semaphore(%run_scoped3A : memref<!tpu.dma_semaphore, #tpu.memory_space<semaphore_mem>>) src(%arg6 : memref<640x128xf32, #tpu.memory_space<vmem>>) dst(%dma_wait3A_86 : memref<640x128xf32, #tpu.memory_space<hbm>>)
      tpu.yield
    }) : () -> ()
    %mul3A_49 = arith.constant 5120 : i32
    %mul3A_50 = arith.muli %add3A, %mul3A_49 : i32
    %add3A_51 = arith.constant 3200 : i32
    %add3A_52 = arith.addi %mul3A_50, %add3A_51 : i32
    "tpu.region"() ({
      %run_scoped3A = tpu.sem_alloc : memref<!tpu.dma_semaphore, #tpu.memory_space<semaphore_mem>>
      %dma_start3A_79 = tpu.memref_slice %arg3[%add3A_52] : memref<163840xi32, #tpu.memory_space<hbm>> -> memref<640xi32, #tpu.memory_space<hbm>>
      %dma_start3A_80 = tpu.memref_slice %arg3[%add3A_52] : memref<163840xi32, #tpu.memory_space<hbm>> -> memref<640xi32, #tpu.memory_space<hbm>>
      tpu.enqueue_dma source(%dma_start3A_80 : memref<640xi32, #tpu.memory_space<hbm>>) target(%arg5 : memref<640xi32, #tpu.memory_space<vmem>>) target_semaphore(%run_scoped3A : memref<!tpu.dma_semaphore, #tpu.memory_space<semaphore_mem>>)
      %dma_wait3A_81 = tpu.memref_slice %arg3[%add3A_52] : memref<163840xi32, #tpu.memory_space<hbm>> -> memref<640xi32, #tpu.memory_space<hbm>>
      %dma_wait3A_82 = tpu.memref_slice %arg3[%add3A_52] : memref<163840xi32, #tpu.memory_space<hbm>> -> memref<640xi32, #tpu.memory_space<hbm>>
      tpu.wait_dma2 semaphore(%run_scoped3A : memref<!tpu.dma_semaphore, #tpu.memory_space<semaphore_mem>>) src(%dma_wait3A_82 : memref<640xi32, #tpu.memory_space<hbm>>) dst(%arg5 : memref<640xi32, #tpu.memory_space<vmem>>)
      tpu.yield
    }) : () -> ()
    %dma_start3A_53 = arith.constant 0 : i32
    %dma_start3A_54 = arith.constant 0 : i32
    %dma_start3A_55 = tpu.memref_slice %arg2[%dma_start3A_53, %dma_start3A_54] : memref<10240x128xf32, #tpu.memory_space<hbm>> -> memref<10240x128xf32, #tpu.memory_space<hbm>>
    tpu.enqueue_indirect_dma source(%dma_start3A_55 : memref<10240x128xf32, #tpu.memory_space<hbm>>) target(%arg6 : memref<640x128xf32, #tpu.memory_space<vmem>>) offsets(%arg5 : memref<640xi32, #tpu.memory_space<vmem>>) semaphore(%arg7 : memref<!tpu.dma_semaphore, #tpu.memory_space<semaphore_mem>>)
    %dma_wait3A_56 = arith.constant 0 : i32
    %dma_wait3A_57 = arith.constant 0 : i32
    %dma_wait3A_58 = tpu.memref_slice %arg2[%dma_wait3A_56, %dma_wait3A_57] : memref<10240x128xf32, #tpu.memory_space<hbm>> -> memref<10240x128xf32, #tpu.memory_space<hbm>>
    tpu.wait_indirect_dma semaphore(%arg7 : memref<!tpu.dma_semaphore, #tpu.memory_space<semaphore_mem>>) src(%dma_wait3A_58 : memref<10240x128xf32, #tpu.memory_space<hbm>>) dst(%arg6 : memref<640x128xf32, #tpu.memory_space<vmem>>)
    "tpu.region"() ({
      %run_scoped3A = tpu.sem_alloc : memref<!tpu.dma_semaphore, #tpu.memory_space<semaphore_mem>>
      %dma_start3A_79 = arith.constant 0 : i32
      %dma_start3A_80 = tpu.memref_slice %arg4[%add3A_52, %dma_start3A_79] : memref<163840x128xf32, #tpu.memory_space<hbm>> -> memref<640x128xf32, #tpu.memory_space<hbm>>
      %dma_start3A_81 = arith.constant 0 : i32
      %dma_start3A_82 = tpu.memref_slice %arg4[%add3A_52, %dma_start3A_81] : memref<163840x128xf32, #tpu.memory_space<hbm>> -> memref<640x128xf32, #tpu.memory_space<hbm>>
      tpu.enqueue_dma source(%arg6 : memref<640x128xf32, #tpu.memory_space<vmem>>) target(%dma_start3A_82 : memref<640x128xf32, #tpu.memory_space<hbm>>) target_semaphore(%run_scoped3A : memref<!tpu.dma_semaphore, #tpu.memory_space<semaphore_mem>>)
      %dma_wait3A_83 = arith.constant 0 : i32
      %dma_wait3A_84 = tpu.memref_slice %arg4[%add3A_52, %dma_wait3A_83] : memref<163840x128xf32, #tpu.memory_space<hbm>> -> memref<640x128xf32, #tpu.memory_space<hbm>>
      %dma_wait3A_85 = arith.constant 0 : i32
      %dma_wait3A_86 = tpu.memref_slice %arg4[%add3A_52, %dma_wait3A_85] : memref<163840x128xf32, #tpu.memory_space<hbm>> -> memref<640x128xf32, #tpu.memory_space<hbm>>
      tpu.wait_dma2 semaphore(%run_scoped3A : memref<!tpu.dma_semaphore, #tpu.memory_space<semaphore_mem>>) src(%arg6 : memref<640x128xf32, #tpu.memory_space<vmem>>) dst(%dma_wait3A_86 : memref<640x128xf32, #tpu.memory_space<hbm>>)
      tpu.yield
    }) : () -> ()
    %mul3A_59 = arith.constant 5120 : i32
    %mul3A_60 = arith.muli %add3A, %mul3A_59 : i32
    %add3A_61 = arith.constant 3840 : i32
    %add3A_62 = arith.addi %mul3A_60, %add3A_61 : i32
    "tpu.region"() ({
      %run_scoped3A = tpu.sem_alloc : memref<!tpu.dma_semaphore, #tpu.memory_space<semaphore_mem>>
      %dma_start3A_79 = tpu.memref_slice %arg3[%add3A_62] : memref<163840xi32, #tpu.memory_space<hbm>> -> memref<640xi32, #tpu.memory_space<hbm>>
      %dma_start3A_80 = tpu.memref_slice %arg3[%add3A_62] : memref<163840xi32, #tpu.memory_space<hbm>> -> memref<640xi32, #tpu.memory_space<hbm>>
      tpu.enqueue_dma source(%dma_start3A_80 : memref<640xi32, #tpu.memory_space<hbm>>) target(%arg5 : memref<640xi32, #tpu.memory_space<vmem>>) target_semaphore(%run_scoped3A : memref<!tpu.dma_semaphore, #tpu.memory_space<semaphore_mem>>)
      %dma_wait3A_81 = tpu.memref_slice %arg3[%add3A_62] : memref<163840xi32, #tpu.memory_space<hbm>> -> memref<640xi32, #tpu.memory_space<hbm>>
      %dma_wait3A_82 = tpu.memref_slice %arg3[%add3A_62] : memref<163840xi32, #tpu.memory_space<hbm>> -> memref<640xi32, #tpu.memory_space<hbm>>
      tpu.wait_dma2 semaphore(%run_scoped3A : memref<!tpu.dma_semaphore, #tpu.memory_space<semaphore_mem>>) src(%dma_wait3A_82 : memref<640xi32, #tpu.memory_space<hbm>>) dst(%arg5 : memref<640xi32, #tpu.memory_space<vmem>>)
      tpu.yield
    }) : () -> ()
    %dma_start3A_63 = arith.constant 0 : i32
    %dma_start3A_64 = arith.constant 0 : i32
    %dma_start3A_65 = tpu.memref_slice %arg2[%dma_start3A_63, %dma_start3A_64] : memref<10240x128xf32, #tpu.memory_space<hbm>> -> memref<10240x128xf32, #tpu.memory_space<hbm>>
    tpu.enqueue_indirect_dma source(%dma_start3A_65 : memref<10240x128xf32, #tpu.memory_space<hbm>>) target(%arg6 : memref<640x128xf32, #tpu.memory_space<vmem>>) offsets(%arg5 : memref<640xi32, #tpu.memory_space<vmem>>) semaphore(%arg7 : memref<!tpu.dma_semaphore, #tpu.memory_space<semaphore_mem>>)
    %dma_wait3A_66 = arith.constant 0 : i32
    %dma_wait3A_67 = arith.constant 0 : i32
    %dma_wait3A_68 = tpu.memref_slice %arg2[%dma_wait3A_66, %dma_wait3A_67] : memref<10240x128xf32, #tpu.memory_space<hbm>> -> memref<10240x128xf32, #tpu.memory_space<hbm>>
    tpu.wait_indirect_dma semaphore(%arg7 : memref<!tpu.dma_semaphore, #tpu.memory_space<semaphore_mem>>) src(%dma_wait3A_68 : memref<10240x128xf32, #tpu.memory_space<hbm>>) dst(%arg6 : memref<640x128xf32, #tpu.memory_space<vmem>>)
    "tpu.region"() ({
      %run_scoped3A = tpu.sem_alloc : memref<!tpu.dma_semaphore, #tpu.memory_space<semaphore_mem>>
      %dma_start3A_79 = arith.constant 0 : i32
      %dma_start3A_80 = tpu.memref_slice %arg4[%add3A_62, %dma_start3A_79] : memref<163840x128xf32, #tpu.memory_space<hbm>> -> memref<640x128xf32, #tpu.memory_space<hbm>>
      %dma_start3A_81 = arith.constant 0 : i32
      %dma_start3A_82 = tpu.memref_slice %arg4[%add3A_62, %dma_start3A_81] : memref<163840x128xf32, #tpu.memory_space<hbm>> -> memref<640x128xf32, #tpu.memory_space<hbm>>
      tpu.enqueue_dma source(%arg6 : memref<640x128xf32, #tpu.memory_space<vmem>>) target(%dma_start3A_82 : memref<640x128xf32, #tpu.memory_space<hbm>>) target_semaphore(%run_scoped3A : memref<!tpu.dma_semaphore, #tpu.memory_space<semaphore_mem>>)
      %dma_wait3A_83 = arith.constant 0 : i32
      %dma_wait3A_84 = tpu.memref_slice %arg4[%add3A_62, %dma_wait3A_83] : memref<163840x128xf32, #tpu.memory_space<hbm>> -> memref<640x128xf32, #tpu.memory_space<hbm>>
      %dma_wait3A_85 = arith.constant 0 : i32
      %dma_wait3A_86 = tpu.memref_slice %arg4[%add3A_62, %dma_wait3A_85] : memref<163840x128xf32, #tpu.memory_space<hbm>> -> memref<640x128xf32, #tpu.memory_space<hbm>>
      tpu.wait_dma2 semaphore(%run_scoped3A : memref<!tpu.dma_semaphore, #tpu.memory_space<semaphore_mem>>) src(%arg6 : memref<640x128xf32, #tpu.memory_space<vmem>>) dst(%dma_wait3A_86 : memref<640x128xf32, #tpu.memory_space<hbm>>)
      tpu.yield
    }) : () -> ()
    %mul3A_69 = arith.constant 5120 : i32
    %mul3A_70 = arith.muli %add3A, %mul3A_69 : i32
    %add3A_71 = arith.constant 4480 : i32
    %add3A_72 = arith.addi %mul3A_70, %add3A_71 : i32
    "tpu.region"() ({
      %run_scoped3A = tpu.sem_alloc : memref<!tpu.dma_semaphore, #tpu.memory_space<semaphore_mem>>
      %dma_start3A_79 = tpu.memref_slice %arg3[%add3A_72] : memref<163840xi32, #tpu.memory_space<hbm>> -> memref<640xi32, #tpu.memory_space<hbm>>
      %dma_start3A_80 = tpu.memref_slice %arg3[%add3A_72] : memref<163840xi32, #tpu.memory_space<hbm>> -> memref<640xi32, #tpu.memory_space<hbm>>
      tpu.enqueue_dma source(%dma_start3A_80 : memref<640xi32, #tpu.memory_space<hbm>>) target(%arg5 : memref<640xi32, #tpu.memory_space<vmem>>) target_semaphore(%run_scoped3A : memref<!tpu.dma_semaphore, #tpu.memory_space<semaphore_mem>>)
      %dma_wait3A_81 = tpu.memref_slice %arg3[%add3A_72] : memref<163840xi32, #tpu.memory_space<hbm>> -> memref<640xi32, #tpu.memory_space<hbm>>
      %dma_wait3A_82 = tpu.memref_slice %arg3[%add3A_72] : memref<163840xi32, #tpu.memory_space<hbm>> -> memref<640xi32, #tpu.memory_space<hbm>>
      tpu.wait_dma2 semaphore(%run_scoped3A : memref<!tpu.dma_semaphore, #tpu.memory_space<semaphore_mem>>) src(%dma_wait3A_82 : memref<640xi32, #tpu.memory_space<hbm>>) dst(%arg5 : memref<640xi32, #tpu.memory_space<vmem>>)
      tpu.yield
    }) : () -> ()
    %dma_start3A_73 = arith.constant 0 : i32
    %dma_start3A_74 = arith.constant 0 : i32
    %dma_start3A_75 = tpu.memref_slice %arg2[%dma_start3A_73, %dma_start3A_74] : memref<10240x128xf32, #tpu.memory_space<hbm>> -> memref<10240x128xf32, #tpu.memory_space<hbm>>
    tpu.enqueue_indirect_dma source(%dma_start3A_75 : memref<10240x128xf32, #tpu.memory_space<hbm>>) target(%arg6 : memref<640x128xf32, #tpu.memory_space<vmem>>) offsets(%arg5 : memref<640xi32, #tpu.memory_space<vmem>>) semaphore(%arg7 : memref<!tpu.dma_semaphore, #tpu.memory_space<semaphore_mem>>)
    %dma_wait3A_76 = arith.constant 0 : i32
    %dma_wait3A_77 = arith.constant 0 : i32
    %dma_wait3A_78 = tpu.memref_slice %arg2[%dma_wait3A_76, %dma_wait3A_77] : memref<10240x128xf32, #tpu.memory_space<hbm>> -> memref<10240x128xf32, #tpu.memory_space<hbm>>
    tpu.wait_indirect_dma semaphore(%arg7 : memref<!tpu.dma_semaphore, #tpu.memory_space<semaphore_mem>>) src(%dma_wait3A_78 : memref<10240x128xf32, #tpu.memory_space<hbm>>) dst(%arg6 : memref<640x128xf32, #tpu.memory_space<vmem>>)
    "tpu.region"() ({
      %run_scoped3A = tpu.sem_alloc : memref<!tpu.dma_semaphore, #tpu.memory_space<semaphore_mem>>
      %dma_start3A_79 = arith.constant 0 : i32
      %dma_start3A_80 = tpu.memref_slice %arg4[%add3A_72, %dma_start3A_79] : memref<163840x128xf32, #tpu.memory_space<hbm>> -> memref<640x128xf32, #tpu.memory_space<hbm>>
      %dma_start3A_81 = arith.constant 0 : i32
      %dma_start3A_82 = tpu.memref_slice %arg4[%add3A_72, %dma_start3A_81] : memref<163840x128xf32, #tpu.memory_space<hbm>> -> memref<640x128xf32, #tpu.memory_space<hbm>>
      tpu.enqueue_dma source(%arg6 : memref<640x128xf32, #tpu.memory_space<vmem>>) target(%dma_start3A_82 : memref<640x128xf32, #tpu.memory_space<hbm>>) target_semaphore(%run_scoped3A : memref<!tpu.dma_semaphore, #tpu.memory_space<semaphore_mem>>)
      %dma_wait3A_83 = arith.constant 0 : i32
      %dma_wait3A_84 = tpu.memref_slice %arg4[%add3A_72, %dma_wait3A_83] : memref<163840x128xf32, #tpu.memory_space<hbm>> -> memref<640x128xf32, #tpu.memory_space<hbm>>
      %dma_wait3A_85 = arith.constant 0 : i32
      %dma_wait3A_86 = tpu.memref_slice %arg4[%add3A_72, %dma_wait3A_85] : memref<163840x128xf32, #tpu.memory_space<hbm>> -> memref<640x128xf32, #tpu.memory_space<hbm>>
      tpu.wait_dma2 semaphore(%run_scoped3A : memref<!tpu.dma_semaphore, #tpu.memory_space<semaphore_mem>>) src(%arg6 : memref<640x128xf32, #tpu.memory_space<vmem>>) dst(%dma_wait3A_86 : memref<640x128xf32, #tpu.memory_space<hbm>>)
      tpu.yield
    }) : () -> ()
    return
  }
}

module attributes {stable_mosaic.version = 14 : i64} {
  func.func @_pre_body(%arg0: memref<2560x256xf32, #tpu.memory_space<vmem>>, %arg1: memref<10240x128xf32, #tpu.memory_space<vmem>>, %arg2: memref<256x128xf32, #tpu.memory_space<vmem>>, %arg3: memref<1x128xf32, #tpu.memory_space<vmem>>, %arg4: memref<1x128xf32, #tpu.memory_space<vmem>>, %arg5: memref<1x128xf32, #tpu.memory_space<vmem>>, %arg6: memref<128x128xf32, #tpu.memory_space<vmem>>, %arg7: memref<1x128xf32, #tpu.memory_space<vmem>>, %arg8: memref<1x128xf32, #tpu.memory_space<vmem>>, %arg9: memref<1x128xf32, #tpu.memory_space<vmem>>, %arg10: memref<2560x128xf32, #tpu.memory_space<vmem>>, %arg11: memref<10240x128xf32, #tpu.memory_space<vmem>>) attributes {dimension_semantics = [], scalar_prefetch = 0 : i64, scratch_operands = 0 : i64, tpu.core_type = #tpu.core_type<tc>} {
    %get3A = arith.constant 0 : index
    %get3A_0 = arith.constant 0 : index
    %get3A_1 = vector.load %arg0[%get3A, %get3A_0] : memref<2560x256xf32, #tpu.memory_space<vmem>>, vector<2560x256xf32>
    %get3A_2 = arith.constant 0 : index
    %get3A_3 = arith.constant 0 : index
    %get3A_4 = vector.load %arg2[%get3A_2, %get3A_3] : memref<256x128xf32, #tpu.memory_space<vmem>>, vector<256x128xf32>
    %dot_general3A = arith.constant dense<0.000000e+00> : vector<2560x128xf32>
    %dot_general3A_5 = tpu.matmul %get3A_1, %get3A_4, %dot_general3A {dimension_numbers = #tpu.dot_dimension_numbers<[1], [0], [0], [1], [0, 0, 1, 1], [], []>, transpose_lhs_hint = false} : vector<2560x256xf32>, vector<256x128xf32>, vector<2560x128xf32> -> vector<2560x128xf32>
    %get3A_6 = arith.constant 0 : index
    %get3A_7 = arith.constant 0 : index
    %get3A_8 = vector.load %arg3[%get3A_6, %get3A_7] : memref<1x128xf32, #tpu.memory_space<vmem>>, vector<1x128xf32>
    %add3A = vector.broadcast %get3A_8 : vector<1x128xf32> to vector<2560x128xf32>
    %add3A_9 = arith.addf %dot_general3A_5, %add3A : vector<2560x128xf32>
    %get3A_10 = arith.constant 0 : index
    %get3A_11 = arith.constant 0 : index
    %get3A_12 = vector.load %arg4[%get3A_10, %get3A_11] : memref<1x128xf32, #tpu.memory_space<vmem>>, vector<1x128xf32>
    %get3A_13 = arith.constant 0 : index
    %get3A_14 = arith.constant 0 : index
    %get3A_15 = vector.load %arg5[%get3A_13, %get3A_14] : memref<1x128xf32, #tpu.memory_space<vmem>>, vector<1x128xf32>
    %iota3A = tpu.iota {dimensions = array<i32: 0>} : vector<2560x1xi32>
    %lt3A = arith.constant 2500 : i32
    %lt3A_16 = vector.broadcast %lt3A : i32 to vector<2560x1xi32>
    %lt3A_17 = arith.cmpi slt, %iota3A, %lt3A_16 : vector<2560x1xi32>
    %jit3A = arith.constant 0.000000e+00 : f32
    %broadcast_in_dim3A = vector.shape_cast %lt3A_17 : vector<2560x1xi1> to vector<2560x1xi1>
    %broadcast_in_dim3A_18 = vector.broadcast %broadcast_in_dim3A : vector<2560x1xi1> to vector<2560x128xi1>
    %broadcast_in_dim3A_19 = vector.broadcast %jit3A : f32 to vector<2560x128xf32>
    %select_n3A = arith.select %broadcast_in_dim3A_18, %add3A_9, %broadcast_in_dim3A_19 : vector<2560x128xi1>, vector<2560x128xf32>
    %reduce_sum3A = arith.constant dense<0.000000e+00> : vector<128xf32>
    %reduce_sum3A_20 = vector.multi_reduction <add>, %select_n3A, %reduce_sum3A [0] : vector<2560x128xf32> to vector<128xf32>
    %broadcast_in_dim3A_21 = vector.shape_cast %reduce_sum3A_20 : vector<128xf32> to vector<1x128xf32>
    %div3A = arith.constant 2.500000e+03 : f32
    %div3A_22 = vector.broadcast %div3A : f32 to vector<1x128xf32>
    %div3A_23 = arith.divf %broadcast_in_dim3A_21, %div3A_22 : vector<1x128xf32>
    %sub3A = vector.broadcast %div3A_23 : vector<1x128xf32> to vector<2560x128xf32>
    %sub3A_24 = arith.subf %add3A_9, %sub3A : vector<2560x128xf32>
    %jit3A_25 = arith.constant 0.000000e+00 : f32
    %broadcast_in_dim3A_26 = vector.shape_cast %lt3A_17 : vector<2560x1xi1> to vector<2560x1xi1>
    %broadcast_in_dim3A_27 = vector.broadcast %broadcast_in_dim3A_26 : vector<2560x1xi1> to vector<2560x128xi1>
    %broadcast_in_dim3A_28 = vector.broadcast %jit3A_25 : f32 to vector<2560x128xf32>
    %select_n3A_29 = arith.select %broadcast_in_dim3A_27, %sub3A_24, %broadcast_in_dim3A_28 : vector<2560x128xi1>, vector<2560x128xf32>
    %mul3A = arith.mulf %select_n3A_29, %select_n3A_29 : vector<2560x128xf32>
    %reduce_sum3A_30 = arith.constant dense<0.000000e+00> : vector<128xf32>
    %reduce_sum3A_31 = vector.multi_reduction <add>, %mul3A, %reduce_sum3A_30 [0] : vector<2560x128xf32> to vector<128xf32>
    %broadcast_in_dim3A_32 = vector.shape_cast %reduce_sum3A_31 : vector<128xf32> to vector<1x128xf32>
    %div3A_33 = arith.constant 2.500000e+03 : f32
    %div3A_34 = vector.broadcast %div3A_33 : f32 to vector<1x128xf32>
    %div3A_35 = arith.divf %broadcast_in_dim3A_32, %div3A_34 : vector<1x128xf32>
    %sub3A_36 = vector.broadcast %div3A_23 : vector<1x128xf32> to vector<2560x128xf32>
    %sub3A_37 = arith.subf %add3A_9, %sub3A_36 : vector<2560x128xf32>
    %add3A_38 = arith.constant 9.99999974E-6 : f32
    %add3A_39 = vector.broadcast %add3A_38 : f32 to vector<1x128xf32>
    %add3A_40 = arith.addf %div3A_35, %add3A_39 : vector<1x128xf32>
    %sqrt3A = math.sqrt %add3A_40 : vector<1x128xf32>
    %div3A_41 = vector.broadcast %sqrt3A : vector<1x128xf32> to vector<2560x128xf32>
    %div3A_42 = arith.divf %sub3A_37, %div3A_41 : vector<2560x128xf32>
    %mul3A_43 = vector.broadcast %get3A_12 : vector<1x128xf32> to vector<2560x128xf32>
    %mul3A_44 = arith.mulf %div3A_42, %mul3A_43 : vector<2560x128xf32>
    %add3A_45 = vector.broadcast %get3A_15 : vector<1x128xf32> to vector<2560x128xf32>
    %add3A_46 = arith.addf %mul3A_44, %add3A_45 : vector<2560x128xf32>
    %max3A = arith.constant 0.000000e+00 : f32
    %max3A_47 = vector.broadcast %max3A : f32 to vector<2560x128xf32>
    %max3A_48 = arith.maximumf %add3A_46, %max3A_47 : vector<2560x128xf32>
    %swap3A = arith.constant 0 : index
    %swap3A_49 = arith.constant 0 : index
    %swap3A_50 = vector.load %arg10[%swap3A, %swap3A_49] : memref<2560x128xf32, #tpu.memory_space<vmem>>, vector<2560x128xf32>
    tpu.vector_store %arg10[%swap3A, %swap3A_49], %max3A_48 {strides = array<i32>} : memref<2560x128xf32, #tpu.memory_space<vmem>>, vector<2560x128xf32>,
    %get3A_51 = arith.constant 0 : index
    %get3A_52 = arith.constant 0 : index
    %get3A_53 = vector.load %arg1[%get3A_51, %get3A_52] : memref<10240x128xf32, #tpu.memory_space<vmem>>, vector<10240x128xf32>
    %get3A_54 = arith.constant 0 : index
    %get3A_55 = arith.constant 0 : index
    %get3A_56 = vector.load %arg6[%get3A_54, %get3A_55] : memref<128x128xf32, #tpu.memory_space<vmem>>, vector<128x128xf32>
    %dot_general3A_57 = arith.constant dense<0.000000e+00> : vector<10240x128xf32>
    %dot_general3A_58 = tpu.matmul %get3A_53, %get3A_56, %dot_general3A_57 {dimension_numbers = #tpu.dot_dimension_numbers<[1], [0], [0], [1], [0, 0, 1, 1], [], []>, transpose_lhs_hint = false} : vector<10240x128xf32>, vector<128x128xf32>, vector<10240x128xf32> -> vector<10240x128xf32>
    %get3A_59 = arith.constant 0 : index
    %get3A_60 = arith.constant 0 : index
    %get3A_61 = vector.load %arg7[%get3A_59, %get3A_60] : memref<1x128xf32, #tpu.memory_space<vmem>>, vector<1x128xf32>
    %add3A_62 = vector.broadcast %get3A_61 : vector<1x128xf32> to vector<10240x128xf32>
    %add3A_63 = arith.addf %dot_general3A_58, %add3A_62 : vector<10240x128xf32>
    %get3A_64 = arith.constant 0 : index
    %get3A_65 = arith.constant 0 : index
    %get3A_66 = vector.load %arg8[%get3A_64, %get3A_65] : memref<1x128xf32, #tpu.memory_space<vmem>>, vector<1x128xf32>
    %get3A_67 = arith.constant 0 : index
    %get3A_68 = arith.constant 0 : index
    %get3A_69 = vector.load %arg9[%get3A_67, %get3A_68] : memref<1x128xf32, #tpu.memory_space<vmem>>, vector<1x128xf32>
    %iota3A_70 = tpu.iota {dimensions = array<i32: 0>} : vector<10240x1xi32>
    %lt3A_71 = arith.constant 10000 : i32
    %lt3A_72 = vector.broadcast %lt3A_71 : i32 to vector<10240x1xi32>
    %lt3A_73 = arith.cmpi slt, %iota3A_70, %lt3A_72 : vector<10240x1xi32>
    %jit3A_74 = arith.constant 0.000000e+00 : f32
    %broadcast_in_dim3A_75 = vector.shape_cast %lt3A_73 : vector<10240x1xi1> to vector<10240x1xi1>
    %broadcast_in_dim3A_76 = vector.broadcast %broadcast_in_dim3A_75 : vector<10240x1xi1> to vector<10240x128xi1>
    %broadcast_in_dim3A_77 = vector.broadcast %jit3A_74 : f32 to vector<10240x128xf32>
    %select_n3A_78 = arith.select %broadcast_in_dim3A_76, %add3A_63, %broadcast_in_dim3A_77 : vector<10240x128xi1>, vector<10240x128xf32>
    %reduce_sum3A_79 = arith.constant dense<0.000000e+00> : vector<128xf32>
    %reduce_sum3A_80 = vector.multi_reduction <add>, %select_n3A_78, %reduce_sum3A_79 [0] : vector<10240x128xf32> to vector<128xf32>
    %broadcast_in_dim3A_81 = vector.shape_cast %reduce_sum3A_80 : vector<128xf32> to vector<1x128xf32>
    %div3A_82 = arith.constant 1.000000e+04 : f32
    %div3A_83 = vector.broadcast %div3A_82 : f32 to vector<1x128xf32>
    %div3A_84 = arith.divf %broadcast_in_dim3A_81, %div3A_83 : vector<1x128xf32>
    %sub3A_85 = vector.broadcast %div3A_84 : vector<1x128xf32> to vector<10240x128xf32>
    %sub3A_86 = arith.subf %add3A_63, %sub3A_85 : vector<10240x128xf32>
    %jit3A_87 = arith.constant 0.000000e+00 : f32
    %broadcast_in_dim3A_88 = vector.shape_cast %lt3A_73 : vector<10240x1xi1> to vector<10240x1xi1>
    %broadcast_in_dim3A_89 = vector.broadcast %broadcast_in_dim3A_88 : vector<10240x1xi1> to vector<10240x128xi1>
    %broadcast_in_dim3A_90 = vector.broadcast %jit3A_87 : f32 to vector<10240x128xf32>
    %select_n3A_91 = arith.select %broadcast_in_dim3A_89, %sub3A_86, %broadcast_in_dim3A_90 : vector<10240x128xi1>, vector<10240x128xf32>
    %mul3A_92 = arith.mulf %select_n3A_91, %select_n3A_91 : vector<10240x128xf32>
    %reduce_sum3A_93 = arith.constant dense<0.000000e+00> : vector<128xf32>
    %reduce_sum3A_94 = vector.multi_reduction <add>, %mul3A_92, %reduce_sum3A_93 [0] : vector<10240x128xf32> to vector<128xf32>
    %broadcast_in_dim3A_95 = vector.shape_cast %reduce_sum3A_94 : vector<128xf32> to vector<1x128xf32>
    %div3A_96 = arith.constant 1.000000e+04 : f32
    %div3A_97 = vector.broadcast %div3A_96 : f32 to vector<1x128xf32>
    %div3A_98 = arith.divf %broadcast_in_dim3A_95, %div3A_97 : vector<1x128xf32>
    %sub3A_99 = vector.broadcast %div3A_84 : vector<1x128xf32> to vector<10240x128xf32>
    %sub3A_100 = arith.subf %add3A_63, %sub3A_99 : vector<10240x128xf32>
    %add3A_101 = arith.constant 9.99999974E-6 : f32
    %add3A_102 = vector.broadcast %add3A_101 : f32 to vector<1x128xf32>
    %add3A_103 = arith.addf %div3A_98, %add3A_102 : vector<1x128xf32>
    %sqrt3A_104 = math.sqrt %add3A_103 : vector<1x128xf32>
    %div3A_105 = vector.broadcast %sqrt3A_104 : vector<1x128xf32> to vector<10240x128xf32>
    %div3A_106 = arith.divf %sub3A_100, %div3A_105 : vector<10240x128xf32>
    %mul3A_107 = vector.broadcast %get3A_66 : vector<1x128xf32> to vector<10240x128xf32>
    %mul3A_108 = arith.mulf %div3A_106, %mul3A_107 : vector<10240x128xf32>
    %add3A_109 = vector.broadcast %get3A_69 : vector<1x128xf32> to vector<10240x128xf32>
    %add3A_110 = arith.addf %mul3A_108, %add3A_109 : vector<10240x128xf32>
    %max3A_111 = arith.constant 0.000000e+00 : f32
    %max3A_112 = vector.broadcast %max3A_111 : f32 to vector<10240x128xf32>
    %max3A_113 = arith.maximumf %add3A_110, %max3A_112 : vector<10240x128xf32>
    %swap3A_114 = arith.constant 0 : index
    %swap3A_115 = arith.constant 0 : index
    %swap3A_116 = vector.load %arg11[%swap3A_114, %swap3A_115] : memref<10240x128xf32, #tpu.memory_space<vmem>>, vector<10240x128xf32>
    tpu.vector_store %arg11[%swap3A_114, %swap3A_115], %max3A_113 {strides = array<i32>} : memref<10240x128xf32, #tpu.memory_space<vmem>>, vector<10240x128xf32>,
    return
  }
}

module attributes {stable_mosaic.version = 14 : i64} {
  func.func @_knn_body(%arg0: i32, %arg1: memref<10240x1xf32, #tpu.memory_space<vmem>>, %arg2: memref<10240x8xf32, #tpu.memory_space<vmem>>, %arg3: memref<8x128xf32, #tpu.memory_space<vmem>>, %arg4: memref<16x128xi32, #tpu.memory_space<vmem>>) attributes {dimension_semantics = [#tpu.dimension_semantics<arbitrary>], iteration_bounds = array<i64: 79>, scalar_prefetch = 0 : i64, scratch_operands = 0 : i64, tpu.core_type = #tpu.core_type<tc>, window_params = [{pipeline_mode = #tpu.pipeline_mode<synchronous>, transform_indices = @transform_0, window_bounds = array<i64: 10240, 1>}, {pipeline_mode = #tpu.pipeline_mode<synchronous>, transform_indices = @transform_1, window_bounds = array<i64: 10240, 8>}, {transform_indices = @transform_2, window_bounds = array<i64: 8, 128>}, {transform_indices = @transform_3, window_bounds = array<i64: 16, 128>}]} {
    %get3A = arith.constant 0 : index
    %get3A_0 = arith.constant 0 : index
    %get3A_1 = vector.load %arg3[%get3A, %get3A_0] : memref<8x128xf32, #tpu.memory_space<vmem>>, vector<8x128xf32>
    %get3A_2 = arith.constant 0 : index
    %get3A_3 = arith.constant 0 : index
    %get3A_4 = vector.load %arg2[%get3A_2, %get3A_3] : memref<10240x8xf32, #tpu.memory_space<vmem>>, vector<10240x8xf32>
    %mul3A = arith.mulf %get3A_1, %get3A_1 : vector<8x128xf32>
    %reduce_sum3A = arith.constant dense<0.000000e+00> : vector<128xf32>
    %reduce_sum3A_5 = vector.multi_reduction <add>, %mul3A, %reduce_sum3A [0] : vector<8x128xf32> to vector<128xf32>
    %broadcast_in_dim3A = vector.shape_cast %reduce_sum3A_5 : vector<128xf32> to vector<1x128xf32>
    %dot_general3A = arith.constant dense<0.000000e+00> : vector<10240x128xf32>
    %dot_general3A_6 = tpu.matmul %get3A_4, %get3A_1, %dot_general3A {dimension_numbers = #tpu.dot_dimension_numbers<[1], [0], [0], [1], [0, 0, 1, 1], [], []>, transpose_lhs_hint = false} : vector<10240x8xf32>, vector<8x128xf32>, vector<10240x128xf32> -> vector<10240x128xf32>
    %get3A_7 = arith.constant 0 : index
    %get3A_8 = arith.constant 0 : index
    %get3A_9 = vector.load %arg1[%get3A_7, %get3A_8] : memref<10240x1xf32, #tpu.memory_space<vmem>>, vector<10240x1xf32>
    %add3A = vector.broadcast %get3A_9 : vector<10240x1xf32> to vector<10240x128xf32>
    %add3A_10 = vector.broadcast %broadcast_in_dim3A : vector<1x128xf32> to vector<10240x128xf32>
    %add3A_11 = arith.addf %add3A, %add3A_10 : vector<10240x128xf32>
    %mul3A_12 = arith.constant 2.000000e+00 : f32
    %mul3A_13 = vector.broadcast %mul3A_12 : f32 to vector<10240x128xf32>
    %mul3A_14 = arith.mulf %mul3A_13, %dot_general3A_6 : vector<10240x128xf32>
    %sub3A = arith.subf %add3A_11, %mul3A_14 : vector<10240x128xf32>
    %reshape3A = vector.shape_cast %sub3A : vector<10240x128xf32> to vector<256x40x128xf32>
    %iota3A = tpu.iota {dimensions = array<i32: 0>} : vector<256x40x128xi32>
    %mul3A_15 = arith.constant 40 : i32
    %mul3A_16 = vector.broadcast %mul3A_15 : i32 to vector<256x40x128xi32>
    %mul3A_17 = arith.muli %iota3A, %mul3A_16 : vector<256x40x128xi32>
    %iota3A_18 = tpu.iota {dimensions = array<i32: 1>} : vector<256x40x128xi32>
    %add3A_19 = arith.addi %mul3A_17, %iota3A_18 : vector<256x40x128xi32>
    %reduce_min3A = arith.constant dense<0x7F800000> : vector<256x128xf32>
    %reduce_min3A_20 = vector.multi_reduction <minimumf>, %reshape3A, %reduce_min3A [1] : vector<256x40x128xf32> to vector<256x128xf32>
    %broadcast_in_dim3A_21 = vector.shape_cast %reduce_min3A_20 : vector<256x128xf32> to vector<256x1x128xf32>
    %eq3A = vector.broadcast %broadcast_in_dim3A_21 : vector<256x1x128xf32> to vector<256x40x128xf32>
    %eq3A_22 = arith.cmpf oeq, %reshape3A, %eq3A : vector<256x40x128xf32>
    %jit3A = arith.constant 10240 : i32
    %broadcast_in_dim3A_23 = vector.broadcast %jit3A : i32 to vector<256x40x128xi32>
    %select_n3A = arith.select %eq3A_22, %add3A_19, %broadcast_in_dim3A_23 : vector<256x40x128xi1>, vector<256x40x128xi32>
    %reduce_min3A_24 = arith.constant dense<2147483647> : vector<256x128xi32>
    %reduce_min3A_25 = vector.multi_reduction <minsi>, %select_n3A, %reduce_min3A_24 [1] : vector<256x40x128xi32> to vector<256x128xi32>
    %jit3A_26 = arith.constant 0x7F800000 : f32
    %broadcast_in_dim3A_27 = vector.broadcast %jit3A_26 : f32 to vector<256x40x128xf32>
    %select_n3A_28 = arith.select %eq3A_22, %broadcast_in_dim3A_27, %reshape3A : vector<256x40x128xi1>, vector<256x40x128xf32>
    %reduce_min3A_29 = arith.constant dense<0x7F800000> : vector<256x128xf32>
    %reduce_min3A_30 = vector.multi_reduction <minimumf>, %select_n3A_28, %reduce_min3A_29 [1] : vector<256x40x128xf32> to vector<256x128xf32>
    %broadcast_in_dim3A_31 = vector.shape_cast %reduce_min3A_30 : vector<256x128xf32> to vector<256x1x128xf32>
    %eq3A_32 = vector.broadcast %broadcast_in_dim3A_31 : vector<256x1x128xf32> to vector<256x40x128xf32>
    %eq3A_33 = arith.cmpf oeq, %select_n3A_28, %eq3A_32 : vector<256x40x128xf32>
    %jit3A_34 = arith.constant 10240 : i32
    %broadcast_in_dim3A_35 = vector.broadcast %jit3A_34 : i32 to vector<256x40x128xi32>
    %select_n3A_36 = arith.select %eq3A_33, %add3A_19, %broadcast_in_dim3A_35 : vector<256x40x128xi1>, vector<256x40x128xi32>
    %reduce_min3A_37 = arith.constant dense<2147483647> : vector<256x128xi32>
    %reduce_min3A_38 = vector.multi_reduction <minsi>, %select_n3A_36, %reduce_min3A_37 [1] : vector<256x40x128xi32> to vector<256x128xi32>
    %jit3A_39 = arith.constant 0x7F800000 : f32
    %broadcast_in_dim3A_40 = vector.broadcast %jit3A_39 : f32 to vector<256x40x128xf32>
    %select_n3A_41 = arith.select %eq3A_33, %broadcast_in_dim3A_40, %select_n3A_28 : vector<256x40x128xi1>, vector<256x40x128xf32>
    %reduce_min3A_42 = arith.constant dense<0x7F800000> : vector<256x128xf32>
    %reduce_min3A_43 = vector.multi_reduction <minimumf>, %select_n3A_41, %reduce_min3A_42 [1] : vector<256x40x128xf32> to vector<256x128xf32>
    %broadcast_in_dim3A_44 = vector.shape_cast %reduce_min3A_43 : vector<256x128xf32> to vector<256x1x128xf32>
    %eq3A_45 = vector.broadcast %broadcast_in_dim3A_44 : vector<256x1x128xf32> to vector<256x40x128xf32>
    %eq3A_46 = arith.cmpf oeq, %select_n3A_41, %eq3A_45 : vector<256x40x128xf32>
    %jit3A_47 = arith.constant 10240 : i32
    %broadcast_in_dim3A_48 = vector.broadcast %jit3A_47 : i32 to vector<256x40x128xi32>
    %select_n3A_49 = arith.select %eq3A_46, %add3A_19, %broadcast_in_dim3A_48 : vector<256x40x128xi1>, vector<256x40x128xi32>
    %reduce_min3A_50 = arith.constant dense<2147483647> : vector<256x128xi32>
    %reduce_min3A_51 = vector.multi_reduction <minsi>, %select_n3A_49, %reduce_min3A_50 [1] : vector<256x40x128xi32> to vector<256x128xi32>
    %jit3A_52 = arith.constant 0x7F800000 : f32
    %broadcast_in_dim3A_53 = vector.broadcast %jit3A_52 : f32 to vector<256x40x128xf32>
    %select_n3A_54 = arith.select %eq3A_46, %broadcast_in_dim3A_53, %select_n3A_41 : vector<256x40x128xi1>, vector<256x40x128xf32>
    %reduce_min3A_55 = arith.constant dense<0x7F800000> : vector<256x128xf32>
    %reduce_min3A_56 = vector.multi_reduction <minimumf>, %select_n3A_54, %reduce_min3A_55 [1] : vector<256x40x128xf32> to vector<256x128xf32>
    %broadcast_in_dim3A_57 = vector.shape_cast %reduce_min3A_56 : vector<256x128xf32> to vector<256x1x128xf32>
    %eq3A_58 = vector.broadcast %broadcast_in_dim3A_57 : vector<256x1x128xf32> to vector<256x40x128xf32>
    %eq3A_59 = arith.cmpf oeq, %select_n3A_54, %eq3A_58 : vector<256x40x128xf32>
    %jit3A_60 = arith.constant 10240 : i32
    %broadcast_in_dim3A_61 = vector.broadcast %jit3A_60 : i32 to vector<256x40x128xi32>
    %select_n3A_62 = arith.select %eq3A_59, %add3A_19, %broadcast_in_dim3A_61 : vector<256x40x128xi1>, vector<256x40x128xi32>
    %reduce_min3A_63 = arith.constant dense<2147483647> : vector<256x128xi32>
    %reduce_min3A_64 = vector.multi_reduction <minsi>, %select_n3A_62, %reduce_min3A_63 [1] : vector<256x40x128xi32> to vector<256x128xi32>
    %concatenate3A = tpu.concatenate %reduce_min3A_20, %reduce_min3A_30, %reduce_min3A_43, %reduce_min3A_56 in 0 : vector<256x128xf32>, vector<256x128xf32>, vector<256x128xf32>, vector<256x128xf32> -> vector<1024x128xf32>
    %concatenate3A_65 = tpu.concatenate %reduce_min3A_25, %reduce_min3A_38, %reduce_min3A_51, %reduce_min3A_64 in 0 : vector<256x128xi32>, vector<256x128xi32>, vector<256x128xi32>, vector<256x128xi32> -> vector<1024x128xi32>
    %iota3A_66 = tpu.iota {dimensions = array<i32: 0>} : vector<16x128xi32>
    %broadcast_in_dim3A_67 = arith.constant 0 : i32
    %broadcast_in_dim3A_68 = vector.broadcast %broadcast_in_dim3A_67 : i32 to vector<16x128xi32>
    %reduce_min3A_69 = arith.constant dense<0x7F800000> : vector<128xf32>
    %reduce_min3A_70 = vector.multi_reduction <minimumf>, %concatenate3A, %reduce_min3A_69 [0] : vector<1024x128xf32> to vector<128xf32>
    %broadcast_in_dim3A_71 = vector.shape_cast %reduce_min3A_70 : vector<128xf32> to vector<1x128xf32>
    %eq3A_72 = vector.broadcast %broadcast_in_dim3A_71 : vector<1x128xf32> to vector<1024x128xf32>
    %eq3A_73 = arith.cmpf oeq, %concatenate3A, %eq3A_72 : vector<1024x128xf32>
    %jit3A_74 = arith.constant 10240 : i32
    %broadcast_in_dim3A_75 = vector.broadcast %jit3A_74 : i32 to vector<1024x128xi32>
    %select_n3A_76 = arith.select %eq3A_73, %concatenate3A_65, %broadcast_in_dim3A_75 : vector<1024x128xi1>, vector<1024x128xi32>
    %reduce_min3A_77 = arith.constant dense<2147483647> : vector<128xi32>
    %reduce_min3A_78 = vector.multi_reduction <minsi>, %select_n3A_76, %reduce_min3A_77 [0] : vector<1024x128xi32> to vector<128xi32>
    %broadcast_in_dim3A_79 = vector.shape_cast %reduce_min3A_78 : vector<128xi32> to vector<1x128xi32>
    %eq3A_80 = arith.constant 0 : i32
    %eq3A_81 = vector.broadcast %eq3A_80 : i32 to vector<16x128xi32>
    %eq3A_82 = arith.cmpi eq, %iota3A_66, %eq3A_81 : vector<16x128xi32>
    %broadcast_in_dim3A_83 = vector.shape_cast %broadcast_in_dim3A_79 : vector<1x128xi32> to vector<1x128xi32>
    %broadcast_in_dim3A_84 = vector.broadcast %broadcast_in_dim3A_83 : vector<1x128xi32> to vector<16x128xi32>
    %select_n3A_85 = arith.select %eq3A_82, %broadcast_in_dim3A_84, %broadcast_in_dim3A_68 : vector<16x128xi1>, vector<16x128xi32>
    %eq3A_86 = vector.broadcast %broadcast_in_dim3A_79 : vector<1x128xi32> to vector<1024x128xi32>
    %eq3A_87 = arith.cmpi eq, %select_n3A_76, %eq3A_86 : vector<1024x128xi32>
    %jit3A_88 = arith.constant 0x7F800000 : f32
    %broadcast_in_dim3A_89 = vector.broadcast %jit3A_88 : f32 to vector<1024x128xf32>
    %select_n3A_90 = arith.select %eq3A_87, %broadcast_in_dim3A_89, %concatenate3A : vector<1024x128xi1>, vector<1024x128xf32>
    %reduce_min3A_91 = arith.constant dense<0x7F800000> : vector<128xf32>
    %reduce_min3A_92 = vector.multi_reduction <minimumf>, %select_n3A_90, %reduce_min3A_91 [0] : vector<1024x128xf32> to vector<128xf32>
    %broadcast_in_dim3A_93 = vector.shape_cast %reduce_min3A_92 : vector<128xf32> to vector<1x128xf32>
    %eq3A_94 = vector.broadcast %broadcast_in_dim3A_93 : vector<1x128xf32> to vector<1024x128xf32>
    %eq3A_95 = arith.cmpf oeq, %select_n3A_90, %eq3A_94 : vector<1024x128xf32>
    %jit3A_96 = arith.constant 10240 : i32
    %broadcast_in_dim3A_97 = vector.broadcast %jit3A_96 : i32 to vector<1024x128xi32>
    %select_n3A_98 = arith.select %eq3A_95, %concatenate3A_65, %broadcast_in_dim3A_97 : vector<1024x128xi1>, vector<1024x128xi32>
    %reduce_min3A_99 = arith.constant dense<2147483647> : vector<128xi32>
    %reduce_min3A_100 = vector.multi_reduction <minsi>, %select_n3A_98, %reduce_min3A_99 [0] : vector<1024x128xi32> to vector<128xi32>
    %broadcast_in_dim3A_101 = vector.shape_cast %reduce_min3A_100 : vector<128xi32> to vector<1x128xi32>
    %eq3A_102 = arith.constant 1 : i32
    %eq3A_103 = vector.broadcast %eq3A_102 : i32 to vector<16x128xi32>
    %eq3A_104 = arith.cmpi eq, %iota3A_66, %eq3A_103 : vector<16x128xi32>
    %broadcast_in_dim3A_105 = vector.shape_cast %broadcast_in_dim3A_101 : vector<1x128xi32> to vector<1x128xi32>
    %broadcast_in_dim3A_106 = vector.broadcast %broadcast_in_dim3A_105 : vector<1x128xi32> to vector<16x128xi32>
    %select_n3A_107 = arith.select %eq3A_104, %broadcast_in_dim3A_106, %select_n3A_85 : vector<16x128xi1>, vector<16x128xi32>
    %eq3A_108 = vector.broadcast %broadcast_in_dim3A_101 : vector<1x128xi32> to vector<1024x128xi32>
    %eq3A_109 = arith.cmpi eq, %select_n3A_98, %eq3A_108 : vector<1024x128xi32>
    %jit3A_110 = arith.constant 0x7F800000 : f32
    %broadcast_in_dim3A_111 = vector.broadcast %jit3A_110 : f32 to vector<1024x128xf32>
    %select_n3A_112 = arith.select %eq3A_109, %broadcast_in_dim3A_111, %select_n3A_90 : vector<1024x128xi1>, vector<1024x128xf32>
    %reduce_min3A_113 = arith.constant dense<0x7F800000> : vector<128xf32>
    %reduce_min3A_114 = vector.multi_reduction <minimumf>, %select_n3A_112, %reduce_min3A_113 [0] : vector<1024x128xf32> to vector<128xf32>
    %broadcast_in_dim3A_115 = vector.shape_cast %reduce_min3A_114 : vector<128xf32> to vector<1x128xf32>
    %eq3A_116 = vector.broadcast %broadcast_in_dim3A_115 : vector<1x128xf32> to vector<1024x128xf32>
    %eq3A_117 = arith.cmpf oeq, %select_n3A_112, %eq3A_116 : vector<1024x128xf32>
    %jit3A_118 = arith.constant 10240 : i32
    %broadcast_in_dim3A_119 = vector.broadcast %jit3A_118 : i32 to vector<1024x128xi32>
    %select_n3A_120 = arith.select %eq3A_117, %concatenate3A_65, %broadcast_in_dim3A_119 : vector<1024x128xi1>, vector<1024x128xi32>
    %reduce_min3A_121 = arith.constant dense<2147483647> : vector<128xi32>
    %reduce_min3A_122 = vector.multi_reduction <minsi>, %select_n3A_120, %reduce_min3A_121 [0] : vector<1024x128xi32> to vector<128xi32>
    %broadcast_in_dim3A_123 = vector.shape_cast %reduce_min3A_122 : vector<128xi32> to vector<1x128xi32>
    %eq3A_124 = arith.constant 2 : i32
    %eq3A_125 = vector.broadcast %eq3A_124 : i32 to vector<16x128xi32>
    %eq3A_126 = arith.cmpi eq, %iota3A_66, %eq3A_125 : vector<16x128xi32>
    %broadcast_in_dim3A_127 = vector.shape_cast %broadcast_in_dim3A_123 : vector<1x128xi32> to vector<1x128xi32>
    %broadcast_in_dim3A_128 = vector.broadcast %broadcast_in_dim3A_127 : vector<1x128xi32> to vector<16x128xi32>
    %select_n3A_129 = arith.select %eq3A_126, %broadcast_in_dim3A_128, %select_n3A_107 : vector<16x128xi1>, vector<16x128xi32>
    %eq3A_130 = vector.broadcast %broadcast_in_dim3A_123 : vector<1x128xi32> to vector<1024x128xi32>
    %eq3A_131 = arith.cmpi eq, %select_n3A_120, %eq3A_130 : vector<1024x128xi32>
    %jit3A_132 = arith.constant 0x7F800000 : f32
    %broadcast_in_dim3A_133 = vector.broadcast %jit3A_132 : f32 to vector<1024x128xf32>
    %select_n3A_134 = arith.select %eq3A_131, %broadcast_in_dim3A_133, %select_n3A_112 : vector<1024x128xi1>, vector<1024x128xf32>
    %reduce_min3A_135 = arith.constant dense<0x7F800000> : vector<128xf32>
    %reduce_min3A_136 = vector.multi_reduction <minimumf>, %select_n3A_134, %reduce_min3A_135 [0] : vector<1024x128xf32> to vector<128xf32>
    %broadcast_in_dim3A_137 = vector.shape_cast %reduce_min3A_136 : vector<128xf32> to vector<1x128xf32>
    %eq3A_138 = vector.broadcast %broadcast_in_dim3A_137 : vector<1x128xf32> to vector<1024x128xf32>
    %eq3A_139 = arith.cmpf oeq, %select_n3A_134, %eq3A_138 : vector<1024x128xf32>
    %jit3A_140 = arith.constant 10240 : i32
    %broadcast_in_dim3A_141 = vector.broadcast %jit3A_140 : i32 to vector<1024x128xi32>
    %select_n3A_142 = arith.select %eq3A_139, %concatenate3A_65, %broadcast_in_dim3A_141 : vector<1024x128xi1>, vector<1024x128xi32>
    %reduce_min3A_143 = arith.constant dense<2147483647> : vector<128xi32>
    %reduce_min3A_144 = vector.multi_reduction <minsi>, %select_n3A_142, %reduce_min3A_143 [0] : vector<1024x128xi32> to vector<128xi32>
    %broadcast_in_dim3A_145 = vector.shape_cast %reduce_min3A_144 : vector<128xi32> to vector<1x128xi32>
    %eq3A_146 = arith.constant 3 : i32
    %eq3A_147 = vector.broadcast %eq3A_146 : i32 to vector<16x128xi32>
    %eq3A_148 = arith.cmpi eq, %iota3A_66, %eq3A_147 : vector<16x128xi32>
    %broadcast_in_dim3A_149 = vector.shape_cast %broadcast_in_dim3A_145 : vector<1x128xi32> to vector<1x128xi32>
    %broadcast_in_dim3A_150 = vector.broadcast %broadcast_in_dim3A_149 : vector<1x128xi32> to vector<16x128xi32>
    %select_n3A_151 = arith.select %eq3A_148, %broadcast_in_dim3A_150, %select_n3A_129 : vector<16x128xi1>, vector<16x128xi32>
    %eq3A_152 = vector.broadcast %broadcast_in_dim3A_145 : vector<1x128xi32> to vector<1024x128xi32>
    %eq3A_153 = arith.cmpi eq, %select_n3A_142, %eq3A_152 : vector<1024x128xi32>
    %jit3A_154 = arith.constant 0x7F800000 : f32
    %broadcast_in_dim3A_155 = vector.broadcast %jit3A_154 : f32 to vector<1024x128xf32>
    %select_n3A_156 = arith.select %eq3A_153, %broadcast_in_dim3A_155, %select_n3A_134 : vector<1024x128xi1>, vector<1024x128xf32>
    %reduce_min3A_157 = arith.constant dense<0x7F800000> : vector<128xf32>
    %reduce_min3A_158 = vector.multi_reduction <minimumf>, %select_n3A_156, %reduce_min3A_157 [0] : vector<1024x128xf32> to vector<128xf32>
    %broadcast_in_dim3A_159 = vector.shape_cast %reduce_min3A_158 : vector<128xf32> to vector<1x128xf32>
    %eq3A_160 = vector.broadcast %broadcast_in_dim3A_159 : vector<1x128xf32> to vector<1024x128xf32>
    %eq3A_161 = arith.cmpf oeq, %select_n3A_156, %eq3A_160 : vector<1024x128xf32>
    %jit3A_162 = arith.constant 10240 : i32
    %broadcast_in_dim3A_163 = vector.broadcast %jit3A_162 : i32 to vector<1024x128xi32>
    %select_n3A_164 = arith.select %eq3A_161, %concatenate3A_65, %broadcast_in_dim3A_163 : vector<1024x128xi1>, vector<1024x128xi32>
    %reduce_min3A_165 = arith.constant dense<2147483647> : vector<128xi32>
    %reduce_min3A_166 = vector.multi_reduction <minsi>, %select_n3A_164, %reduce_min3A_165 [0] : vector<1024x128xi32> to vector<128xi32>
    %broadcast_in_dim3A_167 = vector.shape_cast %reduce_min3A_166 : vector<128xi32> to vector<1x128xi32>
    %eq3A_168 = arith.constant 4 : i32
    %eq3A_169 = vector.broadcast %eq3A_168 : i32 to vector<16x128xi32>
    %eq3A_170 = arith.cmpi eq, %iota3A_66, %eq3A_169 : vector<16x128xi32>
    %broadcast_in_dim3A_171 = vector.shape_cast %broadcast_in_dim3A_167 : vector<1x128xi32> to vector<1x128xi32>
    %broadcast_in_dim3A_172 = vector.broadcast %broadcast_in_dim3A_171 : vector<1x128xi32> to vector<16x128xi32>
    %select_n3A_173 = arith.select %eq3A_170, %broadcast_in_dim3A_172, %select_n3A_151 : vector<16x128xi1>, vector<16x128xi32>
    %eq3A_174 = vector.broadcast %broadcast_in_dim3A_167 : vector<1x128xi32> to vector<1024x128xi32>
    %eq3A_175 = arith.cmpi eq, %select_n3A_164, %eq3A_174 : vector<1024x128xi32>
    %jit3A_176 = arith.constant 0x7F800000 : f32
    %broadcast_in_dim3A_177 = vector.broadcast %jit3A_176 : f32 to vector<1024x128xf32>
    %select_n3A_178 = arith.select %eq3A_175, %broadcast_in_dim3A_177, %select_n3A_156 : vector<1024x128xi1>, vector<1024x128xf32>
    %reduce_min3A_179 = arith.constant dense<0x7F800000> : vector<128xf32>
    %reduce_min3A_180 = vector.multi_reduction <minimumf>, %select_n3A_178, %reduce_min3A_179 [0] : vector<1024x128xf32> to vector<128xf32>
    %broadcast_in_dim3A_181 = vector.shape_cast %reduce_min3A_180 : vector<128xf32> to vector<1x128xf32>
    %eq3A_182 = vector.broadcast %broadcast_in_dim3A_181 : vector<1x128xf32> to vector<1024x128xf32>
    %eq3A_183 = arith.cmpf oeq, %select_n3A_178, %eq3A_182 : vector<1024x128xf32>
    %jit3A_184 = arith.constant 10240 : i32
    %broadcast_in_dim3A_185 = vector.broadcast %jit3A_184 : i32 to vector<1024x128xi32>
    %select_n3A_186 = arith.select %eq3A_183, %concatenate3A_65, %broadcast_in_dim3A_185 : vector<1024x128xi1>, vector<1024x128xi32>
    %reduce_min3A_187 = arith.constant dense<2147483647> : vector<128xi32>
    %reduce_min3A_188 = vector.multi_reduction <minsi>, %select_n3A_186, %reduce_min3A_187 [0] : vector<1024x128xi32> to vector<128xi32>
    %broadcast_in_dim3A_189 = vector.shape_cast %reduce_min3A_188 : vector<128xi32> to vector<1x128xi32>
    %eq3A_190 = arith.constant 5 : i32
    %eq3A_191 = vector.broadcast %eq3A_190 : i32 to vector<16x128xi32>
    %eq3A_192 = arith.cmpi eq, %iota3A_66, %eq3A_191 : vector<16x128xi32>
    %broadcast_in_dim3A_193 = vector.shape_cast %broadcast_in_dim3A_189 : vector<1x128xi32> to vector<1x128xi32>
    %broadcast_in_dim3A_194 = vector.broadcast %broadcast_in_dim3A_193 : vector<1x128xi32> to vector<16x128xi32>
    %select_n3A_195 = arith.select %eq3A_192, %broadcast_in_dim3A_194, %select_n3A_173 : vector<16x128xi1>, vector<16x128xi32>
    %eq3A_196 = vector.broadcast %broadcast_in_dim3A_189 : vector<1x128xi32> to vector<1024x128xi32>
    %eq3A_197 = arith.cmpi eq, %select_n3A_186, %eq3A_196 : vector<1024x128xi32>
    %jit3A_198 = arith.constant 0x7F800000 : f32
    %broadcast_in_dim3A_199 = vector.broadcast %jit3A_198 : f32 to vector<1024x128xf32>
    %select_n3A_200 = arith.select %eq3A_197, %broadcast_in_dim3A_199, %select_n3A_178 : vector<1024x128xi1>, vector<1024x128xf32>
    %reduce_min3A_201 = arith.constant dense<0x7F800000> : vector<128xf32>
    %reduce_min3A_202 = vector.multi_reduction <minimumf>, %select_n3A_200, %reduce_min3A_201 [0] : vector<1024x128xf32> to vector<128xf32>
    %broadcast_in_dim3A_203 = vector.shape_cast %reduce_min3A_202 : vector<128xf32> to vector<1x128xf32>
    %eq3A_204 = vector.broadcast %broadcast_in_dim3A_203 : vector<1x128xf32> to vector<1024x128xf32>
    %eq3A_205 = arith.cmpf oeq, %select_n3A_200, %eq3A_204 : vector<1024x128xf32>
    %jit3A_206 = arith.constant 10240 : i32
    %broadcast_in_dim3A_207 = vector.broadcast %jit3A_206 : i32 to vector<1024x128xi32>
    %select_n3A_208 = arith.select %eq3A_205, %concatenate3A_65, %broadcast_in_dim3A_207 : vector<1024x128xi1>, vector<1024x128xi32>
    %reduce_min3A_209 = arith.constant dense<2147483647> : vector<128xi32>
    %reduce_min3A_210 = vector.multi_reduction <minsi>, %select_n3A_208, %reduce_min3A_209 [0] : vector<1024x128xi32> to vector<128xi32>
    %broadcast_in_dim3A_211 = vector.shape_cast %reduce_min3A_210 : vector<128xi32> to vector<1x128xi32>
    %eq3A_212 = arith.constant 6 : i32
    %eq3A_213 = vector.broadcast %eq3A_212 : i32 to vector<16x128xi32>
    %eq3A_214 = arith.cmpi eq, %iota3A_66, %eq3A_213 : vector<16x128xi32>
    %broadcast_in_dim3A_215 = vector.shape_cast %broadcast_in_dim3A_211 : vector<1x128xi32> to vector<1x128xi32>
    %broadcast_in_dim3A_216 = vector.broadcast %broadcast_in_dim3A_215 : vector<1x128xi32> to vector<16x128xi32>
    %select_n3A_217 = arith.select %eq3A_214, %broadcast_in_dim3A_216, %select_n3A_195 : vector<16x128xi1>, vector<16x128xi32>
    %eq3A_218 = vector.broadcast %broadcast_in_dim3A_211 : vector<1x128xi32> to vector<1024x128xi32>
    %eq3A_219 = arith.cmpi eq, %select_n3A_208, %eq3A_218 : vector<1024x128xi32>
    %jit3A_220 = arith.constant 0x7F800000 : f32
    %broadcast_in_dim3A_221 = vector.broadcast %jit3A_220 : f32 to vector<1024x128xf32>
    %select_n3A_222 = arith.select %eq3A_219, %broadcast_in_dim3A_221, %select_n3A_200 : vector<1024x128xi1>, vector<1024x128xf32>
    %reduce_min3A_223 = arith.constant dense<0x7F800000> : vector<128xf32>
    %reduce_min3A_224 = vector.multi_reduction <minimumf>, %select_n3A_222, %reduce_min3A_223 [0] : vector<1024x128xf32> to vector<128xf32>
    %broadcast_in_dim3A_225 = vector.shape_cast %reduce_min3A_224 : vector<128xf32> to vector<1x128xf32>
    %eq3A_226 = vector.broadcast %broadcast_in_dim3A_225 : vector<1x128xf32> to vector<1024x128xf32>
    %eq3A_227 = arith.cmpf oeq, %select_n3A_222, %eq3A_226 : vector<1024x128xf32>
    %jit3A_228 = arith.constant 10240 : i32
    %broadcast_in_dim3A_229 = vector.broadcast %jit3A_228 : i32 to vector<1024x128xi32>
    %select_n3A_230 = arith.select %eq3A_227, %concatenate3A_65, %broadcast_in_dim3A_229 : vector<1024x128xi1>, vector<1024x128xi32>
    %reduce_min3A_231 = arith.constant dense<2147483647> : vector<128xi32>
    %reduce_min3A_232 = vector.multi_reduction <minsi>, %select_n3A_230, %reduce_min3A_231 [0] : vector<1024x128xi32> to vector<128xi32>
    %broadcast_in_dim3A_233 = vector.shape_cast %reduce_min3A_232 : vector<128xi32> to vector<1x128xi32>
    %eq3A_234 = arith.constant 7 : i32
    %eq3A_235 = vector.broadcast %eq3A_234 : i32 to vector<16x128xi32>
    %eq3A_236 = arith.cmpi eq, %iota3A_66, %eq3A_235 : vector<16x128xi32>
    %broadcast_in_dim3A_237 = vector.shape_cast %broadcast_in_dim3A_233 : vector<1x128xi32> to vector<1x128xi32>
    %broadcast_in_dim3A_238 = vector.broadcast %broadcast_in_dim3A_237 : vector<1x128xi32> to vector<16x128xi32>
    %select_n3A_239 = arith.select %eq3A_236, %broadcast_in_dim3A_238, %select_n3A_217 : vector<16x128xi1>, vector<16x128xi32>
    %eq3A_240 = vector.broadcast %broadcast_in_dim3A_233 : vector<1x128xi32> to vector<1024x128xi32>
    %eq3A_241 = arith.cmpi eq, %select_n3A_230, %eq3A_240 : vector<1024x128xi32>
    %jit3A_242 = arith.constant 0x7F800000 : f32
    %broadcast_in_dim3A_243 = vector.broadcast %jit3A_242 : f32 to vector<1024x128xf32>
    %select_n3A_244 = arith.select %eq3A_241, %broadcast_in_dim3A_243, %select_n3A_222 : vector<1024x128xi1>, vector<1024x128xf32>
    %reduce_min3A_245 = arith.constant dense<0x7F800000> : vector<128xf32>
    %reduce_min3A_246 = vector.multi_reduction <minimumf>, %select_n3A_244, %reduce_min3A_245 [0] : vector<1024x128xf32> to vector<128xf32>
    %broadcast_in_dim3A_247 = vector.shape_cast %reduce_min3A_246 : vector<128xf32> to vector<1x128xf32>
    %eq3A_248 = vector.broadcast %broadcast_in_dim3A_247 : vector<1x128xf32> to vector<1024x128xf32>
    %eq3A_249 = arith.cmpf oeq, %select_n3A_244, %eq3A_248 : vector<1024x128xf32>
    %jit3A_250 = arith.constant 10240 : i32
    %broadcast_in_dim3A_251 = vector.broadcast %jit3A_250 : i32 to vector<1024x128xi32>
    %select_n3A_252 = arith.select %eq3A_249, %concatenate3A_65, %broadcast_in_dim3A_251 : vector<1024x128xi1>, vector<1024x128xi32>
    %reduce_min3A_253 = arith.constant dense<2147483647> : vector<128xi32>
    %reduce_min3A_254 = vector.multi_reduction <minsi>, %select_n3A_252, %reduce_min3A_253 [0] : vector<1024x128xi32> to vector<128xi32>
    %broadcast_in_dim3A_255 = vector.shape_cast %reduce_min3A_254 : vector<128xi32> to vector<1x128xi32>
    %eq3A_256 = arith.constant 8 : i32
    %eq3A_257 = vector.broadcast %eq3A_256 : i32 to vector<16x128xi32>
    %eq3A_258 = arith.cmpi eq, %iota3A_66, %eq3A_257 : vector<16x128xi32>
    %broadcast_in_dim3A_259 = vector.shape_cast %broadcast_in_dim3A_255 : vector<1x128xi32> to vector<1x128xi32>
    %broadcast_in_dim3A_260 = vector.broadcast %broadcast_in_dim3A_259 : vector<1x128xi32> to vector<16x128xi32>
    %select_n3A_261 = arith.select %eq3A_258, %broadcast_in_dim3A_260, %select_n3A_239 : vector<16x128xi1>, vector<16x128xi32>
    %eq3A_262 = vector.broadcast %broadcast_in_dim3A_255 : vector<1x128xi32> to vector<1024x128xi32>
    %eq3A_263 = arith.cmpi eq, %select_n3A_252, %eq3A_262 : vector<1024x128xi32>
    %jit3A_264 = arith.constant 0x7F800000 : f32
    %broadcast_in_dim3A_265 = vector.broadcast %jit3A_264 : f32 to vector<1024x128xf32>
    %select_n3A_266 = arith.select %eq3A_263, %broadcast_in_dim3A_265, %select_n3A_244 : vector<1024x128xi1>, vector<1024x128xf32>
    %reduce_min3A_267 = arith.constant dense<0x7F800000> : vector<128xf32>
    %reduce_min3A_268 = vector.multi_reduction <minimumf>, %select_n3A_266, %reduce_min3A_267 [0] : vector<1024x128xf32> to vector<128xf32>
    %broadcast_in_dim3A_269 = vector.shape_cast %reduce_min3A_268 : vector<128xf32> to vector<1x128xf32>
    %eq3A_270 = vector.broadcast %broadcast_in_dim3A_269 : vector<1x128xf32> to vector<1024x128xf32>
    %eq3A_271 = arith.cmpf oeq, %select_n3A_266, %eq3A_270 : vector<1024x128xf32>
    %jit3A_272 = arith.constant 10240 : i32
    %broadcast_in_dim3A_273 = vector.broadcast %jit3A_272 : i32 to vector<1024x128xi32>
    %select_n3A_274 = arith.select %eq3A_271, %concatenate3A_65, %broadcast_in_dim3A_273 : vector<1024x128xi1>, vector<1024x128xi32>
    %reduce_min3A_275 = arith.constant dense<2147483647> : vector<128xi32>
    %reduce_min3A_276 = vector.multi_reduction <minsi>, %select_n3A_274, %reduce_min3A_275 [0] : vector<1024x128xi32> to vector<128xi32>
    %broadcast_in_dim3A_277 = vector.shape_cast %reduce_min3A_276 : vector<128xi32> to vector<1x128xi32>
    %eq3A_278 = arith.constant 9 : i32
    %eq3A_279 = vector.broadcast %eq3A_278 : i32 to vector<16x128xi32>
    %eq3A_280 = arith.cmpi eq, %iota3A_66, %eq3A_279 : vector<16x128xi32>
    %broadcast_in_dim3A_281 = vector.shape_cast %broadcast_in_dim3A_277 : vector<1x128xi32> to vector<1x128xi32>
    %broadcast_in_dim3A_282 = vector.broadcast %broadcast_in_dim3A_281 : vector<1x128xi32> to vector<16x128xi32>
    %select_n3A_283 = arith.select %eq3A_280, %broadcast_in_dim3A_282, %select_n3A_261 : vector<16x128xi1>, vector<16x128xi32>
    %eq3A_284 = vector.broadcast %broadcast_in_dim3A_277 : vector<1x128xi32> to vector<1024x128xi32>
    %eq3A_285 = arith.cmpi eq, %select_n3A_274, %eq3A_284 : vector<1024x128xi32>
    %jit3A_286 = arith.constant 0x7F800000 : f32
    %broadcast_in_dim3A_287 = vector.broadcast %jit3A_286 : f32 to vector<1024x128xf32>
    %select_n3A_288 = arith.select %eq3A_285, %broadcast_in_dim3A_287, %select_n3A_266 : vector<1024x128xi1>, vector<1024x128xf32>
    %reduce_min3A_289 = arith.constant dense<0x7F800000> : vector<128xf32>
    %reduce_min3A_290 = vector.multi_reduction <minimumf>, %select_n3A_288, %reduce_min3A_289 [0] : vector<1024x128xf32> to vector<128xf32>
    %broadcast_in_dim3A_291 = vector.shape_cast %reduce_min3A_290 : vector<128xf32> to vector<1x128xf32>
    %eq3A_292 = vector.broadcast %broadcast_in_dim3A_291 : vector<1x128xf32> to vector<1024x128xf32>
    %eq3A_293 = arith.cmpf oeq, %select_n3A_288, %eq3A_292 : vector<1024x128xf32>
    %jit3A_294 = arith.constant 10240 : i32
    %broadcast_in_dim3A_295 = vector.broadcast %jit3A_294 : i32 to vector<1024x128xi32>
    %select_n3A_296 = arith.select %eq3A_293, %concatenate3A_65, %broadcast_in_dim3A_295 : vector<1024x128xi1>, vector<1024x128xi32>
    %reduce_min3A_297 = arith.constant dense<2147483647> : vector<128xi32>
    %reduce_min3A_298 = vector.multi_reduction <minsi>, %select_n3A_296, %reduce_min3A_297 [0] : vector<1024x128xi32> to vector<128xi32>
    %broadcast_in_dim3A_299 = vector.shape_cast %reduce_min3A_298 : vector<128xi32> to vector<1x128xi32>
    %eq3A_300 = arith.constant 10 : i32
    %eq3A_301 = vector.broadcast %eq3A_300 : i32 to vector<16x128xi32>
    %eq3A_302 = arith.cmpi eq, %iota3A_66, %eq3A_301 : vector<16x128xi32>
    %broadcast_in_dim3A_303 = vector.shape_cast %broadcast_in_dim3A_299 : vector<1x128xi32> to vector<1x128xi32>
    %broadcast_in_dim3A_304 = vector.broadcast %broadcast_in_dim3A_303 : vector<1x128xi32> to vector<16x128xi32>
    %select_n3A_305 = arith.select %eq3A_302, %broadcast_in_dim3A_304, %select_n3A_283 : vector<16x128xi1>, vector<16x128xi32>
    %eq3A_306 = vector.broadcast %broadcast_in_dim3A_299 : vector<1x128xi32> to vector<1024x128xi32>
    %eq3A_307 = arith.cmpi eq, %select_n3A_296, %eq3A_306 : vector<1024x128xi32>
    %jit3A_308 = arith.constant 0x7F800000 : f32
    %broadcast_in_dim3A_309 = vector.broadcast %jit3A_308 : f32 to vector<1024x128xf32>
    %select_n3A_310 = arith.select %eq3A_307, %broadcast_in_dim3A_309, %select_n3A_288 : vector<1024x128xi1>, vector<1024x128xf32>
    %reduce_min3A_311 = arith.constant dense<0x7F800000> : vector<128xf32>
    %reduce_min3A_312 = vector.multi_reduction <minimumf>, %select_n3A_310, %reduce_min3A_311 [0] : vector<1024x128xf32> to vector<128xf32>
    %broadcast_in_dim3A_313 = vector.shape_cast %reduce_min3A_312 : vector<128xf32> to vector<1x128xf32>
    %eq3A_314 = vector.broadcast %broadcast_in_dim3A_313 : vector<1x128xf32> to vector<1024x128xf32>
    %eq3A_315 = arith.cmpf oeq, %select_n3A_310, %eq3A_314 : vector<1024x128xf32>
    %jit3A_316 = arith.constant 10240 : i32
    %broadcast_in_dim3A_317 = vector.broadcast %jit3A_316 : i32 to vector<1024x128xi32>
    %select_n3A_318 = arith.select %eq3A_315, %concatenate3A_65, %broadcast_in_dim3A_317 : vector<1024x128xi1>, vector<1024x128xi32>
    %reduce_min3A_319 = arith.constant dense<2147483647> : vector<128xi32>
    %reduce_min3A_320 = vector.multi_reduction <minsi>, %select_n3A_318, %reduce_min3A_319 [0] : vector<1024x128xi32> to vector<128xi32>
    %broadcast_in_dim3A_321 = vector.shape_cast %reduce_min3A_320 : vector<128xi32> to vector<1x128xi32>
    %eq3A_322 = arith.constant 11 : i32
    %eq3A_323 = vector.broadcast %eq3A_322 : i32 to vector<16x128xi32>
    %eq3A_324 = arith.cmpi eq, %iota3A_66, %eq3A_323 : vector<16x128xi32>
    %broadcast_in_dim3A_325 = vector.shape_cast %broadcast_in_dim3A_321 : vector<1x128xi32> to vector<1x128xi32>
    %broadcast_in_dim3A_326 = vector.broadcast %broadcast_in_dim3A_325 : vector<1x128xi32> to vector<16x128xi32>
    %select_n3A_327 = arith.select %eq3A_324, %broadcast_in_dim3A_326, %select_n3A_305 : vector<16x128xi1>, vector<16x128xi32>
    %eq3A_328 = vector.broadcast %broadcast_in_dim3A_321 : vector<1x128xi32> to vector<1024x128xi32>
    %eq3A_329 = arith.cmpi eq, %select_n3A_318, %eq3A_328 : vector<1024x128xi32>
    %jit3A_330 = arith.constant 0x7F800000 : f32
    %broadcast_in_dim3A_331 = vector.broadcast %jit3A_330 : f32 to vector<1024x128xf32>
    %select_n3A_332 = arith.select %eq3A_329, %broadcast_in_dim3A_331, %select_n3A_310 : vector<1024x128xi1>, vector<1024x128xf32>
    %reduce_min3A_333 = arith.constant dense<0x7F800000> : vector<128xf32>
    %reduce_min3A_334 = vector.multi_reduction <minimumf>, %select_n3A_332, %reduce_min3A_333 [0] : vector<1024x128xf32> to vector<128xf32>
    %broadcast_in_dim3A_335 = vector.shape_cast %reduce_min3A_334 : vector<128xf32> to vector<1x128xf32>
    %eq3A_336 = vector.broadcast %broadcast_in_dim3A_335 : vector<1x128xf32> to vector<1024x128xf32>
    %eq3A_337 = arith.cmpf oeq, %select_n3A_332, %eq3A_336 : vector<1024x128xf32>
    %jit3A_338 = arith.constant 10240 : i32
    %broadcast_in_dim3A_339 = vector.broadcast %jit3A_338 : i32 to vector<1024x128xi32>
    %select_n3A_340 = arith.select %eq3A_337, %concatenate3A_65, %broadcast_in_dim3A_339 : vector<1024x128xi1>, vector<1024x128xi32>
    %reduce_min3A_341 = arith.constant dense<2147483647> : vector<128xi32>
    %reduce_min3A_342 = vector.multi_reduction <minsi>, %select_n3A_340, %reduce_min3A_341 [0] : vector<1024x128xi32> to vector<128xi32>
    %broadcast_in_dim3A_343 = vector.shape_cast %reduce_min3A_342 : vector<128xi32> to vector<1x128xi32>
    %eq3A_344 = arith.constant 12 : i32
    %eq3A_345 = vector.broadcast %eq3A_344 : i32 to vector<16x128xi32>
    %eq3A_346 = arith.cmpi eq, %iota3A_66, %eq3A_345 : vector<16x128xi32>
    %broadcast_in_dim3A_347 = vector.shape_cast %broadcast_in_dim3A_343 : vector<1x128xi32> to vector<1x128xi32>
    %broadcast_in_dim3A_348 = vector.broadcast %broadcast_in_dim3A_347 : vector<1x128xi32> to vector<16x128xi32>
    %select_n3A_349 = arith.select %eq3A_346, %broadcast_in_dim3A_348, %select_n3A_327 : vector<16x128xi1>, vector<16x128xi32>
    %eq3A_350 = vector.broadcast %broadcast_in_dim3A_343 : vector<1x128xi32> to vector<1024x128xi32>
    %eq3A_351 = arith.cmpi eq, %select_n3A_340, %eq3A_350 : vector<1024x128xi32>
    %jit3A_352 = arith.constant 0x7F800000 : f32
    %broadcast_in_dim3A_353 = vector.broadcast %jit3A_352 : f32 to vector<1024x128xf32>
    %select_n3A_354 = arith.select %eq3A_351, %broadcast_in_dim3A_353, %select_n3A_332 : vector<1024x128xi1>, vector<1024x128xf32>
    %reduce_min3A_355 = arith.constant dense<0x7F800000> : vector<128xf32>
    %reduce_min3A_356 = vector.multi_reduction <minimumf>, %select_n3A_354, %reduce_min3A_355 [0] : vector<1024x128xf32> to vector<128xf32>
    %broadcast_in_dim3A_357 = vector.shape_cast %reduce_min3A_356 : vector<128xf32> to vector<1x128xf32>
    %eq3A_358 = vector.broadcast %broadcast_in_dim3A_357 : vector<1x128xf32> to vector<1024x128xf32>
    %eq3A_359 = arith.cmpf oeq, %select_n3A_354, %eq3A_358 : vector<1024x128xf32>
    %jit3A_360 = arith.constant 10240 : i32
    %broadcast_in_dim3A_361 = vector.broadcast %jit3A_360 : i32 to vector<1024x128xi32>
    %select_n3A_362 = arith.select %eq3A_359, %concatenate3A_65, %broadcast_in_dim3A_361 : vector<1024x128xi1>, vector<1024x128xi32>
    %reduce_min3A_363 = arith.constant dense<2147483647> : vector<128xi32>
    %reduce_min3A_364 = vector.multi_reduction <minsi>, %select_n3A_362, %reduce_min3A_363 [0] : vector<1024x128xi32> to vector<128xi32>
    %broadcast_in_dim3A_365 = vector.shape_cast %reduce_min3A_364 : vector<128xi32> to vector<1x128xi32>
    %eq3A_366 = arith.constant 13 : i32
    %eq3A_367 = vector.broadcast %eq3A_366 : i32 to vector<16x128xi32>
    %eq3A_368 = arith.cmpi eq, %iota3A_66, %eq3A_367 : vector<16x128xi32>
    %broadcast_in_dim3A_369 = vector.shape_cast %broadcast_in_dim3A_365 : vector<1x128xi32> to vector<1x128xi32>
    %broadcast_in_dim3A_370 = vector.broadcast %broadcast_in_dim3A_369 : vector<1x128xi32> to vector<16x128xi32>
    %select_n3A_371 = arith.select %eq3A_368, %broadcast_in_dim3A_370, %select_n3A_349 : vector<16x128xi1>, vector<16x128xi32>
    %eq3A_372 = vector.broadcast %broadcast_in_dim3A_365 : vector<1x128xi32> to vector<1024x128xi32>
    %eq3A_373 = arith.cmpi eq, %select_n3A_362, %eq3A_372 : vector<1024x128xi32>
    %jit3A_374 = arith.constant 0x7F800000 : f32
    %broadcast_in_dim3A_375 = vector.broadcast %jit3A_374 : f32 to vector<1024x128xf32>
    %select_n3A_376 = arith.select %eq3A_373, %broadcast_in_dim3A_375, %select_n3A_354 : vector<1024x128xi1>, vector<1024x128xf32>
    %reduce_min3A_377 = arith.constant dense<0x7F800000> : vector<128xf32>
    %reduce_min3A_378 = vector.multi_reduction <minimumf>, %select_n3A_376, %reduce_min3A_377 [0] : vector<1024x128xf32> to vector<128xf32>
    %broadcast_in_dim3A_379 = vector.shape_cast %reduce_min3A_378 : vector<128xf32> to vector<1x128xf32>
    %eq3A_380 = vector.broadcast %broadcast_in_dim3A_379 : vector<1x128xf32> to vector<1024x128xf32>
    %eq3A_381 = arith.cmpf oeq, %select_n3A_376, %eq3A_380 : vector<1024x128xf32>
    %jit3A_382 = arith.constant 10240 : i32
    %broadcast_in_dim3A_383 = vector.broadcast %jit3A_382 : i32 to vector<1024x128xi32>
    %select_n3A_384 = arith.select %eq3A_381, %concatenate3A_65, %broadcast_in_dim3A_383 : vector<1024x128xi1>, vector<1024x128xi32>
    %reduce_min3A_385 = arith.constant dense<2147483647> : vector<128xi32>
    %reduce_min3A_386 = vector.multi_reduction <minsi>, %select_n3A_384, %reduce_min3A_385 [0] : vector<1024x128xi32> to vector<128xi32>
    %broadcast_in_dim3A_387 = vector.shape_cast %reduce_min3A_386 : vector<128xi32> to vector<1x128xi32>
    %eq3A_388 = arith.constant 14 : i32
    %eq3A_389 = vector.broadcast %eq3A_388 : i32 to vector<16x128xi32>
    %eq3A_390 = arith.cmpi eq, %iota3A_66, %eq3A_389 : vector<16x128xi32>
    %broadcast_in_dim3A_391 = vector.shape_cast %broadcast_in_dim3A_387 : vector<1x128xi32> to vector<1x128xi32>
    %broadcast_in_dim3A_392 = vector.broadcast %broadcast_in_dim3A_391 : vector<1x128xi32> to vector<16x128xi32>
    %select_n3A_393 = arith.select %eq3A_390, %broadcast_in_dim3A_392, %select_n3A_371 : vector<16x128xi1>, vector<16x128xi32>
    %eq3A_394 = vector.broadcast %broadcast_in_dim3A_387 : vector<1x128xi32> to vector<1024x128xi32>
    %eq3A_395 = arith.cmpi eq, %select_n3A_384, %eq3A_394 : vector<1024x128xi32>
    %jit3A_396 = arith.constant 0x7F800000 : f32
    %broadcast_in_dim3A_397 = vector.broadcast %jit3A_396 : f32 to vector<1024x128xf32>
    %select_n3A_398 = arith.select %eq3A_395, %broadcast_in_dim3A_397, %select_n3A_376 : vector<1024x128xi1>, vector<1024x128xf32>
    %reduce_min3A_399 = arith.constant dense<0x7F800000> : vector<128xf32>
    %reduce_min3A_400 = vector.multi_reduction <minimumf>, %select_n3A_398, %reduce_min3A_399 [0] : vector<1024x128xf32> to vector<128xf32>
    %broadcast_in_dim3A_401 = vector.shape_cast %reduce_min3A_400 : vector<128xf32> to vector<1x128xf32>
    %eq3A_402 = vector.broadcast %broadcast_in_dim3A_401 : vector<1x128xf32> to vector<1024x128xf32>
    %eq3A_403 = arith.cmpf oeq, %select_n3A_398, %eq3A_402 : vector<1024x128xf32>
    %jit3A_404 = arith.constant 10240 : i32
    %broadcast_in_dim3A_405 = vector.broadcast %jit3A_404 : i32 to vector<1024x128xi32>
    %select_n3A_406 = arith.select %eq3A_403, %concatenate3A_65, %broadcast_in_dim3A_405 : vector<1024x128xi1>, vector<1024x128xi32>
    %reduce_min3A_407 = arith.constant dense<2147483647> : vector<128xi32>
    %reduce_min3A_408 = vector.multi_reduction <minsi>, %select_n3A_406, %reduce_min3A_407 [0] : vector<1024x128xi32> to vector<128xi32>
    %broadcast_in_dim3A_409 = vector.shape_cast %reduce_min3A_408 : vector<128xi32> to vector<1x128xi32>
    %eq3A_410 = arith.constant 15 : i32
    %eq3A_411 = vector.broadcast %eq3A_410 : i32 to vector<16x128xi32>
    %eq3A_412 = arith.cmpi eq, %iota3A_66, %eq3A_411 : vector<16x128xi32>
    %broadcast_in_dim3A_413 = vector.shape_cast %broadcast_in_dim3A_409 : vector<1x128xi32> to vector<1x128xi32>
    %broadcast_in_dim3A_414 = vector.broadcast %broadcast_in_dim3A_413 : vector<1x128xi32> to vector<16x128xi32>
    %select_n3A_415 = arith.select %eq3A_412, %broadcast_in_dim3A_414, %select_n3A_393 : vector<16x128xi1>, vector<16x128xi32>
    %swap3A = arith.constant 0 : index
    %swap3A_416 = arith.constant 0 : index
    %swap3A_417 = vector.load %arg4[%swap3A, %swap3A_416] : memref<16x128xi32, #tpu.memory_space<vmem>>, vector<16x128xi32>
    tpu.vector_store %arg4[%swap3A, %swap3A_416], %select_n3A_415 {strides = array<i32>} : memref<16x128xi32, #tpu.memory_space<vmem>>, vector<16x128xi32>,
    return
  }
  func.func @transform_0(%arg0: i32) -> (i32, i32) {
    %c0_i32 = arith.constant 0 : i32
    %c0_i32_0 = arith.constant 0 : i32
    %c0_i32_1 = arith.constant 0 : i32
    return %c0_i32, %c0_i32_0 : i32, i32
  }
  func.func @transform_1(%arg0: i32) -> (i32, i32) {
    %c0_i32 = arith.constant 0 : i32
    %c0_i32_0 = arith.constant 0 : i32
    %c0_i32_1 = arith.constant 0 : i32
    return %c0_i32, %c0_i32_0 : i32, i32
  }
  func.func @transform_2(%arg0: i32) -> (i32, i32) {
    %c0_i32 = arith.constant 0 : i32
    %c0_i32_0 = arith.constant 0 : i32
    return %c0_i32, %arg0 : i32, i32
  }
  func.func @transform_3(%arg0: i32) -> (i32, i32) {
    %c0_i32 = arith.constant 0 : i32
    %c0_i32_0 = arith.constant 0 : i32
    return %c0_i32, %arg0 : i32, i32
  }
}

module attributes {stable_mosaic.version = 14 : i64} {
  func.func @_d1_body(%arg0: memref<10240x128xf32, #tpu.memory_space<vmem>>, %arg1: memref<10240x128xf32, #tpu.memory_space<vmem>>, %arg2: memref<10240x8xf32, #tpu.memory_space<vmem>>, %arg3: memref<128x128xf32, #tpu.memory_space<vmem>>, %arg4: memref<1x128xf32, #tpu.memory_space<vmem>>, %arg5: memref<1x128xf32, #tpu.memory_space<vmem>>, %arg6: memref<128x128xf32, #tpu.memory_space<vmem>>, %arg7: memref<1x128xf32, #tpu.memory_space<vmem>>, %arg8: memref<1x128xf32, #tpu.memory_space<vmem>>, %arg9: memref<1x128xf32, #tpu.memory_space<vmem>>, %arg10: memref<128x128xf32, #tpu.memory_space<vmem>>, %arg11: memref<1x128xf32, #tpu.memory_space<vmem>>, %arg12: memref<1x128xf32, #tpu.memory_space<vmem>>, %arg13: memref<1x128xf32, #tpu.memory_space<vmem>>, %arg14: memref<128x128xf32, #tpu.memory_space<vmem>>, %arg15: memref<1x128xf32, #tpu.memory_space<vmem>>, %arg16: memref<128x8xf32, #tpu.memory_space<vmem>>, %arg17: memref<10240x128xf32, #tpu.memory_space<vmem>>, %arg18: memref<10240x128xf32, #tpu.memory_space<vmem>>, %arg19: memref<10240x8xf32, #tpu.memory_space<vmem>>, %arg20: memref<10240x128xf32, #tpu.memory_space<vmem>>) attributes {dimension_semantics = [], scalar_prefetch = 0 : i64, scratch_operands = 0 : i64, tpu.core_type = #tpu.core_type<tc>} {
    %get3A = arith.constant 0 : index
    %get3A_0 = arith.constant 0 : index
    %get3A_1 = vector.load %arg0[%get3A, %get3A_0] : memref<10240x128xf32, #tpu.memory_space<vmem>>, vector<10240x128xf32>
    %get3A_2 = arith.constant 0 : index
    %get3A_3 = arith.constant 0 : index
    %get3A_4 = vector.load %arg1[%get3A_2, %get3A_3] : memref<10240x128xf32, #tpu.memory_space<vmem>>, vector<10240x128xf32>
    %add3A = arith.addf %get3A_1, %get3A_4 : vector<10240x128xf32>
    %swap3A = arith.constant 0 : index
    %swap3A_5 = arith.constant 0 : index
    %swap3A_6 = vector.load %arg17[%swap3A, %swap3A_5] : memref<10240x128xf32, #tpu.memory_space<vmem>>, vector<10240x128xf32>
    tpu.vector_store %arg17[%swap3A, %swap3A_5], %add3A {strides = array<i32>} : memref<10240x128xf32, #tpu.memory_space<vmem>>, vector<10240x128xf32>,
    %get3A_7 = arith.constant 0 : index
    %get3A_8 = arith.constant 0 : index
    %get3A_9 = vector.load %arg3[%get3A_7, %get3A_8] : memref<128x128xf32, #tpu.memory_space<vmem>>, vector<128x128xf32>
    %dot_general3A = arith.constant dense<0.000000e+00> : vector<10240x128xf32>
    %dot_general3A_10 = tpu.matmul %add3A, %get3A_9, %dot_general3A {dimension_numbers = #tpu.dot_dimension_numbers<[1], [0], [0], [1], [0, 0, 1, 1], [], []>, transpose_lhs_hint = false} : vector<10240x128xf32>, vector<128x128xf32>, vector<10240x128xf32> -> vector<10240x128xf32>
    %get3A_11 = arith.constant 0 : index
    %get3A_12 = arith.constant 0 : index
    %get3A_13 = vector.load %arg4[%get3A_11, %get3A_12] : memref<1x128xf32, #tpu.memory_space<vmem>>, vector<1x128xf32>
    %get3A_14 = arith.constant 0 : index
    %get3A_15 = arith.constant 0 : index
    %get3A_16 = vector.load %arg5[%get3A_14, %get3A_15] : memref<1x128xf32, #tpu.memory_space<vmem>>, vector<1x128xf32>
    %iota3A = tpu.iota {dimensions = array<i32: 0>} : vector<10240x1xi32>
    %lt3A = arith.constant 10000 : i32
    %lt3A_17 = vector.broadcast %lt3A : i32 to vector<10240x1xi32>
    %lt3A_18 = arith.cmpi slt, %iota3A, %lt3A_17 : vector<10240x1xi32>
    %jit3A = arith.constant 0.000000e+00 : f32
    %broadcast_in_dim3A = vector.shape_cast %lt3A_18 : vector<10240x1xi1> to vector<10240x1xi1>
    %broadcast_in_dim3A_19 = vector.broadcast %broadcast_in_dim3A : vector<10240x1xi1> to vector<10240x128xi1>
    %broadcast_in_dim3A_20 = vector.broadcast %jit3A : f32 to vector<10240x128xf32>
    %select_n3A = arith.select %broadcast_in_dim3A_19, %dot_general3A_10, %broadcast_in_dim3A_20 : vector<10240x128xi1>, vector<10240x128xf32>
    %reduce_sum3A = arith.constant dense<0.000000e+00> : vector<128xf32>
    %reduce_sum3A_21 = vector.multi_reduction <add>, %select_n3A, %reduce_sum3A [0] : vector<10240x128xf32> to vector<128xf32>
    %broadcast_in_dim3A_22 = vector.shape_cast %reduce_sum3A_21 : vector<128xf32> to vector<1x128xf32>
    %div3A = arith.constant 1.000000e+04 : f32
    %div3A_23 = vector.broadcast %div3A : f32 to vector<1x128xf32>
    %div3A_24 = arith.divf %broadcast_in_dim3A_22, %div3A_23 : vector<1x128xf32>
    %sub3A = vector.broadcast %div3A_24 : vector<1x128xf32> to vector<10240x128xf32>
    %sub3A_25 = arith.subf %dot_general3A_10, %sub3A : vector<10240x128xf32>
    %jit3A_26 = arith.constant 0.000000e+00 : f32
    %broadcast_in_dim3A_27 = vector.shape_cast %lt3A_18 : vector<10240x1xi1> to vector<10240x1xi1>
    %broadcast_in_dim3A_28 = vector.broadcast %broadcast_in_dim3A_27 : vector<10240x1xi1> to vector<10240x128xi1>
    %broadcast_in_dim3A_29 = vector.broadcast %jit3A_26 : f32 to vector<10240x128xf32>
    %select_n3A_30 = arith.select %broadcast_in_dim3A_28, %sub3A_25, %broadcast_in_dim3A_29 : vector<10240x128xi1>, vector<10240x128xf32>
    %mul3A = arith.mulf %select_n3A_30, %select_n3A_30 : vector<10240x128xf32>
    %reduce_sum3A_31 = arith.constant dense<0.000000e+00> : vector<128xf32>
    %reduce_sum3A_32 = vector.multi_reduction <add>, %mul3A, %reduce_sum3A_31 [0] : vector<10240x128xf32> to vector<128xf32>
    %broadcast_in_dim3A_33 = vector.shape_cast %reduce_sum3A_32 : vector<128xf32> to vector<1x128xf32>
    %div3A_34 = arith.constant 1.000000e+04 : f32
    %div3A_35 = vector.broadcast %div3A_34 : f32 to vector<1x128xf32>
    %div3A_36 = arith.divf %broadcast_in_dim3A_33, %div3A_35 : vector<1x128xf32>
    %sub3A_37 = vector.broadcast %div3A_24 : vector<1x128xf32> to vector<10240x128xf32>
    %sub3A_38 = arith.subf %dot_general3A_10, %sub3A_37 : vector<10240x128xf32>
    %add3A_39 = arith.constant 9.99999974E-6 : f32
    %add3A_40 = vector.broadcast %add3A_39 : f32 to vector<1x128xf32>
    %add3A_41 = arith.addf %div3A_36, %add3A_40 : vector<1x128xf32>
    %sqrt3A = math.sqrt %add3A_41 : vector<1x128xf32>
    %div3A_42 = vector.broadcast %sqrt3A : vector<1x128xf32> to vector<10240x128xf32>
    %div3A_43 = arith.divf %sub3A_38, %div3A_42 : vector<10240x128xf32>
    %mul3A_44 = vector.broadcast %get3A_13 : vector<1x128xf32> to vector<10240x128xf32>
    %mul3A_45 = arith.mulf %div3A_43, %mul3A_44 : vector<10240x128xf32>
    %add3A_46 = vector.broadcast %get3A_16 : vector<1x128xf32> to vector<10240x128xf32>
    %add3A_47 = arith.addf %mul3A_45, %add3A_46 : vector<10240x128xf32>
    %max3A = arith.constant 0.000000e+00 : f32
    %max3A_48 = vector.broadcast %max3A : f32 to vector<10240x128xf32>
    %max3A_49 = arith.maximumf %add3A_47, %max3A_48 : vector<10240x128xf32>
    %get3A_50 = arith.constant 0 : index
    %get3A_51 = arith.constant 0 : index
    %get3A_52 = vector.load %arg6[%get3A_50, %get3A_51] : memref<128x128xf32, #tpu.memory_space<vmem>>, vector<128x128xf32>
    %dot_general3A_53 = arith.constant dense<0.000000e+00> : vector<10240x128xf32>
    %dot_general3A_54 = tpu.matmul %max3A_49, %get3A_52, %dot_general3A_53 {dimension_numbers = #tpu.dot_dimension_numbers<[1], [0], [0], [1], [0, 0, 1, 1], [], []>, transpose_lhs_hint = false} : vector<10240x128xf32>, vector<128x128xf32>, vector<10240x128xf32> -> vector<10240x128xf32>
    %get3A_55 = arith.constant 0 : index
    %get3A_56 = arith.constant 0 : index
    %get3A_57 = vector.load %arg7[%get3A_55, %get3A_56] : memref<1x128xf32, #tpu.memory_space<vmem>>, vector<1x128xf32>
    %add3A_58 = vector.broadcast %get3A_57 : vector<1x128xf32> to vector<10240x128xf32>
    %add3A_59 = arith.addf %dot_general3A_54, %add3A_58 : vector<10240x128xf32>
    %get3A_60 = arith.constant 0 : index
    %get3A_61 = arith.constant 0 : index
    %get3A_62 = vector.load %arg8[%get3A_60, %get3A_61] : memref<1x128xf32, #tpu.memory_space<vmem>>, vector<1x128xf32>
    %get3A_63 = arith.constant 0 : index
    %get3A_64 = arith.constant 0 : index
    %get3A_65 = vector.load %arg9[%get3A_63, %get3A_64] : memref<1x128xf32, #tpu.memory_space<vmem>>, vector<1x128xf32>
    %iota3A_66 = tpu.iota {dimensions = array<i32: 0>} : vector<10240x1xi32>
    %lt3A_67 = arith.constant 10000 : i32
    %lt3A_68 = vector.broadcast %lt3A_67 : i32 to vector<10240x1xi32>
    %lt3A_69 = arith.cmpi slt, %iota3A_66, %lt3A_68 : vector<10240x1xi32>
    %jit3A_70 = arith.constant 0.000000e+00 : f32
    %broadcast_in_dim3A_71 = vector.shape_cast %lt3A_69 : vector<10240x1xi1> to vector<10240x1xi1>
    %broadcast_in_dim3A_72 = vector.broadcast %broadcast_in_dim3A_71 : vector<10240x1xi1> to vector<10240x128xi1>
    %broadcast_in_dim3A_73 = vector.broadcast %jit3A_70 : f32 to vector<10240x128xf32>
    %select_n3A_74 = arith.select %broadcast_in_dim3A_72, %add3A_59, %broadcast_in_dim3A_73 : vector<10240x128xi1>, vector<10240x128xf32>
    %reduce_sum3A_75 = arith.constant dense<0.000000e+00> : vector<128xf32>
    %reduce_sum3A_76 = vector.multi_reduction <add>, %select_n3A_74, %reduce_sum3A_75 [0] : vector<10240x128xf32> to vector<128xf32>
    %broadcast_in_dim3A_77 = vector.shape_cast %reduce_sum3A_76 : vector<128xf32> to vector<1x128xf32>
    %div3A_78 = arith.constant 1.000000e+04 : f32
    %div3A_79 = vector.broadcast %div3A_78 : f32 to vector<1x128xf32>
    %div3A_80 = arith.divf %broadcast_in_dim3A_77, %div3A_79 : vector<1x128xf32>
    %sub3A_81 = vector.broadcast %div3A_80 : vector<1x128xf32> to vector<10240x128xf32>
    %sub3A_82 = arith.subf %add3A_59, %sub3A_81 : vector<10240x128xf32>
    %jit3A_83 = arith.constant 0.000000e+00 : f32
    %broadcast_in_dim3A_84 = vector.shape_cast %lt3A_69 : vector<10240x1xi1> to vector<10240x1xi1>
    %broadcast_in_dim3A_85 = vector.broadcast %broadcast_in_dim3A_84 : vector<10240x1xi1> to vector<10240x128xi1>
    %broadcast_in_dim3A_86 = vector.broadcast %jit3A_83 : f32 to vector<10240x128xf32>
    %select_n3A_87 = arith.select %broadcast_in_dim3A_85, %sub3A_82, %broadcast_in_dim3A_86 : vector<10240x128xi1>, vector<10240x128xf32>
    %mul3A_88 = arith.mulf %select_n3A_87, %select_n3A_87 : vector<10240x128xf32>
    %reduce_sum3A_89 = arith.constant dense<0.000000e+00> : vector<128xf32>
    %reduce_sum3A_90 = vector.multi_reduction <add>, %mul3A_88, %reduce_sum3A_89 [0] : vector<10240x128xf32> to vector<128xf32>
    %broadcast_in_dim3A_91 = vector.shape_cast %reduce_sum3A_90 : vector<128xf32> to vector<1x128xf32>
    %div3A_92 = arith.constant 1.000000e+04 : f32
    %div3A_93 = vector.broadcast %div3A_92 : f32 to vector<1x128xf32>
    %div3A_94 = arith.divf %broadcast_in_dim3A_91, %div3A_93 : vector<1x128xf32>
    %sub3A_95 = vector.broadcast %div3A_80 : vector<1x128xf32> to vector<10240x128xf32>
    %sub3A_96 = arith.subf %add3A_59, %sub3A_95 : vector<10240x128xf32>
    %add3A_97 = arith.constant 9.99999974E-6 : f32
    %add3A_98 = vector.broadcast %add3A_97 : f32 to vector<1x128xf32>
    %add3A_99 = arith.addf %div3A_94, %add3A_98 : vector<1x128xf32>
    %sqrt3A_100 = math.sqrt %add3A_99 : vector<1x128xf32>
    %div3A_101 = vector.broadcast %sqrt3A_100 : vector<1x128xf32> to vector<10240x128xf32>
    %div3A_102 = arith.divf %sub3A_96, %div3A_101 : vector<10240x128xf32>
    %mul3A_103 = vector.broadcast %get3A_62 : vector<1x128xf32> to vector<10240x128xf32>
    %mul3A_104 = arith.mulf %div3A_102, %mul3A_103 : vector<10240x128xf32>
    %add3A_105 = vector.broadcast %get3A_65 : vector<1x128xf32> to vector<10240x128xf32>
    %add3A_106 = arith.addf %mul3A_104, %add3A_105 : vector<10240x128xf32>
    %max3A_107 = arith.constant 0.000000e+00 : f32
    %max3A_108 = vector.broadcast %max3A_107 : f32 to vector<10240x128xf32>
    %max3A_109 = arith.maximumf %add3A_106, %max3A_108 : vector<10240x128xf32>
    %get3A_110 = arith.constant 0 : index
    %get3A_111 = arith.constant 0 : index
    %get3A_112 = vector.load %arg10[%get3A_110, %get3A_111] : memref<128x128xf32, #tpu.memory_space<vmem>>, vector<128x128xf32>
    %dot_general3A_113 = arith.constant dense<0.000000e+00> : vector<10240x128xf32>
    %dot_general3A_114 = tpu.matmul %max3A_49, %get3A_112, %dot_general3A_113 {dimension_numbers = #tpu.dot_dimension_numbers<[1], [0], [0], [1], [0, 0, 1, 1], [], []>, transpose_lhs_hint = false} : vector<10240x128xf32>, vector<128x128xf32>, vector<10240x128xf32> -> vector<10240x128xf32>
    %get3A_115 = arith.constant 0 : index
    %get3A_116 = arith.constant 0 : index
    %get3A_117 = vector.load %arg11[%get3A_115, %get3A_116] : memref<1x128xf32, #tpu.memory_space<vmem>>, vector<1x128xf32>
    %add3A_118 = vector.broadcast %get3A_117 : vector<1x128xf32> to vector<10240x128xf32>
    %add3A_119 = arith.addf %dot_general3A_114, %add3A_118 : vector<10240x128xf32>
    %get3A_120 = arith.constant 0 : index
    %get3A_121 = arith.constant 0 : index
    %get3A_122 = vector.load %arg12[%get3A_120, %get3A_121] : memref<1x128xf32, #tpu.memory_space<vmem>>, vector<1x128xf32>
    %get3A_123 = arith.constant 0 : index
    %get3A_124 = arith.constant 0 : index
    %get3A_125 = vector.load %arg13[%get3A_123, %get3A_124] : memref<1x128xf32, #tpu.memory_space<vmem>>, vector<1x128xf32>
    %iota3A_126 = tpu.iota {dimensions = array<i32: 0>} : vector<10240x1xi32>
    %lt3A_127 = arith.constant 10000 : i32
    %lt3A_128 = vector.broadcast %lt3A_127 : i32 to vector<10240x1xi32>
    %lt3A_129 = arith.cmpi slt, %iota3A_126, %lt3A_128 : vector<10240x1xi32>
    %jit3A_130 = arith.constant 0.000000e+00 : f32
    %broadcast_in_dim3A_131 = vector.shape_cast %lt3A_129 : vector<10240x1xi1> to vector<10240x1xi1>
    %broadcast_in_dim3A_132 = vector.broadcast %broadcast_in_dim3A_131 : vector<10240x1xi1> to vector<10240x128xi1>
    %broadcast_in_dim3A_133 = vector.broadcast %jit3A_130 : f32 to vector<10240x128xf32>
    %select_n3A_134 = arith.select %broadcast_in_dim3A_132, %add3A_119, %broadcast_in_dim3A_133 : vector<10240x128xi1>, vector<10240x128xf32>
    %reduce_sum3A_135 = arith.constant dense<0.000000e+00> : vector<128xf32>
    %reduce_sum3A_136 = vector.multi_reduction <add>, %select_n3A_134, %reduce_sum3A_135 [0] : vector<10240x128xf32> to vector<128xf32>
    %broadcast_in_dim3A_137 = vector.shape_cast %reduce_sum3A_136 : vector<128xf32> to vector<1x128xf32>
    %div3A_138 = arith.constant 1.000000e+04 : f32
    %div3A_139 = vector.broadcast %div3A_138 : f32 to vector<1x128xf32>
    %div3A_140 = arith.divf %broadcast_in_dim3A_137, %div3A_139 : vector<1x128xf32>
    %sub3A_141 = vector.broadcast %div3A_140 : vector<1x128xf32> to vector<10240x128xf32>
    %sub3A_142 = arith.subf %add3A_119, %sub3A_141 : vector<10240x128xf32>
    %jit3A_143 = arith.constant 0.000000e+00 : f32
    %broadcast_in_dim3A_144 = vector.shape_cast %lt3A_129 : vector<10240x1xi1> to vector<10240x1xi1>
    %broadcast_in_dim3A_145 = vector.broadcast %broadcast_in_dim3A_144 : vector<10240x1xi1> to vector<10240x128xi1>
    %broadcast_in_dim3A_146 = vector.broadcast %jit3A_143 : f32 to vector<10240x128xf32>
    %select_n3A_147 = arith.select %broadcast_in_dim3A_145, %sub3A_142, %broadcast_in_dim3A_146 : vector<10240x128xi1>, vector<10240x128xf32>
    %mul3A_148 = arith.mulf %select_n3A_147, %select_n3A_147 : vector<10240x128xf32>
    %reduce_sum3A_149 = arith.constant dense<0.000000e+00> : vector<128xf32>
    %reduce_sum3A_150 = vector.multi_reduction <add>, %mul3A_148, %reduce_sum3A_149 [0] : vector<10240x128xf32> to vector<128xf32>
    %broadcast_in_dim3A_151 = vector.shape_cast %reduce_sum3A_150 : vector<128xf32> to vector<1x128xf32>
    %div3A_152 = arith.constant 1.000000e+04 : f32
    %div3A_153 = vector.broadcast %div3A_152 : f32 to vector<1x128xf32>
    %div3A_154 = arith.divf %broadcast_in_dim3A_151, %div3A_153 : vector<1x128xf32>
    %sub3A_155 = vector.broadcast %div3A_140 : vector<1x128xf32> to vector<10240x128xf32>
    %sub3A_156 = arith.subf %add3A_119, %sub3A_155 : vector<10240x128xf32>
    %add3A_157 = arith.constant 9.99999974E-6 : f32
    %add3A_158 = vector.broadcast %add3A_157 : f32 to vector<1x128xf32>
    %add3A_159 = arith.addf %div3A_154, %add3A_158 : vector<1x128xf32>
    %sqrt3A_160 = math.sqrt %add3A_159 : vector<1x128xf32>
    %div3A_161 = vector.broadcast %sqrt3A_160 : vector<1x128xf32> to vector<10240x128xf32>
    %div3A_162 = arith.divf %sub3A_156, %div3A_161 : vector<10240x128xf32>
    %mul3A_163 = vector.broadcast %get3A_122 : vector<1x128xf32> to vector<10240x128xf32>
    %mul3A_164 = arith.mulf %div3A_162, %mul3A_163 : vector<10240x128xf32>
    %add3A_165 = vector.broadcast %get3A_125 : vector<1x128xf32> to vector<10240x128xf32>
    %add3A_166 = arith.addf %mul3A_164, %add3A_165 : vector<10240x128xf32>
    %max3A_167 = arith.constant 0.000000e+00 : f32
    %max3A_168 = vector.broadcast %max3A_167 : f32 to vector<10240x128xf32>
    %max3A_169 = arith.maximumf %add3A_166, %max3A_168 : vector<10240x128xf32>
    %get3A_170 = arith.constant 0 : index
    %get3A_171 = arith.constant 0 : index
    %get3A_172 = vector.load %arg14[%get3A_170, %get3A_171] : memref<128x128xf32, #tpu.memory_space<vmem>>, vector<128x128xf32>
    %dot_general3A_173 = arith.constant dense<0.000000e+00> : vector<10240x128xf32>
    %dot_general3A_174 = tpu.matmul %max3A_49, %get3A_172, %dot_general3A_173 {dimension_numbers = #tpu.dot_dimension_numbers<[1], [0], [0], [1], [0, 0, 1, 1], [], []>, transpose_lhs_hint = false} : vector<10240x128xf32>, vector<128x128xf32>, vector<10240x128xf32> -> vector<10240x128xf32>
    %get3A_175 = arith.constant 0 : index
    %get3A_176 = arith.constant 0 : index
    %get3A_177 = vector.load %arg15[%get3A_175, %get3A_176] : memref<1x128xf32, #tpu.memory_space<vmem>>, vector<1x128xf32>
    %add3A_178 = vector.broadcast %get3A_177 : vector<1x128xf32> to vector<10240x128xf32>
    %add3A_179 = arith.addf %dot_general3A_174, %add3A_178 : vector<10240x128xf32>
    %swap3A_180 = arith.constant 0 : index
    %swap3A_181 = arith.constant 0 : index
    %swap3A_182 = vector.load %arg18[%swap3A_180, %swap3A_181] : memref<10240x128xf32, #tpu.memory_space<vmem>>, vector<10240x128xf32>
    tpu.vector_store %arg18[%swap3A_180, %swap3A_181], %add3A_179 {strides = array<i32>} : memref<10240x128xf32, #tpu.memory_space<vmem>>, vector<10240x128xf32>,
    %get3A_183 = arith.constant 0 : index
    %get3A_184 = arith.constant 0 : index
    %get3A_185 = vector.load %arg16[%get3A_183, %get3A_184] : memref<128x8xf32, #tpu.memory_space<vmem>>, vector<128x8xf32>
    %dot_general3A_186 = arith.constant dense<0.000000e+00> : vector<10240x8xf32>
    %dot_general3A_187 = tpu.matmul %max3A_109, %get3A_185, %dot_general3A_186 {dimension_numbers = #tpu.dot_dimension_numbers<[1], [0], [0], [1], [0, 0, 1, 1], [], []>, transpose_lhs_hint = false} : vector<10240x128xf32>, vector<128x8xf32>, vector<10240x8xf32> -> vector<10240x8xf32>
    %swap3A_188 = arith.constant 0 : index
    %swap3A_189 = arith.constant 0 : index
    %swap3A_190 = vector.load %arg19[%swap3A_188, %swap3A_189] : memref<10240x8xf32, #tpu.memory_space<vmem>>, vector<10240x8xf32>
    tpu.vector_store %arg19[%swap3A_188, %swap3A_189], %dot_general3A_187 {strides = array<i32>} : memref<10240x8xf32, #tpu.memory_space<vmem>>, vector<10240x8xf32>,
    %get3A_191 = arith.constant 0 : index
    %get3A_192 = arith.constant 0 : index
    %get3A_193 = vector.load %arg16[%get3A_191, %get3A_192] : memref<128x8xf32, #tpu.memory_space<vmem>>, vector<128x8xf32>
    %dot_general3A_194 = arith.constant dense<0.000000e+00> : vector<10240x8xf32>
    %dot_general3A_195 = tpu.matmul %max3A_169, %get3A_193, %dot_general3A_194 {dimension_numbers = #tpu.dot_dimension_numbers<[1], [0], [0], [1], [0, 0, 1, 1], [], []>, transpose_lhs_hint = false} : vector<10240x128xf32>, vector<128x8xf32>, vector<10240x8xf32> -> vector<10240x8xf32>
    %get3A_196 = arith.constant 0 : index
    %get3A_197 = arith.constant 0 : index
    %get3A_198 = vector.load %arg2[%get3A_196, %get3A_197] : memref<10240x8xf32, #tpu.memory_space<vmem>>, vector<10240x8xf32>
    %slice3A = vector.extract_strided_slice %get3A_198 {offsets = [0, 0], sizes = [10240, 3], strides = [1, 1]} : vector<10240x8xf32> to vector<10240x3xf32>
    %broadcast_in_dim3A_199 = arith.constant 0.000000e+00 : f32
    %broadcast_in_dim3A_200 = vector.broadcast %broadcast_in_dim3A_199 : f32 to vector<10240x117xf32>
    %concatenate3A = tpu.concatenate %slice3A, %dot_general3A_195, %broadcast_in_dim3A_200 in 1 : vector<10240x3xf32>, vector<10240x8xf32>, vector<10240x117xf32> -> vector<10240x128xf32>
    %swap3A_201 = arith.constant 0 : index
    %swap3A_202 = arith.constant 0 : index
    %swap3A_203 = vector.load %arg20[%swap3A_201, %swap3A_202] : memref<10240x128xf32, #tpu.memory_space<vmem>>, vector<10240x128xf32>
    tpu.vector_store %arg20[%swap3A_201, %swap3A_202], %concatenate3A {strides = array<i32>} : memref<10240x128xf32, #tpu.memory_space<vmem>>, vector<10240x128xf32>,
    return
  }
}

module attributes {stable_mosaic.version = 14 : i64} {
  func.func @_pstat_body(%arg0: i32, %arg1: memref<128x16x128xf32, #tpu.memory_space<vmem>>, %arg2: memref<128x8xf32, #tpu.memory_space<vmem>>, %arg3: memref<8x128xf32, #tpu.memory_space<vmem>>) attributes {dimension_semantics = [#tpu.dimension_semantics<arbitrary>], iteration_bounds = array<i64: 80>, scalar_prefetch = 0 : i64, scratch_operands = 0 : i64, tpu.core_type = #tpu.core_type<tc>, window_params = [{transform_indices = @transform_0, window_bounds = array<i64: 128, 16, 128>}, {transform_indices = @transform_1, window_bounds = array<i64: 128, 8>}, {pipeline_mode = #tpu.pipeline_mode<synchronous>, transform_indices = @transform_2, window_bounds = array<i64: 8, 128>}]} {
    %get3A = arith.constant 0 : index
    %get3A_0 = arith.constant 0 : index
    %get3A_1 = arith.constant 0 : index
    %get3A_2 = vector.load %arg1[%get3A, %get3A_0, %get3A_1] : memref<128x16x128xf32, #tpu.memory_space<vmem>>, vector<128x16x128xf32>
    %slice3A = vector.extract_strided_slice %get3A_2 {offsets = [0, 0, 0], sizes = [128, 16, 3], strides = [1, 1, 1]} : vector<128x16x128xf32> to vector<128x16x3xf32>
    %get3A_3 = arith.constant 0 : index
    %get3A_4 = arith.constant 0 : index
    %get3A_5 = vector.load %arg2[%get3A_3, %get3A_4] : memref<128x8xf32, #tpu.memory_space<vmem>>, vector<128x8xf32>
    %slice3A_6 = vector.extract_strided_slice %get3A_5 {offsets = [0, 0], sizes = [128, 3], strides = [1, 1]} : vector<128x8xf32> to vector<128x3xf32>
    %broadcast_in_dim3A = vector.shape_cast %slice3A_6 : vector<128x3xf32> to vector<128x1x3xf32>
    %sub3A = vector.broadcast %broadcast_in_dim3A : vector<128x1x3xf32> to vector<128x16x3xf32>
    %sub3A_7 = arith.subf %slice3A, %sub3A : vector<128x16x3xf32>
    %iota3A = tpu.iota {dimensions = array<i32: 0>} : vector<128x1x1xi32>
    %mul3A = arith.constant 128 : i32
    %mul3A_8 = arith.muli %arg0, %mul3A : i32
    %add3A = vector.broadcast %mul3A_8 : i32 to vector<128x1x1xi32>
    %add3A_9 = arith.addi %iota3A, %add3A : vector<128x1x1xi32>
    %lt3A = arith.constant 10000 : i32
    %lt3A_10 = vector.broadcast %lt3A : i32 to vector<128x1x1xi32>
    %lt3A_11 = arith.cmpi slt, %add3A_9, %lt3A_10 : vector<128x1x1xi32>
    %jit3A = arith.constant 0.000000e+00 : f32
    %broadcast_in_dim3A_12 = vector.shape_cast %lt3A_11 : vector<128x1x1xi1> to vector<128x1x1xi1>
    %broadcast_in_dim3A_13 = vector.broadcast %broadcast_in_dim3A_12 : vector<128x1x1xi1> to vector<128x16x3xi1>
    %broadcast_in_dim3A_14 = vector.broadcast %jit3A : f32 to vector<128x16x3xf32>
    %select_n3A = arith.select %broadcast_in_dim3A_13, %sub3A_7, %broadcast_in_dim3A_14 : vector<128x16x3xi1>, vector<128x16x3xf32>
    %reshape3A = vector.shape_cast %select_n3A : vector<128x16x3xf32> to vector<2048x3xf32>
    %reduce_sum3A = arith.constant dense<0.000000e+00> : vector<3xf32>
    %reduce_sum3A_15 = vector.multi_reduction <add>, %reshape3A, %reduce_sum3A [0] : vector<2048x3xf32> to vector<3xf32>
    %broadcast_in_dim3A_16 = vector.shape_cast %reduce_sum3A_15 : vector<3xf32> to vector<1x3xf32>
    %dot_general3A = arith.constant dense<0.000000e+00> : vector<3x3xf32>
    %dot_general3A_17 = tpu.matmul %reshape3A, %reshape3A, %dot_general3A {dimension_numbers = #tpu.dot_dimension_numbers<[0], [0], [1], [1], [0, 1, 1, 1], [], []>, transpose_lhs_hint = false} : vector<2048x3xf32>, vector<2048x3xf32>, vector<3x3xf32> -> vector<3x3xf32>
    %jit3A_18 = arith.constant 0 : i32
    %convert_element_type3A = arith.sitofp %jit3A_18 : i32 to f32
    %pad3A = vector.broadcast %convert_element_type3A : f32 to vector<1x125xf32>
    %pad3A_19 = tpu.concatenate %broadcast_in_dim3A_16, %pad3A in 1 : vector<1x3xf32>, vector<1x125xf32> -> vector<1x128xf32>
    %jit3A_20 = arith.constant 0 : i32
    %convert_element_type3A_21 = arith.sitofp %jit3A_20 : i32 to f32
    %pad3A_22 = vector.broadcast %convert_element_type3A_21 : f32 to vector<3x125xf32>
    %pad3A_23 = tpu.concatenate %dot_general3A_17, %pad3A_22 in 1 : vector<3x3xf32>, vector<3x125xf32> -> vector<3x128xf32>
    %broadcast_in_dim3A_24 = arith.constant 0.000000e+00 : f32
    %broadcast_in_dim3A_25 = vector.broadcast %broadcast_in_dim3A_24 : f32 to vector<4x128xf32>
    %concatenate3A = tpu.concatenate %pad3A_19, %pad3A_23, %broadcast_in_dim3A_25 in 0 : vector<1x128xf32>, vector<3x128xf32>, vector<4x128xf32> -> vector<8x128xf32>
    %eq3A = arith.constant 0 : i32
    %eq3A_26 = arith.cmpi eq, %arg0, %eq3A : i32
    %convert_element_type3A_27 = arith.extui %eq3A_26 : i1 to i32
    %cond3A = arith.constant 0 : i32
    %cond3A_28 = arith.cmpi ne, %convert_element_type3A_27, %cond3A : i32
    scf.if %cond3A_28 {
      %swap3A = arith.constant 0 : index
      %swap3A_33 = arith.constant 0 : index
      %swap3A_34 = vector.load %arg3[%swap3A, %swap3A_33] : memref<8x128xf32, #tpu.memory_space<vmem>>, vector<8x128xf32>
      tpu.vector_store %arg3[%swap3A, %swap3A_33], %concatenate3A {strides = array<i32>} : memref<8x128xf32, #tpu.memory_space<vmem>>, vector<8x128xf32>,
    } else {
    }
    %gt3A = arith.constant 0 : i32
    %gt3A_29 = arith.cmpi sgt, %arg0, %gt3A : i32
    %convert_element_type3A_30 = arith.extui %gt3A_29 : i1 to i32
    %cond3A_31 = arith.constant 0 : i32
    %cond3A_32 = arith.cmpi ne, %convert_element_type3A_30, %cond3A_31 : i32
    scf.if %cond3A_32 {
      %get3A_33 = arith.constant 0 : index
      %get3A_34 = arith.constant 0 : index
      %get3A_35 = vector.load %arg3[%get3A_33, %get3A_34] : memref<8x128xf32, #tpu.memory_space<vmem>>, vector<8x128xf32>
      %add3A_36 = arith.addf %get3A_35, %concatenate3A : vector<8x128xf32>
      %swap3A = arith.constant 0 : index
      %swap3A_37 = arith.constant 0 : index
      %swap3A_38 = vector.load %arg3[%swap3A, %swap3A_37] : memref<8x128xf32, #tpu.memory_space<vmem>>, vector<8x128xf32>
      tpu.vector_store %arg3[%swap3A, %swap3A_37], %add3A_36 {strides = array<i32>} : memref<8x128xf32, #tpu.memory_space<vmem>>, vector<8x128xf32>,
    } else {
    }
    return
  }
  func.func @transform_0(%arg0: i32) -> (i32, i32, i32) {
    %c0_i32 = arith.constant 0 : i32
    %c0_i32_0 = arith.constant 0 : i32
    %c0_i32_1 = arith.constant 0 : i32
    return %arg0, %c0_i32, %c0_i32_0 : i32, i32, i32
  }
  func.func @transform_1(%arg0: i32) -> (i32, i32) {
    %c0_i32 = arith.constant 0 : i32
    %c0_i32_0 = arith.constant 0 : i32
    return %arg0, %c0_i32 : i32, i32
  }
  func.func @transform_2(%arg0: i32) -> (i32, i32) {
    %c0_i32 = arith.constant 0 : i32
    %c0_i32_0 = arith.constant 0 : i32
    %c0_i32_1 = arith.constant 0 : i32
    return %c0_i32, %c0_i32_0 : i32, i32
  }
}

module attributes {stable_mosaic.version = 14 : i64} {
  func.func @_zstat_body(%arg0: i32, %arg1: memref<128x16x128xf32, #tpu.memory_space<vmem>>, %arg2: memref<128x8xf32, #tpu.memory_space<vmem>>, %arg3: memref<128x8xf32, #tpu.memory_space<vmem>>, %arg4: memref<128x128xf32, #tpu.memory_space<vmem>>, %arg5: memref<8x128xf32, #tpu.memory_space<vmem>>, %arg6: memref<1x128xf32, #tpu.memory_space<vmem>>, %arg7: memref<128x8xf32, #tpu.memory_space<vmem>>, %arg8: memref<128x8xf32, #tpu.memory_space<vmem>>, %arg9: memref<1x8xf32, #tpu.memory_space<vmem>>, %arg10: memref<8x128xf32, #tpu.memory_space<vmem>>) attributes {dimension_semantics = [#tpu.dimension_semantics<arbitrary>], iteration_bounds = array<i64: 80>, scalar_prefetch = 0 : i64, scratch_operands = 0 : i64, tpu.core_type = #tpu.core_type<tc>, window_params = [{transform_indices = @transform_0, window_bounds = array<i64: 128, 16, 128>}, {transform_indices = @transform_1, window_bounds = array<i64: 128, 8>}, {transform_indices = @transform_2, window_bounds = array<i64: 128, 8>}, {pipeline_mode = #tpu.pipeline_mode<synchronous>, transform_indices = @transform_3, window_bounds = array<i64: 128, 128>}, {pipeline_mode = #tpu.pipeline_mode<synchronous>, transform_indices = @transform_4, window_bounds = array<i64: 8, 128>}, {pipeline_mode = #tpu.pipeline_mode<synchronous>, transform_indices = @transform_5, window_bounds = array<i64: 1, 128>}, {pipeline_mode = #tpu.pipeline_mode<synchronous>, transform_indices = @transform_6, window_bounds = array<i64: 128, 8>}, {pipeline_mode = #tpu.pipeline_mode<synchronous>, transform_indices = @transform_7, window_bounds = array<i64: 128, 8>}, {pipeline_mode = #tpu.pipeline_mode<synchronous>, transform_indices = @transform_8, window_bounds = array<i64: 1, 8>}, {pipeline_mode = #tpu.pipeline_mode<synchronous>, transform_indices = @transform_9, window_bounds = array<i64: 8, 128>}]} {
    %get3A = arith.constant 0 : index
    %get3A_0 = arith.constant 0 : index
    %get3A_1 = arith.constant 0 : index
    %get3A_2 = vector.load %arg1[%get3A, %get3A_0, %get3A_1] : memref<128x16x128xf32, #tpu.memory_space<vmem>>, vector<128x16x128xf32>
    %get3A_3 = arith.constant 0 : index
    %get3A_4 = arith.constant 0 : index
    %get3A_5 = vector.load %arg2[%get3A_3, %get3A_4] : memref<128x8xf32, #tpu.memory_space<vmem>>, vector<128x8xf32>
    %get3A_6 = arith.constant 0 : index
    %get3A_7 = arith.constant 0 : index
    %get3A_8 = vector.load %arg3[%get3A_6, %get3A_7] : memref<128x8xf32, #tpu.memory_space<vmem>>, vector<128x8xf32>
    %get3A_9 = arith.constant 0 : index
    %get3A_10 = arith.constant 0 : index
    %get3A_11 = vector.load %arg5[%get3A_9, %get3A_10] : memref<8x128xf32, #tpu.memory_space<vmem>>, vector<8x128xf32>
    %get3A_12 = arith.constant 0 : index
    %get3A_13 = arith.constant 0 : index
    %get3A_14 = vector.load %arg6[%get3A_12, %get3A_13] : memref<1x128xf32, #tpu.memory_space<vmem>>, vector<1x128xf32>
    %get3A_15 = arith.constant 0 : index
    %get3A_16 = arith.constant 0 : index
    %get3A_17 = vector.load %arg8[%get3A_15, %get3A_16] : memref<128x8xf32, #tpu.memory_space<vmem>>, vector<128x8xf32>
    %get3A_18 = arith.constant 0 : index
    %get3A_19 = arith.constant 0 : index
    %get3A_20 = vector.load %arg9[%get3A_18, %get3A_19] : memref<1x8xf32, #tpu.memory_space<vmem>>, vector<1x8xf32>
    %slice3A = vector.extract_strided_slice %get3A_2 {offsets = [0, 0, 0], sizes = [128, 16, 3], strides = [1, 1, 1]} : vector<128x16x128xf32> to vector<128x16x3xf32>
    %slice3A_21 = vector.extract_strided_slice %get3A_5 {offsets = [0, 0], sizes = [128, 3], strides = [1, 1]} : vector<128x8xf32> to vector<128x3xf32>
    %broadcast_in_dim3A = vector.shape_cast %slice3A_21 : vector<128x3xf32> to vector<128x1x3xf32>
    %sub3A = vector.broadcast %broadcast_in_dim3A : vector<128x1x3xf32> to vector<128x16x3xf32>
    %sub3A_22 = arith.subf %slice3A, %sub3A : vector<128x16x3xf32>
    %reshape3A = vector.shape_cast %sub3A_22 : vector<128x16x3xf32> to vector<2048x3xf32>
    %slice3A_23 = vector.extract_strided_slice %get3A_11 {offsets = [0, 0], sizes = [3, 128], strides = [1, 1]} : vector<8x128xf32> to vector<3x128xf32>
    %dot_general3A = arith.constant dense<0.000000e+00> : vector<2048x128xf32>
    %dot_general3A_24 = tpu.matmul %reshape3A, %slice3A_23, %dot_general3A {dimension_numbers = #tpu.dot_dimension_numbers<[1], [0], [0], [1], [0, 0, 1, 1], [], []>, transpose_lhs_hint = false} : vector<2048x3xf32>, vector<3x128xf32>, vector<2048x128xf32> -> vector<2048x128xf32>
    %add3A = vector.broadcast %get3A_14 : vector<1x128xf32> to vector<2048x128xf32>
    %add3A_25 = arith.addf %dot_general3A_24, %add3A : vector<2048x128xf32>
    %max3A = arith.constant 0.000000e+00 : f32
    %max3A_26 = vector.broadcast %max3A : f32 to vector<2048x128xf32>
    %max3A_27 = arith.maximumf %add3A_25, %max3A_26 : vector<2048x128xf32>
    %slice3A_28 = vector.extract_strided_slice %get3A_2 {offsets = [0, 0, 3], sizes = [128, 16, 8], strides = [1, 1, 1]} : vector<128x16x128xf32> to vector<128x16x8xf32>
    %reshape3A_29 = vector.shape_cast %slice3A_28 : vector<128x16x8xf32> to vector<2048x8xf32>
    %broadcast_in_dim3A_30 = vector.shape_cast %get3A_8 : vector<128x8xf32> to vector<128x1x8xf32>
    %broadcast_in_dim3A_31 = vector.shape_cast %broadcast_in_dim3A_30 : vector<128x1x8xf32> to vector<128x1x8xf32>
    %broadcast_in_dim3A_32 = vector.broadcast %broadcast_in_dim3A_31 : vector<128x1x8xf32> to vector<128x16x8xf32>
    %reshape3A_33 = vector.shape_cast %broadcast_in_dim3A_32 : vector<128x16x8xf32> to vector<2048x8xf32>
    %sub3A_34 = arith.subf %reshape3A_29, %reshape3A_33 : vector<2048x8xf32>
    %dot_general3A_35 = arith.constant dense<0.000000e+00> : vector<2048x8xf32>
    %dot_general3A_36 = tpu.matmul %max3A_27, %get3A_17, %dot_general3A_35 {dimension_numbers = #tpu.dot_dimension_numbers<[1], [0], [0], [1], [0, 0, 1, 1], [], []>, transpose_lhs_hint = false} : vector<2048x128xf32>, vector<128x8xf32>, vector<2048x8xf32> -> vector<2048x8xf32>
    %add3A_37 = arith.addf %sub3A_34, %dot_general3A_36 : vector<2048x8xf32>
    %add3A_38 = vector.broadcast %get3A_20 : vector<1x8xf32> to vector<2048x8xf32>
    %add3A_39 = arith.addf %add3A_37, %add3A_38 : vector<2048x8xf32>
    %iota3A = tpu.iota {dimensions = array<i32: 0>} : vector<2048x1xi32>
    %jit3A = arith.constant 16 : i32
    %div3A = vector.broadcast %jit3A : i32 to vector<2048x1xi32>
    %div3A_40 = arith.divsi %iota3A, %div3A : vector<2048x1xi32>
    %sign3A = arith.constant 0 : i32
    %sign3A_41 = vector.broadcast %sign3A : i32 to vector<2048x1xi32>
    %sign3A_42 = arith.cmpi sgt, %iota3A, %sign3A_41 : vector<2048x1xi32>
    %sign3A_43 = arith.extui %sign3A_42 : vector<2048x1xi1> to vector<2048x1xi32>
    %sign3A_44 = arith.constant 0 : i32
    %sign3A_45 = vector.broadcast %sign3A_44 : i32 to vector<2048x1xi32>
    %sign3A_46 = arith.cmpi slt, %iota3A, %sign3A_45 : vector<2048x1xi32>
    %sign3A_47 = arith.extui %sign3A_46 : vector<2048x1xi1> to vector<2048x1xi32>
    %sign3A_48 = arith.subi %sign3A_43, %sign3A_47 : vector<2048x1xi32>
    %sign3A_49 = arith.constant 0 : i32
    %sign3A_50 = arith.cmpi sgt, %jit3A, %sign3A_49 : i32
    %sign3A_51 = arith.extui %sign3A_50 : i1 to i32
    %sign3A_52 = arith.constant 0 : i32
    %sign3A_53 = arith.cmpi slt, %jit3A, %sign3A_52 : i32
    %sign3A_54 = arith.extui %sign3A_53 : i1 to i32
    %sign3A_55 = arith.subi %sign3A_51, %sign3A_54 : i32
    %ne3A = vector.broadcast %sign3A_55 : i32 to vector<2048x1xi32>
    %ne3A_56 = arith.cmpi ne, %sign3A_48, %ne3A : vector<2048x1xi32>
    %rem3A = vector.broadcast %jit3A : i32 to vector<2048x1xi32>
    %rem3A_57 = arith.remsi %iota3A, %rem3A : vector<2048x1xi32>
    %ne3A_58 = arith.constant 0 : i32
    %ne3A_59 = vector.broadcast %ne3A_58 : i32 to vector<2048x1xi32>
    %ne3A_60 = arith.cmpi ne, %rem3A_57, %ne3A_59 : vector<2048x1xi32>
    %and3A = arith.andi %ne3A_56, %ne3A_60 : vector<2048x1xi1>
    %sub3A_61 = arith.constant 1 : i32
    %sub3A_62 = vector.broadcast %sub3A_61 : i32 to vector<2048x1xi32>
    %sub3A_63 = arith.subi %div3A_40, %sub3A_62 : vector<2048x1xi32>
    %select_n3A = arith.select %and3A, %sub3A_63, %div3A_40 : vector<2048x1xi1>, vector<2048x1xi32>
    %mul3A = arith.constant 128 : i32
    %mul3A_64 = arith.muli %arg0, %mul3A : i32
    %add3A_65 = vector.broadcast %mul3A_64 : i32 to vector<2048x1xi32>
    %add3A_66 = arith.addi %select_n3A, %add3A_65 : vector<2048x1xi32>
    %lt3A = arith.constant 10000 : i32
    %lt3A_67 = vector.broadcast %lt3A : i32 to vector<2048x1xi32>
    %lt3A_68 = arith.cmpi slt, %add3A_66, %lt3A_67 : vector<2048x1xi32>
    %jit3A_69 = arith.constant 0.000000e+00 : f32
    %broadcast_in_dim3A_70 = vector.shape_cast %lt3A_68 : vector<2048x1xi1> to vector<2048x1xi1>
    %broadcast_in_dim3A_71 = vector.broadcast %broadcast_in_dim3A_70 : vector<2048x1xi1> to vector<2048x8xi1>
    %broadcast_in_dim3A_72 = vector.broadcast %jit3A_69 : f32 to vector<2048x8xf32>
    %select_n3A_73 = arith.select %broadcast_in_dim3A_71, %add3A_39, %broadcast_in_dim3A_72 : vector<2048x8xi1>, vector<2048x8xf32>
    %reduce_sum3A = arith.constant dense<0.000000e+00> : vector<8xf32>
    %reduce_sum3A_74 = vector.multi_reduction <add>, %select_n3A_73, %reduce_sum3A [0] : vector<2048x8xf32> to vector<8xf32>
    %broadcast_in_dim3A_75 = vector.shape_cast %reduce_sum3A_74 : vector<8xf32> to vector<1x8xf32>
    %mul3A_76 = arith.mulf %select_n3A_73, %select_n3A_73 : vector<2048x8xf32>
    %reduce_sum3A_77 = arith.constant dense<0.000000e+00> : vector<8xf32>
    %reduce_sum3A_78 = vector.multi_reduction <add>, %mul3A_76, %reduce_sum3A_77 [0] : vector<2048x8xf32> to vector<8xf32>
    %broadcast_in_dim3A_79 = vector.shape_cast %reduce_sum3A_78 : vector<8xf32> to vector<1x8xf32>
    %jit3A_80 = arith.constant 0 : i32
    %convert_element_type3A = arith.sitofp %jit3A_80 : i32 to f32
    %pad3A = vector.broadcast %convert_element_type3A : f32 to vector<1x120xf32>
    %pad3A_81 = tpu.concatenate %broadcast_in_dim3A_75, %pad3A in 1 : vector<1x8xf32>, vector<1x120xf32> -> vector<1x128xf32>
    %jit3A_82 = arith.constant 0 : i32
    %convert_element_type3A_83 = arith.sitofp %jit3A_82 : i32 to f32
    %pad3A_84 = vector.broadcast %convert_element_type3A_83 : f32 to vector<1x120xf32>
    %pad3A_85 = tpu.concatenate %broadcast_in_dim3A_79, %pad3A_84 in 1 : vector<1x8xf32>, vector<1x120xf32> -> vector<1x128xf32>
    %broadcast_in_dim3A_86 = arith.constant 0.000000e+00 : f32
    %broadcast_in_dim3A_87 = vector.broadcast %broadcast_in_dim3A_86 : f32 to vector<6x128xf32>
    %concatenate3A = tpu.concatenate %pad3A_81, %pad3A_85, %broadcast_in_dim3A_87 in 0 : vector<1x128xf32>, vector<1x128xf32>, vector<6x128xf32> -> vector<8x128xf32>
    %eq3A = arith.constant 0 : i32
    %eq3A_88 = arith.cmpi eq, %arg0, %eq3A : i32
    %convert_element_type3A_89 = arith.extui %eq3A_88 : i1 to i32
    %cond3A = arith.constant 0 : i32
    %cond3A_90 = arith.cmpi ne, %convert_element_type3A_89, %cond3A : i32
    scf.if %cond3A_90 {
      %swap3A = arith.constant 0 : index
      %swap3A_95 = arith.constant 0 : index
      %swap3A_96 = vector.load %arg10[%swap3A, %swap3A_95] : memref<8x128xf32, #tpu.memory_space<vmem>>, vector<8x128xf32>
      tpu.vector_store %arg10[%swap3A, %swap3A_95], %concatenate3A {strides = array<i32>} : memref<8x128xf32, #tpu.memory_space<vmem>>, vector<8x128xf32>,
    } else {
    }
    %gt3A = arith.constant 0 : i32
    %gt3A_91 = arith.cmpi sgt, %arg0, %gt3A : i32
    %convert_element_type3A_92 = arith.extui %gt3A_91 : i1 to i32
    %cond3A_93 = arith.constant 0 : i32
    %cond3A_94 = arith.cmpi ne, %convert_element_type3A_92, %cond3A_93 : i32
    scf.if %cond3A_94 {
      %get3A_95 = arith.constant 0 : index
      %get3A_96 = arith.constant 0 : index
      %get3A_97 = vector.load %arg10[%get3A_95, %get3A_96] : memref<8x128xf32, #tpu.memory_space<vmem>>, vector<8x128xf32>
      %add3A_98 = arith.addf %get3A_97, %concatenate3A : vector<8x128xf32>
      %swap3A = arith.constant 0 : index
      %swap3A_99 = arith.constant 0 : index
      %swap3A_100 = vector.load %arg10[%swap3A, %swap3A_99] : memref<8x128xf32, #tpu.memory_space<vmem>>, vector<8x128xf32>
      tpu.vector_store %arg10[%swap3A, %swap3A_99], %add3A_98 {strides = array<i32>} : memref<8x128xf32, #tpu.memory_space<vmem>>, vector<8x128xf32>,
    } else {
    }
    return
  }
  func.func @transform_0(%arg0: i32) -> (i32, i32, i32) {
    %c0_i32 = arith.constant 0 : i32
    %c0_i32_0 = arith.constant 0 : i32
    %c0_i32_1 = arith.constant 0 : i32
    return %arg0, %c0_i32, %c0_i32_0 : i32, i32, i32
  }
  func.func @transform_1(%arg0: i32) -> (i32, i32) {
    %c0_i32 = arith.constant 0 : i32
    %c0_i32_0 = arith.constant 0 : i32
    return %arg0, %c0_i32 : i32, i32
  }
  func.func @transform_2(%arg0: i32) -> (i32, i32) {
    %c0_i32 = arith.constant 0 : i32
    %c0_i32_0 = arith.constant 0 : i32
    return %arg0, %c0_i32 : i32, i32
  }
  func.func @transform_3(%arg0: i32) -> (i32, i32) {
    %c0_i32 = arith.constant 0 : i32
    %c0_i32_0 = arith.constant 0 : i32
    %c0_i32_1 = arith.constant 0 : i32
    return %c0_i32, %c0_i32_0 : i32, i32
  }
  func.func @transform_4(%arg0: i32) -> (i32, i32) {
    %c0_i32 = arith.constant 0 : i32
    %c0_i32_0 = arith.constant 0 : i32
    %c0_i32_1 = arith.constant 0 : i32
    return %c0_i32, %c0_i32_0 : i32, i32
  }
  func.func @transform_5(%arg0: i32) -> (i32, i32) {
    %c0_i32 = arith.constant 0 : i32
    %c0_i32_0 = arith.constant 0 : i32
    %c0_i32_1 = arith.constant 0 : i32
    return %c0_i32, %c0_i32_0 : i32, i32
  }
  func.func @transform_6(%arg0: i32) -> (i32, i32) {
    %c0_i32 = arith.constant 0 : i32
    %c0_i32_0 = arith.constant 0 : i32
    %c0_i32_1 = arith.constant 0 : i32
    return %c0_i32, %c0_i32_0 : i32, i32
  }
  func.func @transform_7(%arg0: i32) -> (i32, i32) {
    %c0_i32 = arith.constant 0 : i32
    %c0_i32_0 = arith.constant 0 : i32
    %c0_i32_1 = arith.constant 0 : i32
    return %c0_i32, %c0_i32_0 : i32, i32
  }
  func.func @transform_8(%arg0: i32) -> (i32, i32) {
    %c0_i32 = arith.constant 0 : i32
    %c0_i32_0 = arith.constant 0 : i32
    %c0_i32_1 = arith.constant 0 : i32
    return %c0_i32, %c0_i32_0 : i32, i32
  }
  func.func @transform_9(%arg0: i32) -> (i32, i32) {
    %c0_i32 = arith.constant 0 : i32
    %c0_i32_0 = arith.constant 0 : i32
    %c0_i32_1 = arith.constant 0 : i32
    return %c0_i32, %c0_i32_0 : i32, i32
  }
}

module attributes {stable_mosaic.version = 14 : i64} {
  func.func @_agg_body(%arg0: i32, %arg1: memref<128x16x128xf32, #tpu.memory_space<vmem>>, %arg2: memref<128x16x128xf32, #tpu.memory_space<vmem>>, %arg3: memref<128x8xf32, #tpu.memory_space<vmem>>, %arg4: memref<128x8xf32, #tpu.memory_space<vmem>>, %arg5: memref<128x128xf32, #tpu.memory_space<vmem>>, %arg6: memref<8x128xf32, #tpu.memory_space<vmem>>, %arg7: memref<1x128xf32, #tpu.memory_space<vmem>>, %arg8: memref<128x8xf32, #tpu.memory_space<vmem>>, %arg9: memref<128x8xf32, #tpu.memory_space<vmem>>, %arg10: memref<1x8xf32, #tpu.memory_space<vmem>>, %arg11: memref<1x8xf32, #tpu.memory_space<vmem>>, %arg12: memref<1x8xf32, #tpu.memory_space<vmem>>, %arg13: memref<8x8xf32, #tpu.memory_space<vmem>>, %arg14: memref<1x8xf32, #tpu.memory_space<vmem>>, %arg15: memref<128x128xf32, #tpu.memory_space<vmem>>, %arg16: memref<1x128xf32, #tpu.memory_space<vmem>>, %arg17: memref<8x128xf32, #tpu.memory_space<vmem>>, %arg18: memref<128x128xf32, #tpu.memory_space<vmem>>) attributes {dimension_semantics = [#tpu.dimension_semantics<arbitrary>], iteration_bounds = array<i64: 80>, scalar_prefetch = 0 : i64, scratch_operands = 0 : i64, tpu.core_type = #tpu.core_type<tc>, window_params = [{transform_indices = @transform_0, window_bounds = array<i64: 128, 16, 128>}, {transform_indices = @transform_1, window_bounds = array<i64: 128, 16, 128>}, {transform_indices = @transform_2, window_bounds = array<i64: 128, 8>}, {transform_indices = @transform_3, window_bounds = array<i64: 128, 8>}, {pipeline_mode = #tpu.pipeline_mode<synchronous>, transform_indices = @transform_4, window_bounds = array<i64: 128, 128>}, {pipeline_mode = #tpu.pipeline_mode<synchronous>, transform_indices = @transform_5, window_bounds = array<i64: 8, 128>}, {pipeline_mode = #tpu.pipeline_mode<synchronous>, transform_indices = @transform_6, window_bounds = array<i64: 1, 128>}, {pipeline_mode = #tpu.pipeline_mode<synchronous>, transform_indices = @transform_7, window_bounds = array<i64: 128, 8>}, {pipeline_mode = #tpu.pipeline_mode<synchronous>, transform_indices = @transform_8, window_bounds = array<i64: 128, 8>}, {pipeline_mode = #tpu.pipeline_mode<synchronous>, transform_indices = @transform_9, window_bounds = array<i64: 1, 8>}, {pipeline_mode = #tpu.pipeline_mode<synchronous>, transform_indices = @transform_10, window_bounds = array<i64: 1, 8>}, {pipeline_mode = #tpu.pipeline_mode<synchronous>, transform_indices = @transform_11, window_bounds = array<i64: 1, 8>}, {pipeline_mode = #tpu.pipeline_mode<synchronous>, transform_indices = @transform_12, window_bounds = array<i64: 8, 8>}, {pipeline_mode = #tpu.pipeline_mode<synchronous>, transform_indices = @transform_13, window_bounds = array<i64: 1, 8>}, {pipeline_mode = #tpu.pipeline_mode<synchronous>, transform_indices = @transform_14, window_bounds = array<i64: 128, 128>}, {pipeline_mode = #tpu.pipeline_mode<synchronous>, transform_indices = @transform_15, window_bounds = array<i64: 1, 128>}, {pipeline_mode = #tpu.pipeline_mode<synchronous>, transform_indices = @transform_16, window_bounds = array<i64: 8, 128>}, {transform_indices = @transform_17, window_bounds = array<i64: 128, 128>}]} {
    %get3A = arith.constant 0 : index
    %get3A_0 = arith.constant 0 : index
    %get3A_1 = arith.constant 0 : index
    %get3A_2 = vector.load %arg1[%get3A, %get3A_0, %get3A_1] : memref<128x16x128xf32, #tpu.memory_space<vmem>>, vector<128x16x128xf32>
    %get3A_3 = arith.constant 0 : index
    %get3A_4 = arith.constant 0 : index
    %get3A_5 = vector.load %arg3[%get3A_3, %get3A_4] : memref<128x8xf32, #tpu.memory_space<vmem>>, vector<128x8xf32>
    %get3A_6 = arith.constant 0 : index
    %get3A_7 = arith.constant 0 : index
    %get3A_8 = vector.load %arg4[%get3A_6, %get3A_7] : memref<128x8xf32, #tpu.memory_space<vmem>>, vector<128x8xf32>
    %get3A_9 = arith.constant 0 : index
    %get3A_10 = arith.constant 0 : index
    %get3A_11 = vector.load %arg6[%get3A_9, %get3A_10] : memref<8x128xf32, #tpu.memory_space<vmem>>, vector<8x128xf32>
    %get3A_12 = arith.constant 0 : index
    %get3A_13 = arith.constant 0 : index
    %get3A_14 = vector.load %arg7[%get3A_12, %get3A_13] : memref<1x128xf32, #tpu.memory_space<vmem>>, vector<1x128xf32>
    %get3A_15 = arith.constant 0 : index
    %get3A_16 = arith.constant 0 : index
    %get3A_17 = vector.load %arg9[%get3A_15, %get3A_16] : memref<128x8xf32, #tpu.memory_space<vmem>>, vector<128x8xf32>
    %get3A_18 = arith.constant 0 : index
    %get3A_19 = arith.constant 0 : index
    %get3A_20 = vector.load %arg10[%get3A_18, %get3A_19] : memref<1x8xf32, #tpu.memory_space<vmem>>, vector<1x8xf32>
    %slice3A = vector.extract_strided_slice %get3A_2 {offsets = [0, 0, 0], sizes = [128, 16, 3], strides = [1, 1, 1]} : vector<128x16x128xf32> to vector<128x16x3xf32>
    %slice3A_21 = vector.extract_strided_slice %get3A_5 {offsets = [0, 0], sizes = [128, 3], strides = [1, 1]} : vector<128x8xf32> to vector<128x3xf32>
    %broadcast_in_dim3A = vector.shape_cast %slice3A_21 : vector<128x3xf32> to vector<128x1x3xf32>
    %sub3A = vector.broadcast %broadcast_in_dim3A : vector<128x1x3xf32> to vector<128x16x3xf32>
    %sub3A_22 = arith.subf %slice3A, %sub3A : vector<128x16x3xf32>
    %reshape3A = vector.shape_cast %sub3A_22 : vector<128x16x3xf32> to vector<2048x3xf32>
    %slice3A_23 = vector.extract_strided_slice %get3A_11 {offsets = [0, 0], sizes = [3, 128], strides = [1, 1]} : vector<8x128xf32> to vector<3x128xf32>
    %dot_general3A = arith.constant dense<0.000000e+00> : vector<2048x128xf32>
    %dot_general3A_24 = tpu.matmul %reshape3A, %slice3A_23, %dot_general3A {dimension_numbers = #tpu.dot_dimension_numbers<[1], [0], [0], [1], [0, 0, 1, 1], [], []>, transpose_lhs_hint = false} : vector<2048x3xf32>, vector<3x128xf32>, vector<2048x128xf32> -> vector<2048x128xf32>
    %add3A = vector.broadcast %get3A_14 : vector<1x128xf32> to vector<2048x128xf32>
    %add3A_25 = arith.addf %dot_general3A_24, %add3A : vector<2048x128xf32>
    %max3A = arith.constant 0.000000e+00 : f32
    %max3A_26 = vector.broadcast %max3A : f32 to vector<2048x128xf32>
    %max3A_27 = arith.maximumf %add3A_25, %max3A_26 : vector<2048x128xf32>
    %slice3A_28 = vector.extract_strided_slice %get3A_2 {offsets = [0, 0, 3], sizes = [128, 16, 8], strides = [1, 1, 1]} : vector<128x16x128xf32> to vector<128x16x8xf32>
    %reshape3A_29 = vector.shape_cast %slice3A_28 : vector<128x16x8xf32> to vector<2048x8xf32>
    %broadcast_in_dim3A_30 = vector.shape_cast %get3A_8 : vector<128x8xf32> to vector<128x1x8xf32>
    %broadcast_in_dim3A_31 = vector.shape_cast %broadcast_in_dim3A_30 : vector<128x1x8xf32> to vector<128x1x8xf32>
    %broadcast_in_dim3A_32 = vector.broadcast %broadcast_in_dim3A_31 : vector<128x1x8xf32> to vector<128x16x8xf32>
    %reshape3A_33 = vector.shape_cast %broadcast_in_dim3A_32 : vector<128x16x8xf32> to vector<2048x8xf32>
    %sub3A_34 = arith.subf %reshape3A_29, %reshape3A_33 : vector<2048x8xf32>
    %dot_general3A_35 = arith.constant dense<0.000000e+00> : vector<2048x8xf32>
    %dot_general3A_36 = tpu.matmul %max3A_27, %get3A_17, %dot_general3A_35 {dimension_numbers = #tpu.dot_dimension_numbers<[1], [0], [0], [1], [0, 0, 1, 1], [], []>, transpose_lhs_hint = false} : vector<2048x128xf32>, vector<128x8xf32>, vector<2048x8xf32> -> vector<2048x8xf32>
    %add3A_37 = arith.addf %sub3A_34, %dot_general3A_36 : vector<2048x8xf32>
    %add3A_38 = vector.broadcast %get3A_20 : vector<1x8xf32> to vector<2048x8xf32>
    %add3A_39 = arith.addf %add3A_37, %add3A_38 : vector<2048x8xf32>
    %get3A_40 = arith.constant 0 : index
    %get3A_41 = arith.constant 0 : index
    %get3A_42 = vector.load %arg11[%get3A_40, %get3A_41] : memref<1x8xf32, #tpu.memory_space<vmem>>, vector<1x8xf32>
    %mul3A = vector.broadcast %get3A_42 : vector<1x8xf32> to vector<2048x8xf32>
    %mul3A_43 = arith.mulf %add3A_39, %mul3A : vector<2048x8xf32>
    %get3A_44 = arith.constant 0 : index
    %get3A_45 = arith.constant 0 : index
    %get3A_46 = vector.load %arg12[%get3A_44, %get3A_45] : memref<1x8xf32, #tpu.memory_space<vmem>>, vector<1x8xf32>
    %add3A_47 = vector.broadcast %get3A_46 : vector<1x8xf32> to vector<2048x8xf32>
    %add3A_48 = arith.addf %mul3A_43, %add3A_47 : vector<2048x8xf32>
    %max3A_49 = arith.constant 0.000000e+00 : f32
    %max3A_50 = vector.broadcast %max3A_49 : f32 to vector<2048x8xf32>
    %max3A_51 = arith.maximumf %add3A_48, %max3A_50 : vector<2048x8xf32>
    %get3A_52 = arith.constant 0 : index
    %get3A_53 = arith.constant 0 : index
    %get3A_54 = vector.load %arg13[%get3A_52, %get3A_53] : memref<8x8xf32, #tpu.memory_space<vmem>>, vector<8x8xf32>
    %dot_general3A_55 = arith.constant dense<0.000000e+00> : vector<2048x8xf32>
    %dot_general3A_56 = tpu.matmul %max3A_51, %get3A_54, %dot_general3A_55 {dimension_numbers = #tpu.dot_dimension_numbers<[1], [0], [0], [1], [0, 0, 1, 1], [], []>, transpose_lhs_hint = false} : vector<2048x8xf32>, vector<8x8xf32>, vector<2048x8xf32> -> vector<2048x8xf32>
    %get3A_57 = arith.constant 0 : index
    %get3A_58 = arith.constant 0 : index
    %get3A_59 = vector.load %arg14[%get3A_57, %get3A_58] : memref<1x8xf32, #tpu.memory_space<vmem>>, vector<1x8xf32>
    %add3A_60 = vector.broadcast %get3A_59 : vector<1x8xf32> to vector<2048x8xf32>
    %add3A_61 = arith.addf %dot_general3A_56, %add3A_60 : vector<2048x8xf32>
    %reshape3A_62 = vector.shape_cast %add3A_61 : vector<2048x8xf32> to vector<128x16x8xf32>
    %reduce_max3A = arith.constant dense<0xFF800000> : vector<128x8xf32>
    %reduce_max3A_63 = vector.multi_reduction <maximumf>, %reshape3A_62, %reduce_max3A [1] : vector<128x16x8xf32> to vector<128x8xf32>
    %broadcast_in_dim3A_64 = vector.shape_cast %reduce_max3A_63 : vector<128x8xf32> to vector<128x1x8xf32>
    %sub3A_65 = vector.broadcast %broadcast_in_dim3A_64 : vector<128x1x8xf32> to vector<128x16x8xf32>
    %sub3A_66 = arith.subf %reshape3A_62, %sub3A_65 : vector<128x16x8xf32>
    %exp3A = math.exp %sub3A_66 : vector<128x16x8xf32>
    %reduce_sum3A = arith.constant dense<0.000000e+00> : vector<128x8xf32>
    %reduce_sum3A_67 = vector.multi_reduction <add>, %exp3A, %reduce_sum3A [1] : vector<128x16x8xf32> to vector<128x8xf32>
    %broadcast_in_dim3A_68 = vector.shape_cast %reduce_sum3A_67 : vector<128x8xf32> to vector<128x1x8xf32>
    %div3A = vector.broadcast %broadcast_in_dim3A_68 : vector<128x1x8xf32> to vector<128x16x8xf32>
    %div3A_69 = arith.divf %exp3A, %div3A : vector<128x16x8xf32>
    %reshape3A_70 = vector.shape_cast %div3A_69 : vector<128x16x8xf32> to vector<2048x8xf32>
    %get3A_71 = arith.constant 0 : index
    %get3A_72 = arith.constant 0 : index
    %get3A_73 = vector.load %arg17[%get3A_71, %get3A_72] : memref<8x128xf32, #tpu.memory_space<vmem>>, vector<8x128xf32>
    %dot_general3A_74 = arith.constant dense<0.000000e+00> : vector<2048x128xf32>
    %dot_general3A_75 = tpu.matmul %reshape3A_70, %get3A_73, %dot_general3A_74 {dimension_numbers = #tpu.dot_dimension_numbers<[1], [0], [0], [1], [0, 0, 1, 1], [], []>, transpose_lhs_hint = false} : vector<2048x8xf32>, vector<8x128xf32>, vector<2048x128xf32> -> vector<2048x128xf32>
    %get3A_76 = arith.constant 0 : index
    %get3A_77 = arith.constant 0 : index
    %get3A_78 = vector.load %arg15[%get3A_76, %get3A_77] : memref<128x128xf32, #tpu.memory_space<vmem>>, vector<128x128xf32>
    %dot_general3A_79 = arith.constant dense<0.000000e+00> : vector<2048x128xf32>
    %dot_general3A_80 = tpu.matmul %max3A_27, %get3A_78, %dot_general3A_79 {dimension_numbers = #tpu.dot_dimension_numbers<[1], [0], [0], [1], [0, 0, 1, 1], [], []>, transpose_lhs_hint = false} : vector<2048x128xf32>, vector<128x128xf32>, vector<2048x128xf32> -> vector<2048x128xf32>
    %get3A_81 = arith.constant 0 : index
    %get3A_82 = arith.constant 0 : index
    %get3A_83 = arith.constant 0 : index
    %get3A_84 = vector.load %arg2[%get3A_81, %get3A_82, %get3A_83] : memref<128x16x128xf32, #tpu.memory_space<vmem>>, vector<128x16x128xf32>
    %reshape3A_85 = vector.shape_cast %get3A_84 : vector<128x16x128xf32> to vector<2048x128xf32>
    %add3A_86 = arith.addf %reshape3A_85, %dot_general3A_80 : vector<2048x128xf32>
    %mul3A_87 = arith.mulf %dot_general3A_75, %add3A_86 : vector<2048x128xf32>
    %reshape3A_88 = vector.shape_cast %mul3A_87 : vector<2048x128xf32> to vector<128x16x128xf32>
    %reduce_sum3A_89 = arith.constant dense<0.000000e+00> : vector<128x128xf32>
    %reduce_sum3A_90 = vector.multi_reduction <add>, %reshape3A_88, %reduce_sum3A_89 [1] : vector<128x16x128xf32> to vector<128x128xf32>
    %get3A_91 = arith.constant 0 : index
    %get3A_92 = arith.constant 0 : index
    %get3A_93 = vector.load %arg16[%get3A_91, %get3A_92] : memref<1x128xf32, #tpu.memory_space<vmem>>, vector<1x128xf32>
    %add3A_94 = vector.broadcast %get3A_93 : vector<1x128xf32> to vector<128x128xf32>
    %add3A_95 = arith.addf %reduce_sum3A_90, %add3A_94 : vector<128x128xf32>
    %swap3A = arith.constant 0 : index
    %swap3A_96 = arith.constant 0 : index
    %swap3A_97 = vector.load %arg18[%swap3A, %swap3A_96] : memref<128x128xf32, #tpu.memory_space<vmem>>, vector<128x128xf32>
    tpu.vector_store %arg18[%swap3A, %swap3A_96], %add3A_95 {strides = array<i32>} : memref<128x128xf32, #tpu.memory_space<vmem>>, vector<128x128xf32>,
    return
  }
  func.func @transform_0(%arg0: i32) -> (i32, i32, i32) {
    %c0_i32 = arith.constant 0 : i32
    %c0_i32_0 = arith.constant 0 : i32
    %c0_i32_1 = arith.constant 0 : i32
    return %arg0, %c0_i32, %c0_i32_0 : i32, i32, i32
  }
  func.func @transform_1(%arg0: i32) -> (i32, i32, i32) {
    %c0_i32 = arith.constant 0 : i32
    %c0_i32_0 = arith.constant 0 : i32
    %c0_i32_1 = arith.constant 0 : i32
    return %arg0, %c0_i32, %c0_i32_0 : i32, i32, i32
  }
  func.func @transform_2(%arg0: i32) -> (i32, i32) {
    %c0_i32 = arith.constant 0 : i32
    %c0_i32_0 = arith.constant 0 : i32
    return %arg0, %c0_i32 : i32, i32
  }
  func.func @transform_3(%arg0: i32) -> (i32, i32) {
    %c0_i32 = arith.constant 0 : i32
    %c0_i32_0 = arith.constant 0 : i32
    return %arg0, %c0_i32 : i32, i32
  }
  func.func @transform_4(%arg0: i32) -> (i32, i32) {
    %c0_i32 = arith.constant 0 : i32
    %c0_i32_0 = arith.constant 0 : i32
    %c0_i32_1 = arith.constant 0 : i32
    return %c0_i32, %c0_i32_0 : i32, i32
  }
  func.func @transform_5(%arg0: i32) -> (i32, i32) {
    %c0_i32 = arith.constant 0 : i32
    %c0_i32_0 = arith.constant 0 : i32
    %c0_i32_1 = arith.constant 0 : i32
    return %c0_i32, %c0_i32_0 : i32, i32
  }
  func.func @transform_6(%arg0: i32) -> (i32, i32) {
    %c0_i32 = arith.constant 0 : i32
    %c0_i32_0 = arith.constant 0 : i32
    %c0_i32_1 = arith.constant 0 : i32
    return %c0_i32, %c0_i32_0 : i32, i32
  }
  func.func @transform_7(%arg0: i32) -> (i32, i32) {
    %c0_i32 = arith.constant 0 : i32
    %c0_i32_0 = arith.constant 0 : i32
    %c0_i32_1 = arith.constant 0 : i32
    return %c0_i32, %c0_i32_0 : i32, i32
  }
  func.func @transform_8(%arg0: i32) -> (i32, i32) {
    %c0_i32 = arith.constant 0 : i32
    %c0_i32_0 = arith.constant 0 : i32
    %c0_i32_1 = arith.constant 0 : i32
    return %c0_i32, %c0_i32_0 : i32, i32
  }
  func.func @transform_9(%arg0: i32) -> (i32, i32) {
    %c0_i32 = arith.constant 0 : i32
    %c0_i32_0 = arith.constant 0 : i32
    %c0_i32_1 = arith.constant 0 : i32
    return %c0_i32, %c0_i32_0 : i32, i32
  }
  func.func @transform_10(%arg0: i32) -> (i32, i32) {
    %c0_i32 = arith.constant 0 : i32
    %c0_i32_0 = arith.constant 0 : i32
    %c0_i32_1 = arith.constant 0 : i32
    return %c0_i32, %c0_i32_0 : i32, i32
  }
  func.func @transform_11(%arg0: i32) -> (i32, i32) {
    %c0_i32 = arith.constant 0 : i32
    %c0_i32_0 = arith.constant 0 : i32
    %c0_i32_1 = arith.constant 0 : i32
    return %c0_i32, %c0_i32_0 : i32, i32
  }
  func.func @transform_12(%arg0: i32) -> (i32, i32) {
    %c0_i32 = arith.constant 0 : i32
    %c0_i32_0 = arith.constant 0 : i32
    %c0_i32_1 = arith.constant 0 : i32
    return %c0_i32, %c0_i32_0 : i32, i32
  }
  func.func @transform_13(%arg0: i32) -> (i32, i32) {
    %c0_i32 = arith.constant 0 : i32
    %c0_i32_0 = arith.constant 0 : i32
    %c0_i32_1 = arith.constant 0 : i32
    return %c0_i32, %c0_i32_0 : i32, i32
  }
  func.func @transform_14(%arg0: i32) -> (i32, i32) {
    %c0_i32 = arith.constant 0 : i32
    %c0_i32_0 = arith.constant 0 : i32
    %c0_i32_1 = arith.constant 0 : i32
    return %c0_i32, %c0_i32_0 : i32, i32
  }
  func.func @transform_15(%arg0: i32) -> (i32, i32) {
    %c0_i32 = arith.constant 0 : i32
    %c0_i32_0 = arith.constant 0 : i32
    %c0_i32_1 = arith.constant 0 : i32
    return %c0_i32, %c0_i32_0 : i32, i32
  }
  func.func @transform_16(%arg0: i32) -> (i32, i32) {
    %c0_i32 = arith.constant 0 : i32
    %c0_i32_0 = arith.constant 0 : i32
    %c0_i32_1 = arith.constant 0 : i32
    return %c0_i32, %c0_i32_0 : i32, i32
  }
  func.func @transform_17(%arg0: i32) -> (i32, i32) {
    %c0_i32 = arith.constant 0 : i32
    %c0_i32_0 = arith.constant 0 : i32
    return %arg0, %c0_i32 : i32, i32
  }
}

module attributes {stable_mosaic.version = 14 : i64} {
  func.func @_d3_body(%arg0: memref<10240x128xf32, #tpu.memory_space<vmem>>, %arg1: memref<10240x128xf32, #tpu.memory_space<vmem>>, %arg2: memref<128x128xf32, #tpu.memory_space<vmem>>, %arg3: memref<1x128xf32, #tpu.memory_space<vmem>>, %arg4: memref<1x128xf32, #tpu.memory_space<vmem>>, %arg5: memref<1x128xf32, #tpu.memory_space<vmem>>, %arg6: memref<1x128xf32, #tpu.memory_space<vmem>>, %arg7: memref<10240x128xf32, #tpu.memory_space<vmem>>) attributes {dimension_semantics = [], scalar_prefetch = 0 : i64, scratch_operands = 0 : i64, tpu.core_type = #tpu.core_type<tc>} {
    %get3A = arith.constant 0 : index
    %get3A_0 = arith.constant 0 : index
    %get3A_1 = vector.load %arg1[%get3A, %get3A_0] : memref<10240x128xf32, #tpu.memory_space<vmem>>, vector<10240x128xf32>
    %get3A_2 = arith.constant 0 : index
    %get3A_3 = arith.constant 0 : index
    %get3A_4 = vector.load %arg3[%get3A_2, %get3A_3] : memref<1x128xf32, #tpu.memory_space<vmem>>, vector<1x128xf32>
    %get3A_5 = arith.constant 0 : index
    %get3A_6 = arith.constant 0 : index
    %get3A_7 = vector.load %arg4[%get3A_5, %get3A_6] : memref<1x128xf32, #tpu.memory_space<vmem>>, vector<1x128xf32>
    %iota3A = tpu.iota {dimensions = array<i32: 0>} : vector<10240x1xi32>
    %lt3A = arith.constant 10000 : i32
    %lt3A_8 = vector.broadcast %lt3A : i32 to vector<10240x1xi32>
    %lt3A_9 = arith.cmpi slt, %iota3A, %lt3A_8 : vector<10240x1xi32>
    %jit3A = arith.constant 0.000000e+00 : f32
    %broadcast_in_dim3A = vector.shape_cast %lt3A_9 : vector<10240x1xi1> to vector<10240x1xi1>
    %broadcast_in_dim3A_10 = vector.broadcast %broadcast_in_dim3A : vector<10240x1xi1> to vector<10240x128xi1>
    %broadcast_in_dim3A_11 = vector.broadcast %jit3A : f32 to vector<10240x128xf32>
    %select_n3A = arith.select %broadcast_in_dim3A_10, %get3A_1, %broadcast_in_dim3A_11 : vector<10240x128xi1>, vector<10240x128xf32>
    %reduce_sum3A = arith.constant dense<0.000000e+00> : vector<128xf32>
    %reduce_sum3A_12 = vector.multi_reduction <add>, %select_n3A, %reduce_sum3A [0] : vector<10240x128xf32> to vector<128xf32>
    %broadcast_in_dim3A_13 = vector.shape_cast %reduce_sum3A_12 : vector<128xf32> to vector<1x128xf32>
    %div3A = arith.constant 1.000000e+04 : f32
    %div3A_14 = vector.broadcast %div3A : f32 to vector<1x128xf32>
    %div3A_15 = arith.divf %broadcast_in_dim3A_13, %div3A_14 : vector<1x128xf32>
    %sub3A = vector.broadcast %div3A_15 : vector<1x128xf32> to vector<10240x128xf32>
    %sub3A_16 = arith.subf %get3A_1, %sub3A : vector<10240x128xf32>
    %jit3A_17 = arith.constant 0.000000e+00 : f32
    %broadcast_in_dim3A_18 = vector.shape_cast %lt3A_9 : vector<10240x1xi1> to vector<10240x1xi1>
    %broadcast_in_dim3A_19 = vector.broadcast %broadcast_in_dim3A_18 : vector<10240x1xi1> to vector<10240x128xi1>
    %broadcast_in_dim3A_20 = vector.broadcast %jit3A_17 : f32 to vector<10240x128xf32>
    %select_n3A_21 = arith.select %broadcast_in_dim3A_19, %sub3A_16, %broadcast_in_dim3A_20 : vector<10240x128xi1>, vector<10240x128xf32>
    %mul3A = arith.mulf %select_n3A_21, %select_n3A_21 : vector<10240x128xf32>
    %reduce_sum3A_22 = arith.constant dense<0.000000e+00> : vector<128xf32>
    %reduce_sum3A_23 = vector.multi_reduction <add>, %mul3A, %reduce_sum3A_22 [0] : vector<10240x128xf32> to vector<128xf32>
    %broadcast_in_dim3A_24 = vector.shape_cast %reduce_sum3A_23 : vector<128xf32> to vector<1x128xf32>
    %div3A_25 = arith.constant 1.000000e+04 : f32
    %div3A_26 = vector.broadcast %div3A_25 : f32 to vector<1x128xf32>
    %div3A_27 = arith.divf %broadcast_in_dim3A_24, %div3A_26 : vector<1x128xf32>
    %sub3A_28 = vector.broadcast %div3A_15 : vector<1x128xf32> to vector<10240x128xf32>
    %sub3A_29 = arith.subf %get3A_1, %sub3A_28 : vector<10240x128xf32>
    %add3A = arith.constant 9.99999974E-6 : f32
    %add3A_30 = vector.broadcast %add3A : f32 to vector<1x128xf32>
    %add3A_31 = arith.addf %div3A_27, %add3A_30 : vector<1x128xf32>
    %sqrt3A = math.sqrt %add3A_31 : vector<1x128xf32>
    %div3A_32 = vector.broadcast %sqrt3A : vector<1x128xf32> to vector<10240x128xf32>
    %div3A_33 = arith.divf %sub3A_29, %div3A_32 : vector<10240x128xf32>
    %mul3A_34 = vector.broadcast %get3A_4 : vector<1x128xf32> to vector<10240x128xf32>
    %mul3A_35 = arith.mulf %div3A_33, %mul3A_34 : vector<10240x128xf32>
    %add3A_36 = vector.broadcast %get3A_7 : vector<1x128xf32> to vector<10240x128xf32>
    %add3A_37 = arith.addf %mul3A_35, %add3A_36 : vector<10240x128xf32>
    %max3A = arith.constant 0.000000e+00 : f32
    %max3A_38 = vector.broadcast %max3A : f32 to vector<10240x128xf32>
    %max3A_39 = arith.maximumf %add3A_37, %max3A_38 : vector<10240x128xf32>
    %get3A_40 = arith.constant 0 : index
    %get3A_41 = arith.constant 0 : index
    %get3A_42 = vector.load %arg2[%get3A_40, %get3A_41] : memref<128x128xf32, #tpu.memory_space<vmem>>, vector<128x128xf32>
    %dot_general3A = arith.constant dense<0.000000e+00> : vector<10240x128xf32>
    %dot_general3A_43 = tpu.matmul %max3A_39, %get3A_42, %dot_general3A {dimension_numbers = #tpu.dot_dimension_numbers<[1], [0], [0], [1], [0, 0, 1, 1], [], []>, transpose_lhs_hint = false} : vector<10240x128xf32>, vector<128x128xf32>, vector<10240x128xf32> -> vector<10240x128xf32>
    %get3A_44 = arith.constant 0 : index
    %get3A_45 = arith.constant 0 : index
    %get3A_46 = vector.load %arg5[%get3A_44, %get3A_45] : memref<1x128xf32, #tpu.memory_space<vmem>>, vector<1x128xf32>
    %get3A_47 = arith.constant 0 : index
    %get3A_48 = arith.constant 0 : index
    %get3A_49 = vector.load %arg6[%get3A_47, %get3A_48] : memref<1x128xf32, #tpu.memory_space<vmem>>, vector<1x128xf32>
    %iota3A_50 = tpu.iota {dimensions = array<i32: 0>} : vector<10240x1xi32>
    %lt3A_51 = arith.constant 10000 : i32
    %lt3A_52 = vector.broadcast %lt3A_51 : i32 to vector<10240x1xi32>
    %lt3A_53 = arith.cmpi slt, %iota3A_50, %lt3A_52 : vector<10240x1xi32>
    %jit3A_54 = arith.constant 0.000000e+00 : f32
    %broadcast_in_dim3A_55 = vector.shape_cast %lt3A_53 : vector<10240x1xi1> to vector<10240x1xi1>
    %broadcast_in_dim3A_56 = vector.broadcast %broadcast_in_dim3A_55 : vector<10240x1xi1> to vector<10240x128xi1>
    %broadcast_in_dim3A_57 = vector.broadcast %jit3A_54 : f32 to vector<10240x128xf32>
    %select_n3A_58 = arith.select %broadcast_in_dim3A_56, %dot_general3A_43, %broadcast_in_dim3A_57 : vector<10240x128xi1>, vector<10240x128xf32>
    %reduce_sum3A_59 = arith.constant dense<0.000000e+00> : vector<128xf32>
    %reduce_sum3A_60 = vector.multi_reduction <add>, %select_n3A_58, %reduce_sum3A_59 [0] : vector<10240x128xf32> to vector<128xf32>
    %broadcast_in_dim3A_61 = vector.shape_cast %reduce_sum3A_60 : vector<128xf32> to vector<1x128xf32>
    %div3A_62 = arith.constant 1.000000e+04 : f32
    %div3A_63 = vector.broadcast %div3A_62 : f32 to vector<1x128xf32>
    %div3A_64 = arith.divf %broadcast_in_dim3A_61, %div3A_63 : vector<1x128xf32>
    %sub3A_65 = vector.broadcast %div3A_64 : vector<1x128xf32> to vector<10240x128xf32>
    %sub3A_66 = arith.subf %dot_general3A_43, %sub3A_65 : vector<10240x128xf32>
    %jit3A_67 = arith.constant 0.000000e+00 : f32
    %broadcast_in_dim3A_68 = vector.shape_cast %lt3A_53 : vector<10240x1xi1> to vector<10240x1xi1>
    %broadcast_in_dim3A_69 = vector.broadcast %broadcast_in_dim3A_68 : vector<10240x1xi1> to vector<10240x128xi1>
    %broadcast_in_dim3A_70 = vector.broadcast %jit3A_67 : f32 to vector<10240x128xf32>
    %select_n3A_71 = arith.select %broadcast_in_dim3A_69, %sub3A_66, %broadcast_in_dim3A_70 : vector<10240x128xi1>, vector<10240x128xf32>
    %mul3A_72 = arith.mulf %select_n3A_71, %select_n3A_71 : vector<10240x128xf32>
    %reduce_sum3A_73 = arith.constant dense<0.000000e+00> : vector<128xf32>
    %reduce_sum3A_74 = vector.multi_reduction <add>, %mul3A_72, %reduce_sum3A_73 [0] : vector<10240x128xf32> to vector<128xf32>
    %broadcast_in_dim3A_75 = vector.shape_cast %reduce_sum3A_74 : vector<128xf32> to vector<1x128xf32>
    %div3A_76 = arith.constant 1.000000e+04 : f32
    %div3A_77 = vector.broadcast %div3A_76 : f32 to vector<1x128xf32>
    %div3A_78 = arith.divf %broadcast_in_dim3A_75, %div3A_77 : vector<1x128xf32>
    %sub3A_79 = vector.broadcast %div3A_64 : vector<1x128xf32> to vector<10240x128xf32>
    %sub3A_80 = arith.subf %dot_general3A_43, %sub3A_79 : vector<10240x128xf32>
    %add3A_81 = arith.constant 9.99999974E-6 : f32
    %add3A_82 = vector.broadcast %add3A_81 : f32 to vector<1x128xf32>
    %add3A_83 = arith.addf %div3A_78, %add3A_82 : vector<1x128xf32>
    %sqrt3A_84 = math.sqrt %add3A_83 : vector<1x128xf32>
    %div3A_85 = vector.broadcast %sqrt3A_84 : vector<1x128xf32> to vector<10240x128xf32>
    %div3A_86 = arith.divf %sub3A_80, %div3A_85 : vector<10240x128xf32>
    %mul3A_87 = vector.broadcast %get3A_46 : vector<1x128xf32> to vector<10240x128xf32>
    %mul3A_88 = arith.mulf %div3A_86, %mul3A_87 : vector<10240x128xf32>
    %add3A_89 = vector.broadcast %get3A_49 : vector<1x128xf32> to vector<10240x128xf32>
    %add3A_90 = arith.addf %mul3A_88, %add3A_89 : vector<10240x128xf32>
    %get3A_91 = arith.constant 0 : index
    %get3A_92 = arith.constant 0 : index
    %get3A_93 = vector.load %arg0[%get3A_91, %get3A_92] : memref<10240x128xf32, #tpu.memory_space<vmem>>, vector<10240x128xf32>
    %add3A_94 = arith.addf %get3A_93, %add3A_90 : vector<10240x128xf32>
    %max3A_95 = arith.constant 0.000000e+00 : f32
    %max3A_96 = vector.broadcast %max3A_95 : f32 to vector<10240x128xf32>
    %max3A_97 = arith.maximumf %add3A_94, %max3A_96 : vector<10240x128xf32>
    %swap3A = arith.constant 0 : index
    %swap3A_98 = arith.constant 0 : index
    %swap3A_99 = vector.load %arg7[%swap3A, %swap3A_98] : memref<10240x128xf32, #tpu.memory_space<vmem>>, vector<10240x128xf32>
    tpu.vector_store %arg7[%swap3A, %swap3A_98], %max3A_97 {strides = array<i32>} : memref<10240x128xf32, #tpu.memory_space<vmem>>, vector<10240x128xf32>,
    return
  }
}

</mosaic_0001>

<sc_bundles>
// kernel: kernel.18.cloned.1.call-start
scs
__scs_entry_jumppad:
0x0: {  	(pc) =	sbr.rel $0x88, $3  }
0x1: {  	(tag) =	ssettag $0x0;
	lr =	simm.s32 $0x1  }
0x2: {  	[smem:$0x3F58] =	sst lr;
	_ =	strace $0xD0000000  }
0x3: {  	_ = 	snop  }
0x4: {  	_ = 	snop  }
0x5: {  	_ = 	snop  }
0x6: {  	_ = 	snop  }
0x7: {  	_ = 	snop  }
__scs_overlays_trampoline_lowered:
0x8: {  	[smem:$0x3F67] =	sst s0  }
0x9: {  	[smem:$0x3F68] =	sst s1  }
0xa: {  	[smem:$0x3F69] =	sst s2  }
0xb: {  	[smem:$0x3F6A] =	sst s3  }
0xc: {  	[smem:$0x3F6B] =	sst s4  }
0xd: {  	[smem:$0x3F6C] =	sst s5  }
0xe: {  	[smem:$0x3F6D] =	sst s6  }
0xf: {  	[smem:$0x3F6E] =	sst s7  }
0x10: {  	[smem:$0x3F6F] =	sst s8  }
0x11: {  	[smem:$0x3F70] =	sst s9;
	s0 =	simm.s32 @!p0 $0x0  }
0x12: {  	s1 =	sld [smem:$0x3F56];
	s0 =	simm.s32 @p0 $0x1  }
0x13: {  	[smem:$0x3F71] =	sst s0;
	s0 =	simm.s32 @!p1 $0x0  }
0x14: {  	s2 =	sld [smem:$0x3F55];
	s0 =	simm.s32 @p1 $0x1  }
0x15: {  	[smem:$0x3F72] =	sst s0;
	s0 =	simm.s32 @!p2 $0x0  }
0x16: {  	s3 =	sld [smem:$0x3FDB];
	s0 =	simm.s32 @p2 $0x1  }
0x17: {  	s4 =	simm.s32 $0x1BF5;
	[smem:$0x3F74] =	sst s0  }
0x18: {  	s0 =	sld [smem:$0x3F57];
	_ =	swait.ge [sflag:s4], $0x0  }
0x19: {  	s7 =	sld [smem:$0x3F58]  }
0x1a: {  	s8 =	sadd.s32 $0xFFFFE003, lr  }
0x1b: {  	s9 =	sadd.s32 $0xFFFFFEF7, lr;
	s5 =	simm.s32 $0xFFFFFFFF;
	p2 =	slt.u32 s8, $0xFFFFF086  }
0x1c: {  	p1 =	slt.u32 s9, $0xF7A;
	s5 =	simm.s32 @!p2 $0x0  }
0x1d: {  	s5 =	simm.s32 @p1 $0x1;
	p0 =	seq.s32 s7, s2  }
0x1e: {  	s7 =	smul.u32 @!p0 $0xF7A, s2;
	p2 =	seq.s32 @!p0 s5, $0x0  }
0x1f: {  	s9 =	smul.u32 $0xF7A, s1;
	s8 =	simm.s32 @!p0 $0x1BF5;
	p2 =	por !p2, p0  }
0x20: {  	[sflag:s8] =	ssyncset.s32 @!p0 $0xFFFFF086;
	s6 =	sadd.s32 @!p0 s3, s7;
	s7 =	simm.s32 @!p0 $0x108  }
0x21: {  	s3 =	sadd.s32 s3, s9;
	s6 =	sadd.s32 @!p0 $0x88, s6;
	s7 =	simm.s32 @p2 $0x1082  }
0x22: {  	[simem:s7], [sflag:s8] =	dma.local @!p0 [hbm:s6], $0xF7A  }
0x23: {  	s9 =	sor.u32 $0xD0000000, s2;
	s6 =	simm.s32 $0x108;
	_ =	swait.ge @!p0 [sflag:s8], $0x0  }
0x24: {  	s3 =	sadd.s32 $0x88, s3;
	s6 =	simm.s32 @!p1 $0x1082;
	[sflag:s4] =	ssyncset.s32 $0xFFFFF086  }
0x25: {  	[simem:s6], [sflag:s4] =	dma.local [hbm:s3], $0xF7A  }
0x26: {  	[smem:$0x3F58] =	sst s1;
	(tag) =	ssettag s2;
	_ =	strace s9  }
0x27: {  	s1 =	sld [smem:$0x3F68]  }
0x28: {  	s2 =	sld [smem:$0x3F69]  }
0x29: {  	s4 =	sld [smem:$0x3F6B]  }
0x2a: {  	p0 =	seq.s32 s5, $0x0;
	s5 =	sld [smem:$0x3F6C]  }
0x2b: {  	s6 =	sld [smem:$0x3F6D]  }
0x2c: {  	s7 =	sld [smem:$0x3F6E]  }
0x2d: {  	s3 =	simm.s32 $0x108;
	s8 =	sld [smem:$0x3F6F]  }
0x2e: {  	s3 =	simm.s32 @!p0 $0x1082;
	s9 =	sld [smem:$0x3F70]  }
0x2f: {  	lr =	sadd.s32 s0, s3;
	s0 =	sld [smem:$0x3F67]  }
0x30: {  	s3 =	sld [smem:$0x3F6A]  }
0x31: {  	[smem:$0x3F73] =	sst s10  }
0x32: {  	s10 =	sld [smem:$0x3F71];
	_ =	sdelay $0x3  }
0x33: {  	p0 =	seq.s32 s10, $0x1;
	s10 =	sld [smem:$0x3F73];
	_ =	sdelay $0x3  }
0x34: {  	[smem:$0x3F73] =	sst s10  }
0x35: {  	s10 =	sld [smem:$0x3F72];
	_ =	sdelay $0x3  }
0x36: {  	p1 =	seq.s32 s10, $0x1;
	s10 =	sld [smem:$0x3F73];
	_ =	sdelay $0x3  }
0x37: {  	[smem:$0x3F73] =	sst s10  }
0x38: {  	s10 =	sld [smem:$0x3F74]  }
0x39: {  	_ = 	snop;
	(pc) =	sbr.ind lr, $3  }
0x3a: {  	_ = 	snop  }
0x3b: {  	_ = 	snop  }
0x3c: {  	p2 =	seq.s32 s10, $0x1;
	s10 =	sld [smem:$0x3F73]  }
0x3d: {  	_ =	shalt  }
0x3e: {  	_ =	shalt  }
0x3f: {  	_ =	shalt  }
0x40: {  	_ =	shalt  }
0x41: {  	_ =	shalt  }
0x42: {  	_ =	shalt  }
0x43: {  	_ =	shalt  }
0x44: {  	_ =	shalt  }
0x45: {  	_ =	shalt  }
0x46: {  	_ =	shalt  }
0x47: {  	_ =	shalt  }
0x48: {  	_ =	shalt  }
0x49: {  	_ =	shalt  }
0x4a: {  	_ =	shalt  }
0x4b: {  	_ =	shalt  }
0x4c: {  	_ =	shalt  }
0x4d: {  	_ =	shalt  }
0x4e: {  	_ =	shalt  }
0x4f: {  	_ =	shalt  }
0x50: {  	_ =	shalt  }
0x51: {  	_ =	shalt  }
0x52: {  	_ =	shalt  }
0x53: {  	_ =	shalt  }
0x54: {  	_ =	shalt  }
0x55: {  	_ =	shalt  }
0x56: {  	_ =	shalt  }
0x57: {  	_ =	shalt  }
0x58: {  	_ =	shalt  }
0x59: {  	_ =	shalt  }
0x5a: {  	_ =	shalt  }
0x5b: {  	_ =	shalt  }
0x5c: {  	_ =	shalt  }
0x5d: {  	_ =	shalt  }
0x5e: {  	_ =	shalt  }
0x5f: {  	_ =	shalt  }
0x60: {  	_ =	shalt  }
0x61: {  	_ =	shalt  }
0x62: {  	_ =	shalt  }
0x63: {  	_ =	shalt  }
0x64: {  	_ =	shalt  }
0x65: {  	_ =	shalt  }
0x66: {  	_ =	shalt  }
0x67: {  	_ =	shalt  }
0x68: {  	_ =	shalt  }
0x69: {  	_ =	shalt  }
0x6a: {  	_ =	shalt  }
0x6b: {  	_ =	shalt  }
0x6c: {  	_ =	shalt  }
0x6d: {  	_ =	shalt  }
0x6e: {  	_ =	shalt  }
0x6f: {  	_ =	shalt  }
0x70: {  	_ =	shalt  }
0x71: {  	_ =	shalt  }
0x72: {  	_ =	shalt  }
0x73: {  	_ =	shalt  }
0x74: {  	_ =	shalt  }
0x75: {  	_ =	shalt  }
0x76: {  	_ =	shalt  }
0x77: {  	_ =	shalt  }
0x78: {  	_ =	shalt  }
0x79: {  	_ =	shalt  }
0x7a: {  	_ =	shalt  }
0x7b: {  	_ =	shalt  }
0x7c: {  	_ =	shalt  }
0x7d: {  	_ =	shalt  }
0x7e: {  	_ =	shalt  }
0x7f: {  	_ =	shalt  }
0x80: {  	_ =	shalt  }
0x81: {  	_ =	shalt  }
0x82: {  	_ =	shalt  }
0x83: {  	_ =	shalt  }
0x84: {  	_ =	shalt  }
0x85: {  	_ =	shalt  }
0x86: {  	_ =	shalt  }
0x87: {  	_ =	shalt  }
.Lfunc_end0:
.L_simem_size_0:
called_computation_lowered:
.L_overlay_start_0:
0x88: {  	s2 =	sld [smem:$0x3FD9]  }
0x89: {  	s3 =	sld [smem:$0x3FFE];
	_ =	sdelay $0x1  }
0x8a: {  	s1 =	srdreg.scid  }
0x8b: {  	s0 =	sand.u32 $0x1, s1  }
0x8c: {  	s14 =	sshll.u32 s0, $0xA;
	s2 =	sadd.s32 s3, s2  }
0x8d: {  	s2 =	sadd.s32 s2, s14  }
0x8e: {  	[smem:$0x3F7F] =	sst s2  }
0x8f: {  	_ = 	snop  }
0x90: {  	s2 =	sld [smem:$0x3FD0];
	_ =	sdelay $0x2  }
0x91: {  	s15 =	simm.s32 $0xB;
	s4 =	simm.s32 $0x10  }
0x92: {  	[smem:s4], [sflag:s15] =	dma.local [hbm:s2], $0x1  }
0x93: {  	_ =	swait.eq [sflag:s15], $0x1  }
0x94: {  	[sflag:s15] =	ssyncset.done $0x0  }
0x95: {  	[sflag:s15] =	ssyncadd.s32 $0xFFFFFFFF  }
0x96: {  	s16 =	sld [smem:$0x11];
	(tm) =	ssettm $0x1  }
0x97: {  	s17 =	sld [smem:$0x3FFB];
	_ =	sdelay $0x3  }
0x98: {  	_ =	strace s17  }
0x99: {  	s3 =	sld [smem:$0x3FFC];
	_ =	sdelay $0x3  }
0x9a: {  	_ =	strace s3  }
0x9b: {  	s3 =	sld [smem:$0x3FFD];
	_ =	sdelay $0x3  }
0x9c: {  	_ =	strace s3  }
0x9d: {  	_ =	strace $0x8FFFFFFF  }
0x9e: {  	s18 =	sld [smem:$0x3FDB];
	_ =	sdelay $0x1  }
0x9f: {  	s19 =	simm.s32 $_scs_section_size  }
0xa0: {  	s5 =	simm.s32 $_size__tile_overlayer_lowered;
	s6 =	simm.s32 $_tile_overlayer_lowered  }
0xa1: {  	s22 =	simm.s32 $0x1BFF;
	s21 =	sshll.u32 s6, $0x1;
	s3 =	sadd.s32 s19, s18  }
0xa2: {  	s7 =	simm.s32 $0x0;
	s20 =	sshll.u32 s5, $0x1;
	s5 =	sadd.s32 s21, s3  }
0xa3: {  	[timem:s7], [sflag:s22] =	dma.local [hbm:s5], s20  }
0xa4: {  	_ =	swait.ge [sflag:s22], s20  }
0xa5: {  	s4 =	ssub.s32 $0x0, s20;
	[sflag:s22] =	ssyncset.done $0x0  }
0xa6: {  	[sflag:s22] =	ssyncadd.s32 s4;
	_ =	sdelay $0x1  }
0xa7: {  	s23 =	simm.s32 $0x1B8B  }
0xa8: {  	_ =	swait.ge [sflag:s23], $0x1  }
0xa9: {  	[sflag:s23] =	ssyncset.done $0x0  }
0xaa: {  	s25 =	simm.s32 $0x1B8E;
	s24 =	sld [smem:$0x3FFE];
	[sflag:s23] =	ssyncadd.s32 $0xFFFFFFFF  }
0xab: {  	s26 =	simm.s32 $execute0_lowered;
	[smem:$0x3FD2] =	sst s25  }
0xac: {  	s5 =	sshll.u32 s26, $0x1;
	_ =	strace $0x80000046;
	[dreg:$0x1] =	wrdreg $0xFFFFFFFF  }
0xad: {  	s28 =	simm.s32 $_size_execute0_lowered;
	s3 =	sadd.s32 s3, s5;
	[dreg:$0x0] =	wrdreg $0x0  }
0xae: {  	s5 =	sshll.u32 s28, $0x1;
	[dreg:$0x2] =	wrdreg s3  }
0xaf: {  	[dreg:$0x3] =	wrdreg s5  }
0xb0: {  	[dreg:$0x4] =	wrdreg $0xC0  }
0xb1: {  	_ =	task [dreg:s7], $0x5FFFF  }
0xb2: {  	[dreg:$0x1] =	wrdreg $0xFFFFFFFF  }
0xb3: {  	[dreg:$0x0] =	wrdreg $0x60  }
0xb4: {  	[dreg:$0x2] =	wrdreg s16  }
0xb5: {  	[dreg:$0x3] =	wrdreg s24  }
0xb6: {  	[dreg:$0x4] =	wrdreg $0x9  }
0xb7: {  	_ =	task.clear_ibuf [dreg:s7], $0x5FFFF;
	_ =	strace $0x90000046  }
0xb8: {  	s29 =	simm.s32 $0x9;
	_ =	strace $0x80000048  }
0xb9: {  	_ =	swait.ge [sflag:s29], $0x1  }
0xba: {  	[sflag:s29] =	ssyncadd.s32 $0xFFFFFFFF  }
0xbb: {  	_ =	strace $0x90000048  }
0xbc: {  	_ =	sfence  }
0xbd: {  	s30 =	sld [smem:$0x0];
	_ =	sdelay $0x2  }
0xbe: {  	s31 =	sshll.u32 s1, $0xD;
	s1 =	sshrl.u32 s1, $0x2  }
0xbf: {  	s3 =	sand.u32 $0x4000, s31;
	s1 =	sadd.s32 s1, s30  }
0xc0: {  	s0 =	sor.u32 s3, s0;
	s1 =	sshll.u32 s1, $0x11  }
0xc1: {  	s0 =	sor.u32 s1, s0  }
0xc2: {  	s0 =	sadd.s32 $0x8F2B, s0  }
0xc3: {  	[sflag:s0] =	ssyncadd.remote.s32 $0x1  }
0xc4: {  	_ =	sfence.sel $0xFFFF  }
0xc5: {  	[dreg:$0x0] =	wrdreg $0xFFFFFFFF;
	(pc) =	sbr.abs _section_cstart, $3  }
0xc6: {  	[dreg:$0x1] =	wrdreg $0xFFFFFFFF  }
0xc7: {  	_ =	task.clear_ibuf [dreg:s7], $0x2FFFF;
	_ =	strace $0x9FFFFFFF  }
0xc8: {  	(tm) =	ssettm $0x7FFFFFFF  }
0xc9: {  	_ =	shalt  }
tec
execute0_lowered:
.L_overlay_start_1:
0x0: {  	(tag) =	ssettag $0x1  }
0x1: {  	s1 =	srdreg.scid;
	s0 =	stileid.u32  }
0x2: {  	s2 =	rddreg [dreg:$0x0];
	s6 =	sand.u32 $0x1, s1;
	s30 =	sshll.u32 s0, $0x1  }
0x3: {  	s9 =	rddreg [dreg:$0x1];
	s7 =	sor.u32 s6, s30  }
0x4: {  	s3 =	simm.s32 $0x0;
	s1 =	rddreg [dreg:$0x2];
	s4 =	smul.u32 $0x28, s7  }
0x5: {  	s8 =	simm.s32 $0x1;
	[smem:$0x7FF] =	sst s3  }
0x6: {  	_ =	strace $0x80000047;
	s11 =	ssub.s32 $0x2, s6;
	s4 =	sadd.s32 s4, s9  }
0x7: {  	s6 =	simm.s32 $0x140;
	s5 =	sadd.s32 $0xEC00, s4;
	s4 =	simm.s32 $0x2  }
0x8: {  	[tilespmem:s3], [sflag:$0x2] =	stream.linear.gather [hbm4b:s5+s3], $0x140, $0x38;
	[tilespmem:$0xA180] =	vst v63  }
0x9: {  	s10 =	smul.u32 $0x1400, s7;
	s12 =	sshrl.u32 s11, $0x1;
	_ =	swait.ge [sflag:s4], $0x140  }
0xa: {  	s7 =	simm.s32 $0x180;
	s31 =	ssub.s32 s11, s12;
	[sflag:s4] =	ssyncset.done $0x0  }
0xb: {  	s9 =	sadd.s32 s10, s9;
	s10 =	smax.u32 s31, $0x1;
	[sflag:s4] =	ssyncadd.s32 $0xFFFFFEC0  }
0xc: {  	[tilespmem:s7], [sflag:$0x1] =	stream.indirect.gather [hbm4b:s2+s6], $0x80, s3, s6, $0xb8;
	[tilespmem:$0xA180] =	vst v63  }
0xd: {  	p0 =	sne.s32 s10, $0x1;
	_ =	swait.ge [sflag:s8], $0xA000  }
.Ltmp0:
0xe: {  	[sflag:s8] =	ssyncset.done $0x0;
	(pc) =	sbr.rel @!p0 .LBB2_2-.Ltmp0, $4  }
0xf: {  	s9 =	sadd.s32 $0x37200, s9;
	[sflag:s8] =	ssyncadd.s32 $0xFFFF6000  }
0x10: {  	[hbm4b:s9+s3] =	stream.linear.scatter [tilespmem:s7], [sflag:$0x2], $0xA000, $0x38;
	[tilespmem:$0xA180] =	vst v63  }
0x11: {  	_ =	swait.ge [sflag:s4], $0xA000  }
0x12: {  	s10 =	sadd.s32 $0xFFFFFFFF, s10;
	[sflag:s4] =	ssyncset.done $0x0  }
.LBB2_1:
0x13: {  	p0 =	sne.s32 s10, $0x1;
	s10 =	sadd.s32 $0xFFFFFFFF, s10;
	[sflag:s4] =	ssyncadd.s32 $0xFFFF6000  }
0x14: {  	[tilespmem:s3], [sflag:$0x2] =	stream.linear.gather [hbm4b:s5+s3], $0x140, $0x38;
	[tilespmem:$0xA180] =	vst v63  }
0x15: {  	_ =	swait.ge [sflag:s4], $0x140  }
0x16: {  	[sflag:s4] =	ssyncset.done $0x0  }
0x17: {  	[sflag:s4] =	ssyncadd.s32 $0xFFFFFEC0  }
0x18: {  	[tilespmem:s7], [sflag:$0x1] =	stream.indirect.gather [hbm4b:s2+s6], $0x80, s3, s6, $0xb8;
	[tilespmem:$0xA180] =	vst v63  }
0x19: {  	_ =	swait.ge [sflag:s8], $0xA000  }
.Ltmp1:
0x1a: {  	[sflag:s8] =	ssyncset.done $0x0;
	(pc) =	sbr.rel @p0 .LBB2_1-.Ltmp1, $4  }
0x1b: {  	[sflag:s8] =	ssyncadd.s32 $0xFFFF6000  }
0x1c: {  	[hbm4b:s9+s3] =	stream.linear.scatter [tilespmem:s7], [sflag:$0x2], $0xA000, $0x38;
	[tilespmem:$0xA180] =	vst v63  }
0x1d: {  	_ =	swait.ge [sflag:s4], $0xA000  }
0x1e: {  	[sflag:s4] =	ssyncset.done $0x0  }
.LBB2_2:
0x1f: {  	[sflag:s4] =	ssyncadd.s32 $0xFFFF6000  }
0x20: {  	_ =	sfence.sel $0x180000  }
0x21: {  	[bflag:$0x0] =	sbarrier.arrive $0xFFFF  }
0x22: {  	p0 =	sne.s32 s0, $0x0;
	_ =	strace $0x90000047  }
0x23: {  	s0 =	sadd.s32 @!p0 $0x100000, s1;
	[bflag:$0x2] =	sbarrier.arrive $0xFFFF  }
0x24: {  	[sflag:s0] =	ssyncadd.tile.s32 @!p0 $0x1;
	_ =	shalt  }
.Lfunc_end2:
_tile_overlayer_lowered:
.L_overlay_start_2:
0x25: {  	(tag) =	ssettag $0x2  }
0x26: {  	s0 =	rddreg [dreg:$0x0];
	s2 =	stileid.u32  }
0x27: {  	s1 =	rddreg [dreg:$0x1];
	p0 =	sne.s32 s2, $0x0  }
0x28: {  	s3 =	rddreg [dreg:$0x2];
	[bflag:$0x3] =	sbarrier.arrive $0xFFFF;
	s2 =	simm.s32 @!p0 $0x1C02  }
0x29: {  	[timem:s3], [sflag:s2] =	dma.local @!p0 [hbm:s0], s1  }
0x2a: {  	s0 =	simm.s32 @!p0 $0x2  }
0x2b: {  	_ =	swait.ge @!p0 [sflag:s0], s1  }
0x2c: {  	s1 =	ssub.s32 @!p0 $0x0, s1;
	[sflag:s0] =	ssyncset.done @!p0 $0x0  }
0x2d: {  	[sflag:s0] =	ssyncadd.s32 @!p0 s1  }
0x2e: {  	[bflag:$0x3] =	sbarrier.arrive $0xFFFF  }
0x2f: {  	_ =	shalt  }

// kernel: kernel.21.cloned.1.call-start
scs
__scs_entry_jumppad:
0x0: {  	(pc) =	sbr.rel $0x88, $3  }
0x1: {  	(tag) =	ssettag $0x0;
	lr =	simm.s32 $0x1  }
0x2: {  	[smem:$0x3F58] =	sst lr;
	_ =	strace $0xD0000000  }
0x3: {  	_ = 	snop  }
0x4: {  	_ = 	snop  }
0x5: {  	_ = 	snop  }
0x6: {  	_ = 	snop  }
0x7: {  	_ = 	snop  }
__scs_overlays_trampoline_lowered:
0x8: {  	[smem:$0x3F67] =	sst s0  }
0x9: {  	[smem:$0x3F68] =	sst s1  }
0xa: {  	[smem:$0x3F69] =	sst s2  }
0xb: {  	[smem:$0x3F6A] =	sst s3  }
0xc: {  	[smem:$0x3F6B] =	sst s4  }
0xd: {  	[smem:$0x3F6C] =	sst s5  }
0xe: {  	[smem:$0x3F6D] =	sst s6  }
0xf: {  	[smem:$0x3F6E] =	sst s7  }
0x10: {  	[smem:$0x3F6F] =	sst s8  }
0x11: {  	[smem:$0x3F70] =	sst s9;
	s0 =	simm.s32 @!p0 $0x0  }
0x12: {  	s1 =	sld [smem:$0x3F56];
	s0 =	simm.s32 @p0 $0x1  }
0x13: {  	[smem:$0x3F71] =	sst s0;
	s0 =	simm.s32 @!p1 $0x0  }
0x14: {  	s2 =	sld [smem:$0x3F55];
	s0 =	simm.s32 @p1 $0x1  }
0x15: {  	[smem:$0x3F72] =	sst s0;
	s0 =	simm.s32 @!p2 $0x0  }
0x16: {  	s3 =	sld [smem:$0x3FDB];
	s0 =	simm.s32 @p2 $0x1  }
0x17: {  	s4 =	simm.s32 $0x1BF5;
	[smem:$0x3F74] =	sst s0  }
0x18: {  	s0 =	sld [smem:$0x3F57];
	_ =	swait.ge [sflag:s4], $0x0  }
0x19: {  	s7 =	sld [smem:$0x3F58]  }
0x1a: {  	s8 =	sadd.s32 $0xFFFFE003, lr  }
0x1b: {  	s9 =	sadd.s32 $0xFFFFFEF7, lr;
	s5 =	simm.s32 $0xFFFFFFFF;
	p2 =	slt.u32 s8, $0xFFFFF086  }
0x1c: {  	p1 =	slt.u32 s9, $0xF7A;
	s5 =	simm.s32 @!p2 $0x0  }
0x1d: {  	s5 =	simm.s32 @p1 $0x1;
	p0 =	seq.s32 s7, s2  }
0x1e: {  	s7 =	smul.u32 @!p0 $0xF7A, s2;
	p2 =	seq.s32 @!p0 s5, $0x0  }
0x1f: {  	s9 =	smul.u32 $0xF7A, s1;
	s8 =	simm.s32 @!p0 $0x1BF5;
	p2 =	por !p2, p0  }
0x20: {  	[sflag:s8] =	ssyncset.s32 @!p0 $0xFFFFF086;
	s6 =	sadd.s32 @!p0 s3, s7;
	s7 =	simm.s32 @!p0 $0x108  }
0x21: {  	s3 =	sadd.s32 s3, s9;
	s6 =	sadd.s32 @!p0 $0x88, s6;
	s7 =	simm.s32 @p2 $0x1082  }
0x22: {  	[simem:s7], [sflag:s8] =	dma.local @!p0 [hbm:s6], $0xF7A  }
0x23: {  	s9 =	sor.u32 $0xD0000000, s2;
	s6 =	simm.s32 $0x108;
	_ =	swait.ge @!p0 [sflag:s8], $0x0  }
0x24: {  	s3 =	sadd.s32 $0x88, s3;
	s6 =	simm.s32 @!p1 $0x1082;
	[sflag:s4] =	ssyncset.s32 $0xFFFFF086  }
0x25: {  	[simem:s6], [sflag:s4] =	dma.local [hbm:s3], $0xF7A  }
0x26: {  	[smem:$0x3F58] =	sst s1;
	(tag) =	ssettag s2;
	_ =	strace s9  }
0x27: {  	s1 =	sld [smem:$0x3F68]  }
0x28: {  	s2 =	sld [smem:$0x3F69]  }
0x29: {  	s4 =	sld [smem:$0x3F6B]  }
0x2a: {  	p0 =	seq.s32 s5, $0x0;
	s5 =	sld [smem:$0x3F6C]  }
0x2b: {  	s6 =	sld [smem:$0x3F6D]  }
0x2c: {  	s7 =	sld [smem:$0x3F6E]  }
0x2d: {  	s3 =	simm.s32 $0x108;
	s8 =	sld [smem:$0x3F6F]  }
0x2e: {  	s3 =	simm.s32 @!p0 $0x1082;
	s9 =	sld [smem:$0x3F70]  }
0x2f: {  	lr =	sadd.s32 s0, s3;
	s0 =	sld [smem:$0x3F67]  }
0x30: {  	s3 =	sld [smem:$0x3F6A]  }
0x31: {  	[smem:$0x3F73] =	sst s10  }
0x32: {  	s10 =	sld [smem:$0x3F71];
	_ =	sdelay $0x3  }
0x33: {  	p0 =	seq.s32 s10, $0x1;
	s10 =	sld [smem:$0x3F73];
	_ =	sdelay $0x3  }
0x34: {  	[smem:$0x3F73] =	sst s10  }
0x35: {  	s10 =	sld [smem:$0x3F72];
	_ =	sdelay $0x3  }
0x36: {  	p1 =	seq.s32 s10, $0x1;
	s10 =	sld [smem:$0x3F73];
	_ =	sdelay $0x3  }
0x37: {  	[smem:$0x3F73] =	sst s10  }
0x38: {  	s10 =	sld [smem:$0x3F74]  }
0x39: {  	_ = 	snop;
	(pc) =	sbr.ind lr, $3  }
0x3a: {  	_ = 	snop  }
0x3b: {  	_ = 	snop  }
0x3c: {  	p2 =	seq.s32 s10, $0x1;
	s10 =	sld [smem:$0x3F73]  }
0x3d: {  	_ =	shalt  }
0x3e: {  	_ =	shalt  }
0x3f: {  	_ =	shalt  }
0x40: {  	_ =	shalt  }
0x41: {  	_ =	shalt  }
0x42: {  	_ =	shalt  }
0x43: {  	_ =	shalt  }
0x44: {  	_ =	shalt  }
0x45: {  	_ =	shalt  }
0x46: {  	_ =	shalt  }
0x47: {  	_ =	shalt  }
0x48: {  	_ =	shalt  }
0x49: {  	_ =	shalt  }
0x4a: {  	_ =	shalt  }
0x4b: {  	_ =	shalt  }
0x4c: {  	_ =	shalt  }
0x4d: {  	_ =	shalt  }
0x4e: {  	_ =	shalt  }
0x4f: {  	_ =	shalt  }
0x50: {  	_ =	shalt  }
0x51: {  	_ =	shalt  }
0x52: {  	_ =	shalt  }
0x53: {  	_ =	shalt  }
0x54: {  	_ =	shalt  }
0x55: {  	_ =	shalt  }
0x56: {  	_ =	shalt  }
0x57: {  	_ =	shalt  }
0x58: {  	_ =	shalt  }
0x59: {  	_ =	shalt  }
0x5a: {  	_ =	shalt  }
0x5b: {  	_ =	shalt  }
0x5c: {  	_ =	shalt  }
0x5d: {  	_ =	shalt  }
0x5e: {  	_ =	shalt  }
0x5f: {  	_ =	shalt  }
0x60: {  	_ =	shalt  }
0x61: {  	_ =	shalt  }
0x62: {  	_ =	shalt  }
0x63: {  	_ =	shalt  }
0x64: {  	_ =	shalt  }
0x65: {  	_ =	shalt  }
0x66: {  	_ =	shalt  }
0x67: {  	_ =	shalt  }
0x68: {  	_ =	shalt  }
0x69: {  	_ =	shalt  }
0x6a: {  	_ =	shalt  }
0x6b: {  	_ =	shalt  }
0x6c: {  	_ =	shalt  }
0x6d: {  	_ =	shalt  }
0x6e: {  	_ =	shalt  }
0x6f: {  	_ =	shalt  }
0x70: {  	_ =	shalt  }
0x71: {  	_ =	shalt  }
0x72: {  	_ =	shalt  }
0x73: {  	_ =	shalt  }
0x74: {  	_ =	shalt  }
0x75: {  	_ =	shalt  }
0x76: {  	_ =	shalt  }
0x77: {  	_ =	shalt  }
0x78: {  	_ =	shalt  }
0x79: {  	_ =	shalt  }
0x7a: {  	_ =	shalt  }
0x7b: {  	_ =	shalt  }
0x7c: {  	_ =	shalt  }
0x7d: {  	_ =	shalt  }
0x7e: {  	_ =	shalt  }
0x7f: {  	_ =	shalt  }
0x80: {  	_ =	shalt  }
0x81: {  	_ =	shalt  }
0x82: {  	_ =	shalt  }
0x83: {  	_ =	shalt  }
0x84: {  	_ =	shalt  }
0x85: {  	_ =	shalt  }
0x86: {  	_ =	shalt  }
0x87: {  	_ =	shalt  }
.Lfunc_end0:
.L_simem_size_0:
called_computation.1_lowered:
.L_overlay_start_0:
0x88: {  	s2 =	sld [smem:$0x3FD9]  }
0x89: {  	s3 =	sld [smem:$0x3FFE];
	_ =	sdelay $0x1  }
0x8a: {  	s1 =	srdreg.scid  }
0x8b: {  	s0 =	sand.u32 $0x1, s1  }
0x8c: {  	s16 =	sshll.u32 s0, $0xA;
	s2 =	sadd.s32 s3, s2  }
0x8d: {  	s2 =	sadd.s32 s2, s16  }
0x8e: {  	[smem:$0x3F7F] =	sst s2  }
0x8f: {  	_ = 	snop  }
0x90: {  	(tm) =	ssettm $0x1  }
0x91: {  	s17 =	sld [smem:$0x3FFB];
	_ =	sdelay $0x3  }
0x92: {  	_ =	strace s17  }
0x93: {  	s2 =	sld [smem:$0x3FFC];
	_ =	sdelay $0x3  }
0x94: {  	_ =	strace s2  }
0x95: {  	s2 =	sld [smem:$0x3FFD];
	_ =	sdelay $0x3  }
0x96: {  	_ =	strace s2  }
0x97: {  	_ =	strace $0x8FFFFFFF  }
0x98: {  	s18 =	sld [smem:$0x3FDB];
	_ =	sdelay $0x1  }
0x99: {  	s19 =	simm.s32 $_scs_section_size  }
0x9a: {  	s4 =	simm.s32 $_size__tile_overlayer_lowered;
	s5 =	simm.s32 $_tile_overlayer_lowered  }
0x9b: {  	s22 =	simm.s32 $0x1BFF;
	s21 =	sshll.u32 s5, $0x1;
	s2 =	sadd.s32 s19, s18  }
0x9c: {  	s6 =	simm.s32 $0x0;
	s20 =	sshll.u32 s4, $0x1;
	s4 =	sadd.s32 s21, s2  }
0x9d: {  	[timem:s6], [sflag:s22] =	dma.local [hbm:s4], s20  }
0x9e: {  	_ =	swait.ge [sflag:s22], s20  }
0x9f: {  	s3 =	ssub.s32 $0x0, s20;
	[sflag:s22] =	ssyncset.done $0x0  }
0xa0: {  	[sflag:s22] =	ssyncadd.s32 s3;
	_ =	sdelay $0x1  }
0xa1: {  	s23 =	simm.s32 $0x1B8B  }
0xa2: {  	_ =	swait.ge [sflag:s23], $0x1  }
0xa3: {  	[sflag:s23] =	ssyncset.done $0x0  }
0xa4: {  	s25 =	simm.s32 $0x1B8E;
	s24 =	sld [smem:$0x3FFE];
	[sflag:s23] =	ssyncadd.s32 $0xFFFFFFFF  }
0xa5: {  	s26 =	simm.s32 $execute0_lowered;
	[smem:$0x3FD2] =	sst s25  }
0xa6: {  	s4 =	sshll.u32 s26, $0x1;
	_ =	strace $0x80000049;
	[dreg:$0x1] =	wrdreg $0xFFFFFFFF  }
0xa7: {  	s28 =	simm.s32 $_size_execute0_lowered;
	s2 =	sadd.s32 s2, s4;
	[dreg:$0x0] =	wrdreg $0x0  }
0xa8: {  	s4 =	sshll.u32 s28, $0x1;
	[dreg:$0x2] =	wrdreg s2  }
0xa9: {  	[dreg:$0x3] =	wrdreg s4  }
0xaa: {  	[dreg:$0x4] =	wrdreg $0xC0  }
0xab: {  	_ =	task [dreg:s6], $0x5FFFF  }
0xac: {  	[dreg:$0x1] =	wrdreg $0xFFFFFFFF  }
0xad: {  	[dreg:$0x0] =	wrdreg $0x60  }
0xae: {  	[dreg:$0x2] =	wrdreg s24  }
0xaf: {  	[dreg:$0x3] =	wrdreg $0x9  }
0xb0: {  	_ =	task.clear_ibuf [dreg:s6], $0x4FFFF;
	_ =	strace $0x90000049  }
0xb1: {  	s29 =	simm.s32 $0x9;
	_ =	strace $0x8000004B  }
0xb2: {  	_ =	swait.ge [sflag:s29], $0x1  }
0xb3: {  	[sflag:s29] =	ssyncadd.s32 $0xFFFFFFFF  }
0xb4: {  	_ =	strace $0x9000004B  }
0xb5: {  	_ =	sfence  }
0xb6: {  	s30 =	sld [smem:$0x0];
	_ =	sdelay $0x2  }
0xb7: {  	s31 =	sshll.u32 s1, $0xD;
	s1 =	sshrl.u32 s1, $0x2  }
0xb8: {  	s3 =	sand.u32 $0x4000, s31;
	s1 =	sadd.s32 s1, s30  }
0xb9: {  	s0 =	sor.u32 s3, s0;
	s1 =	sshll.u32 s1, $0x11  }
0xba: {  	s0 =	sor.u32 s1, s0  }
0xbb: {  	s0 =	sadd.s32 $0x8F2B, s0  }
0xbc: {  	[sflag:s0] =	ssyncadd.remote.s32 $0x1  }
0xbd: {  	_ =	sfence.sel $0xFFFF  }
0xbe: {  	[dreg:$0x0] =	wrdreg $0xFFFFFFFF;
	(pc) =	sbr.abs _section_cstart, $3  }
0xbf: {  	[dreg:$0x1] =	wrdreg $0xFFFFFFFF  }
0xc0: {  	_ =	task.clear_ibuf [dreg:s6], $0x2FFFF;
	_ =	strace $0x9FFFFFFF  }
0xc1: {  	(tm) =	ssettm $0x7FFFFFFF  }
tec
execute0_lowered:
.L_overlay_start_1:
0x0: {  	(tag) =	ssettag $0x1  }
0x1: {  	s1 =	srdreg.scid;
	s0 =	stileid.u32  }
0x2: {  	s22 =	sand.u32 $0x1, s1;
	s26 =	sshll.u32 s0, $0x1  }
0x3: {  	s8 =	sor.u32 s22, s26  }
0x4: {  	s9 =	rddreg [dreg:$0x0];
	s23 =	smul.u32 $0x1400, s8  }
0x5: {  	s2 =	simm.s32 $0x0;
	s1 =	rddreg [dreg:$0x1]  }
0x6: {  	[smem:$0x7FF] =	sst s2;
	s21 =	sadd.s32 $0x87200, s9;
	s3 =	sshrl.u32 s23, $0x3  }
0x7: {  	_ =	strace $0x8000004A;
	s4 =	sadd.s32 s21, s3;
	s3 =	simm.s32 $0x2  }
0x8: {  	[tilespmem:s2], [sflag:$0x2] =	stream.linear.gather [hbm4b:s4+s2], $0x280, $0x38;
	[tilespmem:$0x14280] =	vst v63  }
0x9: {  	_ =	swait.ge [sflag:s3], $0x280  }
0xa: {  	s6 =	simm.s32 $0x280;
	[sflag:s3] =	ssyncset.done $0x0  }
0xb: {  	s7 =	simm.s32 $0x1;
	s5 =	sadd.s32 $0xEC00, s9;
	[sflag:s3] =	ssyncadd.s32 $0xFFFFFD80  }
0xc: {  	[tilespmem:s6], [sflag:$0x1] =	stream.indirect.gather [hbm4b:s5+s6], $0x80, s2, s6, $0xb8;
	[tilespmem:$0x14280] =	vst v63  }
0xd: {  	s8 =	smul.u32 $0x14000, s8;
	_ =	swait.ge [sflag:s7], $0x14000  }
0xe: {  	s24 =	sadd.s32 $0xDC200, s9;
	[sflag:s7] =	ssyncset.done $0x0  }
0xf: {  	s8 =	sadd.s32 s24, s8;
	[sflag:s7] =	ssyncadd.s32 $0xFFFEC000  }
0x10: {  	[hbm4b:s8+s2] =	stream.linear.scatter [tilespmem:s6], [sflag:$0x2], $0x14000, $0x38;
	[tilespmem:$0x14280] =	vst v63  }
0x11: {  	s10 =	sor.u32 $0x280, s23;
	_ =	swait.ge [sflag:s3], $0x14000  }
0x12: {  	s28 =	sshrl.u32 s10, $0x3;
	[sflag:s3] =	ssyncset.done $0x0  }
0x13: {  	s9 =	sadd.s32 s21, s28;
	[sflag:s3] =	ssyncadd.s32 $0xFFFEC000  }
0x14: {  	[tilespmem:s2], [sflag:$0x2] =	stream.linear.gather [hbm4b:s9+s2], $0x280, $0x38;
	[tilespmem:$0x14280] =	vst v63  }
0x15: {  	_ =	swait.ge [sflag:s3], $0x280  }
0x16: {  	[sflag:s3] =	ssyncset.done $0x0  }
0x17: {  	[sflag:s3] =	ssyncadd.s32 $0xFFFFFD80  }
0x18: {  	[tilespmem:s6], [sflag:$0x1] =	stream.indirect.gather [hbm4b:s5+s6], $0x80, s2, s6, $0xb8;
	[tilespmem:$0x14280] =	vst v63  }
0x19: {  	_ =	swait.ge [sflag:s7], $0x14000  }
0x1a: {  	s10 =	sshll.u32 s10, $0x4;
	[sflag:s7] =	ssyncset.done $0x0  }
0x1b: {  	s10 =	sadd.s32 s24, s10;
	[sflag:s7] =	ssyncadd.s32 $0xFFFEC000  }
0x1c: {  	[hbm4b:s10+s2] =	stream.linear.scatter [tilespmem:s6], [sflag:$0x2], $0x14000, $0x38;
	[tilespmem:$0x14280] =	vst v63  }
0x1d: {  	s12 =	sadd.s32 $0x500, s23;
	_ =	swait.ge [sflag:s3], $0x14000  }
0x1e: {  	s11 =	sshrl.u32 s12, $0x3;
	[sflag:s3] =	ssyncset.done $0x0  }
0x1f: {  	s11 =	sadd.s32 s21, s11;
	[sflag:s3] =	ssyncadd.s32 $0xFFFEC000  }
0x20: {  	[tilespmem:s2], [sflag:$0x2] =	stream.linear.gather [hbm4b:s11+s2], $0x280, $0x38;
	[tilespmem:$0x14280] =	vst v63  }
0x21: {  	_ =	swait.ge [sflag:s3], $0x280  }
0x22: {  	[sflag:s3] =	ssyncset.done $0x0  }
0x23: {  	[sflag:s3] =	ssyncadd.s32 $0xFFFFFD80  }
0x24: {  	[tilespmem:s6], [sflag:$0x1] =	stream.indirect.gather [hbm4b:s5+s6], $0x80, s2, s6, $0xb8;
	[tilespmem:$0x14280] =	vst v63  }
0x25: {  	_ =	swait.ge [sflag:s7], $0x14000  }
0x26: {  	s12 =	sshll.u32 s12, $0x4;
	[sflag:s7] =	ssyncset.done $0x0  }
0x27: {  	s12 =	sadd.s32 s24, s12;
	[sflag:s7] =	ssyncadd.s32 $0xFFFEC000  }
0x28: {  	[hbm4b:s12+s2] =	stream.linear.scatter [tilespmem:s6], [sflag:$0x2], $0x14000, $0x38;
	[tilespmem:$0x14280] =	vst v63  }
0x29: {  	s14 =	sadd.s32 $0x780, s23;
	_ =	swait.ge [sflag:s3], $0x14000  }
0x2a: {  	s13 =	sshrl.u32 s14, $0x3;
	[sflag:s3] =	ssyncset.done $0x0  }
0x2b: {  	s13 =	sadd.s32 s21, s13;
	[sflag:s3] =	ssyncadd.s32 $0xFFFEC000  }
0x2c: {  	[tilespmem:s2], [sflag:$0x2] =	stream.linear.gather [hbm4b:s13+s2], $0x280, $0x38;
	[tilespmem:$0x14280] =	vst v63  }
0x2d: {  	_ =	swait.ge [sflag:s3], $0x280  }
0x2e: {  	[sflag:s3] =	ssyncset.done $0x0  }
0x2f: {  	[sflag:s3] =	ssyncadd.s32 $0xFFFFFD80  }
0x30: {  	[tilespmem:s6], [sflag:$0x1] =	stream.indirect.gather [hbm4b:s5+s6], $0x80, s2, s6, $0xb8;
	[tilespmem:$0x14280] =	vst v63  }
0x31: {  	_ =	swait.ge [sflag:s7], $0x14000  }
0x32: {  	s14 =	sshll.u32 s14, $0x4;
	[sflag:s7] =	ssyncset.done $0x0  }
0x33: {  	s14 =	sadd.s32 s24, s14;
	[sflag:s7] =	ssyncadd.s32 $0xFFFEC000  }
0x34: {  	[hbm4b:s14+s2] =	stream.linear.scatter [tilespmem:s6], [sflag:$0x2], $0x14000, $0x38;
	[tilespmem:$0x14280] =	vst v63  }
0x35: {  	s16 =	sadd.s32 $0xA00, s23;
	_ =	swait.ge [sflag:s3], $0x14000  }
0x36: {  	s15 =	sshrl.u32 s16, $0x3;
	[sflag:s3] =	ssyncset.done $0x0  }
0x37: {  	s15 =	sadd.s32 s21, s15;
	[sflag:s3] =	ssyncadd.s32 $0xFFFEC000  }
0x38: {  	[tilespmem:s2], [sflag:$0x2] =	stream.linear.gather [hbm4b:s15+s2], $0x280, $0x38;
	[tilespmem:$0x14280] =	vst v63  }
0x39: {  	_ =	swait.ge [sflag:s3], $0x280  }
0x3a: {  	[sflag:s3] =	ssyncset.done $0x0  }
0x3b: {  	[sflag:s3] =	ssyncadd.s32 $0xFFFFFD80  }
0x3c: {  	[tilespmem:s6], [sflag:$0x1] =	stream.indirect.gather [hbm4b:s5+s6], $0x80, s2, s6, $0xb8;
	[tilespmem:$0x14280] =	vst v63  }
0x3d: {  	_ =	swait.ge [sflag:s7], $0x14000  }
0x3e: {  	s16 =	sshll.u32 s16, $0x4;
	[sflag:s7] =	ssyncset.done $0x0  }
0x3f: {  	s16 =	sadd.s32 s24, s16;
	[sflag:s7] =	ssyncadd.s32 $0xFFFEC000  }
0x40: {  	[hbm4b:s16+s2] =	stream.linear.scatter [tilespmem:s6], [sflag:$0x2], $0x14000, $0x38;
	[tilespmem:$0x14280] =	vst v63  }
0x41: {  	s18 =	sadd.s32 $0xC80, s23;
	_ =	swait.ge [sflag:s3], $0x14000  }
0x42: {  	s17 =	sshrl.u32 s18, $0x3;
	[sflag:s3] =	ssyncset.done $0x0  }
0x43: {  	s17 =	sadd.s32 s21, s17;
	[sflag:s3] =	ssyncadd.s32 $0xFFFEC000  }
0x44: {  	[tilespmem:s2], [sflag:$0x2] =	stream.linear.gather [hbm4b:s17+s2], $0x280, $0x38;
	[tilespmem:$0x14280] =	vst v63  }
0x45: {  	_ =	swait.ge [sflag:s3], $0x280  }
0x46: {  	[sflag:s3] =	ssyncset.done $0x0  }
0x47: {  	[sflag:s3] =	ssyncadd.s32 $0xFFFFFD80  }
0x48: {  	[tilespmem:s6], [sflag:$0x1] =	stream.indirect.gather [hbm4b:s5+s6], $0x80, s2, s6, $0xb8;
	[tilespmem:$0x14280] =	vst v63  }
0x49: {  	_ =	swait.ge [sflag:s7], $0x14000  }
0x4a: {  	s18 =	sshll.u32 s18, $0x4;
	[sflag:s7] =	ssyncset.done $0x0  }
0x4b: {  	s18 =	sadd.s32 s24, s18;
	[sflag:s7] =	ssyncadd.s32 $0xFFFEC000  }
0x4c: {  	[hbm4b:s18+s2] =	stream.linear.scatter [tilespmem:s6], [sflag:$0x2], $0x14000, $0x38;
	[tilespmem:$0x14280] =	vst v63  }
0x4d: {  	s20 =	sadd.s32 $0xF00, s23;
	_ =	swait.ge [sflag:s3], $0x14000  }
0x4e: {  	s19 =	sshrl.u32 s20, $0x3;
	[sflag:s3] =	ssyncset.done $0x0  }
0x4f: {  	s19 =	sadd.s32 s21, s19;
	[sflag:s3] =	ssyncadd.s32 $0xFFFEC000  }
0x50: {  	[tilespmem:s2], [sflag:$0x2] =	stream.linear.gather [hbm4b:s19+s2], $0x280, $0x38;
	[tilespmem:$0x14280] =	vst v63  }
0x51: {  	_ =	swait.ge [sflag:s3], $0x280  }
0x52: {  	[sflag:s3] =	ssyncset.done $0x0  }
0x53: {  	[sflag:s3] =	ssyncadd.s32 $0xFFFFFD80  }
0x54: {  	[tilespmem:s6], [sflag:$0x1] =	stream.indirect.gather [hbm4b:s5+s6], $0x80, s2, s6, $0xb8;
	[tilespmem:$0x14280] =	vst v63  }
0x55: {  	_ =	swait.ge [sflag:s7], $0x14000  }
0x56: {  	s20 =	sshll.u32 s20, $0x4;
	[sflag:s7] =	ssyncset.done $0x0  }
0x57: {  	s20 =	sadd.s32 s24, s20;
	[sflag:s7] =	ssyncadd.s32 $0xFFFEC000  }
0x58: {  	[hbm4b:s20+s2] =	stream.linear.scatter [tilespmem:s6], [sflag:$0x2], $0x14000, $0x38;
	[tilespmem:$0x14280] =	vst v63  }
0x59: {  	s23 =	sadd.s32 $0x1180, s23;
	_ =	swait.ge [sflag:s3], $0x14000  }
0x5a: {  	s25 =	sshrl.u32 s23, $0x3;
	[sflag:s3] =	ssyncset.done $0x0  }
0x5b: {  	s22 =	ssub.s32 $0x2, s22;
	s21 =	sadd.s32 s21, s25;
	[sflag:s3] =	ssyncadd.s32 $0xFFFEC000  }
0x5c: {  	[tilespmem:s2], [sflag:$0x2] =	stream.linear.gather [hbm4b:s21+s2], $0x280, $0x38;
	[tilespmem:$0x14280] =	vst v63  }
0x5d: {  	s29 =	sshrl.u32 s22, $0x1;
	_ =	swait.ge [sflag:s3], $0x280  }
0x5e: {  	s25 =	ssub.s32 s22, s29;
	[sflag:s3] =	ssyncset.done $0x0  }
0x5f: {  	s31 =	smax.u32 s25, $0x1;
	[sflag:s3] =	ssyncadd.s32 $0xFFFFFD80  }
0x60: {  	[tilespmem:s6], [sflag:$0x1] =	stream.indirect.gather [hbm4b:s5+s6], $0x80, s2, s6, $0xb8;
	[tilespmem:$0x14280] =	vst v63  }
0x61: {  	p0 =	sne.s32 s31, $0x1;
	_ =	swait.ge [sflag:s7], $0x14000  }
.Ltmp0:
0x62: {  	s30 =	sshll.u32 s23, $0x4;
	[sflag:s7] =	ssyncset.done $0x0;
	(pc) =	sbr.rel @!p0 .LBB2_2-.Ltmp0, $4  }
0x63: {  	s22 =	sadd.s32 s24, s30;
	[sflag:s7] =	ssyncadd.s32 $0xFFFEC000  }
0x64: {  	[hbm4b:s22+s2] =	stream.linear.scatter [tilespmem:s6], [sflag:$0x2], $0x14000, $0x38;
	[tilespmem:$0x14280] =	vst v63  }
0x65: {  	_ =	swait.ge [sflag:s3], $0x14000  }
0x66: {  	s23 =	sadd.s32 $0xFFFFFFFF, s31;
	[sflag:s3] =	ssyncset.done $0x0  }
.LBB2_1:
0x67: {  	p0 =	sne.s32 s23, $0x1;
	s23 =	sadd.s32 $0xFFFFFFFF, s23;
	[sflag:s3] =	ssyncadd.s32 $0xFFFEC000  }
0x68: {  	[tilespmem:s2], [sflag:$0x2] =	stream.linear.gather [hbm4b:s4+s2], $0x280, $0x38;
	[tilespmem:$0x14280] =	vst v63  }
0x69: {  	_ =	swait.ge [sflag:s3], $0x280  }
0x6a: {  	[sflag:s3] =	ssyncset.done $0x0  }
0x6b: {  	[sflag:s3] =	ssyncadd.s32 $0xFFFFFD80  }
0x6c: {  	[tilespmem:s6], [sflag:$0x1] =	stream.indirect.gather [hbm4b:s5+s6], $0x80, s2, s6, $0xb8;
	[tilespmem:$0x14280] =	vst v63  }
0x6d: {  	_ =	swait.ge [sflag:s7], $0x14000  }
0x6e: {  	[sflag:s7] =	ssyncset.done $0x0  }
0x6f: {  	[sflag:s7] =	ssyncadd.s32 $0xFFFEC000  }
0x70: {  	[hbm4b:s8+s2] =	stream.linear.scatter [tilespmem:s6], [sflag:$0x2], $0x14000, $0x38;
	[tilespmem:$0x14280] =	vst v63  }
0x71: {  	_ =	swait.ge [sflag:s3], $0x14000  }
0x72: {  	[sflag:s3] =	ssyncset.done $0x0  }
0x73: {  	[sflag:s3] =	ssyncadd.s32 $0xFFFEC000  }
0x74: {  	[tilespmem:s2], [sflag:$0x2] =	stream.linear.gather [hbm4b:s9+s2], $0x280, $0x38;
	[tilespmem:$0x14280] =	vst v63  }
0x75: {  	_ =	swait.ge [sflag:s3], $0x280  }
0x76: {  	[sflag:s3] =	ssyncset.done $0x0  }
0x77: {  	[sflag:s3] =	ssyncadd.s32 $0xFFFFFD80  }
0x78: {  	[tilespmem:s6], [sflag:$0x1] =	stream.indirect.gather [hbm4b:s5+s6], $0x80, s2, s6, $0xb8;
	[tilespmem:$0x14280] =	vst v63  }
0x79: {  	_ =	swait.ge [sflag:s7], $0x14000  }
0x7a: {  	[sflag:s7] =	ssyncset.done $0x0  }
0x7b: {  	[sflag:s7] =	ssyncadd.s32 $0xFFFEC000  }
0x7c: {  	[hbm4b:s10+s2] =	stream.linear.scatter [tilespmem:s6], [sflag:$0x2], $0x14000, $0x38;
	[tilespmem:$0x14280] =	vst v63  }
0x7d: {  	_ =	swait.ge [sflag:s3], $0x14000  }
0x7e: {  	[sflag:s3] =	ssyncset.done $0x0  }
0x7f: {  	[sflag:s3] =	ssyncadd.s32 $0xFFFEC000  }
0x80: {  	[tilespmem:s2], [sflag:$0x2] =	stream.linear.gather [hbm4b:s11+s2], $0x280, $0x38;
	[tilespmem:$0x14280] =	vst v63  }
0x81: {  	_ =	swait.ge [sflag:s3], $0x280  }
0x82: {  	[sflag:s3] =	ssyncset.done $0x0  }
0x83: {  	[sflag:s3] =	ssyncadd.s32 $0xFFFFFD80  }
0x84: {  	[tilespmem:s6], [sflag:$0x1] =	stream.indirect.gather [hbm4b:s5+s6], $0x80, s2, s6, $0xb8;
	[tilespmem:$0x14280] =	vst v63  }
0x85: {  	_ =	swait.ge [sflag:s7], $0x14000  }
0x86: {  	[sflag:s7] =	ssyncset.done $0x0  }
0x87: {  	[sflag:s7] =	ssyncadd.s32 $0xFFFEC000  }
0x88: {  	[hbm4b:s12+s2] =	stream.linear.scatter [tilespmem:s6], [sflag:$0x2], $0x14000, $0x38;
	[tilespmem:$0x14280] =	vst v63  }
0x89: {  	_ =	swait.ge [sflag:s3], $0x14000  }
0x8a: {  	[sflag:s3] =	ssyncset.done $0x0  }
0x8b: {  	[sflag:s3] =	ssyncadd.s32 $0xFFFEC000  }
0x8c: {  	[tilespmem:s2], [sflag:$0x2] =	stream.linear.gather [hbm4b:s13+s2], $0x280, $0x38;
	[tilespmem:$0x14280] =	vst v63  }
0x8d: {  	_ =	swait.ge [sflag:s3], $0x280  }
0x8e: {  	[sflag:s3] =	ssyncset.done $0x0  }
0x8f: {  	[sflag:s3] =	ssyncadd.s32 $0xFFFFFD80  }
0x90: {  	[tilespmem:s6], [sflag:$0x1] =	stream.indirect.gather [hbm4b:s5+s6], $0x80, s2, s6, $0xb8;
	[tilespmem:$0x14280] =	vst v63  }
0x91: {  	_ =	swait.ge [sflag:s7], $0x14000  }
0x92: {  	[sflag:s7] =	ssyncset.done $0x0  }
0x93: {  	[sflag:s7] =	ssyncadd.s32 $0xFFFEC000  }
0x94: {  	[hbm4b:s14+s2] =	stream.linear.scatter [tilespmem:s6], [sflag:$0x2], $0x14000, $0x38;
	[tilespmem:$0x14280] =	vst v63  }
0x95: {  	_ =	swait.ge [sflag:s3], $0x14000  }
0x96: {  	[sflag:s3] =	ssyncset.done $0x0  }
0x97: {  	[sflag:s3] =	ssyncadd.s32 $0xFFFEC000  }
0x98: {  	[tilespmem:s2], [sflag:$0x2] =	stream.linear.gather [hbm4b:s15+s2], $0x280, $0x38;
	[tilespmem:$0x14280] =	vst v63  }
0x99: {  	_ =	swait.ge [sflag:s3], $0x280  }
0x9a: {  	[sflag:s3] =	ssyncset.done $0x0  }
0x9b: {  	[sflag:s3] =	ssyncadd.s32 $0xFFFFFD80  }
0x9c: {  	[tilespmem:s6], [sflag:$0x1] =	stream.indirect.gather [hbm4b:s5+s6], $0x80, s2, s6, $0xb8;
	[tilespmem:$0x14280] =	vst v63  }
0x9d: {  	_ =	swait.ge [sflag:s7], $0x14000  }
0x9e: {  	[sflag:s7] =	ssyncset.done $0x0  }
0x9f: {  	[sflag:s7] =	ssyncadd.s32 $0xFFFEC000  }
0xa0: {  	[hbm4b:s16+s2] =	stream.linear.scatter [tilespmem:s6], [sflag:$0x2], $0x14000, $0x38;
	[tilespmem:$0x14280] =	vst v63  }
0xa1: {  	_ =	swait.ge [sflag:s3], $0x14000  }
0xa2: {  	[sflag:s3] =	ssyncset.done $0x0  }
0xa3: {  	[sflag:s3] =	ssyncadd.s32 $0xFFFEC000  }
0xa4: {  	[tilespmem:s2], [sflag:$0x2] =	stream.linear.gather [hbm4b:s17+s2], $0x280, $0x38;
	[tilespmem:$0x14280] =	vst v63  }
0xa5: {  	_ =	swait.ge [sflag:s3], $0x280  }
0xa6: {  	[sflag:s3] =	ssyncset.done $0x0  }
0xa7: {  	[sflag:s3] =	ssyncadd.s32 $0xFFFFFD80  }
0xa8: {  	[tilespmem:s6], [sflag:$0x1] =	stream.indirect.gather [hbm4b:s5+s6], $0x80, s2, s6, $0xb8;
	[tilespmem:$0x14280] =	vst v63  }
0xa9: {  	_ =	swait.ge [sflag:s7], $0x14000  }
0xaa: {  	[sflag:s7] =	ssyncset.done $0x0  }
0xab: {  	[sflag:s7] =	ssyncadd.s32 $0xFFFEC000  }
0xac: {  	[hbm4b:s18+s2] =	stream.linear.scatter [tilespmem:s6], [sflag:$0x2], $0x14000, $0x38;
	[tilespmem:$0x14280] =	vst v63  }
0xad: {  	_ =	swait.ge [sflag:s3], $0x14000  }
0xae: {  	[sflag:s3] =	ssyncset.done $0x0  }
0xaf: {  	[sflag:s3] =	ssyncadd.s32 $0xFFFEC000  }
0xb0: {  	[tilespmem:s2], [sflag:$0x2] =	stream.linear.gather [hbm4b:s19+s2], $0x280, $0x38;
	[tilespmem:$0x14280] =	vst v63  }
0xb1: {  	_ =	swait.ge [sflag:s3], $0x280  }
0xb2: {  	[sflag:s3] =	ssyncset.done $0x0  }
0xb3: {  	[sflag:s3] =	ssyncadd.s32 $0xFFFFFD80  }
0xb4: {  	[tilespmem:s6], [sflag:$0x1] =	stream.indirect.gather [hbm4b:s5+s6], $0x80, s2, s6, $0xb8;
	[tilespmem:$0x14280] =	vst v63  }
0xb5: {  	_ =	swait.ge [sflag:s7], $0x14000  }
0xb6: {  	[sflag:s7] =	ssyncset.done $0x0  }
0xb7: {  	[sflag:s7] =	ssyncadd.s32 $0xFFFEC000  }
0xb8: {  	[hbm4b:s20+s2] =	stream.linear.scatter [tilespmem:s6], [sflag:$0x2], $0x14000, $0x38;
	[tilespmem:$0x14280] =	vst v63  }
0xb9: {  	_ =	swait.ge [sflag:s3], $0x14000  }
0xba: {  	[sflag:s3] =	ssyncset.done $0x0  }
0xbb: {  	[sflag:s3] =	ssyncadd.s32 $0xFFFEC000  }
0xbc: {  	[tilespmem:s2], [sflag:$0x2] =	stream.linear.gather [hbm4b:s21+s2], $0x280, $0x38;
	[tilespmem:$0x14280] =	vst v63  }
0xbd: {  	_ =	swait.ge [sflag:s3], $0x280  }
0xbe: {  	[sflag:s3] =	ssyncset.done $0x0  }
0xbf: {  	[sflag:s3] =	ssyncadd.s32 $0xFFFFFD80  }
0xc0: {  	[tilespmem:s6], [sflag:$0x1] =	stream.indirect.gather [hbm4b:s5+s6], $0x80, s2, s6, $0xb8;
	[tilespmem:$0x14280] =	vst v63  }
0xc1: {  	_ =	swait.ge [sflag:s7], $0x14000  }
.Ltmp1:
0xc2: {  	[sflag:s7] =	ssyncset.done $0x0;
	(pc) =	sbr.rel @p0 .LBB2_1-.Ltmp1, $4  }
0xc3: {  	[sflag:s7] =	ssyncadd.s32 $0xFFFEC000  }
0xc4: {  	[hbm4b:s22+s2] =	stream.linear.scatter [tilespmem:s6], [sflag:$0x2], $0x14000, $0x38;
	[tilespmem:$0x14280] =	vst v63  }
0xc5: {  	_ =	swait.ge [sflag:s3], $0x14000  }
0xc6: {  	[sflag:s3] =	ssyncset.done $0x0  }
.LBB2_2:
0xc7: {  	[sflag:s3] =	ssyncadd.s32 $0xFFFEC000  }
0xc8: {  	_ =	sfence.sel $0x180000  }
0xc9: {  	[bflag:$0x0] =	sbarrier.arrive $0xFFFF  }
0xca: {  	p0 =	sne.s32 s0, $0x0;
	_ =	strace $0x9000004A  }
0xcb: {  	s0 =	sadd.s32 @!p0 $0x100000, s1;
	[bflag:$0x2] =	sbarrier.arrive $0xFFFF  }
0xcc: {  	[sflag:s0] =	ssyncadd.tile.s32 @!p0 $0x1;
	_ =	shalt  }
.Lfunc_end2:
_tile_overlayer_lowered:
.L_overlay_start_2:
0xcd: {  	(tag) =	ssettag $0x2  }
0xce: {  	s0 =	rddreg [dreg:$0x0];
	s2 =	stileid.u32  }
0xcf: {  	s1 =	rddreg [dreg:$0x1];
	p0 =	sne.s32 s2, $0x0  }
0xd0: {  	s3 =	rddreg [dreg:$0x2];
	[bflag:$0x3] =	sbarrier.arrive $0xFFFF;
	s2 =	simm.s32 @!p0 $0x1C02  }
0xd1: {  	[timem:s3], [sflag:s2] =	dma.local @!p0 [hbm:s0], s1  }
0xd2: {  	s0 =	simm.s32 @!p0 $0x2  }
0xd3: {  	_ =	swait.ge @!p0 [sflag:s0], s1  }
0xd4: {  	s1 =	ssub.s32 @!p0 $0x0, s1;
	[sflag:s0] =	ssyncset.done @!p0 $0x0  }
0xd5: {  	[sflag:s0] =	ssyncadd.s32 @!p0 s1  }
0xd6: {  	[bflag:$0x3] =	sbarrier.arrive $0xFFFF  }
0xd7: {  	_ =	shalt  }

// kernel: kernel.24.cloned.1.call-start
scs
__scs_entry_jumppad:
0x0: {  	(pc) =	sbr.rel $0x88, $3  }
0x1: {  	(tag) =	ssettag $0x0;
	lr =	simm.s32 $0x1  }
0x2: {  	[smem:$0x3F58] =	sst lr;
	_ =	strace $0xD0000000  }
0x3: {  	_ = 	snop  }
0x4: {  	_ = 	snop  }
0x5: {  	_ = 	snop  }
0x6: {  	_ = 	snop  }
0x7: {  	_ = 	snop  }
__scs_overlays_trampoline_lowered:
0x8: {  	[smem:$0x3F67] =	sst s0  }
0x9: {  	[smem:$0x3F68] =	sst s1  }
0xa: {  	[smem:$0x3F69] =	sst s2  }
0xb: {  	[smem:$0x3F6A] =	sst s3  }
0xc: {  	[smem:$0x3F6B] =	sst s4  }
0xd: {  	[smem:$0x3F6C] =	sst s5  }
0xe: {  	[smem:$0x3F6D] =	sst s6  }
0xf: {  	[smem:$0x3F6E] =	sst s7  }
0x10: {  	[smem:$0x3F6F] =	sst s8  }
0x11: {  	[smem:$0x3F70] =	sst s9;
	s0 =	simm.s32 @!p0 $0x0  }
0x12: {  	s1 =	sld [smem:$0x3F56];
	s0 =	simm.s32 @p0 $0x1  }
0x13: {  	[smem:$0x3F71] =	sst s0;
	s0 =	simm.s32 @!p1 $0x0  }
0x14: {  	s2 =	sld [smem:$0x3F55];
	s0 =	simm.s32 @p1 $0x1  }
0x15: {  	[smem:$0x3F72] =	sst s0;
	s0 =	simm.s32 @!p2 $0x0  }
0x16: {  	s3 =	sld [smem:$0x3FDB];
	s0 =	simm.s32 @p2 $0x1  }
0x17: {  	s4 =	simm.s32 $0x1BF5;
	[smem:$0x3F74] =	sst s0  }
0x18: {  	s0 =	sld [smem:$0x3F57];
	_ =	swait.ge [sflag:s4], $0x0  }
0x19: {  	s7 =	sld [smem:$0x3F58]  }
0x1a: {  	s8 =	sadd.s32 $0xFFFFE003, lr  }
0x1b: {  	s9 =	sadd.s32 $0xFFFFFEF7, lr;
	s5 =	simm.s32 $0xFFFFFFFF;
	p2 =	slt.u32 s8, $0xFFFFF086  }
0x1c: {  	p1 =	slt.u32 s9, $0xF7A;
	s5 =	simm.s32 @!p2 $0x0  }
0x1d: {  	s5 =	simm.s32 @p1 $0x1;
	p0 =	seq.s32 s7, s2  }
0x1e: {  	s7 =	smul.u32 @!p0 $0xF7A, s2;
	p2 =	seq.s32 @!p0 s5, $0x0  }
0x1f: {  	s9 =	smul.u32 $0xF7A, s1;
	s8 =	simm.s32 @!p0 $0x1BF5;
	p2 =	por !p2, p0  }
0x20: {  	[sflag:s8] =	ssyncset.s32 @!p0 $0xFFFFF086;
	s6 =	sadd.s32 @!p0 s3, s7;
	s7 =	simm.s32 @!p0 $0x108  }
0x21: {  	s3 =	sadd.s32 s3, s9;
	s6 =	sadd.s32 @!p0 $0x88, s6;
	s7 =	simm.s32 @p2 $0x1082  }
0x22: {  	[simem:s7], [sflag:s8] =	dma.local @!p0 [hbm:s6], $0xF7A  }
0x23: {  	s9 =	sor.u32 $0xD0000000, s2;
	s6 =	simm.s32 $0x108;
	_ =	swait.ge @!p0 [sflag:s8], $0x0  }
0x24: {  	s3 =	sadd.s32 $0x88, s3;
	s6 =	simm.s32 @!p1 $0x1082;
	[sflag:s4] =	ssyncset.s32 $0xFFFFF086  }
0x25: {  	[simem:s6], [sflag:s4] =	dma.local [hbm:s3], $0xF7A  }
0x26: {  	[smem:$0x3F58] =	sst s1;
	(tag) =	ssettag s2;
	_ =	strace s9  }
0x27: {  	s1 =	sld [smem:$0x3F68]  }
0x28: {  	s2 =	sld [smem:$0x3F69]  }
0x29: {  	s4 =	sld [smem:$0x3F6B]  }
0x2a: {  	p0 =	seq.s32 s5, $0x0;
	s5 =	sld [smem:$0x3F6C]  }
0x2b: {  	s6 =	sld [smem:$0x3F6D]  }
0x2c: {  	s7 =	sld [smem:$0x3F6E]  }
0x2d: {  	s3 =	simm.s32 $0x108;
	s8 =	sld [smem:$0x3F6F]  }
0x2e: {  	s3 =	simm.s32 @!p0 $0x1082;
	s9 =	sld [smem:$0x3F70]  }
0x2f: {  	lr =	sadd.s32 s0, s3;
	s0 =	sld [smem:$0x3F67]  }
0x30: {  	s3 =	sld [smem:$0x3F6A]  }
0x31: {  	[smem:$0x3F73] =	sst s10  }
0x32: {  	s10 =	sld [smem:$0x3F71];
	_ =	sdelay $0x3  }
0x33: {  	p0 =	seq.s32 s10, $0x1;
	s10 =	sld [smem:$0x3F73];
	_ =	sdelay $0x3  }
0x34: {  	[smem:$0x3F73] =	sst s10  }
0x35: {  	s10 =	sld [smem:$0x3F72];
	_ =	sdelay $0x3  }
0x36: {  	p1 =	seq.s32 s10, $0x1;
	s10 =	sld [smem:$0x3F73];
	_ =	sdelay $0x3  }
0x37: {  	[smem:$0x3F73] =	sst s10  }
0x38: {  	s10 =	sld [smem:$0x3F74]  }
0x39: {  	_ = 	snop;
	(pc) =	sbr.ind lr, $3  }
0x3a: {  	_ = 	snop  }
0x3b: {  	_ = 	snop  }
0x3c: {  	p2 =	seq.s32 s10, $0x1;
	s10 =	sld [smem:$0x3F73]  }
0x3d: {  	_ =	shalt  }
0x3e: {  	_ =	shalt  }
0x3f: {  	_ =	shalt  }
0x40: {  	_ =	shalt  }
0x41: {  	_ =	shalt  }
0x42: {  	_ =	shalt  }
0x43: {  	_ =	shalt  }
0x44: {  	_ =	shalt  }
0x45: {  	_ =	shalt  }
0x46: {  	_ =	shalt  }
0x47: {  	_ =	shalt  }
0x48: {  	_ =	shalt  }
0x49: {  	_ =	shalt  }
0x4a: {  	_ =	shalt  }
0x4b: {  	_ =	shalt  }
0x4c: {  	_ =	shalt  }
0x4d: {  	_ =	shalt  }
0x4e: {  	_ =	shalt  }
0x4f: {  	_ =	shalt  }
0x50: {  	_ =	shalt  }
0x51: {  	_ =	shalt  }
0x52: {  	_ =	shalt  }
0x53: {  	_ =	shalt  }
0x54: {  	_ =	shalt  }
0x55: {  	_ =	shalt  }
0x56: {  	_ =	shalt  }
0x57: {  	_ =	shalt  }
0x58: {  	_ =	shalt  }
0x59: {  	_ =	shalt  }
0x5a: {  	_ =	shalt  }
0x5b: {  	_ =	shalt  }
0x5c: {  	_ =	shalt  }
0x5d: {  	_ =	shalt  }
0x5e: {  	_ =	shalt  }
0x5f: {  	_ =	shalt  }
0x60: {  	_ =	shalt  }
0x61: {  	_ =	shalt  }
0x62: {  	_ =	shalt  }
0x63: {  	_ =	shalt  }
0x64: {  	_ =	shalt  }
0x65: {  	_ =	shalt  }
0x66: {  	_ =	shalt  }
0x67: {  	_ =	shalt  }
0x68: {  	_ =	shalt  }
0x69: {  	_ =	shalt  }
0x6a: {  	_ =	shalt  }
0x6b: {  	_ =	shalt  }
0x6c: {  	_ =	shalt  }
0x6d: {  	_ =	shalt  }
0x6e: {  	_ =	shalt  }
0x6f: {  	_ =	shalt  }
0x70: {  	_ =	shalt  }
0x71: {  	_ =	shalt  }
0x72: {  	_ =	shalt  }
0x73: {  	_ =	shalt  }
0x74: {  	_ =	shalt  }
0x75: {  	_ =	shalt  }
0x76: {  	_ =	shalt  }
0x77: {  	_ =	shalt  }
0x78: {  	_ =	shalt  }
0x79: {  	_ =	shalt  }
0x7a: {  	_ =	shalt  }
0x7b: {  	_ =	shalt  }
0x7c: {  	_ =	shalt  }
0x7d: {  	_ =	shalt  }
0x7e: {  	_ =	shalt  }
0x7f: {  	_ =	shalt  }
0x80: {  	_ =	shalt  }
0x81: {  	_ =	shalt  }
0x82: {  	_ =	shalt  }
0x83: {  	_ =	shalt  }
0x84: {  	_ =	shalt  }
0x85: {  	_ =	shalt  }
0x86: {  	_ =	shalt  }
0x87: {  	_ =	shalt  }
.Lfunc_end0:
.L_simem_size_0:
called_computation.2_lowered:
.L_overlay_start_0:
0x88: {  	s2 =	sld [smem:$0x3FD9]  }
0x89: {  	s3 =	sld [smem:$0x3FFE];
	_ =	sdelay $0x1  }
0x8a: {  	s1 =	srdreg.scid  }
0x8b: {  	s0 =	sand.u32 $0x1, s1  }
0x8c: {  	s17 =	sshll.u32 s0, $0xA;
	s2 =	sadd.s32 s3, s2  }
0x8d: {  	s2 =	sadd.s32 s2, s17  }
0x8e: {  	[smem:$0x3F7F] =	sst s2  }
0x8f: {  	_ = 	snop  }
0x90: {  	(tm) =	ssettm $0x1  }
0x91: {  	s18 =	sld [smem:$0x3FFB];
	_ =	sdelay $0x3  }
0x92: {  	_ =	strace s18  }
0x93: {  	s2 =	sld [smem:$0x3FFC];
	_ =	sdelay $0x3  }
0x94: {  	_ =	strace s2  }
0x95: {  	s2 =	sld [smem:$0x3FFD];
	_ =	sdelay $0x3  }
0x96: {  	_ =	strace s2  }
0x97: {  	_ =	strace $0x8FFFFFFF  }
0x98: {  	s19 =	sld [smem:$0x3FDB];
	_ =	sdelay $0x1  }
0x99: {  	s20 =	simm.s32 $_scs_section_size  }
0x9a: {  	s4 =	simm.s32 $_size__tile_overlayer_lowered;
	s5 =	simm.s32 $_tile_overlayer_lowered  }
0x9b: {  	s6 =	simm.s32 $0x1BFF;
	s21 =	sshll.u32 s5, $0x1;
	s3 =	sadd.s32 s20, s19  }
0x9c: {  	s22 =	simm.s32 $0x0;
	s4 =	sshll.u32 s4, $0x1;
	s5 =	sadd.s32 s21, s3  }
0x9d: {  	[timem:s22], [sflag:s6] =	dma.local [hbm:s5], s4  }
0x9e: {  	_ =	swait.ge [sflag:s6], s4  }
0x9f: {  	s4 =	ssub.s32 $0x0, s4;
	[sflag:s6] =	ssyncset.done $0x0  }
0xa0: {  	[sflag:s6] =	ssyncadd.s32 s4;
	_ =	sdelay $0x1  }
0xa1: {  	s23 =	simm.s32 $0x1B8B  }
0xa2: {  	_ =	swait.ge [sflag:s23], $0x1  }
0xa3: {  	[sflag:s23] =	ssyncset.done $0x0  }
0xa4: {  	[sflag:s23] =	ssyncadd.s32 $0xFFFFFFFF  }
0xa5: {  	s4 =	sld [smem:$0x0]  }
0xa6: {  	s5 =	sand.u32 $0xFFFFFFFE, s1  }
0xa7: {  	p0 =	sne.s32 s1, s5  }
0xa8: {  	s5 =	sshll.u32 @p0 s5, $0xE  }
0xa9: {  	s5 =	sadd.s32 @p0 $0x11B8D, s5;
	s6 =	sshll.u32 @p0 s4, $0x11  }
0xaa: {  	s5 =	sor.u32 @p0 s6, s5  }
0xab: {  	[sflag:s5] =	ssyncadd.remote.s32 @p0 $0x1;
	_ =	sdelay $0x1  }
0xac: {  	s5 =	simm.s32 @p0 $0x1B8D  }
0xad: {  	_ =	swait.eq @p0 [sflag:s5], $0x1  }
0xae: {  	[sflag:s5] =	ssyncadd.s32 @p0 $0xFFFFFFFF  }
0xaf: {  	s6 =	sshll.u32 @!p0 s1, $0xE  }
0xb0: {  	s6 =	sor.u32 @!p0 $0x4000, s6;
	s5 =	simm.s32 @!p0 $0x1B8D  }
0xb1: {  	s4 =	sshll.u32 @!p0 s4, $0x11;
	s6 =	sadd.s32 @!p0 $0x11B8D, s6;
	_ =	swait.eq @!p0 [sflag:s5], $0x1  }
0xb2: {  	s4 =	sor.u32 @!p0 s4, s6;
	[sflag:s5] =	ssyncadd.s32 @!p0 $0xFFFFFFFF  }
0xb3: {  	s25 =	simm.s32 $0x1B8E;
	s24 =	sld [smem:$0x3FFE];
	[sflag:s4] =	ssyncadd.remote.s32 @!p0 $0x1  }
0xb4: {  	s26 =	simm.s32 $execute0_lowered;
	[smem:$0x3FD2] =	sst s25  }
0xb5: {  	s5 =	sshll.u32 s26, $0x1;
	_ =	strace $0x8000004C;
	[dreg:$0x1] =	wrdreg $0xFFFFFFFF  }
0xb6: {  	s28 =	simm.s32 $_size_execute0_lowered;
	s3 =	sadd.s32 s3, s5;
	[dreg:$0x0] =	wrdreg $0x0  }
0xb7: {  	s5 =	sshll.u32 s28, $0x1;
	[dreg:$0x2] =	wrdreg s3  }
0xb8: {  	[dreg:$0x3] =	wrdreg s5  }
0xb9: {  	[dreg:$0x4] =	wrdreg $0xC0  }
0xba: {  	_ =	task [dreg:s22], $0x5FFFF  }
0xbb: {  	[dreg:$0x1] =	wrdreg $0xFFFFFFFF  }
0xbc: {  	[dreg:$0x0] =	wrdreg $0x60  }
0xbd: {  	[dreg:$0x2] =	wrdreg s24  }
0xbe: {  	[dreg:$0x3] =	wrdreg $0xA  }
0xbf: {  	_ =	task.clear_ibuf [dreg:s22], $0x4FFFF;
	_ =	strace $0x9000004C  }
0xc0: {  	s29 =	simm.s32 $0xA;
	_ =	strace $0x8000004E  }
0xc1: {  	_ =	swait.ge [sflag:s29], $0x1  }
0xc2: {  	[sflag:s29] =	ssyncadd.s32 $0xFFFFFFFF  }
0xc3: {  	_ =	strace $0x9000004E  }
0xc4: {  	_ =	sfence  }
0xc5: {  	s30 =	sld [smem:$0x0];
	_ =	sdelay $0x2  }
0xc6: {  	s31 =	sshll.u32 s1, $0xD;
	s1 =	sshrl.u32 s1, $0x2  }
0xc7: {  	s4 =	sand.u32 $0x4000, s31;
	s1 =	sadd.s32 s1, s30  }
0xc8: {  	s0 =	sor.u32 s4, s0;
	s1 =	sshll.u32 s1, $0x11  }
0xc9: {  	s0 =	sor.u32 s1, s0  }
0xca: {  	s0 =	sadd.s32 $0x8F2B, s0  }
0xcb: {  	[sflag:s0] =	ssyncadd.remote.s32 $0x1  }
0xcc: {  	_ =	sfence.sel $0xFFFF  }
0xcd: {  	[dreg:$0x0] =	wrdreg $0xFFFFFFFF;
	(pc) =	sbr.abs _section_cstart, $3  }
0xce: {  	[dreg:$0x1] =	wrdreg $0xFFFFFFFF  }
0xcf: {  	_ =	task.clear_ibuf [dreg:s22], $0x2FFFF;
	_ =	strace $0x9FFFFFFF  }
0xd0: {  	(tm) =	ssettm $0x7FFFFFFF  }
0xd1: {  	_ =	shalt  }
tec
execute0_lowered:
.L_overlay_start_1:
0x0: {  	(tag) =	ssettag $0x1  }
0x1: {  	s1 =	srdreg.scid;
	s0 =	stileid.u32  }
0x2: {  	s22 =	sand.u32 $0x1, s1;
	s26 =	sshll.u32 s0, $0x1  }
0x3: {  	s8 =	sor.u32 s22, s26  }
0x4: {  	s9 =	rddreg [dreg:$0x0];
	s23 =	smul.u32 $0x1400, s8  }
0x5: {  	s2 =	simm.s32 $0x0;
	s1 =	rddreg [dreg:$0x1]  }
0x6: {  	[smem:$0x7FF] =	sst s2;
	s21 =	sadd.s32 $0x87200, s9;
	s3 =	sshrl.u32 s23, $0x3  }
0x7: {  	_ =	strace $0x8000004D;
	s4 =	sadd.s32 s21, s3;
	s3 =	simm.s32 $0x2  }
0x8: {  	[tilespmem:s2], [sflag:$0x2] =	stream.linear.gather [hbm4b:s4+s2], $0x280, $0x38;
	[tilespmem:$0x14280] =	vst v63  }
0x9: {  	_ =	swait.ge [sflag:s3], $0x280  }
0xa: {  	s6 =	simm.s32 $0x280;
	[sflag:s3] =	ssyncset.done $0x0  }
0xb: {  	s7 =	simm.s32 $0x1;
	s5 =	sadd.s32 $0x36C00, s9;
	[sflag:s3] =	ssyncadd.s32 $0xFFFFFD80  }
0xc: {  	[tilespmem:s6], [sflag:$0x1] =	stream.indirect.gather [hbm4b:s5+s6], $0x80, s2, s6, $0xb8;
	[tilespmem:$0x14280] =	vst v63  }
0xd: {  	s8 =	smul.u32 $0x14000, s8;
	_ =	swait.ge [sflag:s7], $0x14000  }
0xe: {  	s24 =	sadd.s32 $0x35C200, s9;
	[sflag:s7] =	ssyncset.done $0x0  }
0xf: {  	s8 =	sadd.s32 s24, s8;
	[sflag:s7] =	ssyncadd.s32 $0xFFFEC000  }
0x10: {  	[hbm4b:s8+s2] =	stream.linear.scatter [tilespmem:s6], [sflag:$0x2], $0x14000, $0x38;
	[tilespmem:$0x14280] =	vst v63  }
0x11: {  	s10 =	sor.u32 $0x280, s23;
	_ =	swait.ge [sflag:s3], $0x14000  }
0x12: {  	s28 =	sshrl.u32 s10, $0x3;
	[sflag:s3] =	ssyncset.done $0x0  }
0x13: {  	s9 =	sadd.s32 s21, s28;
	[sflag:s3] =	ssyncadd.s32 $0xFFFEC000  }
0x14: {  	[tilespmem:s2], [sflag:$0x2] =	stream.linear.gather [hbm4b:s9+s2], $0x280, $0x38;
	[tilespmem:$0x14280] =	vst v63  }
0x15: {  	_ =	swait.ge [sflag:s3], $0x280  }
0x16: {  	[sflag:s3] =	ssyncset.done $0x0  }
0x17: {  	[sflag:s3] =	ssyncadd.s32 $0xFFFFFD80  }
0x18: {  	[tilespmem:s6], [sflag:$0x1] =	stream.indirect.gather [hbm4b:s5+s6], $0x80, s2, s6, $0xb8;
	[tilespmem:$0x14280] =	vst v63  }
0x19: {  	_ =	swait.ge [sflag:s7], $0x14000  }
0x1a: {  	s10 =	sshll.u32 s10, $0x4;
	[sflag:s7] =	ssyncset.done $0x0  }
0x1b: {  	s10 =	sadd.s32 s24, s10;
	[sflag:s7] =	ssyncadd.s32 $0xFFFEC000  }
0x1c: {  	[hbm4b:s10+s2] =	stream.linear.scatter [tilespmem:s6], [sflag:$0x2], $0x14000, $0x38;
	[tilespmem:$0x14280] =	vst v63  }
0x1d: {  	s12 =	sadd.s32 $0x500, s23;
	_ =	swait.ge [sflag:s3], $0x14000  }
0x1e: {  	s11 =	sshrl.u32 s12, $0x3;
	[sflag:s3] =	ssyncset.done $0x0  }
0x1f: {  	s11 =	sadd.s32 s21, s11;
	[sflag:s3] =	ssyncadd.s32 $0xFFFEC000  }
0x20: {  	[tilespmem:s2], [sflag:$0x2] =	stream.linear.gather [hbm4b:s11+s2], $0x280, $0x38;
	[tilespmem:$0x14280] =	vst v63  }
0x21: {  	_ =	swait.ge [sflag:s3], $0x280  }
0x22: {  	[sflag:s3] =	ssyncset.done $0x0  }
0x23: {  	[sflag:s3] =	ssyncadd.s32 $0xFFFFFD80  }
0x24: {  	[tilespmem:s6], [sflag:$0x1] =	stream.indirect.gather [hbm4b:s5+s6], $0x80, s2, s6, $0xb8;
	[tilespmem:$0x14280] =	vst v63  }
0x25: {  	_ =	swait.ge [sflag:s7], $0x14000  }
0x26: {  	s12 =	sshll.u32 s12, $0x4;
	[sflag:s7] =	ssyncset.done $0x0  }
0x27: {  	s12 =	sadd.s32 s24, s12;
	[sflag:s7] =	ssyncadd.s32 $0xFFFEC000  }
0x28: {  	[hbm4b:s12+s2] =	stream.linear.scatter [tilespmem:s6], [sflag:$0x2], $0x14000, $0x38;
	[tilespmem:$0x14280] =	vst v63  }
0x29: {  	s14 =	sadd.s32 $0x780, s23;
	_ =	swait.ge [sflag:s3], $0x14000  }
0x2a: {  	s13 =	sshrl.u32 s14, $0x3;
	[sflag:s3] =	ssyncset.done $0x0  }
0x2b: {  	s13 =	sadd.s32 s21, s13;
	[sflag:s3] =	ssyncadd.s32 $0xFFFEC000  }
0x2c: {  	[tilespmem:s2], [sflag:$0x2] =	stream.linear.gather [hbm4b:s13+s2], $0x280, $0x38;
	[tilespmem:$0x14280] =	vst v63  }
0x2d: {  	_ =	swait.ge [sflag:s3], $0x280  }
0x2e: {  	[sflag:s3] =	ssyncset.done $0x0  }
0x2f: {  	[sflag:s3] =	ssyncadd.s32 $0xFFFFFD80  }
0x30: {  	[tilespmem:s6], [sflag:$0x1] =	stream.indirect.gather [hbm4b:s5+s6], $0x80, s2, s6, $0xb8;
	[tilespmem:$0x14280] =	vst v63  }
0x31: {  	_ =	swait.ge [sflag:s7], $0x14000  }
0x32: {  	s14 =	sshll.u32 s14, $0x4;
	[sflag:s7] =	ssyncset.done $0x0  }
0x33: {  	s14 =	sadd.s32 s24, s14;
	[sflag:s7] =	ssyncadd.s32 $0xFFFEC000  }
0x34: {  	[hbm4b:s14+s2] =	stream.linear.scatter [tilespmem:s6], [sflag:$0x2], $0x14000, $0x38;
	[tilespmem:$0x14280] =	vst v63  }
0x35: {  	s16 =	sadd.s32 $0xA00, s23;
	_ =	swait.ge [sflag:s3], $0x14000  }
0x36: {  	s15 =	sshrl.u32 s16, $0x3;
	[sflag:s3] =	ssyncset.done $0x0  }
0x37: {  	s15 =	sadd.s32 s21, s15;
	[sflag:s3] =	ssyncadd.s32 $0xFFFEC000  }
0x38: {  	[tilespmem:s2], [sflag:$0x2] =	stream.linear.gather [hbm4b:s15+s2], $0x280, $0x38;
	[tilespmem:$0x14280] =	vst v63  }
0x39: {  	_ =	swait.ge [sflag:s3], $0x280  }
0x3a: {  	[sflag:s3] =	ssyncset.done $0x0  }
0x3b: {  	[sflag:s3] =	ssyncadd.s32 $0xFFFFFD80  }
0x3c: {  	[tilespmem:s6], [sflag:$0x1] =	stream.indirect.gather [hbm4b:s5+s6], $0x80, s2, s6, $0xb8;
	[tilespmem:$0x14280] =	vst v63  }
0x3d: {  	_ =	swait.ge [sflag:s7], $0x14000  }
0x3e: {  	s16 =	sshll.u32 s16, $0x4;
	[sflag:s7] =	ssyncset.done $0x0  }
0x3f: {  	s16 =	sadd.s32 s24, s16;
	[sflag:s7] =	ssyncadd.s32 $0xFFFEC000  }
0x40: {  	[hbm4b:s16+s2] =	stream.linear.scatter [tilespmem:s6], [sflag:$0x2], $0x14000, $0x38;
	[tilespmem:$0x14280] =	vst v63  }
0x41: {  	s18 =	sadd.s32 $0xC80, s23;
	_ =	swait.ge [sflag:s3], $0x14000  }
0x42: {  	s17 =	sshrl.u32 s18, $0x3;
	[sflag:s3] =	ssyncset.done $0x0  }
0x43: {  	s17 =	sadd.s32 s21, s17;
	[sflag:s3] =	ssyncadd.s32 $0xFFFEC000  }
0x44: {  	[tilespmem:s2], [sflag:$0x2] =	stream.linear.gather [hbm4b:s17+s2], $0x280, $0x38;
	[tilespmem:$0x14280] =	vst v63  }
0x45: {  	_ =	swait.ge [sflag:s3], $0x280  }
0x46: {  	[sflag:s3] =	ssyncset.done $0x0  }
0x47: {  	[sflag:s3] =	ssyncadd.s32 $0xFFFFFD80  }
0x48: {  	[tilespmem:s6], [sflag:$0x1] =	stream.indirect.gather [hbm4b:s5+s6], $0x80, s2, s6, $0xb8;
	[tilespmem:$0x14280] =	vst v63  }
0x49: {  	_ =	swait.ge [sflag:s7], $0x14000  }
0x4a: {  	s18 =	sshll.u32 s18, $0x4;
	[sflag:s7] =	ssyncset.done $0x0  }
0x4b: {  	s18 =	sadd.s32 s24, s18;
	[sflag:s7] =	ssyncadd.s32 $0xFFFEC000  }
0x4c: {  	[hbm4b:s18+s2] =	stream.linear.scatter [tilespmem:s6], [sflag:$0x2], $0x14000, $0x38;
	[tilespmem:$0x14280] =	vst v63  }
0x4d: {  	s20 =	sadd.s32 $0xF00, s23;
	_ =	swait.ge [sflag:s3], $0x14000  }
0x4e: {  	s19 =	sshrl.u32 s20, $0x3;
	[sflag:s3] =	ssyncset.done $0x0  }
0x4f: {  	s19 =	sadd.s32 s21, s19;
	[sflag:s3] =	ssyncadd.s32 $0xFFFEC000  }
0x50: {  	[tilespmem:s2], [sflag:$0x2] =	stream.linear.gather [hbm4b:s19+s2], $0x280, $0x38;
	[tilespmem:$0x14280] =	vst v63  }
0x51: {  	_ =	swait.ge [sflag:s3], $0x280  }
0x52: {  	[sflag:s3] =	ssyncset.done $0x0  }
0x53: {  	[sflag:s3] =	ssyncadd.s32 $0xFFFFFD80  }
0x54: {  	[tilespmem:s6], [sflag:$0x1] =	stream.indirect.gather [hbm4b:s5+s6], $0x80, s2, s6, $0xb8;
	[tilespmem:$0x14280] =	vst v63  }
0x55: {  	_ =	swait.ge [sflag:s7], $0x14000  }
0x56: {  	s20 =	sshll.u32 s20, $0x4;
	[sflag:s7] =	ssyncset.done $0x0  }
0x57: {  	s20 =	sadd.s32 s24, s20;
	[sflag:s7] =	ssyncadd.s32 $0xFFFEC000  }
0x58: {  	[hbm4b:s20+s2] =	stream.linear.scatter [tilespmem:s6], [sflag:$0x2], $0x14000, $0x38;
	[tilespmem:$0x14280] =	vst v63  }
0x59: {  	s23 =	sadd.s32 $0x1180, s23;
	_ =	swait.ge [sflag:s3], $0x14000  }
0x5a: {  	s25 =	sshrl.u32 s23, $0x3;
	[sflag:s3] =	ssyncset.done $0x0  }
0x5b: {  	s22 =	ssub.s32 $0x2, s22;
	s21 =	sadd.s32 s21, s25;
	[sflag:s3] =	ssyncadd.s32 $0xFFFEC000  }
0x5c: {  	[tilespmem:s2], [sflag:$0x2] =	stream.linear.gather [hbm4b:s21+s2], $0x280, $0x38;
	[tilespmem:$0x14280] =	vst v63  }
0x5d: {  	s29 =	sshrl.u32 s22, $0x1;
	_ =	swait.ge [sflag:s3], $0x280  }
0x5e: {  	s25 =	ssub.s32 s22, s29;
	[sflag:s3] =	ssyncset.done $0x0  }
0x5f: {  	s31 =	smax.u32 s25, $0x1;
	[sflag:s3] =	ssyncadd.s32 $0xFFFFFD80  }
0x60: {  	[tilespmem:s6], [sflag:$0x1] =	stream.indirect.gather [hbm4b:s5+s6], $0x80, s2, s6, $0xb8;
	[tilespmem:$0x14280] =	vst v63  }
0x61: {  	p0 =	sne.s32 s31, $0x1;
	_ =	swait.ge [sflag:s7], $0x14000  }
.Ltmp0:
0x62: {  	s30 =	sshll.u32 s23, $0x4;
	[sflag:s7] =	ssyncset.done $0x0;
	(pc) =	sbr.rel @!p0 .LBB2_2-.Ltmp0, $4  }
0x63: {  	s22 =	sadd.s32 s24, s30;
	[sflag:s7] =	ssyncadd.s32 $0xFFFEC000  }
0x64: {  	[hbm4b:s22+s2] =	stream.linear.scatter [tilespmem:s6], [sflag:$0x2], $0x14000, $0x38;
	[tilespmem:$0x14280] =	vst v63  }
0x65: {  	_ =	swait.ge [sflag:s3], $0x14000  }
0x66: {  	s23 =	sadd.s32 $0xFFFFFFFF, s31;
	[sflag:s3] =	ssyncset.done $0x0  }
.LBB2_1:
0x67: {  	p0 =	sne.s32 s23, $0x1;
	s23 =	sadd.s32 $0xFFFFFFFF, s23;
	[sflag:s3] =	ssyncadd.s32 $0xFFFEC000  }
0x68: {  	[tilespmem:s2], [sflag:$0x2] =	stream.linear.gather [hbm4b:s4+s2], $0x280, $0x38;
	[tilespmem:$0x14280] =	vst v63  }
0x69: {  	_ =	swait.ge [sflag:s3], $0x280  }
0x6a: {  	[sflag:s3] =	ssyncset.done $0x0  }
0x6b: {  	[sflag:s3] =	ssyncadd.s32 $0xFFFFFD80  }
0x6c: {  	[tilespmem:s6], [sflag:$0x1] =	stream.indirect.gather [hbm4b:s5+s6], $0x80, s2, s6, $0xb8;
	[tilespmem:$0x14280] =	vst v63  }
0x6d: {  	_ =	swait.ge [sflag:s7], $0x14000  }
0x6e: {  	[sflag:s7] =	ssyncset.done $0x0  }
0x6f: {  	[sflag:s7] =	ssyncadd.s32 $0xFFFEC000  }
0x70: {  	[hbm4b:s8+s2] =	stream.linear.scatter [tilespmem:s6], [sflag:$0x2], $0x14000, $0x38;
	[tilespmem:$0x14280] =	vst v63  }
0x71: {  	_ =	swait.ge [sflag:s3], $0x14000  }
0x72: {  	[sflag:s3] =	ssyncset.done $0x0  }
0x73: {  	[sflag:s3] =	ssyncadd.s32 $0xFFFEC000  }
0x74: {  	[tilespmem:s2], [sflag:$0x2] =	stream.linear.gather [hbm4b:s9+s2], $0x280, $0x38;
	[tilespmem:$0x14280] =	vst v63  }
0x75: {  	_ =	swait.ge [sflag:s3], $0x280  }
0x76: {  	[sflag:s3] =	ssyncset.done $0x0  }
0x77: {  	[sflag:s3] =	ssyncadd.s32 $0xFFFFFD80  }
0x78: {  	[tilespmem:s6], [sflag:$0x1] =	stream.indirect.gather [hbm4b:s5+s6], $0x80, s2, s6, $0xb8;
	[tilespmem:$0x14280] =	vst v63  }
0x79: {  	_ =	swait.ge [sflag:s7], $0x14000  }
0x7a: {  	[sflag:s7] =	ssyncset.done $0x0  }
0x7b: {  	[sflag:s7] =	ssyncadd.s32 $0xFFFEC000  }
0x7c: {  	[hbm4b:s10+s2] =	stream.linear.scatter [tilespmem:s6], [sflag:$0x2], $0x14000, $0x38;
	[tilespmem:$0x14280] =	vst v63  }
0x7d: {  	_ =	swait.ge [sflag:s3], $0x14000  }
0x7e: {  	[sflag:s3] =	ssyncset.done $0x0  }
0x7f: {  	[sflag:s3] =	ssyncadd.s32 $0xFFFEC000  }
0x80: {  	[tilespmem:s2], [sflag:$0x2] =	stream.linear.gather [hbm4b:s11+s2], $0x280, $0x38;
	[tilespmem:$0x14280] =	vst v63  }
0x81: {  	_ =	swait.ge [sflag:s3], $0x280  }
0x82: {  	[sflag:s3] =	ssyncset.done $0x0  }
0x83: {  	[sflag:s3] =	ssyncadd.s32 $0xFFFFFD80  }
0x84: {  	[tilespmem:s6], [sflag:$0x1] =	stream.indirect.gather [hbm4b:s5+s6], $0x80, s2, s6, $0xb8;
	[tilespmem:$0x14280] =	vst v63  }
0x85: {  	_ =	swait.ge [sflag:s7], $0x14000  }
0x86: {  	[sflag:s7] =	ssyncset.done $0x0  }
0x87: {  	[sflag:s7] =	ssyncadd.s32 $0xFFFEC000  }
0x88: {  	[hbm4b:s12+s2] =	stream.linear.scatter [tilespmem:s6], [sflag:$0x2], $0x14000, $0x38;
	[tilespmem:$0x14280] =	vst v63  }
0x89: {  	_ =	swait.ge [sflag:s3], $0x14000  }
0x8a: {  	[sflag:s3] =	ssyncset.done $0x0  }
0x8b: {  	[sflag:s3] =	ssyncadd.s32 $0xFFFEC000  }
0x8c: {  	[tilespmem:s2], [sflag:$0x2] =	stream.linear.gather [hbm4b:s13+s2], $0x280, $0x38;
	[tilespmem:$0x14280] =	vst v63  }
0x8d: {  	_ =	swait.ge [sflag:s3], $0x280  }
0x8e: {  	[sflag:s3] =	ssyncset.done $0x0  }
0x8f: {  	[sflag:s3] =	ssyncadd.s32 $0xFFFFFD80  }
0x90: {  	[tilespmem:s6], [sflag:$0x1] =	stream.indirect.gather [hbm4b:s5+s6], $0x80, s2, s6, $0xb8;
	[tilespmem:$0x14280] =	vst v63  }
0x91: {  	_ =	swait.ge [sflag:s7], $0x14000  }
0x92: {  	[sflag:s7] =	ssyncset.done $0x0  }
0x93: {  	[sflag:s7] =	ssyncadd.s32 $0xFFFEC000  }
0x94: {  	[hbm4b:s14+s2] =	stream.linear.scatter [tilespmem:s6], [sflag:$0x2], $0x14000, $0x38;
	[tilespmem:$0x14280] =	vst v63  }
0x95: {  	_ =	swait.ge [sflag:s3], $0x14000  }
0x96: {  	[sflag:s3] =	ssyncset.done $0x0  }
0x97: {  	[sflag:s3] =	ssyncadd.s32 $0xFFFEC000  }
0x98: {  	[tilespmem:s2], [sflag:$0x2] =	stream.linear.gather [hbm4b:s15+s2], $0x280, $0x38;
	[tilespmem:$0x14280] =	vst v63  }
0x99: {  	_ =	swait.ge [sflag:s3], $0x280  }
0x9a: {  	[sflag:s3] =	ssyncset.done $0x0  }
0x9b: {  	[sflag:s3] =	ssyncadd.s32 $0xFFFFFD80  }
0x9c: {  	[tilespmem:s6], [sflag:$0x1] =	stream.indirect.gather [hbm4b:s5+s6], $0x80, s2, s6, $0xb8;
	[tilespmem:$0x14280] =	vst v63  }
0x9d: {  	_ =	swait.ge [sflag:s7], $0x14000  }
0x9e: {  	[sflag:s7] =	ssyncset.done $0x0  }
0x9f: {  	[sflag:s7] =	ssyncadd.s32 $0xFFFEC000  }
0xa0: {  	[hbm4b:s16+s2] =	stream.linear.scatter [tilespmem:s6], [sflag:$0x2], $0x14000, $0x38;
	[tilespmem:$0x14280] =	vst v63  }
0xa1: {  	_ =	swait.ge [sflag:s3], $0x14000  }
0xa2: {  	[sflag:s3] =	ssyncset.done $0x0  }
0xa3: {  	[sflag:s3] =	ssyncadd.s32 $0xFFFEC000  }
0xa4: {  	[tilespmem:s2], [sflag:$0x2] =	stream.linear.gather [hbm4b:s17+s2], $0x280, $0x38;
	[tilespmem:$0x14280] =	vst v63  }
0xa5: {  	_ =	swait.ge [sflag:s3], $0x280  }
0xa6: {  	[sflag:s3] =	ssyncset.done $0x0  }
0xa7: {  	[sflag:s3] =	ssyncadd.s32 $0xFFFFFD80  }
0xa8: {  	[tilespmem:s6], [sflag:$0x1] =	stream.indirect.gather [hbm4b:s5+s6], $0x80, s2, s6, $0xb8;
	[tilespmem:$0x14280] =	vst v63  }
0xa9: {  	_ =	swait.ge [sflag:s7], $0x14000  }
0xaa: {  	[sflag:s7] =	ssyncset.done $0x0  }
0xab: {  	[sflag:s7] =	ssyncadd.s32 $0xFFFEC000  }
0xac: {  	[hbm4b:s18+s2] =	stream.linear.scatter [tilespmem:s6], [sflag:$0x2], $0x14000, $0x38;
	[tilespmem:$0x14280] =	vst v63  }
0xad: {  	_ =	swait.ge [sflag:s3], $0x14000  }
0xae: {  	[sflag:s3] =	ssyncset.done $0x0  }
0xaf: {  	[sflag:s3] =	ssyncadd.s32 $0xFFFEC000  }
0xb0: {  	[tilespmem:s2], [sflag:$0x2] =	stream.linear.gather [hbm4b:s19+s2], $0x280, $0x38;
	[tilespmem:$0x14280] =	vst v63  }
0xb1: {  	_ =	swait.ge [sflag:s3], $0x280  }
0xb2: {  	[sflag:s3] =	ssyncset.done $0x0  }
0xb3: {  	[sflag:s3] =	ssyncadd.s32 $0xFFFFFD80  }
0xb4: {  	[tilespmem:s6], [sflag:$0x1] =	stream.indirect.gather [hbm4b:s5+s6], $0x80, s2, s6, $0xb8;
	[tilespmem:$0x14280] =	vst v63  }
0xb5: {  	_ =	swait.ge [sflag:s7], $0x14000  }
0xb6: {  	[sflag:s7] =	ssyncset.done $0x0  }
0xb7: {  	[sflag:s7] =	ssyncadd.s32 $0xFFFEC000  }
0xb8: {  	[hbm4b:s20+s2] =	stream.linear.scatter [tilespmem:s6], [sflag:$0x2], $0x14000, $0x38;
	[tilespmem:$0x14280] =	vst v63  }
0xb9: {  	_ =	swait.ge [sflag:s3], $0x14000  }
0xba: {  	[sflag:s3] =	ssyncset.done $0x0  }
0xbb: {  	[sflag:s3] =	ssyncadd.s32 $0xFFFEC000  }
0xbc: {  	[tilespmem:s2], [sflag:$0x2] =	stream.linear.gather [hbm4b:s21+s2], $0x280, $0x38;
	[tilespmem:$0x14280] =	vst v63  }
0xbd: {  	_ =	swait.ge [sflag:s3], $0x280  }
0xbe: {  	[sflag:s3] =	ssyncset.done $0x0  }
0xbf: {  	[sflag:s3] =	ssyncadd.s32 $0xFFFFFD80  }
0xc0: {  	[tilespmem:s6], [sflag:$0x1] =	stream.indirect.gather [hbm4b:s5+s6], $0x80, s2, s6, $0xb8;
	[tilespmem:$0x14280] =	vst v63  }
0xc1: {  	_ =	swait.ge [sflag:s7], $0x14000  }
.Ltmp1:
0xc2: {  	[sflag:s7] =	ssyncset.done $0x0;
	(pc) =	sbr.rel @p0 .LBB2_1-.Ltmp1, $4  }
0xc3: {  	[sflag:s7] =	ssyncadd.s32 $0xFFFEC000  }
0xc4: {  	[hbm4b:s22+s2] =	stream.linear.scatter [tilespmem:s6], [sflag:$0x2], $0x14000, $0x38;
	[tilespmem:$0x14280] =	vst v63  }
0xc5: {  	_ =	swait.ge [sflag:s3], $0x14000  }
0xc6: {  	[sflag:s3] =	ssyncset.done $0x0  }
.LBB2_2:
0xc7: {  	[sflag:s3] =	ssyncadd.s32 $0xFFFEC000  }
0xc8: {  	_ =	sfence.sel $0x180000  }
0xc9: {  	[bflag:$0x0] =	sbarrier.arrive $0xFFFF  }
0xca: {  	p0 =	sne.s32 s0, $0x0;
	_ =	strace $0x9000004D  }
0xcb: {  	s0 =	sadd.s32 @!p0 $0x100000, s1;
	[bflag:$0x2] =	sbarrier.arrive $0xFFFF  }
0xcc: {  	[sflag:s0] =	ssyncadd.tile.s32 @!p0 $0x1;
	_ =	shalt  }
.Lfunc_end2:
_tile_overlayer_lowered:
.L_overlay_start_2:
0xcd: {  	(tag) =	ssettag $0x2  }
0xce: {  	s0 =	rddreg [dreg:$0x0];
	s2 =	stileid.u32  }
0xcf: {  	s1 =	rddreg [dreg:$0x1];
	p0 =	sne.s32 s2, $0x0  }
0xd0: {  	s3 =	rddreg [dreg:$0x2];
	[bflag:$0x3] =	sbarrier.arrive $0xFFFF;
	s2 =	simm.s32 @!p0 $0x1C02  }
0xd1: {  	[timem:s3], [sflag:s2] =	dma.local @!p0 [hbm:s0], s1  }
0xd2: {  	s0 =	simm.s32 @!p0 $0x2  }
0xd3: {  	_ =	swait.ge @!p0 [sflag:s0], s1  }
0xd4: {  	s1 =	ssub.s32 @!p0 $0x0, s1;
	[sflag:s0] =	ssyncset.done @!p0 $0x0  }
0xd5: {  	[sflag:s0] =	ssyncadd.s32 @!p0 s1  }
0xd6: {  	[bflag:$0x3] =	sbarrier.arrive $0xFFFF  }
0xd7: {  	_ =	shalt  }

// kernel: kernel.27.cloned.1.call-start
scs
__scs_entry_jumppad:
0x0: {  	(pc) =	sbr.rel $0x88, $3  }
0x1: {  	(tag) =	ssettag $0x0;
	lr =	simm.s32 $0x1  }
0x2: {  	[smem:$0x3F58] =	sst lr;
	_ =	strace $0xD0000000  }
0x3: {  	_ = 	snop  }
0x4: {  	_ = 	snop  }
0x5: {  	_ = 	snop  }
0x6: {  	_ = 	snop  }
0x7: {  	_ = 	snop  }
__scs_overlays_trampoline_lowered:
0x8: {  	[smem:$0x3F67] =	sst s0  }
0x9: {  	[smem:$0x3F68] =	sst s1  }
0xa: {  	[smem:$0x3F69] =	sst s2  }
0xb: {  	[smem:$0x3F6A] =	sst s3  }
0xc: {  	[smem:$0x3F6B] =	sst s4  }
0xd: {  	[smem:$0x3F6C] =	sst s5  }
0xe: {  	[smem:$0x3F6D] =	sst s6  }
0xf: {  	[smem:$0x3F6E] =	sst s7  }
0x10: {  	[smem:$0x3F6F] =	sst s8  }
0x11: {  	[smem:$0x3F70] =	sst s9;
	s0 =	simm.s32 @!p0 $0x0  }
0x12: {  	s1 =	sld [smem:$0x3F56];
	s0 =	simm.s32 @p0 $0x1  }
0x13: {  	[smem:$0x3F71] =	sst s0;
	s0 =	simm.s32 @!p1 $0x0  }
0x14: {  	s2 =	sld [smem:$0x3F55];
	s0 =	simm.s32 @p1 $0x1  }
0x15: {  	[smem:$0x3F72] =	sst s0;
	s0 =	simm.s32 @!p2 $0x0  }
0x16: {  	s3 =	sld [smem:$0x3FDB];
	s0 =	simm.s32 @p2 $0x1  }
0x17: {  	s4 =	simm.s32 $0x1BF5;
	[smem:$0x3F74] =	sst s0  }
0x18: {  	s0 =	sld [smem:$0x3F57];
	_ =	swait.ge [sflag:s4], $0x0  }
0x19: {  	s7 =	sld [smem:$0x3F58]  }
0x1a: {  	s8 =	sadd.s32 $0xFFFFE003, lr  }
0x1b: {  	s9 =	sadd.s32 $0xFFFFFEF7, lr;
	s5 =	simm.s32 $0xFFFFFFFF;
	p2 =	slt.u32 s8, $0xFFFFF086  }
0x1c: {  	p1 =	slt.u32 s9, $0xF7A;
	s5 =	simm.s32 @!p2 $0x0  }
0x1d: {  	s5 =	simm.s32 @p1 $0x1;
	p0 =	seq.s32 s7, s2  }
0x1e: {  	s7 =	smul.u32 @!p0 $0xF7A, s2;
	p2 =	seq.s32 @!p0 s5, $0x0  }
0x1f: {  	s9 =	smul.u32 $0xF7A, s1;
	s8 =	simm.s32 @!p0 $0x1BF5;
	p2 =	por !p2, p0  }
0x20: {  	[sflag:s8] =	ssyncset.s32 @!p0 $0xFFFFF086;
	s6 =	sadd.s32 @!p0 s3, s7;
	s7 =	simm.s32 @!p0 $0x108  }
0x21: {  	s3 =	sadd.s32 s3, s9;
	s6 =	sadd.s32 @!p0 $0x88, s6;
	s7 =	simm.s32 @p2 $0x1082  }
0x22: {  	[simem:s7], [sflag:s8] =	dma.local @!p0 [hbm:s6], $0xF7A  }
0x23: {  	s9 =	sor.u32 $0xD0000000, s2;
	s6 =	simm.s32 $0x108;
	_ =	swait.ge @!p0 [sflag:s8], $0x0  }
0x24: {  	s3 =	sadd.s32 $0x88, s3;
	s6 =	simm.s32 @!p1 $0x1082;
	[sflag:s4] =	ssyncset.s32 $0xFFFFF086  }
0x25: {  	[simem:s6], [sflag:s4] =	dma.local [hbm:s3], $0xF7A  }
0x26: {  	[smem:$0x3F58] =	sst s1;
	(tag) =	ssettag s2;
	_ =	strace s9  }
0x27: {  	s1 =	sld [smem:$0x3F68]  }
0x28: {  	s2 =	sld [smem:$0x3F69]  }
0x29: {  	s4 =	sld [smem:$0x3F6B]  }
0x2a: {  	p0 =	seq.s32 s5, $0x0;
	s5 =	sld [smem:$0x3F6C]  }
0x2b: {  	s6 =	sld [smem:$0x3F6D]  }
0x2c: {  	s7 =	sld [smem:$0x3F6E]  }
0x2d: {  	s3 =	simm.s32 $0x108;
	s8 =	sld [smem:$0x3F6F]  }
0x2e: {  	s3 =	simm.s32 @!p0 $0x1082;
	s9 =	sld [smem:$0x3F70]  }
0x2f: {  	lr =	sadd.s32 s0, s3;
	s0 =	sld [smem:$0x3F67]  }
0x30: {  	s3 =	sld [smem:$0x3F6A]  }
0x31: {  	[smem:$0x3F73] =	sst s10  }
0x32: {  	s10 =	sld [smem:$0x3F71];
	_ =	sdelay $0x3  }
0x33: {  	p0 =	seq.s32 s10, $0x1;
	s10 =	sld [smem:$0x3F73];
	_ =	sdelay $0x3  }
0x34: {  	[smem:$0x3F73] =	sst s10  }
0x35: {  	s10 =	sld [smem:$0x3F72];
	_ =	sdelay $0x3  }
0x36: {  	p1 =	seq.s32 s10, $0x1;
	s10 =	sld [smem:$0x3F73];
	_ =	sdelay $0x3  }
0x37: {  	[smem:$0x3F73] =	sst s10  }
0x38: {  	s10 =	sld [smem:$0x3F74]  }
0x39: {  	_ = 	snop;
	(pc) =	sbr.ind lr, $3  }
0x3a: {  	_ = 	snop  }
0x3b: {  	_ = 	snop  }
0x3c: {  	p2 =	seq.s32 s10, $0x1;
	s10 =	sld [smem:$0x3F73]  }
0x3d: {  	_ =	shalt  }
0x3e: {  	_ =	shalt  }
0x3f: {  	_ =	shalt  }
0x40: {  	_ =	shalt  }
0x41: {  	_ =	shalt  }
0x42: {  	_ =	shalt  }
0x43: {  	_ =	shalt  }
0x44: {  	_ =	shalt  }
0x45: {  	_ =	shalt  }
0x46: {  	_ =	shalt  }
0x47: {  	_ =	shalt  }
0x48: {  	_ =	shalt  }
0x49: {  	_ =	shalt  }
0x4a: {  	_ =	shalt  }
0x4b: {  	_ =	shalt  }
0x4c: {  	_ =	shalt  }
0x4d: {  	_ =	shalt  }
0x4e: {  	_ =	shalt  }
0x4f: {  	_ =	shalt  }
0x50: {  	_ =	shalt  }
0x51: {  	_ =	shalt  }
0x52: {  	_ =	shalt  }
0x53: {  	_ =	shalt  }
0x54: {  	_ =	shalt  }
0x55: {  	_ =	shalt  }
0x56: {  	_ =	shalt  }
0x57: {  	_ =	shalt  }
0x58: {  	_ =	shalt  }
0x59: {  	_ =	shalt  }
0x5a: {  	_ =	shalt  }
0x5b: {  	_ =	shalt  }
0x5c: {  	_ =	shalt  }
0x5d: {  	_ =	shalt  }
0x5e: {  	_ =	shalt  }
0x5f: {  	_ =	shalt  }
0x60: {  	_ =	shalt  }
0x61: {  	_ =	shalt  }
0x62: {  	_ =	shalt  }
0x63: {  	_ =	shalt  }
0x64: {  	_ =	shalt  }
0x65: {  	_ =	shalt  }
0x66: {  	_ =	shalt  }
0x67: {  	_ =	shalt  }
0x68: {  	_ =	shalt  }
0x69: {  	_ =	shalt  }
0x6a: {  	_ =	shalt  }
0x6b: {  	_ =	shalt  }
0x6c: {  	_ =	shalt  }
0x6d: {  	_ =	shalt  }
0x6e: {  	_ =	shalt  }
0x6f: {  	_ =	shalt  }
0x70: {  	_ =	shalt  }
0x71: {  	_ =	shalt  }
0x72: {  	_ =	shalt  }
0x73: {  	_ =	shalt  }
0x74: {  	_ =	shalt  }
0x75: {  	_ =	shalt  }
0x76: {  	_ =	shalt  }
0x77: {  	_ =	shalt  }
0x78: {  	_ =	shalt  }
0x79: {  	_ =	shalt  }
0x7a: {  	_ =	shalt  }
0x7b: {  	_ =	shalt  }
0x7c: {  	_ =	shalt  }
0x7d: {  	_ =	shalt  }
0x7e: {  	_ =	shalt  }
0x7f: {  	_ =	shalt  }
0x80: {  	_ =	shalt  }
0x81: {  	_ =	shalt  }
0x82: {  	_ =	shalt  }
0x83: {  	_ =	shalt  }
0x84: {  	_ =	shalt  }
0x85: {  	_ =	shalt  }
0x86: {  	_ =	shalt  }
0x87: {  	_ =	shalt  }
.Lfunc_end0:
.L_simem_size_0:
called_computation.3_lowered:
.L_overlay_start_0:
0x88: {  	s2 =	sld [smem:$0x3FD9]  }
0x89: {  	s3 =	sld [smem:$0x3FFE];
	_ =	sdelay $0x1  }
0x8a: {  	s1 =	srdreg.scid  }
0x8b: {  	s0 =	sand.u32 $0x1, s1  }
0x8c: {  	s16 =	sshll.u32 s0, $0xA;
	s2 =	sadd.s32 s3, s2  }
0x8d: {  	s2 =	sadd.s32 s2, s16  }
0x8e: {  	[smem:$0x3F7F] =	sst s2  }
0x8f: {  	_ = 	snop  }
0x90: {  	(tm) =	ssettm $0x1  }
0x91: {  	s17 =	sld [smem:$0x3FFB];
	_ =	sdelay $0x3  }
0x92: {  	_ =	strace s17  }
0x93: {  	s2 =	sld [smem:$0x3FFC];
	_ =	sdelay $0x3  }
0x94: {  	_ =	strace s2  }
0x95: {  	s2 =	sld [smem:$0x3FFD];
	_ =	sdelay $0x3  }
0x96: {  	_ =	strace s2  }
0x97: {  	_ =	strace $0x8FFFFFFF  }
0x98: {  	s18 =	sld [smem:$0x3FDB];
	_ =	sdelay $0x1  }
0x99: {  	s19 =	simm.s32 $_scs_section_size  }
0x9a: {  	s4 =	simm.s32 $_size__tile_overlayer_lowered;
	s5 =	simm.s32 $_tile_overlayer_lowered  }
0x9b: {  	s22 =	simm.s32 $0x1BFF;
	s21 =	sshll.u32 s5, $0x1;
	s2 =	sadd.s32 s19, s18  }
0x9c: {  	s6 =	simm.s32 $0x0;
	s20 =	sshll.u32 s4, $0x1;
	s4 =	sadd.s32 s21, s2  }
0x9d: {  	[timem:s6], [sflag:s22] =	dma.local [hbm:s4], s20  }
0x9e: {  	_ =	swait.ge [sflag:s22], s20  }
0x9f: {  	s3 =	ssub.s32 $0x0, s20;
	[sflag:s22] =	ssyncset.done $0x0  }
0xa0: {  	[sflag:s22] =	ssyncadd.s32 s3;
	_ =	sdelay $0x1  }
0xa1: {  	s23 =	simm.s32 $0x1B8B  }
0xa2: {  	_ =	swait.ge [sflag:s23], $0x1  }
0xa3: {  	[sflag:s23] =	ssyncset.done $0x0  }
0xa4: {  	s25 =	simm.s32 $0x1B8E;
	s24 =	sld [smem:$0x3FFE];
	[sflag:s23] =	ssyncadd.s32 $0xFFFFFFFF  }
0xa5: {  	s26 =	simm.s32 $execute0_lowered;
	[smem:$0x3FD2] =	sst s25  }
0xa6: {  	s4 =	sshll.u32 s26, $0x1;
	_ =	strace $0x8000004F;
	[dreg:$0x1] =	wrdreg $0xFFFFFFFF  }
0xa7: {  	s28 =	simm.s32 $_size_execute0_lowered;
	s2 =	sadd.s32 s2, s4;
	[dreg:$0x0] =	wrdreg $0x0  }
0xa8: {  	s4 =	sshll.u32 s28, $0x1;
	[dreg:$0x2] =	wrdreg s2  }
0xa9: {  	[dreg:$0x3] =	wrdreg s4  }
0xaa: {  	[dreg:$0x4] =	wrdreg $0xC0  }
0xab: {  	_ =	task [dreg:s6], $0x5FFFF  }
0xac: {  	[dreg:$0x1] =	wrdreg $0xFFFFFFFF  }
0xad: {  	[dreg:$0x0] =	wrdreg $0x60  }
0xae: {  	[dreg:$0x2] =	wrdreg s24  }
0xaf: {  	[dreg:$0x3] =	wrdreg $0x9  }
0xb0: {  	_ =	task.clear_ibuf [dreg:s6], $0x4FFFF;
	_ =	strace $0x9000004F  }
0xb1: {  	s29 =	simm.s32 $0x9;
	_ =	strace $0x80000051  }
0xb2: {  	_ =	swait.ge [sflag:s29], $0x1  }
0xb3: {  	[sflag:s29] =	ssyncadd.s32 $0xFFFFFFFF  }
0xb4: {  	_ =	strace $0x90000051  }
0xb5: {  	_ =	sfence  }
0xb6: {  	s30 =	sld [smem:$0x0];
	_ =	sdelay $0x2  }
0xb7: {  	s31 =	sshll.u32 s1, $0xD;
	s1 =	sshrl.u32 s1, $0x2  }
0xb8: {  	s3 =	sand.u32 $0x4000, s31;
	s1 =	sadd.s32 s1, s30  }
0xb9: {  	s0 =	sor.u32 s3, s0;
	s1 =	sshll.u32 s1, $0x11  }
0xba: {  	s0 =	sor.u32 s1, s0  }
0xbb: {  	s0 =	sadd.s32 $0x8F2B, s0  }
0xbc: {  	[sflag:s0] =	ssyncadd.remote.s32 $0x1  }
0xbd: {  	_ =	sfence.sel $0xFFFF  }
0xbe: {  	[dreg:$0x0] =	wrdreg $0xFFFFFFFF;
	(pc) =	sbr.abs _section_cstart, $3  }
0xbf: {  	[dreg:$0x1] =	wrdreg $0xFFFFFFFF  }
0xc0: {  	_ =	task.clear_ibuf [dreg:s6], $0x2FFFF;
	_ =	strace $0x9FFFFFFF  }
0xc1: {  	(tm) =	ssettm $0x7FFFFFFF  }
tec
execute0_lowered:
.L_overlay_start_1:
0x0: {  	(tag) =	ssettag $0x1  }
0x1: {  	s1 =	srdreg.scid;
	s0 =	stileid.u32  }
0x2: {  	s22 =	sand.u32 $0x1, s1;
	s26 =	sshll.u32 s0, $0x1  }
0x3: {  	s8 =	sor.u32 s22, s26  }
0x4: {  	s9 =	rddreg [dreg:$0x0];
	s23 =	smul.u32 $0x1400, s8  }
0x5: {  	s2 =	simm.s32 $0x0;
	s1 =	rddreg [dreg:$0x1]  }
0x6: {  	[smem:$0x7FF] =	sst s2;
	s21 =	sadd.s32 $0x87200, s9;
	s3 =	sshrl.u32 s23, $0x3  }
0x7: {  	_ =	strace $0x80000050;
	s4 =	sadd.s32 s21, s3;
	s3 =	simm.s32 $0x2  }
0x8: {  	[tilespmem:s2], [sflag:$0x2] =	stream.linear.gather [hbm4b:s4+s2], $0x280, $0x38;
	[tilespmem:$0x14280] =	vst v63  }
0x9: {  	_ =	swait.ge [sflag:s3], $0x280  }
0xa: {  	s6 =	simm.s32 $0x280;
	[sflag:s3] =	ssyncset.done $0x0  }
0xb: {  	s7 =	simm.s32 $0x1;
	s5 =	sadd.s32 $0xEC00, s9;
	[sflag:s3] =	ssyncadd.s32 $0xFFFFFD80  }
0xc: {  	[tilespmem:s6], [sflag:$0x1] =	stream.indirect.gather [hbm4b:s5+s6], $0x80, s2, s6, $0xb8;
	[tilespmem:$0x14280] =	vst v63  }
0xd: {  	s8 =	smul.u32 $0x14000, s8;
	_ =	swait.ge [sflag:s7], $0x14000  }
0xe: {  	s24 =	sadd.s32 $0xDC200, s9;
	[sflag:s7] =	ssyncset.done $0x0  }
0xf: {  	s8 =	sadd.s32 s24, s8;
	[sflag:s7] =	ssyncadd.s32 $0xFFFEC000  }
0x10: {  	[hbm4b:s8+s2] =	stream.linear.scatter [tilespmem:s6], [sflag:$0x2], $0x14000, $0x38;
	[tilespmem:$0x14280] =	vst v63  }
0x11: {  	s10 =	sor.u32 $0x280, s23;
	_ =	swait.ge [sflag:s3], $0x14000  }
0x12: {  	s28 =	sshrl.u32 s10, $0x3;
	[sflag:s3] =	ssyncset.done $0x0  }
0x13: {  	s9 =	sadd.s32 s21, s28;
	[sflag:s3] =	ssyncadd.s32 $0xFFFEC000  }
0x14: {  	[tilespmem:s2], [sflag:$0x2] =	stream.linear.gather [hbm4b:s9+s2], $0x280, $0x38;
	[tilespmem:$0x14280] =	vst v63  }
0x15: {  	_ =	swait.ge [sflag:s3], $0x280  }
0x16: {  	[sflag:s3] =	ssyncset.done $0x0  }
0x17: {  	[sflag:s3] =	ssyncadd.s32 $0xFFFFFD80  }
0x18: {  	[tilespmem:s6], [sflag:$0x1] =	stream.indirect.gather [hbm4b:s5+s6], $0x80, s2, s6, $0xb8;
	[tilespmem:$0x14280] =	vst v63  }
0x19: {  	_ =	swait.ge [sflag:s7], $0x14000  }
0x1a: {  	s10 =	sshll.u32 s10, $0x4;
	[sflag:s7] =	ssyncset.done $0x0  }
0x1b: {  	s10 =	sadd.s32 s24, s10;
	[sflag:s7] =	ssyncadd.s32 $0xFFFEC000  }
0x1c: {  	[hbm4b:s10+s2] =	stream.linear.scatter [tilespmem:s6], [sflag:$0x2], $0x14000, $0x38;
	[tilespmem:$0x14280] =	vst v63  }
0x1d: {  	s12 =	sadd.s32 $0x500, s23;
	_ =	swait.ge [sflag:s3], $0x14000  }
0x1e: {  	s11 =	sshrl.u32 s12, $0x3;
	[sflag:s3] =	ssyncset.done $0x0  }
0x1f: {  	s11 =	sadd.s32 s21, s11;
	[sflag:s3] =	ssyncadd.s32 $0xFFFEC000  }
0x20: {  	[tilespmem:s2], [sflag:$0x2] =	stream.linear.gather [hbm4b:s11+s2], $0x280, $0x38;
	[tilespmem:$0x14280] =	vst v63  }
0x21: {  	_ =	swait.ge [sflag:s3], $0x280  }
0x22: {  	[sflag:s3] =	ssyncset.done $0x0  }
0x23: {  	[sflag:s3] =	ssyncadd.s32 $0xFFFFFD80  }
0x24: {  	[tilespmem:s6], [sflag:$0x1] =	stream.indirect.gather [hbm4b:s5+s6], $0x80, s2, s6, $0xb8;
	[tilespmem:$0x14280] =	vst v63  }
0x25: {  	_ =	swait.ge [sflag:s7], $0x14000  }
0x26: {  	s12 =	sshll.u32 s12, $0x4;
	[sflag:s7] =	ssyncset.done $0x0  }
0x27: {  	s12 =	sadd.s32 s24, s12;
	[sflag:s7] =	ssyncadd.s32 $0xFFFEC000  }
0x28: {  	[hbm4b:s12+s2] =	stream.linear.scatter [tilespmem:s6], [sflag:$0x2], $0x14000, $0x38;
	[tilespmem:$0x14280] =	vst v63  }
0x29: {  	s14 =	sadd.s32 $0x780, s23;
	_ =	swait.ge [sflag:s3], $0x14000  }
0x2a: {  	s13 =	sshrl.u32 s14, $0x3;
	[sflag:s3] =	ssyncset.done $0x0  }
0x2b: {  	s13 =	sadd.s32 s21, s13;
	[sflag:s3] =	ssyncadd.s32 $0xFFFEC000  }
0x2c: {  	[tilespmem:s2], [sflag:$0x2] =	stream.linear.gather [hbm4b:s13+s2], $0x280, $0x38;
	[tilespmem:$0x14280] =	vst v63  }
0x2d: {  	_ =	swait.ge [sflag:s3], $0x280  }
0x2e: {  	[sflag:s3] =	ssyncset.done $0x0  }
0x2f: {  	[sflag:s3] =	ssyncadd.s32 $0xFFFFFD80  }
0x30: {  	[tilespmem:s6], [sflag:$0x1] =	stream.indirect.gather [hbm4b:s5+s6], $0x80, s2, s6, $0xb8;
	[tilespmem:$0x14280] =	vst v63  }
0x31: {  	_ =	swait.ge [sflag:s7], $0x14000  }
0x32: {  	s14 =	sshll.u32 s14, $0x4;
	[sflag:s7] =	ssyncset.done $0x0  }
0x33: {  	s14 =	sadd.s32 s24, s14;
	[sflag:s7] =	ssyncadd.s32 $0xFFFEC000  }
0x34: {  	[hbm4b:s14+s2] =	stream.linear.scatter [tilespmem:s6], [sflag:$0x2], $0x14000, $0x38;
	[tilespmem:$0x14280] =	vst v63  }
0x35: {  	s16 =	sadd.s32 $0xA00, s23;
	_ =	swait.ge [sflag:s3], $0x14000  }
0x36: {  	s15 =	sshrl.u32 s16, $0x3;
	[sflag:s3] =	ssyncset.done $0x0  }
0x37: {  	s15 =	sadd.s32 s21, s15;
	[sflag:s3] =	ssyncadd.s32 $0xFFFEC000  }
0x38: {  	[tilespmem:s2], [sflag:$0x2] =	stream.linear.gather [hbm4b:s15+s2], $0x280, $0x38;
	[tilespmem:$0x14280] =	vst v63  }
0x39: {  	_ =	swait.ge [sflag:s3], $0x280  }
0x3a: {  	[sflag:s3] =	ssyncset.done $0x0  }
0x3b: {  	[sflag:s3] =	ssyncadd.s32 $0xFFFFFD80  }
0x3c: {  	[tilespmem:s6], [sflag:$0x1] =	stream.indirect.gather [hbm4b:s5+s6], $0x80, s2, s6, $0xb8;
	[tilespmem:$0x14280] =	vst v63  }
0x3d: {  	_ =	swait.ge [sflag:s7], $0x14000  }
0x3e: {  	s16 =	sshll.u32 s16, $0x4;
	[sflag:s7] =	ssyncset.done $0x0  }
0x3f: {  	s16 =	sadd.s32 s24, s16;
	[sflag:s7] =	ssyncadd.s32 $0xFFFEC000  }
0x40: {  	[hbm4b:s16+s2] =	stream.linear.scatter [tilespmem:s6], [sflag:$0x2], $0x14000, $0x38;
	[tilespmem:$0x14280] =	vst v63  }
0x41: {  	s18 =	sadd.s32 $0xC80, s23;
	_ =	swait.ge [sflag:s3], $0x14000  }
0x42: {  	s17 =	sshrl.u32 s18, $0x3;
	[sflag:s3] =	ssyncset.done $0x0  }
0x43: {  	s17 =	sadd.s32 s21, s17;
	[sflag:s3] =	ssyncadd.s32 $0xFFFEC000  }
0x44: {  	[tilespmem:s2], [sflag:$0x2] =	stream.linear.gather [hbm4b:s17+s2], $0x280, $0x38;
	[tilespmem:$0x14280] =	vst v63  }
0x45: {  	_ =	swait.ge [sflag:s3], $0x280  }
0x46: {  	[sflag:s3] =	ssyncset.done $0x0  }
0x47: {  	[sflag:s3] =	ssyncadd.s32 $0xFFFFFD80  }
0x48: {  	[tilespmem:s6], [sflag:$0x1] =	stream.indirect.gather [hbm4b:s5+s6], $0x80, s2, s6, $0xb8;
	[tilespmem:$0x14280] =	vst v63  }
0x49: {  	_ =	swait.ge [sflag:s7], $0x14000  }
0x4a: {  	s18 =	sshll.u32 s18, $0x4;
	[sflag:s7] =	ssyncset.done $0x0  }
0x4b: {  	s18 =	sadd.s32 s24, s18;
	[sflag:s7] =	ssyncadd.s32 $0xFFFEC000  }
0x4c: {  	[hbm4b:s18+s2] =	stream.linear.scatter [tilespmem:s6], [sflag:$0x2], $0x14000, $0x38;
	[tilespmem:$0x14280] =	vst v63  }
0x4d: {  	s20 =	sadd.s32 $0xF00, s23;
	_ =	swait.ge [sflag:s3], $0x14000  }
0x4e: {  	s19 =	sshrl.u32 s20, $0x3;
	[sflag:s3] =	ssyncset.done $0x0  }
0x4f: {  	s19 =	sadd.s32 s21, s19;
	[sflag:s3] =	ssyncadd.s32 $0xFFFEC000  }
0x50: {  	[tilespmem:s2], [sflag:$0x2] =	stream.linear.gather [hbm4b:s19+s2], $0x280, $0x38;
	[tilespmem:$0x14280] =	vst v63  }
0x51: {  	_ =	swait.ge [sflag:s3], $0x280  }
0x52: {  	[sflag:s3] =	ssyncset.done $0x0  }
0x53: {  	[sflag:s3] =	ssyncadd.s32 $0xFFFFFD80  }
0x54: {  	[tilespmem:s6], [sflag:$0x1] =	stream.indirect.gather [hbm4b:s5+s6], $0x80, s2, s6, $0xb8;
	[tilespmem:$0x14280] =	vst v63  }
0x55: {  	_ =	swait.ge [sflag:s7], $0x14000  }
0x56: {  	s20 =	sshll.u32 s20, $0x4;
	[sflag:s7] =	ssyncset.done $0x0  }
0x57: {  	s20 =	sadd.s32 s24, s20;
	[sflag:s7] =	ssyncadd.s32 $0xFFFEC000  }
0x58: {  	[hbm4b:s20+s2] =	stream.linear.scatter [tilespmem:s6], [sflag:$0x2], $0x14000, $0x38;
	[tilespmem:$0x14280] =	vst v63  }
0x59: {  	s23 =	sadd.s32 $0x1180, s23;
	_ =	swait.ge [sflag:s3], $0x14000  }
0x5a: {  	s25 =	sshrl.u32 s23, $0x3;
	[sflag:s3] =	ssyncset.done $0x0  }
0x5b: {  	s22 =	ssub.s32 $0x2, s22;
	s21 =	sadd.s32 s21, s25;
	[sflag:s3] =	ssyncadd.s32 $0xFFFEC000  }
0x5c: {  	[tilespmem:s2], [sflag:$0x2] =	stream.linear.gather [hbm4b:s21+s2], $0x280, $0x38;
	[tilespmem:$0x14280] =	vst v63  }
0x5d: {  	s29 =	sshrl.u32 s22, $0x1;
	_ =	swait.ge [sflag:s3], $0x280  }
0x5e: {  	s25 =	ssub.s32 s22, s29;
	[sflag:s3] =	ssyncset.done $0x0  }
0x5f: {  	s31 =	smax.u32 s25, $0x1;
	[sflag:s3] =	ssyncadd.s32 $0xFFFFFD80  }
0x60: {  	[tilespmem:s6], [sflag:$0x1] =	stream.indirect.gather [hbm4b:s5+s6], $0x80, s2, s6, $0xb8;
	[tilespmem:$0x14280] =	vst v63  }
0x61: {  	p0 =	sne.s32 s31, $0x1;
	_ =	swait.ge [sflag:s7], $0x14000  }
.Ltmp0:
0x62: {  	s30 =	sshll.u32 s23, $0x4;
	[sflag:s7] =	ssyncset.done $0x0;
	(pc) =	sbr.rel @!p0 .LBB2_2-.Ltmp0, $4  }
0x63: {  	s22 =	sadd.s32 s24, s30;
	[sflag:s7] =	ssyncadd.s32 $0xFFFEC000  }
0x64: {  	[hbm4b:s22+s2] =	stream.linear.scatter [tilespmem:s6], [sflag:$0x2], $0x14000, $0x38;
	[tilespmem:$0x14280] =	vst v63  }
0x65: {  	_ =	swait.ge [sflag:s3], $0x14000  }
0x66: {  	s23 =	sadd.s32 $0xFFFFFFFF, s31;
	[sflag:s3] =	ssyncset.done $0x0  }
.LBB2_1:
0x67: {  	p0 =	sne.s32 s23, $0x1;
	s23 =	sadd.s32 $0xFFFFFFFF, s23;
	[sflag:s3] =	ssyncadd.s32 $0xFFFEC000  }
0x68: {  	[tilespmem:s2], [sflag:$0x2] =	stream.linear.gather [hbm4b:s4+s2], $0x280, $0x38;
	[tilespmem:$0x14280] =	vst v63  }
0x69: {  	_ =	swait.ge [sflag:s3], $0x280  }
0x6a: {  	[sflag:s3] =	ssyncset.done $0x0  }
0x6b: {  	[sflag:s3] =	ssyncadd.s32 $0xFFFFFD80  }
0x6c: {  	[tilespmem:s6], [sflag:$0x1] =	stream.indirect.gather [hbm4b:s5+s6], $0x80, s2, s6, $0xb8;
	[tilespmem:$0x14280] =	vst v63  }
0x6d: {  	_ =	swait.ge [sflag:s7], $0x14000  }
0x6e: {  	[sflag:s7] =	ssyncset.done $0x0  }
0x6f: {  	[sflag:s7] =	ssyncadd.s32 $0xFFFEC000  }
0x70: {  	[hbm4b:s8+s2] =	stream.linear.scatter [tilespmem:s6], [sflag:$0x2], $0x14000, $0x38;
	[tilespmem:$0x14280] =	vst v63  }
0x71: {  	_ =	swait.ge [sflag:s3], $0x14000  }
0x72: {  	[sflag:s3] =	ssyncset.done $0x0  }
0x73: {  	[sflag:s3] =	ssyncadd.s32 $0xFFFEC000  }
0x74: {  	[tilespmem:s2], [sflag:$0x2] =	stream.linear.gather [hbm4b:s9+s2], $0x280, $0x38;
	[tilespmem:$0x14280] =	vst v63  }
0x75: {  	_ =	swait.ge [sflag:s3], $0x280  }
0x76: {  	[sflag:s3] =	ssyncset.done $0x0  }
0x77: {  	[sflag:s3] =	ssyncadd.s32 $0xFFFFFD80  }
0x78: {  	[tilespmem:s6], [sflag:$0x1] =	stream.indirect.gather [hbm4b:s5+s6], $0x80, s2, s6, $0xb8;
	[tilespmem:$0x14280] =	vst v63  }
0x79: {  	_ =	swait.ge [sflag:s7], $0x14000  }
0x7a: {  	[sflag:s7] =	ssyncset.done $0x0  }
0x7b: {  	[sflag:s7] =	ssyncadd.s32 $0xFFFEC000  }
0x7c: {  	[hbm4b:s10+s2] =	stream.linear.scatter [tilespmem:s6], [sflag:$0x2], $0x14000, $0x38;
	[tilespmem:$0x14280] =	vst v63  }
0x7d: {  	_ =	swait.ge [sflag:s3], $0x14000  }
0x7e: {  	[sflag:s3] =	ssyncset.done $0x0  }
0x7f: {  	[sflag:s3] =	ssyncadd.s32 $0xFFFEC000  }
0x80: {  	[tilespmem:s2], [sflag:$0x2] =	stream.linear.gather [hbm4b:s11+s2], $0x280, $0x38;
	[tilespmem:$0x14280] =	vst v63  }
0x81: {  	_ =	swait.ge [sflag:s3], $0x280  }
0x82: {  	[sflag:s3] =	ssyncset.done $0x0  }
0x83: {  	[sflag:s3] =	ssyncadd.s32 $0xFFFFFD80  }
0x84: {  	[tilespmem:s6], [sflag:$0x1] =	stream.indirect.gather [hbm4b:s5+s6], $0x80, s2, s6, $0xb8;
	[tilespmem:$0x14280] =	vst v63  }
0x85: {  	_ =	swait.ge [sflag:s7], $0x14000  }
0x86: {  	[sflag:s7] =	ssyncset.done $0x0  }
0x87: {  	[sflag:s7] =	ssyncadd.s32 $0xFFFEC000  }
0x88: {  	[hbm4b:s12+s2] =	stream.linear.scatter [tilespmem:s6], [sflag:$0x2], $0x14000, $0x38;
	[tilespmem:$0x14280] =	vst v63  }
0x89: {  	_ =	swait.ge [sflag:s3], $0x14000  }
0x8a: {  	[sflag:s3] =	ssyncset.done $0x0  }
0x8b: {  	[sflag:s3] =	ssyncadd.s32 $0xFFFEC000  }
0x8c: {  	[tilespmem:s2], [sflag:$0x2] =	stream.linear.gather [hbm4b:s13+s2], $0x280, $0x38;
	[tilespmem:$0x14280] =	vst v63  }
0x8d: {  	_ =	swait.ge [sflag:s3], $0x280  }
0x8e: {  	[sflag:s3] =	ssyncset.done $0x0  }
0x8f: {  	[sflag:s3] =	ssyncadd.s32 $0xFFFFFD80  }
0x90: {  	[tilespmem:s6], [sflag:$0x1] =	stream.indirect.gather [hbm4b:s5+s6], $0x80, s2, s6, $0xb8;
	[tilespmem:$0x14280] =	vst v63  }
0x91: {  	_ =	swait.ge [sflag:s7], $0x14000  }
0x92: {  	[sflag:s7] =	ssyncset.done $0x0  }
0x93: {  	[sflag:s7] =	ssyncadd.s32 $0xFFFEC000  }
0x94: {  	[hbm4b:s14+s2] =	stream.linear.scatter [tilespmem:s6], [sflag:$0x2], $0x14000, $0x38;
	[tilespmem:$0x14280] =	vst v63  }
0x95: {  	_ =	swait.ge [sflag:s3], $0x14000  }
0x96: {  	[sflag:s3] =	ssyncset.done $0x0  }
0x97: {  	[sflag:s3] =	ssyncadd.s32 $0xFFFEC000  }
0x98: {  	[tilespmem:s2], [sflag:$0x2] =	stream.linear.gather [hbm4b:s15+s2], $0x280, $0x38;
	[tilespmem:$0x14280] =	vst v63  }
0x99: {  	_ =	swait.ge [sflag:s3], $0x280  }
0x9a: {  	[sflag:s3] =	ssyncset.done $0x0  }
0x9b: {  	[sflag:s3] =	ssyncadd.s32 $0xFFFFFD80  }
0x9c: {  	[tilespmem:s6], [sflag:$0x1] =	stream.indirect.gather [hbm4b:s5+s6], $0x80, s2, s6, $0xb8;
	[tilespmem:$0x14280] =	vst v63  }
0x9d: {  	_ =	swait.ge [sflag:s7], $0x14000  }
0x9e: {  	[sflag:s7] =	ssyncset.done $0x0  }
0x9f: {  	[sflag:s7] =	ssyncadd.s32 $0xFFFEC000  }
0xa0: {  	[hbm4b:s16+s2] =	stream.linear.scatter [tilespmem:s6], [sflag:$0x2], $0x14000, $0x38;
	[tilespmem:$0x14280] =	vst v63  }
0xa1: {  	_ =	swait.ge [sflag:s3], $0x14000  }
0xa2: {  	[sflag:s3] =	ssyncset.done $0x0  }
0xa3: {  	[sflag:s3] =	ssyncadd.s32 $0xFFFEC000  }
0xa4: {  	[tilespmem:s2], [sflag:$0x2] =	stream.linear.gather [hbm4b:s17+s2], $0x280, $0x38;
	[tilespmem:$0x14280] =	vst v63  }
0xa5: {  	_ =	swait.ge [sflag:s3], $0x280  }
0xa6: {  	[sflag:s3] =	ssyncset.done $0x0  }
0xa7: {  	[sflag:s3] =	ssyncadd.s32 $0xFFFFFD80  }
0xa8: {  	[tilespmem:s6], [sflag:$0x1] =	stream.indirect.gather [hbm4b:s5+s6], $0x80, s2, s6, $0xb8;
	[tilespmem:$0x14280] =	vst v63  }
0xa9: {  	_ =	swait.ge [sflag:s7], $0x14000  }
0xaa: {  	[sflag:s7] =	ssyncset.done $0x0  }
0xab: {  	[sflag:s7] =	ssyncadd.s32 $0xFFFEC000  }
0xac: {  	[hbm4b:s18+s2] =	stream.linear.scatter [tilespmem:s6], [sflag:$0x2], $0x14000, $0x38;
	[tilespmem:$0x14280] =	vst v63  }
0xad: {  	_ =	swait.ge [sflag:s3], $0x14000  }
0xae: {  	[sflag:s3] =	ssyncset.done $0x0  }
0xaf: {  	[sflag:s3] =	ssyncadd.s32 $0xFFFEC000  }
0xb0: {  	[tilespmem:s2], [sflag:$0x2] =	stream.linear.gather [hbm4b:s19+s2], $0x280, $0x38;
	[tilespmem:$0x14280] =	vst v63  }
0xb1: {  	_ =	swait.ge [sflag:s3], $0x280  }
0xb2: {  	[sflag:s3] =	ssyncset.done $0x0  }
0xb3: {  	[sflag:s3] =	ssyncadd.s32 $0xFFFFFD80  }
0xb4: {  	[tilespmem:s6], [sflag:$0x1] =	stream.indirect.gather [hbm4b:s5+s6], $0x80, s2, s6, $0xb8;
	[tilespmem:$0x14280] =	vst v63  }
0xb5: {  	_ =	swait.ge [sflag:s7], $0x14000  }
0xb6: {  	[sflag:s7] =	ssyncset.done $0x0  }
0xb7: {  	[sflag:s7] =	ssyncadd.s32 $0xFFFEC000  }
0xb8: {  	[hbm4b:s20+s2] =	stream.linear.scatter [tilespmem:s6], [sflag:$0x2], $0x14000, $0x38;
	[tilespmem:$0x14280] =	vst v63  }
0xb9: {  	_ =	swait.ge [sflag:s3], $0x14000  }
0xba: {  	[sflag:s3] =	ssyncset.done $0x0  }
0xbb: {  	[sflag:s3] =	ssyncadd.s32 $0xFFFEC000  }
0xbc: {  	[tilespmem:s2], [sflag:$0x2] =	stream.linear.gather [hbm4b:s21+s2], $0x280, $0x38;
	[tilespmem:$0x14280] =	vst v63  }
0xbd: {  	_ =	swait.ge [sflag:s3], $0x280  }
0xbe: {  	[sflag:s3] =	ssyncset.done $0x0  }
0xbf: {  	[sflag:s3] =	ssyncadd.s32 $0xFFFFFD80  }
0xc0: {  	[tilespmem:s6], [sflag:$0x1] =	stream.indirect.gather [hbm4b:s5+s6], $0x80, s2, s6, $0xb8;
	[tilespmem:$0x14280] =	vst v63  }
0xc1: {  	_ =	swait.ge [sflag:s7], $0x14000  }
.Ltmp1:
0xc2: {  	[sflag:s7] =	ssyncset.done $0x0;
	(pc) =	sbr.rel @p0 .LBB2_1-.Ltmp1, $4  }
0xc3: {  	[sflag:s7] =	ssyncadd.s32 $0xFFFEC000  }
0xc4: {  	[hbm4b:s22+s2] =	stream.linear.scatter [tilespmem:s6], [sflag:$0x2], $0x14000, $0x38;
	[tilespmem:$0x14280] =	vst v63  }
0xc5: {  	_ =	swait.ge [sflag:s3], $0x14000  }
0xc6: {  	[sflag:s3] =	ssyncset.done $0x0  }
.LBB2_2:
0xc7: {  	[sflag:s3] =	ssyncadd.s32 $0xFFFEC000  }
0xc8: {  	_ =	sfence.sel $0x180000  }
0xc9: {  	[bflag:$0x0] =	sbarrier.arrive $0xFFFF  }
0xca: {  	p0 =	sne.s32 s0, $0x0;
	_ =	strace $0x90000050  }
0xcb: {  	s0 =	sadd.s32 @!p0 $0x100000, s1;
	[bflag:$0x2] =	sbarrier.arrive $0xFFFF  }
0xcc: {  	[sflag:s0] =	ssyncadd.tile.s32 @!p0 $0x1;
	_ =	shalt  }
.Lfunc_end2:
_tile_overlayer_lowered:
.L_overlay_start_2:
0xcd: {  	(tag) =	ssettag $0x2  }
0xce: {  	s0 =	rddreg [dreg:$0x0];
	s2 =	stileid.u32  }
0xcf: {  	s1 =	rddreg [dreg:$0x1];
	p0 =	sne.s32 s2, $0x0  }
0xd0: {  	s3 =	rddreg [dreg:$0x2];
	[bflag:$0x3] =	sbarrier.arrive $0xFFFF;
	s2 =	simm.s32 @!p0 $0x1C02  }
0xd1: {  	[timem:s3], [sflag:s2] =	dma.local @!p0 [hbm:s0], s1  }
0xd2: {  	s0 =	simm.s32 @!p0 $0x2  }
0xd3: {  	_ =	swait.ge @!p0 [sflag:s0], s1  }
0xd4: {  	s1 =	ssub.s32 @!p0 $0x0, s1;
	[sflag:s0] =	ssyncset.done @!p0 $0x0  }
0xd5: {  	[sflag:s0] =	ssyncadd.s32 @!p0 s1  }
0xd6: {  	[bflag:$0x3] =	sbarrier.arrive $0xFFFF  }
0xd7: {  	_ =	shalt  }

// kernel: kernel.30.cloned.1.call-start
scs
__scs_entry_jumppad:
0x0: {  	(pc) =	sbr.rel $0x88, $3  }
0x1: {  	(tag) =	ssettag $0x0;
	lr =	simm.s32 $0x1  }
0x2: {  	[smem:$0x3F58] =	sst lr;
	_ =	strace $0xD0000000  }
0x3: {  	_ = 	snop  }
0x4: {  	_ = 	snop  }
0x5: {  	_ = 	snop  }
0x6: {  	_ = 	snop  }
0x7: {  	_ = 	snop  }
__scs_overlays_trampoline_lowered:
0x8: {  	[smem:$0x3F67] =	sst s0  }
0x9: {  	[smem:$0x3F68] =	sst s1  }
0xa: {  	[smem:$0x3F69] =	sst s2  }
0xb: {  	[smem:$0x3F6A] =	sst s3  }
0xc: {  	[smem:$0x3F6B] =	sst s4  }
0xd: {  	[smem:$0x3F6C] =	sst s5  }
0xe: {  	[smem:$0x3F6D] =	sst s6  }
0xf: {  	[smem:$0x3F6E] =	sst s7  }
0x10: {  	[smem:$0x3F6F] =	sst s8  }
0x11: {  	[smem:$0x3F70] =	sst s9;
	s0 =	simm.s32 @!p0 $0x0  }
0x12: {  	s1 =	sld [smem:$0x3F56];
	s0 =	simm.s32 @p0 $0x1  }
0x13: {  	[smem:$0x3F71] =	sst s0;
	s0 =	simm.s32 @!p1 $0x0  }
0x14: {  	s2 =	sld [smem:$0x3F55];
	s0 =	simm.s32 @p1 $0x1  }
0x15: {  	[smem:$0x3F72] =	sst s0;
	s0 =	simm.s32 @!p2 $0x0  }
0x16: {  	s3 =	sld [smem:$0x3FDB];
	s0 =	simm.s32 @p2 $0x1  }
0x17: {  	s4 =	simm.s32 $0x1BF5;
	[smem:$0x3F74] =	sst s0  }
0x18: {  	s0 =	sld [smem:$0x3F57];
	_ =	swait.ge [sflag:s4], $0x0  }
0x19: {  	s7 =	sld [smem:$0x3F58]  }
0x1a: {  	s8 =	sadd.s32 $0xFFFFE003, lr  }
0x1b: {  	s9 =	sadd.s32 $0xFFFFFEF7, lr;
	s5 =	simm.s32 $0xFFFFFFFF;
	p2 =	slt.u32 s8, $0xFFFFF086  }
0x1c: {  	p1 =	slt.u32 s9, $0xF7A;
	s5 =	simm.s32 @!p2 $0x0  }
0x1d: {  	s5 =	simm.s32 @p1 $0x1;
	p0 =	seq.s32 s7, s2  }
0x1e: {  	s7 =	smul.u32 @!p0 $0xF7A, s2;
	p2 =	seq.s32 @!p0 s5, $0x0  }
0x1f: {  	s9 =	smul.u32 $0xF7A, s1;
	s8 =	simm.s32 @!p0 $0x1BF5;
	p2 =	por !p2, p0  }
0x20: {  	[sflag:s8] =	ssyncset.s32 @!p0 $0xFFFFF086;
	s6 =	sadd.s32 @!p0 s3, s7;
	s7 =	simm.s32 @!p0 $0x108  }
0x21: {  	s3 =	sadd.s32 s3, s9;
	s6 =	sadd.s32 @!p0 $0x88, s6;
	s7 =	simm.s32 @p2 $0x1082  }
0x22: {  	[simem:s7], [sflag:s8] =	dma.local @!p0 [hbm:s6], $0xF7A  }
0x23: {  	s9 =	sor.u32 $0xD0000000, s2;
	s6 =	simm.s32 $0x108;
	_ =	swait.ge @!p0 [sflag:s8], $0x0  }
0x24: {  	s3 =	sadd.s32 $0x88, s3;
	s6 =	simm.s32 @!p1 $0x1082;
	[sflag:s4] =	ssyncset.s32 $0xFFFFF086  }
0x25: {  	[simem:s6], [sflag:s4] =	dma.local [hbm:s3], $0xF7A  }
0x26: {  	[smem:$0x3F58] =	sst s1;
	(tag) =	ssettag s2;
	_ =	strace s9  }
0x27: {  	s1 =	sld [smem:$0x3F68]  }
0x28: {  	s2 =	sld [smem:$0x3F69]  }
0x29: {  	s4 =	sld [smem:$0x3F6B]  }
0x2a: {  	p0 =	seq.s32 s5, $0x0;
	s5 =	sld [smem:$0x3F6C]  }
0x2b: {  	s6 =	sld [smem:$0x3F6D]  }
0x2c: {  	s7 =	sld [smem:$0x3F6E]  }
0x2d: {  	s3 =	simm.s32 $0x108;
	s8 =	sld [smem:$0x3F6F]  }
0x2e: {  	s3 =	simm.s32 @!p0 $0x1082;
	s9 =	sld [smem:$0x3F70]  }
0x2f: {  	lr =	sadd.s32 s0, s3;
	s0 =	sld [smem:$0x3F67]  }
0x30: {  	s3 =	sld [smem:$0x3F6A]  }
0x31: {  	[smem:$0x3F73] =	sst s10  }
0x32: {  	s10 =	sld [smem:$0x3F71];
	_ =	sdelay $0x3  }
0x33: {  	p0 =	seq.s32 s10, $0x1;
	s10 =	sld [smem:$0x3F73];
	_ =	sdelay $0x3  }
0x34: {  	[smem:$0x3F73] =	sst s10  }
0x35: {  	s10 =	sld [smem:$0x3F72];
	_ =	sdelay $0x3  }
0x36: {  	p1 =	seq.s32 s10, $0x1;
	s10 =	sld [smem:$0x3F73];
	_ =	sdelay $0x3  }
0x37: {  	[smem:$0x3F73] =	sst s10  }
0x38: {  	s10 =	sld [smem:$0x3F74]  }
0x39: {  	_ = 	snop;
	(pc) =	sbr.ind lr, $3  }
0x3a: {  	_ = 	snop  }
0x3b: {  	_ = 	snop  }
0x3c: {  	p2 =	seq.s32 s10, $0x1;
	s10 =	sld [smem:$0x3F73]  }
0x3d: {  	_ =	shalt  }
0x3e: {  	_ =	shalt  }
0x3f: {  	_ =	shalt  }
0x40: {  	_ =	shalt  }
0x41: {  	_ =	shalt  }
0x42: {  	_ =	shalt  }
0x43: {  	_ =	shalt  }
0x44: {  	_ =	shalt  }
0x45: {  	_ =	shalt  }
0x46: {  	_ =	shalt  }
0x47: {  	_ =	shalt  }
0x48: {  	_ =	shalt  }
0x49: {  	_ =	shalt  }
0x4a: {  	_ =	shalt  }
0x4b: {  	_ =	shalt  }
0x4c: {  	_ =	shalt  }
0x4d: {  	_ =	shalt  }
0x4e: {  	_ =	shalt  }
0x4f: {  	_ =	shalt  }
0x50: {  	_ =	shalt  }
0x51: {  	_ =	shalt  }
0x52: {  	_ =	shalt  }
0x53: {  	_ =	shalt  }
0x54: {  	_ =	shalt  }
0x55: {  	_ =	shalt  }
0x56: {  	_ =	shalt  }
0x57: {  	_ =	shalt  }
0x58: {  	_ =	shalt  }
0x59: {  	_ =	shalt  }
0x5a: {  	_ =	shalt  }
0x5b: {  	_ =	shalt  }
0x5c: {  	_ =	shalt  }
0x5d: {  	_ =	shalt  }
0x5e: {  	_ =	shalt  }
0x5f: {  	_ =	shalt  }
0x60: {  	_ =	shalt  }
0x61: {  	_ =	shalt  }
0x62: {  	_ =	shalt  }
0x63: {  	_ =	shalt  }
0x64: {  	_ =	shalt  }
0x65: {  	_ =	shalt  }
0x66: {  	_ =	shalt  }
0x67: {  	_ =	shalt  }
0x68: {  	_ =	shalt  }
0x69: {  	_ =	shalt  }
0x6a: {  	_ =	shalt  }
0x6b: {  	_ =	shalt  }
0x6c: {  	_ =	shalt  }
0x6d: {  	_ =	shalt  }
0x6e: {  	_ =	shalt  }
0x6f: {  	_ =	shalt  }
0x70: {  	_ =	shalt  }
0x71: {  	_ =	shalt  }
0x72: {  	_ =	shalt  }
0x73: {  	_ =	shalt  }
0x74: {  	_ =	shalt  }
0x75: {  	_ =	shalt  }
0x76: {  	_ =	shalt  }
0x77: {  	_ =	shalt  }
0x78: {  	_ =	shalt  }
0x79: {  	_ =	shalt  }
0x7a: {  	_ =	shalt  }
0x7b: {  	_ =	shalt  }
0x7c: {  	_ =	shalt  }
0x7d: {  	_ =	shalt  }
0x7e: {  	_ =	shalt  }
0x7f: {  	_ =	shalt  }
0x80: {  	_ =	shalt  }
0x81: {  	_ =	shalt  }
0x82: {  	_ =	shalt  }
0x83: {  	_ =	shalt  }
0x84: {  	_ =	shalt  }
0x85: {  	_ =	shalt  }
0x86: {  	_ =	shalt  }
0x87: {  	_ =	shalt  }
.Lfunc_end0:
.L_simem_size_0:
called_computation.4_lowered:
.L_overlay_start_0:
0x88: {  	s2 =	sld [smem:$0x3FD9]  }
0x89: {  	s3 =	sld [smem:$0x3FFE];
	_ =	sdelay $0x1  }
0x8a: {  	s1 =	srdreg.scid  }
0x8b: {  	s0 =	sand.u32 $0x1, s1  }
0x8c: {  	s17 =	sshll.u32 s0, $0xA;
	s2 =	sadd.s32 s3, s2  }
0x8d: {  	s2 =	sadd.s32 s2, s17  }
0x8e: {  	[smem:$0x3F7F] =	sst s2  }
0x8f: {  	_ = 	snop  }
0x90: {  	(tm) =	ssettm $0x1  }
0x91: {  	s18 =	sld [smem:$0x3FFB];
	_ =	sdelay $0x3  }
0x92: {  	_ =	strace s18  }
0x93: {  	s2 =	sld [smem:$0x3FFC];
	_ =	sdelay $0x3  }
0x94: {  	_ =	strace s2  }
0x95: {  	s2 =	sld [smem:$0x3FFD];
	_ =	sdelay $0x3  }
0x96: {  	_ =	strace s2  }
0x97: {  	_ =	strace $0x8FFFFFFF  }
0x98: {  	s19 =	sld [smem:$0x3FDB];
	_ =	sdelay $0x1  }
0x99: {  	s20 =	simm.s32 $_scs_section_size  }
0x9a: {  	s4 =	simm.s32 $_size__tile_overlayer_lowered;
	s5 =	simm.s32 $_tile_overlayer_lowered  }
0x9b: {  	s6 =	simm.s32 $0x1BFF;
	s21 =	sshll.u32 s5, $0x1;
	s3 =	sadd.s32 s20, s19  }
0x9c: {  	s22 =	simm.s32 $0x0;
	s4 =	sshll.u32 s4, $0x1;
	s5 =	sadd.s32 s21, s3  }
0x9d: {  	[timem:s22], [sflag:s6] =	dma.local [hbm:s5], s4  }
0x9e: {  	_ =	swait.ge [sflag:s6], s4  }
0x9f: {  	s4 =	ssub.s32 $0x0, s4;
	[sflag:s6] =	ssyncset.done $0x0  }
0xa0: {  	[sflag:s6] =	ssyncadd.s32 s4;
	_ =	sdelay $0x1  }
0xa1: {  	s23 =	simm.s32 $0x1B8B  }
0xa2: {  	_ =	swait.ge [sflag:s23], $0x1  }
0xa3: {  	[sflag:s23] =	ssyncset.done $0x0  }
0xa4: {  	[sflag:s23] =	ssyncadd.s32 $0xFFFFFFFF  }
0xa5: {  	s4 =	sld [smem:$0x0]  }
0xa6: {  	s5 =	sand.u32 $0xFFFFFFFE, s1  }
0xa7: {  	p0 =	sne.s32 s1, s5  }
0xa8: {  	s5 =	sshll.u32 @p0 s5, $0xE  }
0xa9: {  	s5 =	sadd.s32 @p0 $0x11B8D, s5;
	s6 =	sshll.u32 @p0 s4, $0x11  }
0xaa: {  	s5 =	sor.u32 @p0 s6, s5  }
0xab: {  	[sflag:s5] =	ssyncadd.remote.s32 @p0 $0x1;
	_ =	sdelay $0x1  }
0xac: {  	s5 =	simm.s32 @p0 $0x1B8D  }
0xad: {  	_ =	swait.eq @p0 [sflag:s5], $0x1  }
0xae: {  	[sflag:s5] =	ssyncadd.s32 @p0 $0xFFFFFFFF  }
0xaf: {  	s6 =	sshll.u32 @!p0 s1, $0xE  }
0xb0: {  	s6 =	sor.u32 @!p0 $0x4000, s6;
	s5 =	simm.s32 @!p0 $0x1B8D  }
0xb1: {  	s4 =	sshll.u32 @!p0 s4, $0x11;
	s6 =	sadd.s32 @!p0 $0x11B8D, s6;
	_ =	swait.eq @!p0 [sflag:s5], $0x1  }
0xb2: {  	s4 =	sor.u32 @!p0 s4, s6;
	[sflag:s5] =	ssyncadd.s32 @!p0 $0xFFFFFFFF  }
0xb3: {  	s25 =	simm.s32 $0x1B8E;
	s24 =	sld [smem:$0x3FFE];
	[sflag:s4] =	ssyncadd.remote.s32 @!p0 $0x1  }
0xb4: {  	s26 =	simm.s32 $execute0_lowered;
	[smem:$0x3FD2] =	sst s25  }
0xb5: {  	s5 =	sshll.u32 s26, $0x1;
	_ =	strace $0x80000052;
	[dreg:$0x1] =	wrdreg $0xFFFFFFFF  }
0xb6: {  	s28 =	simm.s32 $_size_execute0_lowered;
	s3 =	sadd.s32 s3, s5;
	[dreg:$0x0] =	wrdreg $0x0  }
0xb7: {  	s5 =	sshll.u32 s28, $0x1;
	[dreg:$0x2] =	wrdreg s3  }
0xb8: {  	[dreg:$0x3] =	wrdreg s5  }
0xb9: {  	[dreg:$0x4] =	wrdreg $0xC0  }
0xba: {  	_ =	task [dreg:s22], $0x5FFFF  }
0xbb: {  	[dreg:$0x1] =	wrdreg $0xFFFFFFFF  }
0xbc: {  	[dreg:$0x0] =	wrdreg $0x60  }
0xbd: {  	[dreg:$0x2] =	wrdreg s24  }
0xbe: {  	[dreg:$0x3] =	wrdreg $0xA  }
0xbf: {  	_ =	task.clear_ibuf [dreg:s22], $0x4FFFF;
	_ =	strace $0x90000052  }
0xc0: {  	s29 =	simm.s32 $0xA;
	_ =	strace $0x80000054  }
0xc1: {  	_ =	swait.ge [sflag:s29], $0x1  }
0xc2: {  	[sflag:s29] =	ssyncadd.s32 $0xFFFFFFFF  }
0xc3: {  	_ =	strace $0x90000054  }
0xc4: {  	_ =	sfence  }
0xc5: {  	s30 =	sld [smem:$0x0];
	_ =	sdelay $0x2  }
0xc6: {  	s31 =	sshll.u32 s1, $0xD;
	s1 =	sshrl.u32 s1, $0x2  }
0xc7: {  	s4 =	sand.u32 $0x4000, s31;
	s1 =	sadd.s32 s1, s30  }
0xc8: {  	s0 =	sor.u32 s4, s0;
	s1 =	sshll.u32 s1, $0x11  }
0xc9: {  	s0 =	sor.u32 s1, s0  }
0xca: {  	s0 =	sadd.s32 $0x8F2B, s0  }
0xcb: {  	[sflag:s0] =	ssyncadd.remote.s32 $0x1  }
0xcc: {  	_ =	sfence.sel $0xFFFF  }
0xcd: {  	[dreg:$0x0] =	wrdreg $0xFFFFFFFF;
	(pc) =	sbr.abs _section_cstart, $3  }
0xce: {  	[dreg:$0x1] =	wrdreg $0xFFFFFFFF  }
0xcf: {  	_ =	task.clear_ibuf [dreg:s22], $0x2FFFF;
	_ =	strace $0x9FFFFFFF  }
0xd0: {  	(tm) =	ssettm $0x7FFFFFFF  }
0xd1: {  	_ =	shalt  }
tec
execute0_lowered:
.L_overlay_start_1:
0x0: {  	(tag) =	ssettag $0x1  }
0x1: {  	s1 =	srdreg.scid;
	s0 =	stileid.u32  }
0x2: {  	s22 =	sand.u32 $0x1, s1;
	s26 =	sshll.u32 s0, $0x1  }
0x3: {  	s8 =	sor.u32 s22, s26  }
0x4: {  	s9 =	rddreg [dreg:$0x0];
	s23 =	smul.u32 $0x1400, s8  }
0x5: {  	s2 =	simm.s32 $0x0;
	s1 =	rddreg [dreg:$0x1]  }
0x6: {  	[smem:$0x7FF] =	sst s2;
	s21 =	sadd.s32 $0x87200, s9;
	s3 =	sshrl.u32 s23, $0x3  }
0x7: {  	_ =	strace $0x80000053;
	s4 =	sadd.s32 s21, s3;
	s3 =	simm.s32 $0x2  }
0x8: {  	[tilespmem:s2], [sflag:$0x2] =	stream.linear.gather [hbm4b:s4+s2], $0x280, $0x38;
	[tilespmem:$0x14280] =	vst v63  }
0x9: {  	_ =	swait.ge [sflag:s3], $0x280  }
0xa: {  	s6 =	simm.s32 $0x280;
	[sflag:s3] =	ssyncset.done $0x0  }
0xb: {  	s7 =	simm.s32 $0x1;
	s5 =	sadd.s32 $0x36C00, s9;
	[sflag:s3] =	ssyncadd.s32 $0xFFFFFD80  }
0xc: {  	[tilespmem:s6], [sflag:$0x1] =	stream.indirect.gather [hbm4b:s5+s6], $0x80, s2, s6, $0xb8;
	[tilespmem:$0x14280] =	vst v63  }
0xd: {  	s8 =	smul.u32 $0x14000, s8;
	_ =	swait.ge [sflag:s7], $0x14000  }
0xe: {  	s24 =	sadd.s32 $0x35C200, s9;
	[sflag:s7] =	ssyncset.done $0x0  }
0xf: {  	s8 =	sadd.s32 s24, s8;
	[sflag:s7] =	ssyncadd.s32 $0xFFFEC000  }
0x10: {  	[hbm4b:s8+s2] =	stream.linear.scatter [tilespmem:s6], [sflag:$0x2], $0x14000, $0x38;
	[tilespmem:$0x14280] =	vst v63  }
0x11: {  	s10 =	sor.u32 $0x280, s23;
	_ =	swait.ge [sflag:s3], $0x14000  }
0x12: {  	s28 =	sshrl.u32 s10, $0x3;
	[sflag:s3] =	ssyncset.done $0x0  }
0x13: {  	s9 =	sadd.s32 s21, s28;
	[sflag:s3] =	ssyncadd.s32 $0xFFFEC000  }
0x14: {  	[tilespmem:s2], [sflag:$0x2] =	stream.linear.gather [hbm4b:s9+s2], $0x280, $0x38;
	[tilespmem:$0x14280] =	vst v63  }
0x15: {  	_ =	swait.ge [sflag:s3], $0x280  }
0x16: {  	[sflag:s3] =	ssyncset.done $0x0  }
0x17: {  	[sflag:s3] =	ssyncadd.s32 $0xFFFFFD80  }
0x18: {  	[tilespmem:s6], [sflag:$0x1] =	stream.indirect.gather [hbm4b:s5+s6], $0x80, s2, s6, $0xb8;
	[tilespmem:$0x14280] =	vst v63  }
0x19: {  	_ =	swait.ge [sflag:s7], $0x14000  }
0x1a: {  	s10 =	sshll.u32 s10, $0x4;
	[sflag:s7] =	ssyncset.done $0x0  }
0x1b: {  	s10 =	sadd.s32 s24, s10;
	[sflag:s7] =	ssyncadd.s32 $0xFFFEC000  }
0x1c: {  	[hbm4b:s10+s2] =	stream.linear.scatter [tilespmem:s6], [sflag:$0x2], $0x14000, $0x38;
	[tilespmem:$0x14280] =	vst v63  }
0x1d: {  	s12 =	sadd.s32 $0x500, s23;
	_ =	swait.ge [sflag:s3], $0x14000  }
0x1e: {  	s11 =	sshrl.u32 s12, $0x3;
	[sflag:s3] =	ssyncset.done $0x0  }
0x1f: {  	s11 =	sadd.s32 s21, s11;
	[sflag:s3] =	ssyncadd.s32 $0xFFFEC000  }
0x20: {  	[tilespmem:s2], [sflag:$0x2] =	stream.linear.gather [hbm4b:s11+s2], $0x280, $0x38;
	[tilespmem:$0x14280] =	vst v63  }
0x21: {  	_ =	swait.ge [sflag:s3], $0x280  }
0x22: {  	[sflag:s3] =	ssyncset.done $0x0  }
0x23: {  	[sflag:s3] =	ssyncadd.s32 $0xFFFFFD80  }
0x24: {  	[tilespmem:s6], [sflag:$0x1] =	stream.indirect.gather [hbm4b:s5+s6], $0x80, s2, s6, $0xb8;
	[tilespmem:$0x14280] =	vst v63  }
0x25: {  	_ =	swait.ge [sflag:s7], $0x14000  }
0x26: {  	s12 =	sshll.u32 s12, $0x4;
	[sflag:s7] =	ssyncset.done $0x0  }
0x27: {  	s12 =	sadd.s32 s24, s12;
	[sflag:s7] =	ssyncadd.s32 $0xFFFEC000  }
0x28: {  	[hbm4b:s12+s2] =	stream.linear.scatter [tilespmem:s6], [sflag:$0x2], $0x14000, $0x38;
	[tilespmem:$0x14280] =	vst v63  }
0x29: {  	s14 =	sadd.s32 $0x780, s23;
	_ =	swait.ge [sflag:s3], $0x14000  }
0x2a: {  	s13 =	sshrl.u32 s14, $0x3;
	[sflag:s3] =	ssyncset.done $0x0  }
0x2b: {  	s13 =	sadd.s32 s21, s13;
	[sflag:s3] =	ssyncadd.s32 $0xFFFEC000  }
0x2c: {  	[tilespmem:s2], [sflag:$0x2] =	stream.linear.gather [hbm4b:s13+s2], $0x280, $0x38;
	[tilespmem:$0x14280] =	vst v63  }
0x2d: {  	_ =	swait.ge [sflag:s3], $0x280  }
0x2e: {  	[sflag:s3] =	ssyncset.done $0x0  }
0x2f: {  	[sflag:s3] =	ssyncadd.s32 $0xFFFFFD80  }
0x30: {  	[tilespmem:s6], [sflag:$0x1] =	stream.indirect.gather [hbm4b:s5+s6], $0x80, s2, s6, $0xb8;
	[tilespmem:$0x14280] =	vst v63  }
0x31: {  	_ =	swait.ge [sflag:s7], $0x14000  }
0x32: {  	s14 =	sshll.u32 s14, $0x4;
	[sflag:s7] =	ssyncset.done $0x0  }
0x33: {  	s14 =	sadd.s32 s24, s14;
	[sflag:s7] =	ssyncadd.s32 $0xFFFEC000  }
0x34: {  	[hbm4b:s14+s2] =	stream.linear.scatter [tilespmem:s6], [sflag:$0x2], $0x14000, $0x38;
	[tilespmem:$0x14280] =	vst v63  }
0x35: {  	s16 =	sadd.s32 $0xA00, s23;
	_ =	swait.ge [sflag:s3], $0x14000  }
0x36: {  	s15 =	sshrl.u32 s16, $0x3;
	[sflag:s3] =	ssyncset.done $0x0  }
0x37: {  	s15 =	sadd.s32 s21, s15;
	[sflag:s3] =	ssyncadd.s32 $0xFFFEC000  }
0x38: {  	[tilespmem:s2], [sflag:$0x2] =	stream.linear.gather [hbm4b:s15+s2], $0x280, $0x38;
	[tilespmem:$0x14280] =	vst v63  }
0x39: {  	_ =	swait.ge [sflag:s3], $0x280  }
0x3a: {  	[sflag:s3] =	ssyncset.done $0x0  }
0x3b: {  	[sflag:s3] =	ssyncadd.s32 $0xFFFFFD80  }
0x3c: {  	[tilespmem:s6], [sflag:$0x1] =	stream.indirect.gather [hbm4b:s5+s6], $0x80, s2, s6, $0xb8;
	[tilespmem:$0x14280] =	vst v63  }
0x3d: {  	_ =	swait.ge [sflag:s7], $0x14000  }
0x3e: {  	s16 =	sshll.u32 s16, $0x4;
	[sflag:s7] =	ssyncset.done $0x0  }
0x3f: {  	s16 =	sadd.s32 s24, s16;
	[sflag:s7] =	ssyncadd.s32 $0xFFFEC000  }
0x40: {  	[hbm4b:s16+s2] =	stream.linear.scatter [tilespmem:s6], [sflag:$0x2], $0x14000, $0x38;
	[tilespmem:$0x14280] =	vst v63  }
0x41: {  	s18 =	sadd.s32 $0xC80, s23;
	_ =	swait.ge [sflag:s3], $0x14000  }
0x42: {  	s17 =	sshrl.u32 s18, $0x3;
	[sflag:s3] =	ssyncset.done $0x0  }
0x43: {  	s17 =	sadd.s32 s21, s17;
	[sflag:s3] =	ssyncadd.s32 $0xFFFEC000  }
0x44: {  	[tilespmem:s2], [sflag:$0x2] =	stream.linear.gather [hbm4b:s17+s2], $0x280, $0x38;
	[tilespmem:$0x14280] =	vst v63  }
0x45: {  	_ =	swait.ge [sflag:s3], $0x280  }
0x46: {  	[sflag:s3] =	ssyncset.done $0x0  }
0x47: {  	[sflag:s3] =	ssyncadd.s32 $0xFFFFFD80  }
0x48: {  	[tilespmem:s6], [sflag:$0x1] =	stream.indirect.gather [hbm4b:s5+s6], $0x80, s2, s6, $0xb8;
	[tilespmem:$0x14280] =	vst v63  }
0x49: {  	_ =	swait.ge [sflag:s7], $0x14000  }
0x4a: {  	s18 =	sshll.u32 s18, $0x4;
	[sflag:s7] =	ssyncset.done $0x0  }
0x4b: {  	s18 =	sadd.s32 s24, s18;
	[sflag:s7] =	ssyncadd.s32 $0xFFFEC000  }
0x4c: {  	[hbm4b:s18+s2] =	stream.linear.scatter [tilespmem:s6], [sflag:$0x2], $0x14000, $0x38;
	[tilespmem:$0x14280] =	vst v63  }
0x4d: {  	s20 =	sadd.s32 $0xF00, s23;
	_ =	swait.ge [sflag:s3], $0x14000  }
0x4e: {  	s19 =	sshrl.u32 s20, $0x3;
	[sflag:s3] =	ssyncset.done $0x0  }
0x4f: {  	s19 =	sadd.s32 s21, s19;
	[sflag:s3] =	ssyncadd.s32 $0xFFFEC000  }
0x50: {  	[tilespmem:s2], [sflag:$0x2] =	stream.linear.gather [hbm4b:s19+s2], $0x280, $0x38;
	[tilespmem:$0x14280] =	vst v63  }
0x51: {  	_ =	swait.ge [sflag:s3], $0x280  }
0x52: {  	[sflag:s3] =	ssyncset.done $0x0  }
0x53: {  	[sflag:s3] =	ssyncadd.s32 $0xFFFFFD80  }
0x54: {  	[tilespmem:s6], [sflag:$0x1] =	stream.indirect.gather [hbm4b:s5+s6], $0x80, s2, s6, $0xb8;
	[tilespmem:$0x14280] =	vst v63  }
0x55: {  	_ =	swait.ge [sflag:s7], $0x14000  }
0x56: {  	s20 =	sshll.u32 s20, $0x4;
	[sflag:s7] =	ssyncset.done $0x0  }
0x57: {  	s20 =	sadd.s32 s24, s20;
	[sflag:s7] =	ssyncadd.s32 $0xFFFEC000  }
0x58: {  	[hbm4b:s20+s2] =	stream.linear.scatter [tilespmem:s6], [sflag:$0x2], $0x14000, $0x38;
	[tilespmem:$0x14280] =	vst v63  }
0x59: {  	s23 =	sadd.s32 $0x1180, s23;
	_ =	swait.ge [sflag:s3], $0x14000  }
0x5a: {  	s25 =	sshrl.u32 s23, $0x3;
	[sflag:s3] =	ssyncset.done $0x0  }
0x5b: {  	s22 =	ssub.s32 $0x2, s22;
	s21 =	sadd.s32 s21, s25;
	[sflag:s3] =	ssyncadd.s32 $0xFFFEC000  }
0x5c: {  	[tilespmem:s2], [sflag:$0x2] =	stream.linear.gather [hbm4b:s21+s2], $0x280, $0x38;
	[tilespmem:$0x14280] =	vst v63  }
0x5d: {  	s29 =	sshrl.u32 s22, $0x1;
	_ =	swait.ge [sflag:s3], $0x280  }
0x5e: {  	s25 =	ssub.s32 s22, s29;
	[sflag:s3] =	ssyncset.done $0x0  }
0x5f: {  	s31 =	smax.u32 s25, $0x1;
	[sflag:s3] =	ssyncadd.s32 $0xFFFFFD80  }
0x60: {  	[tilespmem:s6], [sflag:$0x1] =	stream.indirect.gather [hbm4b:s5+s6], $0x80, s2, s6, $0xb8;
	[tilespmem:$0x14280] =	vst v63  }
0x61: {  	p0 =	sne.s32 s31, $0x1;
	_ =	swait.ge [sflag:s7], $0x14000  }
.Ltmp0:
0x62: {  	s30 =	sshll.u32 s23, $0x4;
	[sflag:s7] =	ssyncset.done $0x0;
	(pc) =	sbr.rel @!p0 .LBB2_2-.Ltmp0, $4  }
0x63: {  	s22 =	sadd.s32 s24, s30;
	[sflag:s7] =	ssyncadd.s32 $0xFFFEC000  }
0x64: {  	[hbm4b:s22+s2] =	stream.linear.scatter [tilespmem:s6], [sflag:$0x2], $0x14000, $0x38;
	[tilespmem:$0x14280] =	vst v63  }
0x65: {  	_ =	swait.ge [sflag:s3], $0x14000  }
0x66: {  	s23 =	sadd.s32 $0xFFFFFFFF, s31;
	[sflag:s3] =	ssyncset.done $0x0  }
.LBB2_1:
0x67: {  	p0 =	sne.s32 s23, $0x1;
	s23 =	sadd.s32 $0xFFFFFFFF, s23;
	[sflag:s3] =	ssyncadd.s32 $0xFFFEC000  }
0x68: {  	[tilespmem:s2], [sflag:$0x2] =	stream.linear.gather [hbm4b:s4+s2], $0x280, $0x38;
	[tilespmem:$0x14280] =	vst v63  }
0x69: {  	_ =	swait.ge [sflag:s3], $0x280  }
0x6a: {  	[sflag:s3] =	ssyncset.done $0x0  }
0x6b: {  	[sflag:s3] =	ssyncadd.s32 $0xFFFFFD80  }
0x6c: {  	[tilespmem:s6], [sflag:$0x1] =	stream.indirect.gather [hbm4b:s5+s6], $0x80, s2, s6, $0xb8;
	[tilespmem:$0x14280] =	vst v63  }
0x6d: {  	_ =	swait.ge [sflag:s7], $0x14000  }
0x6e: {  	[sflag:s7] =	ssyncset.done $0x0  }
0x6f: {  	[sflag:s7] =	ssyncadd.s32 $0xFFFEC000  }
0x70: {  	[hbm4b:s8+s2] =	stream.linear.scatter [tilespmem:s6], [sflag:$0x2], $0x14000, $0x38;
	[tilespmem:$0x14280] =	vst v63  }
0x71: {  	_ =	swait.ge [sflag:s3], $0x14000  }
0x72: {  	[sflag:s3] =	ssyncset.done $0x0  }
0x73: {  	[sflag:s3] =	ssyncadd.s32 $0xFFFEC000  }
0x74: {  	[tilespmem:s2], [sflag:$0x2] =	stream.linear.gather [hbm4b:s9+s2], $0x280, $0x38;
	[tilespmem:$0x14280] =	vst v63  }
0x75: {  	_ =	swait.ge [sflag:s3], $0x280  }
0x76: {  	[sflag:s3] =	ssyncset.done $0x0  }
0x77: {  	[sflag:s3] =	ssyncadd.s32 $0xFFFFFD80  }
0x78: {  	[tilespmem:s6], [sflag:$0x1] =	stream.indirect.gather [hbm4b:s5+s6], $0x80, s2, s6, $0xb8;
	[tilespmem:$0x14280] =	vst v63  }
0x79: {  	_ =	swait.ge [sflag:s7], $0x14000  }
0x7a: {  	[sflag:s7] =	ssyncset.done $0x0  }
0x7b: {  	[sflag:s7] =	ssyncadd.s32 $0xFFFEC000  }
0x7c: {  	[hbm4b:s10+s2] =	stream.linear.scatter [tilespmem:s6], [sflag:$0x2], $0x14000, $0x38;
	[tilespmem:$0x14280] =	vst v63  }
0x7d: {  	_ =	swait.ge [sflag:s3], $0x14000  }
0x7e: {  	[sflag:s3] =	ssyncset.done $0x0  }
0x7f: {  	[sflag:s3] =	ssyncadd.s32 $0xFFFEC000  }
0x80: {  	[tilespmem:s2], [sflag:$0x2] =	stream.linear.gather [hbm4b:s11+s2], $0x280, $0x38;
	[tilespmem:$0x14280] =	vst v63  }
0x81: {  	_ =	swait.ge [sflag:s3], $0x280  }
0x82: {  	[sflag:s3] =	ssyncset.done $0x0  }
0x83: {  	[sflag:s3] =	ssyncadd.s32 $0xFFFFFD80  }
0x84: {  	[tilespmem:s6], [sflag:$0x1] =	stream.indirect.gather [hbm4b:s5+s6], $0x80, s2, s6, $0xb8;
	[tilespmem:$0x14280] =	vst v63  }
0x85: {  	_ =	swait.ge [sflag:s7], $0x14000  }
0x86: {  	[sflag:s7] =	ssyncset.done $0x0  }
0x87: {  	[sflag:s7] =	ssyncadd.s32 $0xFFFEC000  }
0x88: {  	[hbm4b:s12+s2] =	stream.linear.scatter [tilespmem:s6], [sflag:$0x2], $0x14000, $0x38;
	[tilespmem:$0x14280] =	vst v63  }
0x89: {  	_ =	swait.ge [sflag:s3], $0x14000  }
0x8a: {  	[sflag:s3] =	ssyncset.done $0x0  }
0x8b: {  	[sflag:s3] =	ssyncadd.s32 $0xFFFEC000  }
0x8c: {  	[tilespmem:s2], [sflag:$0x2] =	stream.linear.gather [hbm4b:s13+s2], $0x280, $0x38;
	[tilespmem:$0x14280] =	vst v63  }
0x8d: {  	_ =	swait.ge [sflag:s3], $0x280  }
0x8e: {  	[sflag:s3] =	ssyncset.done $0x0  }
0x8f: {  	[sflag:s3] =	ssyncadd.s32 $0xFFFFFD80  }
0x90: {  	[tilespmem:s6], [sflag:$0x1] =	stream.indirect.gather [hbm4b:s5+s6], $0x80, s2, s6, $0xb8;
	[tilespmem:$0x14280] =	vst v63  }
0x91: {  	_ =	swait.ge [sflag:s7], $0x14000  }
0x92: {  	[sflag:s7] =	ssyncset.done $0x0  }
0x93: {  	[sflag:s7] =	ssyncadd.s32 $0xFFFEC000  }
0x94: {  	[hbm4b:s14+s2] =	stream.linear.scatter [tilespmem:s6], [sflag:$0x2], $0x14000, $0x38;
	[tilespmem:$0x14280] =	vst v63  }
0x95: {  	_ =	swait.ge [sflag:s3], $0x14000  }
0x96: {  	[sflag:s3] =	ssyncset.done $0x0  }
0x97: {  	[sflag:s3] =	ssyncadd.s32 $0xFFFEC000  }
0x98: {  	[tilespmem:s2], [sflag:$0x2] =	stream.linear.gather [hbm4b:s15+s2], $0x280, $0x38;
	[tilespmem:$0x14280] =	vst v63  }
0x99: {  	_ =	swait.ge [sflag:s3], $0x280  }
0x9a: {  	[sflag:s3] =	ssyncset.done $0x0  }
0x9b: {  	[sflag:s3] =	ssyncadd.s32 $0xFFFFFD80  }
0x9c: {  	[tilespmem:s6], [sflag:$0x1] =	stream.indirect.gather [hbm4b:s5+s6], $0x80, s2, s6, $0xb8;
	[tilespmem:$0x14280] =	vst v63  }
0x9d: {  	_ =	swait.ge [sflag:s7], $0x14000  }
0x9e: {  	[sflag:s7] =	ssyncset.done $0x0  }
0x9f: {  	[sflag:s7] =	ssyncadd.s32 $0xFFFEC000  }
0xa0: {  	[hbm4b:s16+s2] =	stream.linear.scatter [tilespmem:s6], [sflag:$0x2], $0x14000, $0x38;
	[tilespmem:$0x14280] =	vst v63  }
0xa1: {  	_ =	swait.ge [sflag:s3], $0x14000  }
0xa2: {  	[sflag:s3] =	ssyncset.done $0x0  }
0xa3: {  	[sflag:s3] =	ssyncadd.s32 $0xFFFEC000  }
0xa4: {  	[tilespmem:s2], [sflag:$0x2] =	stream.linear.gather [hbm4b:s17+s2], $0x280, $0x38;
	[tilespmem:$0x14280] =	vst v63  }
0xa5: {  	_ =	swait.ge [sflag:s3], $0x280  }
0xa6: {  	[sflag:s3] =	ssyncset.done $0x0  }
0xa7: {  	[sflag:s3] =	ssyncadd.s32 $0xFFFFFD80  }
0xa8: {  	[tilespmem:s6], [sflag:$0x1] =	stream.indirect.gather [hbm4b:s5+s6], $0x80, s2, s6, $0xb8;
	[tilespmem:$0x14280] =	vst v63  }
0xa9: {  	_ =	swait.ge [sflag:s7], $0x14000  }
0xaa: {  	[sflag:s7] =	ssyncset.done $0x0  }
0xab: {  	[sflag:s7] =	ssyncadd.s32 $0xFFFEC000  }
0xac: {  	[hbm4b:s18+s2] =	stream.linear.scatter [tilespmem:s6], [sflag:$0x2], $0x14000, $0x38;
	[tilespmem:$0x14280] =	vst v63  }
0xad: {  	_ =	swait.ge [sflag:s3], $0x14000  }
0xae: {  	[sflag:s3] =	ssyncset.done $0x0  }
0xaf: {  	[sflag:s3] =	ssyncadd.s32 $0xFFFEC000  }
0xb0: {  	[tilespmem:s2], [sflag:$0x2] =	stream.linear.gather [hbm4b:s19+s2], $0x280, $0x38;
	[tilespmem:$0x14280] =	vst v63  }
0xb1: {  	_ =	swait.ge [sflag:s3], $0x280  }
0xb2: {  	[sflag:s3] =	ssyncset.done $0x0  }
0xb3: {  	[sflag:s3] =	ssyncadd.s32 $0xFFFFFD80  }
0xb4: {  	[tilespmem:s6], [sflag:$0x1] =	stream.indirect.gather [hbm4b:s5+s6], $0x80, s2, s6, $0xb8;
	[tilespmem:$0x14280] =	vst v63  }
0xb5: {  	_ =	swait.ge [sflag:s7], $0x14000  }
0xb6: {  	[sflag:s7] =	ssyncset.done $0x0  }
0xb7: {  	[sflag:s7] =	ssyncadd.s32 $0xFFFEC000  }
0xb8: {  	[hbm4b:s20+s2] =	stream.linear.scatter [tilespmem:s6], [sflag:$0x2], $0x14000, $0x38;
	[tilespmem:$0x14280] =	vst v63  }
0xb9: {  	_ =	swait.ge [sflag:s3], $0x14000  }
0xba: {  	[sflag:s3] =	ssyncset.done $0x0  }
0xbb: {  	[sflag:s3] =	ssyncadd.s32 $0xFFFEC000  }
0xbc: {  	[tilespmem:s2], [sflag:$0x2] =	stream.linear.gather [hbm4b:s21+s2], $0x280, $0x38;
	[tilespmem:$0x14280] =	vst v63  }
0xbd: {  	_ =	swait.ge [sflag:s3], $0x280  }
0xbe: {  	[sflag:s3] =	ssyncset.done $0x0  }
0xbf: {  	[sflag:s3] =	ssyncadd.s32 $0xFFFFFD80  }
0xc0: {  	[tilespmem:s6], [sflag:$0x1] =	stream.indirect.gather [hbm4b:s5+s6], $0x80, s2, s6, $0xb8;
	[tilespmem:$0x14280] =	vst v63  }
0xc1: {  	_ =	swait.ge [sflag:s7], $0x14000  }
.Ltmp1:
0xc2: {  	[sflag:s7] =	ssyncset.done $0x0;
	(pc) =	sbr.rel @p0 .LBB2_1-.Ltmp1, $4  }
0xc3: {  	[sflag:s7] =	ssyncadd.s32 $0xFFFEC000  }
0xc4: {  	[hbm4b:s22+s2] =	stream.linear.scatter [tilespmem:s6], [sflag:$0x2], $0x14000, $0x38;
	[tilespmem:$0x14280] =	vst v63  }
0xc5: {  	_ =	swait.ge [sflag:s3], $0x14000  }
0xc6: {  	[sflag:s3] =	ssyncset.done $0x0  }
.LBB2_2:
0xc7: {  	[sflag:s3] =	ssyncadd.s32 $0xFFFEC000  }
0xc8: {  	_ =	sfence.sel $0x180000  }
0xc9: {  	[bflag:$0x0] =	sbarrier.arrive $0xFFFF  }
0xca: {  	p0 =	sne.s32 s0, $0x0;
	_ =	strace $0x90000053  }
0xcb: {  	s0 =	sadd.s32 @!p0 $0x100000, s1;
	[bflag:$0x2] =	sbarrier.arrive $0xFFFF  }
0xcc: {  	[sflag:s0] =	ssyncadd.tile.s32 @!p0 $0x1;
	_ =	shalt  }
.Lfunc_end2:
_tile_overlayer_lowered:
.L_overlay_start_2:
0xcd: {  	(tag) =	ssettag $0x2  }
0xce: {  	s0 =	rddreg [dreg:$0x0];
	s2 =	stileid.u32  }
0xcf: {  	s1 =	rddreg [dreg:$0x1];
	p0 =	sne.s32 s2, $0x0  }
0xd0: {  	s3 =	rddreg [dreg:$0x2];
	[bflag:$0x3] =	sbarrier.arrive $0xFFFF;
	s2 =	simm.s32 @!p0 $0x1C02  }
0xd1: {  	[timem:s3], [sflag:s2] =	dma.local @!p0 [hbm:s0], s1  }
0xd2: {  	s0 =	simm.s32 @!p0 $0x2  }
0xd3: {  	_ =	swait.ge @!p0 [sflag:s0], s1  }
0xd4: {  	s1 =	ssub.s32 @!p0 $0x0, s1;
	[sflag:s0] =	ssyncset.done @!p0 $0x0  }
0xd5: {  	[sflag:s0] =	ssyncadd.s32 @!p0 s1  }
0xd6: {  	[bflag:$0x3] =	sbarrier.arrive $0xFFFF  }
0xd7: {  	_ =	shalt  }

</sc_bundles>
